<compile_context>
chip_gen: v7x
topology: tpu7x:2x2x1
jax: 0.10.2.dev20260603
libtpu: 0.0.44.dev20260713+nightly
codegen_flags: <defaults>
</compile_context>

<pallas_src>
import functools

import jax
import jax.numpy as jnp
from jax import lax
from jax.experimental import pallas as pl
from jax.experimental.pallas import tpu as pltpu
from jax.experimental.pallas import tpu_sc as plsc

N = 262144
C = 32
UP = 8
NCOL = 4

NC = 2
NS = 16
NW = NC * NS
LANES_PER_W = N // NW
CHUNK = 128
NCHUNK = LANES_PER_W // CHUNK
NGRP = CHUNK // 16


def _sc_upsample(ft, ct):
    mesh = plsc.VectorSubcoreMesh(core_axis_name="c", subcore_axis_name="s")

    @functools.partial(
        pl.kernel,
        mesh=mesh,
        out_type=[
            jax.ShapeDtypeStruct((C, N * UP), jnp.float32),
            jax.ShapeDtypeStruct((NCOL, N * UP), jnp.int32),
        ],
        scratch_types=[
            pltpu.VMEM((C, CHUNK), jnp.float32),
            pltpu.VMEM((C, CHUNK), jnp.float32),
            pltpu.VMEM((NCOL, CHUNK), jnp.int32),
            pltpu.VMEM((NCOL, CHUNK), jnp.int32),
            pltpu.VMEM((C, CHUNK * UP), jnp.float32),
            pltpu.VMEM((C, CHUNK * UP), jnp.float32),
            pltpu.VMEM((NCOL, CHUNK * UP), jnp.int32),
            pltpu.VMEM((NCOL, CHUNK * UP), jnp.int32),
            pltpu.SemaphoreType.DMA,
            pltpu.SemaphoreType.DMA,
            pltpu.SemaphoreType.DMA,
            pltpu.SemaphoreType.DMA,
        ],
    )
    def k(ft_hbm, ct_hbm, nf_hbm, nc_hbm,
          fin_a, fin_b, cin_a, cin_b, fout_a, fout_b, cout_a, cout_b,
          sem_in_a, sem_in_b, sem_out_a, sem_out_b):
        wid = lax.axis_index("s") * NC + lax.axis_index("c")
        base = wid * LANES_PER_W

        fin = (fin_a, fin_b)
        cin = (cin_a, cin_b)
        fout = (fout_a, fout_b)
        cout = (cout_a, cout_b)
        sem_in = (sem_in_a, sem_in_b)
        sem_out = (sem_out_a, sem_out_b)

        lane = lax.iota(jnp.int32, 16)
        perms = [(lane >> 3) + 2 * kk for kk in range(UP)]
        d = lane & 7
        offs = [None, d >> 2, (d >> 1) & 1, d & 1]

        def expand_vec(vin, kk):
            return vin.at[perms[kk]].get(mode="promise_in_bounds")

        def in_copies(g, i):
            s0 = base + g * CHUNK
            return (
                pltpu.make_async_copy(
                    ft_hbm.at[:, pl.ds(s0, CHUNK)], fin[i], sem_in[i]),
                pltpu.make_async_copy(
                    ct_hbm.at[:, pl.ds(s0, CHUNK)], cin[i], sem_in[i]),
            )

        def out_copies(g, i):
            s0 = base + g * CHUNK
            return (
                pltpu.make_async_copy(
                    fout[i], nf_hbm.at[:, pl.ds(s0 * UP, CHUNK * UP)],
                    sem_out[i]),
                pltpu.make_async_copy(
                    cout[i], nc_hbm.at[:, pl.ds(s0 * UP, CHUNK * UP)],
                    sem_out[i]),
            )

        def start(copies):
            for cp in copies:
                cp.start()

        def wait(copies):
            for cp in copies:
                cp.wait()

        def compute(i):
            def feats_col(c, _):
                for gg in range(NGRP):
                    vin = fin[i][c, pl.ds(gg * 16, 16)]
                    for kk in range(UP):
                        fout[i][c, pl.ds(gg * 128 + kk * 16, 16)] = (
                            expand_vec(vin, kk))
                return 0

            lax.fori_loop(0, C, feats_col, 0)

            for c in range(NCOL):
                def cgroup(gg, _, c=c):
                    vin = cin[i][c, pl.ds(gg * 16, 16)]
                    if c > 0:
                        vin = vin * 2
                    for kk in range(UP):
                        o = expand_vec(vin, kk)
                        if c > 0:
                            o = o + offs[c]
                        cout[i][c, pl.ds(gg * 128 + kk * 16, 16)] = o
                    return 0
                lax.fori_loop(0, NGRP, cgroup, 0)

        start(in_copies(0, 0))
        start(in_copies(1, 1))

        def body(t, _):
            for i in range(2):
                g = t * 2 + i
                wait(in_copies(g, i))

                @pl.when(t > 0)
                def _():
                    wait(out_copies(g - 2, i))

                compute(i)
                start(out_copies(g, i))

                @pl.when(t < NCHUNK // 2 - 1)
                def _():
                    start(in_copies(g + 2, i))
            return 0

        lax.fori_loop(0, NCHUNK // 2, body, 0)
        wait(out_copies(NCHUNK - 2, 0))
        wait(out_copies(NCHUNK - 1, 1))

    return k(ft, ct)


def kernel(feats, coords, idx):
    nf_t, nc_t = _sc_upsample(feats.T, coords.T)
    return nf_t.T, nc_t.T

# --- scband reference (transcript-rebuilt; emitter-appended) ---
"""Pipeline reference for scband-sparse-upsample-26577257628400 (READ-ONLY COPY).

The authoritative reference and input builder live on the scoring server;
editing this copy changes nothing except your own understanding.
"""

import jax, jax.numpy as jnp
import numpy as np

N = 262144
C = 32
FACTOR = 2
DIM = 3  # coords are [batch, x, y, z]


def setup_inputs(seed: int = 0) -> dict:
    key = jax.random.key(seed)
    k1, k2 = jax.random.split(key)
    feats = jax.random.normal(k1, (N, C), dtype=jnp.float32)
    coords = jax.random.randint(k2, (N, DIM + 1), 0, 128, dtype=jnp.int32)
    # cache 'upsample_(2,2,2)_idx': each source voxel maps to 2^3 = 8 output voxels
    idx = jnp.repeat(jnp.arange(N, dtype=jnp.int32), FACTOR ** DIM)
    return {"feats": feats, "coords": coords, "idx": idx}


def reference(feats, coords, idx):
    # Faithful nearest-neighbor sparse upsample by factor (2,2,2).
    # new_coords: cached in the original as 'upsample_(2,2,2)_coords'; each
    # source coord (b, x, y, z) expands to 8 coords (b, 2x+dx, 2y+dy, 2z+dz).
    offs = jnp.stack(
        jnp.meshgrid(*([jnp.arange(FACTOR, dtype=coords.dtype)] * DIM), indexing="ij"),
        axis=-1,
    ).reshape(-1, DIM)  # [8, 3]
    batch_col = jnp.repeat(coords[:, :1], FACTOR ** DIM, axis=0)  # [8N, 1]
    spatial = coords[:, 1:] * FACTOR  # [N, 3]
    new_spatial = (spatial[:, None, :] + offs[None, :, :]).reshape(-1, DIM)  # [8N, 3]
    new_coords = jnp.concatenate([batch_col, new_spatial], axis=1)  # [8N, 4]
    # new_feats = input.feats[idx]  -> memory-bound gather
    new_feats = jnp.take(feats, idx, axis=0)  # [8N, C]
    return new_feats, new_coords

if __name__ == "__main__":
    import jax
    _d = setup_inputs()
    print(jax.jit(kernel)(*tuple(_d.values())))

</pallas_src>

<mosaic_0001>
#map = affine_map<(d0, d1) -> (0, 0)>
module attributes {stable_mosaic.version = 14 : i64} {
  func.func @k(%arg0: i32, %arg1: i32, %arg2: memref<32x262144xf32, #tpu.memory_space<hbm>>, %arg3: memref<4x262144xi32, #tpu.memory_space<hbm>>, %arg4: memref<32x2097152xf32, #tpu.memory_space<hbm>>, %arg5: memref<4x2097152xi32, #tpu.memory_space<hbm>>, %arg6: memref<32x128xf32, #tpu.memory_space<vmem>>, %arg7: memref<32x128xf32, #tpu.memory_space<vmem>>, %arg8: memref<4x128xi32, #tpu.memory_space<vmem>>, %arg9: memref<4x128xi32, #tpu.memory_space<vmem>>, %arg10: memref<32x1024xf32, #tpu.memory_space<vmem>>, %arg11: memref<32x1024xf32, #tpu.memory_space<vmem>>, %arg12: memref<4x1024xi32, #tpu.memory_space<vmem>>, %arg13: memref<4x1024xi32, #tpu.memory_space<vmem>>, %arg14: memref<!tpu.dma_semaphore, #tpu.memory_space<semaphore_mem>>, %arg15: memref<!tpu.dma_semaphore, #tpu.memory_space<semaphore_mem>>, %arg16: memref<!tpu.dma_semaphore, #tpu.memory_space<semaphore_mem>>, %arg17: memref<!tpu.dma_semaphore, #tpu.memory_space<semaphore_mem>>) attributes {dimension_semantics = [#tpu.dimension_semantics<core_parallel>, #tpu.dimension_semantics<subcore_parallel>], iteration_bounds = array<i64: 2, 16>, scalar_prefetch = 0 : i64, scratch_operands = 12 : i64, tpu.core_type = #tpu.core_type<sc_vector_subcore>, window_params = [{transform_indices = #map}, {transform_indices = #map}, {transform_indices = #map}, {transform_indices = #map}]} {
    %mul3A = arith.constant 2 : i32
    %mul3A_0 = arith.muli %arg1, %mul3A : i32
    %add3A = arith.addi %mul3A_0, %arg0 : i32
    %mul3A_1 = arith.constant 8192 : i32
    %mul3A_2 = arith.muli %add3A, %mul3A_1 : i32
    %iota3A = tpu.iota {dimensions = array<i32: 0>} : vector<16xi32>
    %shift_right_arithmetic3A = arith.constant 3 : i32
    %shift_right_arithmetic3A_3 = vector.broadcast %shift_right_arithmetic3A : i32 to vector<16xi32>
    %shift_right_arithmetic3A_4 = arith.shrsi %iota3A, %shift_right_arithmetic3A_3 : vector<16xi32>
    %add3A_5 = arith.constant 0 : i32
    %add3A_6 = vector.broadcast %add3A_5 : i32 to vector<16xi32>
    %add3A_7 = arith.addi %shift_right_arithmetic3A_4, %add3A_6 : vector<16xi32>
    %shift_right_arithmetic3A_8 = arith.constant 3 : i32
    %shift_right_arithmetic3A_9 = vector.broadcast %shift_right_arithmetic3A_8 : i32 to vector<16xi32>
    %shift_right_arithmetic3A_10 = arith.shrsi %iota3A, %shift_right_arithmetic3A_9 : vector<16xi32>
    %add3A_11 = arith.constant 2 : i32
    %add3A_12 = vector.broadcast %add3A_11 : i32 to vector<16xi32>
    %add3A_13 = arith.addi %shift_right_arithmetic3A_10, %add3A_12 : vector<16xi32>
    %shift_right_arithmetic3A_14 = arith.constant 3 : i32
    %shift_right_arithmetic3A_15 = vector.broadcast %shift_right_arithmetic3A_14 : i32 to vector<16xi32>
    %shift_right_arithmetic3A_16 = arith.shrsi %iota3A, %shift_right_arithmetic3A_15 : vector<16xi32>
    %add3A_17 = arith.constant 4 : i32
    %add3A_18 = vector.broadcast %add3A_17 : i32 to vector<16xi32>
    %add3A_19 = arith.addi %shift_right_arithmetic3A_16, %add3A_18 : vector<16xi32>
    %shift_right_arithmetic3A_20 = arith.constant 3 : i32
    %shift_right_arithmetic3A_21 = vector.broadcast %shift_right_arithmetic3A_20 : i32 to vector<16xi32>
    %shift_right_arithmetic3A_22 = arith.shrsi %iota3A, %shift_right_arithmetic3A_21 : vector<16xi32>
    %add3A_23 = arith.constant 6 : i32
    %add3A_24 = vector.broadcast %add3A_23 : i32 to vector<16xi32>
    %add3A_25 = arith.addi %shift_right_arithmetic3A_22, %add3A_24 : vector<16xi32>
    %shift_right_arithmetic3A_26 = arith.constant 3 : i32
    %shift_right_arithmetic3A_27 = vector.broadcast %shift_right_arithmetic3A_26 : i32 to vector<16xi32>
    %shift_right_arithmetic3A_28 = arith.shrsi %iota3A, %shift_right_arithmetic3A_27 : vector<16xi32>
    %add3A_29 = arith.constant 8 : i32
    %add3A_30 = vector.broadcast %add3A_29 : i32 to vector<16xi32>
    %add3A_31 = arith.addi %shift_right_arithmetic3A_28, %add3A_30 : vector<16xi32>
    %shift_right_arithmetic3A_32 = arith.constant 3 : i32
    %shift_right_arithmetic3A_33 = vector.broadcast %shift_right_arithmetic3A_32 : i32 to vector<16xi32>
    %shift_right_arithmetic3A_34 = arith.shrsi %iota3A, %shift_right_arithmetic3A_33 : vector<16xi32>
    %add3A_35 = arith.constant 10 : i32
    %add3A_36 = vector.broadcast %add3A_35 : i32 to vector<16xi32>
    %add3A_37 = arith.addi %shift_right_arithmetic3A_34, %add3A_36 : vector<16xi32>
    %shift_right_arithmetic3A_38 = arith.constant 3 : i32
    %shift_right_arithmetic3A_39 = vector.broadcast %shift_right_arithmetic3A_38 : i32 to vector<16xi32>
    %shift_right_arithmetic3A_40 = arith.shrsi %iota3A, %shift_right_arithmetic3A_39 : vector<16xi32>
    %add3A_41 = arith.constant 12 : i32
    %add3A_42 = vector.broadcast %add3A_41 : i32 to vector<16xi32>
    %add3A_43 = arith.addi %shift_right_arithmetic3A_40, %add3A_42 : vector<16xi32>
    %shift_right_arithmetic3A_44 = arith.constant 3 : i32
    %shift_right_arithmetic3A_45 = vector.broadcast %shift_right_arithmetic3A_44 : i32 to vector<16xi32>
    %shift_right_arithmetic3A_46 = arith.shrsi %iota3A, %shift_right_arithmetic3A_45 : vector<16xi32>
    %add3A_47 = arith.constant 14 : i32
    %add3A_48 = vector.broadcast %add3A_47 : i32 to vector<16xi32>
    %add3A_49 = arith.addi %shift_right_arithmetic3A_46, %add3A_48 : vector<16xi32>
    %and3A = arith.constant 7 : i32
    %and3A_50 = vector.broadcast %and3A : i32 to vector<16xi32>
    %and3A_51 = arith.andi %iota3A, %and3A_50 : vector<16xi32>
    %shift_right_arithmetic3A_52 = arith.constant 2 : i32
    %shift_right_arithmetic3A_53 = vector.broadcast %shift_right_arithmetic3A_52 : i32 to vector<16xi32>
    %shift_right_arithmetic3A_54 = arith.shrsi %and3A_51, %shift_right_arithmetic3A_53 : vector<16xi32>
    %shift_right_arithmetic3A_55 = arith.constant 1 : i32
    %shift_right_arithmetic3A_56 = vector.broadcast %shift_right_arithmetic3A_55 : i32 to vector<16xi32>
    %shift_right_arithmetic3A_57 = arith.shrsi %and3A_51, %shift_right_arithmetic3A_56 : vector<16xi32>
    %and3A_58 = arith.constant 1 : i32
    %and3A_59 = vector.broadcast %and3A_58 : i32 to vector<16xi32>
    %and3A_60 = arith.andi %shift_right_arithmetic3A_57, %and3A_59 : vector<16xi32>
    %and3A_61 = arith.constant 1 : i32
    %and3A_62 = vector.broadcast %and3A_61 : i32 to vector<16xi32>
    %and3A_63 = arith.andi %and3A_51, %and3A_62 : vector<16xi32>
    %add3A_64 = arith.constant 0 : i32
    %add3A_65 = arith.addi %mul3A_2, %add3A_64 : i32
    %dma_start3A = arith.constant 0 : i32
    %dma_start3A_66 = tpu.memref_slice %arg2[%dma_start3A, %add3A_65] : memref<32x262144xf32, #tpu.memory_space<hbm>> -> memref<32x128xf32, #tpu.memory_space<hbm>>
    %dma_start3A_67 = arith.constant 0 : i32
    %dma_start3A_68 = tpu.memref_slice %arg2[%dma_start3A_67, %add3A_65] : memref<32x262144xf32, #tpu.memory_space<hbm>> -> memref<32x128xf32, #tpu.memory_space<hbm>>
    tpu.enqueue_dma source(%dma_start3A_68 : memref<32x128xf32, #tpu.memory_space<hbm>>) target(%arg6 : memref<32x128xf32, #tpu.memory_space<vmem>>) target_semaphore(%arg14 : memref<!tpu.dma_semaphore, #tpu.memory_space<semaphore_mem>>)
    %dma_start3A_69 = arith.constant 0 : i32
    %dma_start3A_70 = tpu.memref_slice %arg3[%dma_start3A_69, %add3A_65] : memref<4x262144xi32, #tpu.memory_space<hbm>> -> memref<4x128xi32, #tpu.memory_space<hbm>>
    %dma_start3A_71 = arith.constant 0 : i32
    %dma_start3A_72 = tpu.memref_slice %arg3[%dma_start3A_71, %add3A_65] : memref<4x262144xi32, #tpu.memory_space<hbm>> -> memref<4x128xi32, #tpu.memory_space<hbm>>
    tpu.enqueue_dma source(%dma_start3A_72 : memref<4x128xi32, #tpu.memory_space<hbm>>) target(%arg8 : memref<4x128xi32, #tpu.memory_space<vmem>>) target_semaphore(%arg14 : memref<!tpu.dma_semaphore, #tpu.memory_space<semaphore_mem>>)
    %add3A_73 = arith.constant 128 : i32
    %add3A_74 = arith.addi %mul3A_2, %add3A_73 : i32
    %dma_start3A_75 = arith.constant 0 : i32
    %dma_start3A_76 = tpu.memref_slice %arg2[%dma_start3A_75, %add3A_74] : memref<32x262144xf32, #tpu.memory_space<hbm>> -> memref<32x128xf32, #tpu.memory_space<hbm>>
    %dma_start3A_77 = arith.constant 0 : i32
    %dma_start3A_78 = tpu.memref_slice %arg2[%dma_start3A_77, %add3A_74] : memref<32x262144xf32, #tpu.memory_space<hbm>> -> memref<32x128xf32, #tpu.memory_space<hbm>>
    tpu.enqueue_dma source(%dma_start3A_78 : memref<32x128xf32, #tpu.memory_space<hbm>>) target(%arg7 : memref<32x128xf32, #tpu.memory_space<vmem>>) target_semaphore(%arg15 : memref<!tpu.dma_semaphore, #tpu.memory_space<semaphore_mem>>)
    %dma_start3A_79 = arith.constant 0 : i32
    %dma_start3A_80 = tpu.memref_slice %arg3[%dma_start3A_79, %add3A_74] : memref<4x262144xi32, #tpu.memory_space<hbm>> -> memref<4x128xi32, #tpu.memory_space<hbm>>
    %dma_start3A_81 = arith.constant 0 : i32
    %dma_start3A_82 = tpu.memref_slice %arg3[%dma_start3A_81, %add3A_74] : memref<4x262144xi32, #tpu.memory_space<hbm>> -> memref<4x128xi32, #tpu.memory_space<hbm>>
    tpu.enqueue_dma source(%dma_start3A_82 : memref<4x128xi32, #tpu.memory_space<hbm>>) target(%arg9 : memref<4x128xi32, #tpu.memory_space<vmem>>) target_semaphore(%arg15 : memref<!tpu.dma_semaphore, #tpu.memory_space<semaphore_mem>>)
    %scan3A = arith.constant 0 : i32
    %scan3A_83 = arith.constant 0 : i32
    %scan3A_84 = arith.constant 32 : i32
    %scan3A_85 = arith.addi %scan3A_83, %scan3A_84 : i32
    %scan3A_86 = arith.constant 1 : i32
    %scan3A_87 = scf.for %scan3A_116 = %scan3A_83 to %scan3A_85 step %scan3A_86 iter_args(%scan3A_117 = %scan3A) -> (i32)  : i32 {
      %mul3A_118 = arith.constant 2 : i32
      %mul3A_119 = arith.muli %scan3A_116, %mul3A_118 : i32
      %add3A_120 = arith.constant 0 : i32
      %add3A_121 = arith.addi %mul3A_119, %add3A_120 : i32
      %mul3A_122 = arith.constant 128 : i32
      %mul3A_123 = arith.muli %add3A_121, %mul3A_122 : i32
      %add3A_124 = arith.addi %mul3A_2, %mul3A_123 : i32
      %dma_wait3A_125 = arith.constant 0 : i32
      %dma_wait3A_126 = tpu.memref_slice %arg2[%dma_wait3A_125, %add3A_124] : memref<32x262144xf32, #tpu.memory_space<hbm>> -> memref<32x128xf32, #tpu.memory_space<hbm>>
      %dma_wait3A_127 = arith.constant 0 : i32
      %dma_wait3A_128 = tpu.memref_slice %arg2[%dma_wait3A_127, %add3A_124] : memref<32x262144xf32, #tpu.memory_space<hbm>> -> memref<32x128xf32, #tpu.memory_space<hbm>>
      tpu.wait_dma2 semaphore(%arg14 : memref<!tpu.dma_semaphore, #tpu.memory_space<semaphore_mem>>) src(%dma_wait3A_128 : memref<32x128xf32, #tpu.memory_space<hbm>>) dst(%arg6 : memref<32x128xf32, #tpu.memory_space<vmem>>)
      %dma_wait3A_129 = arith.constant 0 : i32
      %dma_wait3A_130 = tpu.memref_slice %arg3[%dma_wait3A_129, %add3A_124] : memref<4x262144xi32, #tpu.memory_space<hbm>> -> memref<4x128xi32, #tpu.memory_space<hbm>>
      %dma_wait3A_131 = arith.constant 0 : i32
      %dma_wait3A_132 = tpu.memref_slice %arg3[%dma_wait3A_131, %add3A_124] : memref<4x262144xi32, #tpu.memory_space<hbm>> -> memref<4x128xi32, #tpu.memory_space<hbm>>
      tpu.wait_dma2 semaphore(%arg14 : memref<!tpu.dma_semaphore, #tpu.memory_space<semaphore_mem>>) src(%dma_wait3A_132 : memref<4x128xi32, #tpu.memory_space<hbm>>) dst(%arg8 : memref<4x128xi32, #tpu.memory_space<vmem>>)
      %gt3A = arith.constant 0 : i32
      %gt3A_133 = arith.cmpi sgt, %scan3A_116, %gt3A : i32
      %convert_element_type3A = arith.extui %gt3A_133 : i1 to i32
      %cond3A = arith.constant 0 : i32
      %cond3A_134 = arith.cmpi ne, %convert_element_type3A, %cond3A : i32
      scf.if %cond3A_134 {
        %sub3A = arith.constant 2 : i32
        %sub3A_265 = arith.subi %add3A_121, %sub3A : i32
        %mul3A_266 = arith.constant 128 : i32
        %mul3A_267 = arith.muli %sub3A_265, %mul3A_266 : i32
        %add3A_268 = arith.addi %mul3A_2, %mul3A_267 : i32
        %mul3A_269 = arith.constant 8 : i32
        %mul3A_270 = arith.muli %add3A_268, %mul3A_269 : i32
        %mul3A_271 = arith.constant 8 : i32
        %mul3A_272 = arith.muli %add3A_268, %mul3A_271 : i32
        %dma_wait3A_273 = arith.constant 0 : i32
        %dma_wait3A_274 = tpu.memref_slice %arg4[%dma_wait3A_273, %mul3A_270] : memref<32x2097152xf32, #tpu.memory_space<hbm>> -> memref<32x1024xf32, #tpu.memory_space<hbm>>
        %dma_wait3A_275 = arith.constant 0 : i32
        %dma_wait3A_276 = tpu.memref_slice %arg4[%dma_wait3A_275, %mul3A_270] : memref<32x2097152xf32, #tpu.memory_space<hbm>> -> memref<32x1024xf32, #tpu.memory_space<hbm>>
        tpu.wait_dma2 semaphore(%arg16 : memref<!tpu.dma_semaphore, #tpu.memory_space<semaphore_mem>>) src(%arg10 : memref<32x1024xf32, #tpu.memory_space<vmem>>) dst(%dma_wait3A_276 : memref<32x1024xf32, #tpu.memory_space<hbm>>)
        %dma_wait3A_277 = arith.constant 0 : i32
        %dma_wait3A_278 = tpu.memref_slice %arg5[%dma_wait3A_277, %mul3A_272] : memref<4x2097152xi32, #tpu.memory_space<hbm>> -> memref<4x1024xi32, #tpu.memory_space<hbm>>
        %dma_wait3A_279 = arith.constant 0 : i32
        %dma_wait3A_280 = tpu.memref_slice %arg5[%dma_wait3A_279, %mul3A_272] : memref<4x2097152xi32, #tpu.memory_space<hbm>> -> memref<4x1024xi32, #tpu.memory_space<hbm>>
        tpu.wait_dma2 semaphore(%arg16 : memref<!tpu.dma_semaphore, #tpu.memory_space<semaphore_mem>>) src(%arg12 : memref<4x1024xi32, #tpu.memory_space<vmem>>) dst(%dma_wait3A_280 : memref<4x1024xi32, #tpu.memory_space<hbm>>)
      } else {
      }
      %scan3A_135 = arith.constant 0 : i32
      %scan3A_136 = arith.constant 0 : i32
      %scan3A_137 = arith.constant 32 : i32
      %scan3A_138 = arith.addi %scan3A_136, %scan3A_137 : i32
      %scan3A_139 = arith.constant 1 : i32
      %scan3A_140 = scf.for %scan3A_265 = %scan3A_136 to %scan3A_138 step %scan3A_139 iter_args(%scan3A_266 = %scan3A_135) -> (i32)  : i32 {
        %get3A = arith.index_cast %scan3A_265 : i32 to index
        %get3A_267 = arith.constant 0 : index
        %get3A_268 = tpu.vector_load %arg6[%get3A, %get3A_267] {strides = array<i32>} : memref<32x128xf32, #tpu.memory_space<vmem>>, vector<1x16xf32>,
        %get3A_269 = vector.shape_cast %get3A_268 : vector<1x16xf32> to vector<16xf32>
        %lt3A_270 = arith.constant 0 : i32
        %lt3A_271 = vector.broadcast %lt3A_270 : i32 to vector<16xi32>
        %lt3A_272 = arith.cmpi slt, %add3A_7, %lt3A_271 : vector<16xi32>
        %add3A_273 = arith.constant 16 : i32
        %add3A_274 = vector.broadcast %add3A_273 : i32 to vector<16xi32>
        %add3A_275 = arith.addi %add3A_7, %add3A_274 : vector<16xi32>
        %select_n3A = arith.select %lt3A_272, %add3A_275, %add3A_7 : vector<16xi1>, vector<16xi32>
        %broadcast_in_dim3A = vector.shape_cast %select_n3A : vector<16xi32> to vector<16x1xi32>
        %gather3A = vector.shape_cast %broadcast_in_dim3A : vector<16x1xi32> to vector<16xi32>
        %gather3A_276 = tpu.dynamic_gather %get3A_269[%gather3A] in [0] : vector<16xf32>, vector<16xi32> -> vector<16xf32>
        %swap3A = arith.index_cast %scan3A_265 : i32 to index
        %swap3A_277 = arith.constant 0 : index
        %swap3A_278 = tpu.vector_load %arg10[%swap3A, %swap3A_277] {strides = array<i32>} : memref<32x1024xf32, #tpu.memory_space<vmem>>, vector<1x16xf32>,
        %swap3A_279 = vector.shape_cast %swap3A_278 : vector<1x16xf32> to vector<16xf32>
        %swap3A_280 = vector.shape_cast %gather3A_276 : vector<16xf32> to vector<1x16xf32>
        tpu.vector_store %arg10[%swap3A, %swap3A_277], %swap3A_280 {strides = array<i32>} : memref<32x1024xf32, #tpu.memory_space<vmem>>, vector<1x16xf32>,
        %lt3A_281 = arith.constant 0 : i32
        %lt3A_282 = vector.broadcast %lt3A_281 : i32 to vector<16xi32>
        %lt3A_283 = arith.cmpi slt, %add3A_13, %lt3A_282 : vector<16xi32>
        %add3A_284 = arith.constant 16 : i32
        %add3A_285 = vector.broadcast %add3A_284 : i32 to vector<16xi32>
        %add3A_286 = arith.addi %add3A_13, %add3A_285 : vector<16xi32>
        %select_n3A_287 = arith.select %lt3A_283, %add3A_286, %add3A_13 : vector<16xi1>, vector<16xi32>
        %broadcast_in_dim3A_288 = vector.shape_cast %select_n3A_287 : vector<16xi32> to vector<16x1xi32>
        %gather3A_289 = vector.shape_cast %broadcast_in_dim3A_288 : vector<16x1xi32> to vector<16xi32>
        %gather3A_290 = tpu.dynamic_gather %get3A_269[%gather3A_289] in [0] : vector<16xf32>, vector<16xi32> -> vector<16xf32>
        %swap3A_291 = arith.index_cast %scan3A_265 : i32 to index
        %swap3A_292 = arith.constant 16 : index
        %swap3A_293 = tpu.vector_load %arg10[%swap3A_291, %swap3A_292] {strides = array<i32>} : memref<32x1024xf32, #tpu.memory_space<vmem>>, vector<1x16xf32>,
        %swap3A_294 = vector.shape_cast %swap3A_293 : vector<1x16xf32> to vector<16xf32>
        %swap3A_295 = vector.shape_cast %gather3A_290 : vector<16xf32> to vector<1x16xf32>
        tpu.vector_store %arg10[%swap3A_291, %swap3A_292], %swap3A_295 {strides = array<i32>} : memref<32x1024xf32, #tpu.memory_space<vmem>>, vector<1x16xf32>,
        %lt3A_296 = arith.constant 0 : i32
        %lt3A_297 = vector.broadcast %lt3A_296 : i32 to vector<16xi32>
        %lt3A_298 = arith.cmpi slt, %add3A_19, %lt3A_297 : vector<16xi32>
        %add3A_299 = arith.constant 16 : i32
        %add3A_300 = vector.broadcast %add3A_299 : i32 to vector<16xi32>
        %add3A_301 = arith.addi %add3A_19, %add3A_300 : vector<16xi32>
        %select_n3A_302 = arith.select %lt3A_298, %add3A_301, %add3A_19 : vector<16xi1>, vector<16xi32>
        %broadcast_in_dim3A_303 = vector.shape_cast %select_n3A_302 : vector<16xi32> to vector<16x1xi32>
        %gather3A_304 = vector.shape_cast %broadcast_in_dim3A_303 : vector<16x1xi32> to vector<16xi32>
        %gather3A_305 = tpu.dynamic_gather %get3A_269[%gather3A_304] in [0] : vector<16xf32>, vector<16xi32> -> vector<16xf32>
        %swap3A_306 = arith.index_cast %scan3A_265 : i32 to index
        %swap3A_307 = arith.constant 32 : index
        %swap3A_308 = tpu.vector_load %arg10[%swap3A_306, %swap3A_307] {strides = array<i32>} : memref<32x1024xf32, #tpu.memory_space<vmem>>, vector<1x16xf32>,
        %swap3A_309 = vector.shape_cast %swap3A_308 : vector<1x16xf32> to vector<16xf32>
        %swap3A_310 = vector.shape_cast %gather3A_305 : vector<16xf32> to vector<1x16xf32>
        tpu.vector_store %arg10[%swap3A_306, %swap3A_307], %swap3A_310 {strides = array<i32>} : memref<32x1024xf32, #tpu.memory_space<vmem>>, vector<1x16xf32>,
        %lt3A_311 = arith.constant 0 : i32
        %lt3A_312 = vector.broadcast %lt3A_311 : i32 to vector<16xi32>
        %lt3A_313 = arith.cmpi slt, %add3A_25, %lt3A_312 : vector<16xi32>
        %add3A_314 = arith.constant 16 : i32
        %add3A_315 = vector.broadcast %add3A_314 : i32 to vector<16xi32>
        %add3A_316 = arith.addi %add3A_25, %add3A_315 : vector<16xi32>
        %select_n3A_317 = arith.select %lt3A_313, %add3A_316, %add3A_25 : vector<16xi1>, vector<16xi32>
        %broadcast_in_dim3A_318 = vector.shape_cast %select_n3A_317 : vector<16xi32> to vector<16x1xi32>
        %gather3A_319 = vector.shape_cast %broadcast_in_dim3A_318 : vector<16x1xi32> to vector<16xi32>
        %gather3A_320 = tpu.dynamic_gather %get3A_269[%gather3A_319] in [0] : vector<16xf32>, vector<16xi32> -> vector<16xf32>
        %swap3A_321 = arith.index_cast %scan3A_265 : i32 to index
        %swap3A_322 = arith.constant 48 : index
        %swap3A_323 = tpu.vector_load %arg10[%swap3A_321, %swap3A_322] {strides = array<i32>} : memref<32x1024xf32, #tpu.memory_space<vmem>>, vector<1x16xf32>,
        %swap3A_324 = vector.shape_cast %swap3A_323 : vector<1x16xf32> to vector<16xf32>
        %swap3A_325 = vector.shape_cast %gather3A_320 : vector<16xf32> to vector<1x16xf32>
        tpu.vector_store %arg10[%swap3A_321, %swap3A_322], %swap3A_325 {strides = array<i32>} : memref<32x1024xf32, #tpu.memory_space<vmem>>, vector<1x16xf32>,
        %lt3A_326 = arith.constant 0 : i32
        %lt3A_327 = vector.broadcast %lt3A_326 : i32 to vector<16xi32>
        %lt3A_328 = arith.cmpi slt, %add3A_31, %lt3A_327 : vector<16xi32>
        %add3A_329 = arith.constant 16 : i32
        %add3A_330 = vector.broadcast %add3A_329 : i32 to vector<16xi32>
        %add3A_331 = arith.addi %add3A_31, %add3A_330 : vector<16xi32>
        %select_n3A_332 = arith.select %lt3A_328, %add3A_331, %add3A_31 : vector<16xi1>, vector<16xi32>
        %broadcast_in_dim3A_333 = vector.shape_cast %select_n3A_332 : vector<16xi32> to vector<16x1xi32>
        %gather3A_334 = vector.shape_cast %broadcast_in_dim3A_333 : vector<16x1xi32> to vector<16xi32>
        %gather3A_335 = tpu.dynamic_gather %get3A_269[%gather3A_334] in [0] : vector<16xf32>, vector<16xi32> -> vector<16xf32>
        %swap3A_336 = arith.index_cast %scan3A_265 : i32 to index
        %swap3A_337 = arith.constant 64 : index
        %swap3A_338 = tpu.vector_load %arg10[%swap3A_336, %swap3A_337] {strides = array<i32>} : memref<32x1024xf32, #tpu.memory_space<vmem>>, vector<1x16xf32>,
        %swap3A_339 = vector.shape_cast %swap3A_338 : vector<1x16xf32> to vector<16xf32>
        %swap3A_340 = vector.shape_cast %gather3A_335 : vector<16xf32> to vector<1x16xf32>
        tpu.vector_store %arg10[%swap3A_336, %swap3A_337], %swap3A_340 {strides = array<i32>} : memref<32x1024xf32, #tpu.memory_space<vmem>>, vector<1x16xf32>,
        %lt3A_341 = arith.constant 0 : i32
        %lt3A_342 = vector.broadcast %lt3A_341 : i32 to vector<16xi32>
        %lt3A_343 = arith.cmpi slt, %add3A_37, %lt3A_342 : vector<16xi32>
        %add3A_344 = arith.constant 16 : i32
        %add3A_345 = vector.broadcast %add3A_344 : i32 to vector<16xi32>
        %add3A_346 = arith.addi %add3A_37, %add3A_345 : vector<16xi32>
        %select_n3A_347 = arith.select %lt3A_343, %add3A_346, %add3A_37 : vector<16xi1>, vector<16xi32>
        %broadcast_in_dim3A_348 = vector.shape_cast %select_n3A_347 : vector<16xi32> to vector<16x1xi32>
        %gather3A_349 = vector.shape_cast %broadcast_in_dim3A_348 : vector<16x1xi32> to vector<16xi32>
        %gather3A_350 = tpu.dynamic_gather %get3A_269[%gather3A_349] in [0] : vector<16xf32>, vector<16xi32> -> vector<16xf32>
        %swap3A_351 = arith.index_cast %scan3A_265 : i32 to index
        %swap3A_352 = arith.constant 80 : index
        %swap3A_353 = tpu.vector_load %arg10[%swap3A_351, %swap3A_352] {strides = array<i32>} : memref<32x1024xf32, #tpu.memory_space<vmem>>, vector<1x16xf32>,
        %swap3A_354 = vector.shape_cast %swap3A_353 : vector<1x16xf32> to vector<16xf32>
        %swap3A_355 = vector.shape_cast %gather3A_350 : vector<16xf32> to vector<1x16xf32>
        tpu.vector_store %arg10[%swap3A_351, %swap3A_352], %swap3A_355 {strides = array<i32>} : memref<32x1024xf32, #tpu.memory_space<vmem>>, vector<1x16xf32>,
        %lt3A_356 = arith.constant 0 : i32
        %lt3A_357 = vector.broadcast %lt3A_356 : i32 to vector<16xi32>
        %lt3A_358 = arith.cmpi slt, %add3A_43, %lt3A_357 : vector<16xi32>
        %add3A_359 = arith.constant 16 : i32
        %add3A_360 = vector.broadcast %add3A_359 : i32 to vector<16xi32>
        %add3A_361 = arith.addi %add3A_43, %add3A_360 : vector<16xi32>
        %select_n3A_362 = arith.select %lt3A_358, %add3A_361, %add3A_43 : vector<16xi1>, vector<16xi32>
        %broadcast_in_dim3A_363 = vector.shape_cast %select_n3A_362 : vector<16xi32> to vector<16x1xi32>
        %gather3A_364 = vector.shape_cast %broadcast_in_dim3A_363 : vector<16x1xi32> to vector<16xi32>
        %gather3A_365 = tpu.dynamic_gather %get3A_269[%gather3A_364] in [0] : vector<16xf32>, vector<16xi32> -> vector<16xf32>
        %swap3A_366 = arith.index_cast %scan3A_265 : i32 to index
        %swap3A_367 = arith.constant 96 : index
        %swap3A_368 = tpu.vector_load %arg10[%swap3A_366, %swap3A_367] {strides = array<i32>} : memref<32x1024xf32, #tpu.memory_space<vmem>>, vector<1x16xf32>,
        %swap3A_369 = vector.shape_cast %swap3A_368 : vector<1x16xf32> to vector<16xf32>
        %swap3A_370 = vector.shape_cast %gather3A_365 : vector<16xf32> to vector<1x16xf32>
        tpu.vector_store %arg10[%swap3A_366, %swap3A_367], %swap3A_370 {strides = array<i32>} : memref<32x1024xf32, #tpu.memory_space<vmem>>, vector<1x16xf32>,
        %lt3A_371 = arith.constant 0 : i32
        %lt3A_372 = vector.broadcast %lt3A_371 : i32 to vector<16xi32>
        %lt3A_373 = arith.cmpi slt, %add3A_49, %lt3A_372 : vector<16xi32>
        %add3A_374 = arith.constant 16 : i32
        %add3A_375 = vector.broadcast %add3A_374 : i32 to vector<16xi32>
        %add3A_376 = arith.addi %add3A_49, %add3A_375 : vector<16xi32>
        %select_n3A_377 = arith.select %lt3A_373, %add3A_376, %add3A_49 : vector<16xi1>, vector<16xi32>
        %broadcast_in_dim3A_378 = vector.shape_cast %select_n3A_377 : vector<16xi32> to vector<16x1xi32>
        %gather3A_379 = vector.shape_cast %broadcast_in_dim3A_378 : vector<16x1xi32> to vector<16xi32>
        %gather3A_380 = tpu.dynamic_gather %get3A_269[%gather3A_379] in [0] : vector<16xf32>, vector<16xi32> -> vector<16xf32>
        %swap3A_381 = arith.index_cast %scan3A_265 : i32 to index
        %swap3A_382 = arith.constant 112 : index
        %swap3A_383 = tpu.vector_load %arg10[%swap3A_381, %swap3A_382] {strides = array<i32>} : memref<32x1024xf32, #tpu.memory_space<vmem>>, vector<1x16xf32>,
        %swap3A_384 = vector.shape_cast %swap3A_383 : vector<1x16xf32> to vector<16xf32>
        %swap3A_385 = vector.shape_cast %gather3A_380 : vector<16xf32> to vector<1x16xf32>
        tpu.vector_store %arg10[%swap3A_381, %swap3A_382], %swap3A_385 {strides = array<i32>} : memref<32x1024xf32, #tpu.memory_space<vmem>>, vector<1x16xf32>,
        %get3A_386 = arith.index_cast %scan3A_265 : i32 to index
        %get3A_387 = arith.constant 16 : index
        %get3A_388 = tpu.vector_load %arg6[%get3A_386, %get3A_387] {strides = array<i32>} : memref<32x128xf32, #tpu.memory_space<vmem>>, vector<1x16xf32>,
        %get3A_389 = vector.shape_cast %get3A_388 : vector<1x16xf32> to vector<16xf32>
        %lt3A_390 = arith.constant 0 : i32
        %lt3A_391 = vector.broadcast %lt3A_390 : i32 to vector<16xi32>
        %lt3A_392 = arith.cmpi slt, %add3A_7, %lt3A_391 : vector<16xi32>
        %add3A_393 = arith.constant 16 : i32
        %add3A_394 = vector.broadcast %add3A_393 : i32 to vector<16xi32>
        %add3A_395 = arith.addi %add3A_7, %add3A_394 : vector<16xi32>
        %select_n3A_396 = arith.select %lt3A_392, %add3A_395, %add3A_7 : vector<16xi1>, vector<16xi32>
        %broadcast_in_dim3A_397 = vector.shape_cast %select_n3A_396 : vector<16xi32> to vector<16x1xi32>
        %gather3A_398 = vector.shape_cast %broadcast_in_dim3A_397 : vector<16x1xi32> to vector<16xi32>
        %gather3A_399 = tpu.dynamic_gather %get3A_389[%gather3A_398] in [0] : vector<16xf32>, vector<16xi32> -> vector<16xf32>
        %swap3A_400 = arith.index_cast %scan3A_265 : i32 to index
        %swap3A_401 = arith.constant 128 : index
        %swap3A_402 = tpu.vector_load %arg10[%swap3A_400, %swap3A_401] {strides = array<i32>} : memref<32x1024xf32, #tpu.memory_space<vmem>>, vector<1x16xf32>,
        %swap3A_403 = vector.shape_cast %swap3A_402 : vector<1x16xf32> to vector<16xf32>
        %swap3A_404 = vector.shape_cast %gather3A_399 : vector<16xf32> to vector<1x16xf32>
        tpu.vector_store %arg10[%swap3A_400, %swap3A_401], %swap3A_404 {strides = array<i32>} : memref<32x1024xf32, #tpu.memory_space<vmem>>, vector<1x16xf32>,
        %lt3A_405 = arith.constant 0 : i32
        %lt3A_406 = vector.broadcast %lt3A_405 : i32 to vector<16xi32>
        %lt3A_407 = arith.cmpi slt, %add3A_13, %lt3A_406 : vector<16xi32>
        %add3A_408 = arith.constant 16 : i32
        %add3A_409 = vector.broadcast %add3A_408 : i32 to vector<16xi32>
        %add3A_410 = arith.addi %add3A_13, %add3A_409 : vector<16xi32>
        %select_n3A_411 = arith.select %lt3A_407, %add3A_410, %add3A_13 : vector<16xi1>, vector<16xi32>
        %broadcast_in_dim3A_412 = vector.shape_cast %select_n3A_411 : vector<16xi32> to vector<16x1xi32>
        %gather3A_413 = vector.shape_cast %broadcast_in_dim3A_412 : vector<16x1xi32> to vector<16xi32>
        %gather3A_414 = tpu.dynamic_gather %get3A_389[%gather3A_413] in [0] : vector<16xf32>, vector<16xi32> -> vector<16xf32>
        %swap3A_415 = arith.index_cast %scan3A_265 : i32 to index
        %swap3A_416 = arith.constant 144 : index
        %swap3A_417 = tpu.vector_load %arg10[%swap3A_415, %swap3A_416] {strides = array<i32>} : memref<32x1024xf32, #tpu.memory_space<vmem>>, vector<1x16xf32>,
        %swap3A_418 = vector.shape_cast %swap3A_417 : vector<1x16xf32> to vector<16xf32>
        %swap3A_419 = vector.shape_cast %gather3A_414 : vector<16xf32> to vector<1x16xf32>
        tpu.vector_store %arg10[%swap3A_415, %swap3A_416], %swap3A_419 {strides = array<i32>} : memref<32x1024xf32, #tpu.memory_space<vmem>>, vector<1x16xf32>,
        %lt3A_420 = arith.constant 0 : i32
        %lt3A_421 = vector.broadcast %lt3A_420 : i32 to vector<16xi32>
        %lt3A_422 = arith.cmpi slt, %add3A_19, %lt3A_421 : vector<16xi32>
        %add3A_423 = arith.constant 16 : i32
        %add3A_424 = vector.broadcast %add3A_423 : i32 to vector<16xi32>
        %add3A_425 = arith.addi %add3A_19, %add3A_424 : vector<16xi32>
        %select_n3A_426 = arith.select %lt3A_422, %add3A_425, %add3A_19 : vector<16xi1>, vector<16xi32>
        %broadcast_in_dim3A_427 = vector.shape_cast %select_n3A_426 : vector<16xi32> to vector<16x1xi32>
        %gather3A_428 = vector.shape_cast %broadcast_in_dim3A_427 : vector<16x1xi32> to vector<16xi32>
        %gather3A_429 = tpu.dynamic_gather %get3A_389[%gather3A_428] in [0] : vector<16xf32>, vector<16xi32> -> vector<16xf32>
        %swap3A_430 = arith.index_cast %scan3A_265 : i32 to index
        %swap3A_431 = arith.constant 160 : index
        %swap3A_432 = tpu.vector_load %arg10[%swap3A_430, %swap3A_431] {strides = array<i32>} : memref<32x1024xf32, #tpu.memory_space<vmem>>, vector<1x16xf32>,
        %swap3A_433 = vector.shape_cast %swap3A_432 : vector<1x16xf32> to vector<16xf32>
        %swap3A_434 = vector.shape_cast %gather3A_429 : vector<16xf32> to vector<1x16xf32>
        tpu.vector_store %arg10[%swap3A_430, %swap3A_431], %swap3A_434 {strides = array<i32>} : memref<32x1024xf32, #tpu.memory_space<vmem>>, vector<1x16xf32>,
        %lt3A_435 = arith.constant 0 : i32
        %lt3A_436 = vector.broadcast %lt3A_435 : i32 to vector<16xi32>
        %lt3A_437 = arith.cmpi slt, %add3A_25, %lt3A_436 : vector<16xi32>
        %add3A_438 = arith.constant 16 : i32
        %add3A_439 = vector.broadcast %add3A_438 : i32 to vector<16xi32>
        %add3A_440 = arith.addi %add3A_25, %add3A_439 : vector<16xi32>
        %select_n3A_441 = arith.select %lt3A_437, %add3A_440, %add3A_25 : vector<16xi1>, vector<16xi32>
        %broadcast_in_dim3A_442 = vector.shape_cast %select_n3A_441 : vector<16xi32> to vector<16x1xi32>
        %gather3A_443 = vector.shape_cast %broadcast_in_dim3A_442 : vector<16x1xi32> to vector<16xi32>
        %gather3A_444 = tpu.dynamic_gather %get3A_389[%gather3A_443] in [0] : vector<16xf32>, vector<16xi32> -> vector<16xf32>
        %swap3A_445 = arith.index_cast %scan3A_265 : i32 to index
        %swap3A_446 = arith.constant 176 : index
        %swap3A_447 = tpu.vector_load %arg10[%swap3A_445, %swap3A_446] {strides = array<i32>} : memref<32x1024xf32, #tpu.memory_space<vmem>>, vector<1x16xf32>,
        %swap3A_448 = vector.shape_cast %swap3A_447 : vector<1x16xf32> to vector<16xf32>
        %swap3A_449 = vector.shape_cast %gather3A_444 : vector<16xf32> to vector<1x16xf32>
        tpu.vector_store %arg10[%swap3A_445, %swap3A_446], %swap3A_449 {strides = array<i32>} : memref<32x1024xf32, #tpu.memory_space<vmem>>, vector<1x16xf32>,
        %lt3A_450 = arith.constant 0 : i32
        %lt3A_451 = vector.broadcast %lt3A_450 : i32 to vector<16xi32>
        %lt3A_452 = arith.cmpi slt, %add3A_31, %lt3A_451 : vector<16xi32>
        %add3A_453 = arith.constant 16 : i32
        %add3A_454 = vector.broadcast %add3A_453 : i32 to vector<16xi32>
        %add3A_455 = arith.addi %add3A_31, %add3A_454 : vector<16xi32>
        %select_n3A_456 = arith.select %lt3A_452, %add3A_455, %add3A_31 : vector<16xi1>, vector<16xi32>
        %broadcast_in_dim3A_457 = vector.shape_cast %select_n3A_456 : vector<16xi32> to vector<16x1xi32>
        %gather3A_458 = vector.shape_cast %broadcast_in_dim3A_457 : vector<16x1xi32> to vector<16xi32>
        %gather3A_459 = tpu.dynamic_gather %get3A_389[%gather3A_458] in [0] : vector<16xf32>, vector<16xi32> -> vector<16xf32>
        %swap3A_460 = arith.index_cast %scan3A_265 : i32 to index
        %swap3A_461 = arith.constant 192 : index
        %swap3A_462 = tpu.vector_load %arg10[%swap3A_460, %swap3A_461] {strides = array<i32>} : memref<32x1024xf32, #tpu.memory_space<vmem>>, vector<1x16xf32>,
        %swap3A_463 = vector.shape_cast %swap3A_462 : vector<1x16xf32> to vector<16xf32>
        %swap3A_464 = vector.shape_cast %gather3A_459 : vector<16xf32> to vector<1x16xf32>
        tpu.vector_store %arg10[%swap3A_460, %swap3A_461], %swap3A_464 {strides = array<i32>} : memref<32x1024xf32, #tpu.memory_space<vmem>>, vector<1x16xf32>,
        %lt3A_465 = arith.constant 0 : i32
        %lt3A_466 = vector.broadcast %lt3A_465 : i32 to vector<16xi32>
        %lt3A_467 = arith.cmpi slt, %add3A_37, %lt3A_466 : vector<16xi32>
        %add3A_468 = arith.constant 16 : i32
        %add3A_469 = vector.broadcast %add3A_468 : i32 to vector<16xi32>
        %add3A_470 = arith.addi %add3A_37, %add3A_469 : vector<16xi32>
        %select_n3A_471 = arith.select %lt3A_467, %add3A_470, %add3A_37 : vector<16xi1>, vector<16xi32>
        %broadcast_in_dim3A_472 = vector.shape_cast %select_n3A_471 : vector<16xi32> to vector<16x1xi32>
        %gather3A_473 = vector.shape_cast %broadcast_in_dim3A_472 : vector<16x1xi32> to vector<16xi32>
        %gather3A_474 = tpu.dynamic_gather %get3A_389[%gather3A_473] in [0] : vector<16xf32>, vector<16xi32> -> vector<16xf32>
        %swap3A_475 = arith.index_cast %scan3A_265 : i32 to index
        %swap3A_476 = arith.constant 208 : index
        %swap3A_477 = tpu.vector_load %arg10[%swap3A_475, %swap3A_476] {strides = array<i32>} : memref<32x1024xf32, #tpu.memory_space<vmem>>, vector<1x16xf32>,
        %swap3A_478 = vector.shape_cast %swap3A_477 : vector<1x16xf32> to vector<16xf32>
        %swap3A_479 = vector.shape_cast %gather3A_474 : vector<16xf32> to vector<1x16xf32>
        tpu.vector_store %arg10[%swap3A_475, %swap3A_476], %swap3A_479 {strides = array<i32>} : memref<32x1024xf32, #tpu.memory_space<vmem>>, vector<1x16xf32>,
        %lt3A_480 = arith.constant 0 : i32
        %lt3A_481 = vector.broadcast %lt3A_480 : i32 to vector<16xi32>
        %lt3A_482 = arith.cmpi slt, %add3A_43, %lt3A_481 : vector<16xi32>
        %add3A_483 = arith.constant 16 : i32
        %add3A_484 = vector.broadcast %add3A_483 : i32 to vector<16xi32>
        %add3A_485 = arith.addi %add3A_43, %add3A_484 : vector<16xi32>
        %select_n3A_486 = arith.select %lt3A_482, %add3A_485, %add3A_43 : vector<16xi1>, vector<16xi32>
        %broadcast_in_dim3A_487 = vector.shape_cast %select_n3A_486 : vector<16xi32> to vector<16x1xi32>
        %gather3A_488 = vector.shape_cast %broadcast_in_dim3A_487 : vector<16x1xi32> to vector<16xi32>
        %gather3A_489 = tpu.dynamic_gather %get3A_389[%gather3A_488] in [0] : vector<16xf32>, vector<16xi32> -> vector<16xf32>
        %swap3A_490 = arith.index_cast %scan3A_265 : i32 to index
        %swap3A_491 = arith.constant 224 : index
        %swap3A_492 = tpu.vector_load %arg10[%swap3A_490, %swap3A_491] {strides = array<i32>} : memref<32x1024xf32, #tpu.memory_space<vmem>>, vector<1x16xf32>,
        %swap3A_493 = vector.shape_cast %swap3A_492 : vector<1x16xf32> to vector<16xf32>
        %swap3A_494 = vector.shape_cast %gather3A_489 : vector<16xf32> to vector<1x16xf32>
        tpu.vector_store %arg10[%swap3A_490, %swap3A_491], %swap3A_494 {strides = array<i32>} : memref<32x1024xf32, #tpu.memory_space<vmem>>, vector<1x16xf32>,
        %lt3A_495 = arith.constant 0 : i32
        %lt3A_496 = vector.broadcast %lt3A_495 : i32 to vector<16xi32>
        %lt3A_497 = arith.cmpi slt, %add3A_49, %lt3A_496 : vector<16xi32>
        %add3A_498 = arith.constant 16 : i32
        %add3A_499 = vector.broadcast %add3A_498 : i32 to vector<16xi32>
        %add3A_500 = arith.addi %add3A_49, %add3A_499 : vector<16xi32>
        %select_n3A_501 = arith.select %lt3A_497, %add3A_500, %add3A_49 : vector<16xi1>, vector<16xi32>
        %broadcast_in_dim3A_502 = vector.shape_cast %select_n3A_501 : vector<16xi32> to vector<16x1xi32>
        %gather3A_503 = vector.shape_cast %broadcast_in_dim3A_502 : vector<16x1xi32> to vector<16xi32>
        %gather3A_504 = tpu.dynamic_gather %get3A_389[%gather3A_503] in [0] : vector<16xf32>, vector<16xi32> -> vector<16xf32>
        %swap3A_505 = arith.index_cast %scan3A_265 : i32 to index
        %swap3A_506 = arith.constant 240 : index
        %swap3A_507 = tpu.vector_load %arg10[%swap3A_505, %swap3A_506] {strides = array<i32>} : memref<32x1024xf32, #tpu.memory_space<vmem>>, vector<1x16xf32>,
        %swap3A_508 = vector.shape_cast %swap3A_507 : vector<1x16xf32> to vector<16xf32>
        %swap3A_509 = vector.shape_cast %gather3A_504 : vector<16xf32> to vector<1x16xf32>
        tpu.vector_store %arg10[%swap3A_505, %swap3A_506], %swap3A_509 {strides = array<i32>} : memref<32x1024xf32, #tpu.memory_space<vmem>>, vector<1x16xf32>,
        %get3A_510 = arith.index_cast %scan3A_265 : i32 to index
        %get3A_511 = arith.constant 32 : index
        %get3A_512 = tpu.vector_load %arg6[%get3A_510, %get3A_511] {strides = array<i32>} : memref<32x128xf32, #tpu.memory_space<vmem>>, vector<1x16xf32>,
        %get3A_513 = vector.shape_cast %get3A_512 : vector<1x16xf32> to vector<16xf32>
        %lt3A_514 = arith.constant 0 : i32
        %lt3A_515 = vector.broadcast %lt3A_514 : i32 to vector<16xi32>
        %lt3A_516 = arith.cmpi slt, %add3A_7, %lt3A_515 : vector<16xi32>
        %add3A_517 = arith.constant 16 : i32
        %add3A_518 = vector.broadcast %add3A_517 : i32 to vector<16xi32>
        %add3A_519 = arith.addi %add3A_7, %add3A_518 : vector<16xi32>
        %select_n3A_520 = arith.select %lt3A_516, %add3A_519, %add3A_7 : vector<16xi1>, vector<16xi32>
        %broadcast_in_dim3A_521 = vector.shape_cast %select_n3A_520 : vector<16xi32> to vector<16x1xi32>
        %gather3A_522 = vector.shape_cast %broadcast_in_dim3A_521 : vector<16x1xi32> to vector<16xi32>
        %gather3A_523 = tpu.dynamic_gather %get3A_513[%gather3A_522] in [0] : vector<16xf32>, vector<16xi32> -> vector<16xf32>
        %swap3A_524 = arith.index_cast %scan3A_265 : i32 to index
        %swap3A_525 = arith.constant 256 : index
        %swap3A_526 = tpu.vector_load %arg10[%swap3A_524, %swap3A_525] {strides = array<i32>} : memref<32x1024xf32, #tpu.memory_space<vmem>>, vector<1x16xf32>,
        %swap3A_527 = vector.shape_cast %swap3A_526 : vector<1x16xf32> to vector<16xf32>
        %swap3A_528 = vector.shape_cast %gather3A_523 : vector<16xf32> to vector<1x16xf32>
        tpu.vector_store %arg10[%swap3A_524, %swap3A_525], %swap3A_528 {strides = array<i32>} : memref<32x1024xf32, #tpu.memory_space<vmem>>, vector<1x16xf32>,
        %lt3A_529 = arith.constant 0 : i32
        %lt3A_530 = vector.broadcast %lt3A_529 : i32 to vector<16xi32>
        %lt3A_531 = arith.cmpi slt, %add3A_13, %lt3A_530 : vector<16xi32>
        %add3A_532 = arith.constant 16 : i32
        %add3A_533 = vector.broadcast %add3A_532 : i32 to vector<16xi32>
        %add3A_534 = arith.addi %add3A_13, %add3A_533 : vector<16xi32>
        %select_n3A_535 = arith.select %lt3A_531, %add3A_534, %add3A_13 : vector<16xi1>, vector<16xi32>
        %broadcast_in_dim3A_536 = vector.shape_cast %select_n3A_535 : vector<16xi32> to vector<16x1xi32>
        %gather3A_537 = vector.shape_cast %broadcast_in_dim3A_536 : vector<16x1xi32> to vector<16xi32>
        %gather3A_538 = tpu.dynamic_gather %get3A_513[%gather3A_537] in [0] : vector<16xf32>, vector<16xi32> -> vector<16xf32>
        %swap3A_539 = arith.index_cast %scan3A_265 : i32 to index
        %swap3A_540 = arith.constant 272 : index
        %swap3A_541 = tpu.vector_load %arg10[%swap3A_539, %swap3A_540] {strides = array<i32>} : memref<32x1024xf32, #tpu.memory_space<vmem>>, vector<1x16xf32>,
        %swap3A_542 = vector.shape_cast %swap3A_541 : vector<1x16xf32> to vector<16xf32>
        %swap3A_543 = vector.shape_cast %gather3A_538 : vector<16xf32> to vector<1x16xf32>
        tpu.vector_store %arg10[%swap3A_539, %swap3A_540], %swap3A_543 {strides = array<i32>} : memref<32x1024xf32, #tpu.memory_space<vmem>>, vector<1x16xf32>,
        %lt3A_544 = arith.constant 0 : i32
        %lt3A_545 = vector.broadcast %lt3A_544 : i32 to vector<16xi32>
        %lt3A_546 = arith.cmpi slt, %add3A_19, %lt3A_545 : vector<16xi32>
        %add3A_547 = arith.constant 16 : i32
        %add3A_548 = vector.broadcast %add3A_547 : i32 to vector<16xi32>
        %add3A_549 = arith.addi %add3A_19, %add3A_548 : vector<16xi32>
        %select_n3A_550 = arith.select %lt3A_546, %add3A_549, %add3A_19 : vector<16xi1>, vector<16xi32>
        %broadcast_in_dim3A_551 = vector.shape_cast %select_n3A_550 : vector<16xi32> to vector<16x1xi32>
        %gather3A_552 = vector.shape_cast %broadcast_in_dim3A_551 : vector<16x1xi32> to vector<16xi32>
        %gather3A_553 = tpu.dynamic_gather %get3A_513[%gather3A_552] in [0] : vector<16xf32>, vector<16xi32> -> vector<16xf32>
        %swap3A_554 = arith.index_cast %scan3A_265 : i32 to index
        %swap3A_555 = arith.constant 288 : index
        %swap3A_556 = tpu.vector_load %arg10[%swap3A_554, %swap3A_555] {strides = array<i32>} : memref<32x1024xf32, #tpu.memory_space<vmem>>, vector<1x16xf32>,
        %swap3A_557 = vector.shape_cast %swap3A_556 : vector<1x16xf32> to vector<16xf32>
        %swap3A_558 = vector.shape_cast %gather3A_553 : vector<16xf32> to vector<1x16xf32>
        tpu.vector_store %arg10[%swap3A_554, %swap3A_555], %swap3A_558 {strides = array<i32>} : memref<32x1024xf32, #tpu.memory_space<vmem>>, vector<1x16xf32>,
        %lt3A_559 = arith.constant 0 : i32
        %lt3A_560 = vector.broadcast %lt3A_559 : i32 to vector<16xi32>
        %lt3A_561 = arith.cmpi slt, %add3A_25, %lt3A_560 : vector<16xi32>
        %add3A_562 = arith.constant 16 : i32
        %add3A_563 = vector.broadcast %add3A_562 : i32 to vector<16xi32>
        %add3A_564 = arith.addi %add3A_25, %add3A_563 : vector<16xi32>
        %select_n3A_565 = arith.select %lt3A_561, %add3A_564, %add3A_25 : vector<16xi1>, vector<16xi32>
        %broadcast_in_dim3A_566 = vector.shape_cast %select_n3A_565 : vector<16xi32> to vector<16x1xi32>
        %gather3A_567 = vector.shape_cast %broadcast_in_dim3A_566 : vector<16x1xi32> to vector<16xi32>
        %gather3A_568 = tpu.dynamic_gather %get3A_513[%gather3A_567] in [0] : vector<16xf32>, vector<16xi32> -> vector<16xf32>
        %swap3A_569 = arith.index_cast %scan3A_265 : i32 to index
        %swap3A_570 = arith.constant 304 : index
        %swap3A_571 = tpu.vector_load %arg10[%swap3A_569, %swap3A_570] {strides = array<i32>} : memref<32x1024xf32, #tpu.memory_space<vmem>>, vector<1x16xf32>,
        %swap3A_572 = vector.shape_cast %swap3A_571 : vector<1x16xf32> to vector<16xf32>
        %swap3A_573 = vector.shape_cast %gather3A_568 : vector<16xf32> to vector<1x16xf32>
        tpu.vector_store %arg10[%swap3A_569, %swap3A_570], %swap3A_573 {strides = array<i32>} : memref<32x1024xf32, #tpu.memory_space<vmem>>, vector<1x16xf32>,
        %lt3A_574 = arith.constant 0 : i32
        %lt3A_575 = vector.broadcast %lt3A_574 : i32 to vector<16xi32>
        %lt3A_576 = arith.cmpi slt, %add3A_31, %lt3A_575 : vector<16xi32>
        %add3A_577 = arith.constant 16 : i32
        %add3A_578 = vector.broadcast %add3A_577 : i32 to vector<16xi32>
        %add3A_579 = arith.addi %add3A_31, %add3A_578 : vector<16xi32>
        %select_n3A_580 = arith.select %lt3A_576, %add3A_579, %add3A_31 : vector<16xi1>, vector<16xi32>
        %broadcast_in_dim3A_581 = vector.shape_cast %select_n3A_580 : vector<16xi32> to vector<16x1xi32>
        %gather3A_582 = vector.shape_cast %broadcast_in_dim3A_581 : vector<16x1xi32> to vector<16xi32>
        %gather3A_583 = tpu.dynamic_gather %get3A_513[%gather3A_582] in [0] : vector<16xf32>, vector<16xi32> -> vector<16xf32>
        %swap3A_584 = arith.index_cast %scan3A_265 : i32 to index
        %swap3A_585 = arith.constant 320 : index
        %swap3A_586 = tpu.vector_load %arg10[%swap3A_584, %swap3A_585] {strides = array<i32>} : memref<32x1024xf32, #tpu.memory_space<vmem>>, vector<1x16xf32>,
        %swap3A_587 = vector.shape_cast %swap3A_586 : vector<1x16xf32> to vector<16xf32>
        %swap3A_588 = vector.shape_cast %gather3A_583 : vector<16xf32> to vector<1x16xf32>
        tpu.vector_store %arg10[%swap3A_584, %swap3A_585], %swap3A_588 {strides = array<i32>} : memref<32x1024xf32, #tpu.memory_space<vmem>>, vector<1x16xf32>,
        %lt3A_589 = arith.constant 0 : i32
        %lt3A_590 = vector.broadcast %lt3A_589 : i32 to vector<16xi32>
        %lt3A_591 = arith.cmpi slt, %add3A_37, %lt3A_590 : vector<16xi32>
        %add3A_592 = arith.constant 16 : i32
        %add3A_593 = vector.broadcast %add3A_592 : i32 to vector<16xi32>
        %add3A_594 = arith.addi %add3A_37, %add3A_593 : vector<16xi32>
        %select_n3A_595 = arith.select %lt3A_591, %add3A_594, %add3A_37 : vector<16xi1>, vector<16xi32>
        %broadcast_in_dim3A_596 = vector.shape_cast %select_n3A_595 : vector<16xi32> to vector<16x1xi32>
        %gather3A_597 = vector.shape_cast %broadcast_in_dim3A_596 : vector<16x1xi32> to vector<16xi32>
        %gather3A_598 = tpu.dynamic_gather %get3A_513[%gather3A_597] in [0] : vector<16xf32>, vector<16xi32> -> vector<16xf32>
        %swap3A_599 = arith.index_cast %scan3A_265 : i32 to index
        %swap3A_600 = arith.constant 336 : index
        %swap3A_601 = tpu.vector_load %arg10[%swap3A_599, %swap3A_600] {strides = array<i32>} : memref<32x1024xf32, #tpu.memory_space<vmem>>, vector<1x16xf32>,
        %swap3A_602 = vector.shape_cast %swap3A_601 : vector<1x16xf32> to vector<16xf32>
        %swap3A_603 = vector.shape_cast %gather3A_598 : vector<16xf32> to vector<1x16xf32>
        tpu.vector_store %arg10[%swap3A_599, %swap3A_600], %swap3A_603 {strides = array<i32>} : memref<32x1024xf32, #tpu.memory_space<vmem>>, vector<1x16xf32>,
        %lt3A_604 = arith.constant 0 : i32
        %lt3A_605 = vector.broadcast %lt3A_604 : i32 to vector<16xi32>
        %lt3A_606 = arith.cmpi slt, %add3A_43, %lt3A_605 : vector<16xi32>
        %add3A_607 = arith.constant 16 : i32
        %add3A_608 = vector.broadcast %add3A_607 : i32 to vector<16xi32>
        %add3A_609 = arith.addi %add3A_43, %add3A_608 : vector<16xi32>
        %select_n3A_610 = arith.select %lt3A_606, %add3A_609, %add3A_43 : vector<16xi1>, vector<16xi32>
        %broadcast_in_dim3A_611 = vector.shape_cast %select_n3A_610 : vector<16xi32> to vector<16x1xi32>
        %gather3A_612 = vector.shape_cast %broadcast_in_dim3A_611 : vector<16x1xi32> to vector<16xi32>
        %gather3A_613 = tpu.dynamic_gather %get3A_513[%gather3A_612] in [0] : vector<16xf32>, vector<16xi32> -> vector<16xf32>
        %swap3A_614 = arith.index_cast %scan3A_265 : i32 to index
        %swap3A_615 = arith.constant 352 : index
        %swap3A_616 = tpu.vector_load %arg10[%swap3A_614, %swap3A_615] {strides = array<i32>} : memref<32x1024xf32, #tpu.memory_space<vmem>>, vector<1x16xf32>,
        %swap3A_617 = vector.shape_cast %swap3A_616 : vector<1x16xf32> to vector<16xf32>
        %swap3A_618 = vector.shape_cast %gather3A_613 : vector<16xf32> to vector<1x16xf32>
        tpu.vector_store %arg10[%swap3A_614, %swap3A_615], %swap3A_618 {strides = array<i32>} : memref<32x1024xf32, #tpu.memory_space<vmem>>, vector<1x16xf32>,
        %lt3A_619 = arith.constant 0 : i32
        %lt3A_620 = vector.broadcast %lt3A_619 : i32 to vector<16xi32>
        %lt3A_621 = arith.cmpi slt, %add3A_49, %lt3A_620 : vector<16xi32>
        %add3A_622 = arith.constant 16 : i32
        %add3A_623 = vector.broadcast %add3A_622 : i32 to vector<16xi32>
        %add3A_624 = arith.addi %add3A_49, %add3A_623 : vector<16xi32>
        %select_n3A_625 = arith.select %lt3A_621, %add3A_624, %add3A_49 : vector<16xi1>, vector<16xi32>
        %broadcast_in_dim3A_626 = vector.shape_cast %select_n3A_625 : vector<16xi32> to vector<16x1xi32>
        %gather3A_627 = vector.shape_cast %broadcast_in_dim3A_626 : vector<16x1xi32> to vector<16xi32>
        %gather3A_628 = tpu.dynamic_gather %get3A_513[%gather3A_627] in [0] : vector<16xf32>, vector<16xi32> -> vector<16xf32>
        %swap3A_629 = arith.index_cast %scan3A_265 : i32 to index
        %swap3A_630 = arith.constant 368 : index
        %swap3A_631 = tpu.vector_load %arg10[%swap3A_629, %swap3A_630] {strides = array<i32>} : memref<32x1024xf32, #tpu.memory_space<vmem>>, vector<1x16xf32>,
        %swap3A_632 = vector.shape_cast %swap3A_631 : vector<1x16xf32> to vector<16xf32>
        %swap3A_633 = vector.shape_cast %gather3A_628 : vector<16xf32> to vector<1x16xf32>
        tpu.vector_store %arg10[%swap3A_629, %swap3A_630], %swap3A_633 {strides = array<i32>} : memref<32x1024xf32, #tpu.memory_space<vmem>>, vector<1x16xf32>,
        %get3A_634 = arith.index_cast %scan3A_265 : i32 to index
        %get3A_635 = arith.constant 48 : index
        %get3A_636 = tpu.vector_load %arg6[%get3A_634, %get3A_635] {strides = array<i32>} : memref<32x128xf32, #tpu.memory_space<vmem>>, vector<1x16xf32>,
        %get3A_637 = vector.shape_cast %get3A_636 : vector<1x16xf32> to vector<16xf32>
        %lt3A_638 = arith.constant 0 : i32
        %lt3A_639 = vector.broadcast %lt3A_638 : i32 to vector<16xi32>
        %lt3A_640 = arith.cmpi slt, %add3A_7, %lt3A_639 : vector<16xi32>
        %add3A_641 = arith.constant 16 : i32
        %add3A_642 = vector.broadcast %add3A_641 : i32 to vector<16xi32>
        %add3A_643 = arith.addi %add3A_7, %add3A_642 : vector<16xi32>
        %select_n3A_644 = arith.select %lt3A_640, %add3A_643, %add3A_7 : vector<16xi1>, vector<16xi32>
        %broadcast_in_dim3A_645 = vector.shape_cast %select_n3A_644 : vector<16xi32> to vector<16x1xi32>
        %gather3A_646 = vector.shape_cast %broadcast_in_dim3A_645 : vector<16x1xi32> to vector<16xi32>
        %gather3A_647 = tpu.dynamic_gather %get3A_637[%gather3A_646] in [0] : vector<16xf32>, vector<16xi32> -> vector<16xf32>
        %swap3A_648 = arith.index_cast %scan3A_265 : i32 to index
        %swap3A_649 = arith.constant 384 : index
        %swap3A_650 = tpu.vector_load %arg10[%swap3A_648, %swap3A_649] {strides = array<i32>} : memref<32x1024xf32, #tpu.memory_space<vmem>>, vector<1x16xf32>,
        %swap3A_651 = vector.shape_cast %swap3A_650 : vector<1x16xf32> to vector<16xf32>
        %swap3A_652 = vector.shape_cast %gather3A_647 : vector<16xf32> to vector<1x16xf32>
        tpu.vector_store %arg10[%swap3A_648, %swap3A_649], %swap3A_652 {strides = array<i32>} : memref<32x1024xf32, #tpu.memory_space<vmem>>, vector<1x16xf32>,
        %lt3A_653 = arith.constant 0 : i32
        %lt3A_654 = vector.broadcast %lt3A_653 : i32 to vector<16xi32>
        %lt3A_655 = arith.cmpi slt, %add3A_13, %lt3A_654 : vector<16xi32>
        %add3A_656 = arith.constant 16 : i32
        %add3A_657 = vector.broadcast %add3A_656 : i32 to vector<16xi32>
        %add3A_658 = arith.addi %add3A_13, %add3A_657 : vector<16xi32>
        %select_n3A_659 = arith.select %lt3A_655, %add3A_658, %add3A_13 : vector<16xi1>, vector<16xi32>
        %broadcast_in_dim3A_660 = vector.shape_cast %select_n3A_659 : vector<16xi32> to vector<16x1xi32>
        %gather3A_661 = vector.shape_cast %broadcast_in_dim3A_660 : vector<16x1xi32> to vector<16xi32>
        %gather3A_662 = tpu.dynamic_gather %get3A_637[%gather3A_661] in [0] : vector<16xf32>, vector<16xi32> -> vector<16xf32>
        %swap3A_663 = arith.index_cast %scan3A_265 : i32 to index
        %swap3A_664 = arith.constant 400 : index
        %swap3A_665 = tpu.vector_load %arg10[%swap3A_663, %swap3A_664] {strides = array<i32>} : memref<32x1024xf32, #tpu.memory_space<vmem>>, vector<1x16xf32>,
        %swap3A_666 = vector.shape_cast %swap3A_665 : vector<1x16xf32> to vector<16xf32>
        %swap3A_667 = vector.shape_cast %gather3A_662 : vector<16xf32> to vector<1x16xf32>
        tpu.vector_store %arg10[%swap3A_663, %swap3A_664], %swap3A_667 {strides = array<i32>} : memref<32x1024xf32, #tpu.memory_space<vmem>>, vector<1x16xf32>,
        %lt3A_668 = arith.constant 0 : i32
        %lt3A_669 = vector.broadcast %lt3A_668 : i32 to vector<16xi32>
        %lt3A_670 = arith.cmpi slt, %add3A_19, %lt3A_669 : vector<16xi32>
        %add3A_671 = arith.constant 16 : i32
        %add3A_672 = vector.broadcast %add3A_671 : i32 to vector<16xi32>
        %add3A_673 = arith.addi %add3A_19, %add3A_672 : vector<16xi32>
        %select_n3A_674 = arith.select %lt3A_670, %add3A_673, %add3A_19 : vector<16xi1>, vector<16xi32>
        %broadcast_in_dim3A_675 = vector.shape_cast %select_n3A_674 : vector<16xi32> to vector<16x1xi32>
        %gather3A_676 = vector.shape_cast %broadcast_in_dim3A_675 : vector<16x1xi32> to vector<16xi32>
        %gather3A_677 = tpu.dynamic_gather %get3A_637[%gather3A_676] in [0] : vector<16xf32>, vector<16xi32> -> vector<16xf32>
        %swap3A_678 = arith.index_cast %scan3A_265 : i32 to index
        %swap3A_679 = arith.constant 416 : index
        %swap3A_680 = tpu.vector_load %arg10[%swap3A_678, %swap3A_679] {strides = array<i32>} : memref<32x1024xf32, #tpu.memory_space<vmem>>, vector<1x16xf32>,
        %swap3A_681 = vector.shape_cast %swap3A_680 : vector<1x16xf32> to vector<16xf32>
        %swap3A_682 = vector.shape_cast %gather3A_677 : vector<16xf32> to vector<1x16xf32>
        tpu.vector_store %arg10[%swap3A_678, %swap3A_679], %swap3A_682 {strides = array<i32>} : memref<32x1024xf32, #tpu.memory_space<vmem>>, vector<1x16xf32>,
        %lt3A_683 = arith.constant 0 : i32
        %lt3A_684 = vector.broadcast %lt3A_683 : i32 to vector<16xi32>
        %lt3A_685 = arith.cmpi slt, %add3A_25, %lt3A_684 : vector<16xi32>
        %add3A_686 = arith.constant 16 : i32
        %add3A_687 = vector.broadcast %add3A_686 : i32 to vector<16xi32>
        %add3A_688 = arith.addi %add3A_25, %add3A_687 : vector<16xi32>
        %select_n3A_689 = arith.select %lt3A_685, %add3A_688, %add3A_25 : vector<16xi1>, vector<16xi32>
        %broadcast_in_dim3A_690 = vector.shape_cast %select_n3A_689 : vector<16xi32> to vector<16x1xi32>
        %gather3A_691 = vector.shape_cast %broadcast_in_dim3A_690 : vector<16x1xi32> to vector<16xi32>
        %gather3A_692 = tpu.dynamic_gather %get3A_637[%gather3A_691] in [0] : vector<16xf32>, vector<16xi32> -> vector<16xf32>
        %swap3A_693 = arith.index_cast %scan3A_265 : i32 to index
        %swap3A_694 = arith.constant 432 : index
        %swap3A_695 = tpu.vector_load %arg10[%swap3A_693, %swap3A_694] {strides = array<i32>} : memref<32x1024xf32, #tpu.memory_space<vmem>>, vector<1x16xf32>,
        %swap3A_696 = vector.shape_cast %swap3A_695 : vector<1x16xf32> to vector<16xf32>
        %swap3A_697 = vector.shape_cast %gather3A_692 : vector<16xf32> to vector<1x16xf32>
        tpu.vector_store %arg10[%swap3A_693, %swap3A_694], %swap3A_697 {strides = array<i32>} : memref<32x1024xf32, #tpu.memory_space<vmem>>, vector<1x16xf32>,
        %lt3A_698 = arith.constant 0 : i32
        %lt3A_699 = vector.broadcast %lt3A_698 : i32 to vector<16xi32>
        %lt3A_700 = arith.cmpi slt, %add3A_31, %lt3A_699 : vector<16xi32>
        %add3A_701 = arith.constant 16 : i32
        %add3A_702 = vector.broadcast %add3A_701 : i32 to vector<16xi32>
        %add3A_703 = arith.addi %add3A_31, %add3A_702 : vector<16xi32>
        %select_n3A_704 = arith.select %lt3A_700, %add3A_703, %add3A_31 : vector<16xi1>, vector<16xi32>
        %broadcast_in_dim3A_705 = vector.shape_cast %select_n3A_704 : vector<16xi32> to vector<16x1xi32>
        %gather3A_706 = vector.shape_cast %broadcast_in_dim3A_705 : vector<16x1xi32> to vector<16xi32>
        %gather3A_707 = tpu.dynamic_gather %get3A_637[%gather3A_706] in [0] : vector<16xf32>, vector<16xi32> -> vector<16xf32>
        %swap3A_708 = arith.index_cast %scan3A_265 : i32 to index
        %swap3A_709 = arith.constant 448 : index
        %swap3A_710 = tpu.vector_load %arg10[%swap3A_708, %swap3A_709] {strides = array<i32>} : memref<32x1024xf32, #tpu.memory_space<vmem>>, vector<1x16xf32>,
        %swap3A_711 = vector.shape_cast %swap3A_710 : vector<1x16xf32> to vector<16xf32>
        %swap3A_712 = vector.shape_cast %gather3A_707 : vector<16xf32> to vector<1x16xf32>
        tpu.vector_store %arg10[%swap3A_708, %swap3A_709], %swap3A_712 {strides = array<i32>} : memref<32x1024xf32, #tpu.memory_space<vmem>>, vector<1x16xf32>,
        %lt3A_713 = arith.constant 0 : i32
        %lt3A_714 = vector.broadcast %lt3A_713 : i32 to vector<16xi32>
        %lt3A_715 = arith.cmpi slt, %add3A_37, %lt3A_714 : vector<16xi32>
        %add3A_716 = arith.constant 16 : i32
        %add3A_717 = vector.broadcast %add3A_716 : i32 to vector<16xi32>
        %add3A_718 = arith.addi %add3A_37, %add3A_717 : vector<16xi32>
        %select_n3A_719 = arith.select %lt3A_715, %add3A_718, %add3A_37 : vector<16xi1>, vector<16xi32>
        %broadcast_in_dim3A_720 = vector.shape_cast %select_n3A_719 : vector<16xi32> to vector<16x1xi32>
        %gather3A_721 = vector.shape_cast %broadcast_in_dim3A_720 : vector<16x1xi32> to vector<16xi32>
        %gather3A_722 = tpu.dynamic_gather %get3A_637[%gather3A_721] in [0] : vector<16xf32>, vector<16xi32> -> vector<16xf32>
        %swap3A_723 = arith.index_cast %scan3A_265 : i32 to index
        %swap3A_724 = arith.constant 464 : index
        %swap3A_725 = tpu.vector_load %arg10[%swap3A_723, %swap3A_724] {strides = array<i32>} : memref<32x1024xf32, #tpu.memory_space<vmem>>, vector<1x16xf32>,
        %swap3A_726 = vector.shape_cast %swap3A_725 : vector<1x16xf32> to vector<16xf32>
        %swap3A_727 = vector.shape_cast %gather3A_722 : vector<16xf32> to vector<1x16xf32>
        tpu.vector_store %arg10[%swap3A_723, %swap3A_724], %swap3A_727 {strides = array<i32>} : memref<32x1024xf32, #tpu.memory_space<vmem>>, vector<1x16xf32>,
        %lt3A_728 = arith.constant 0 : i32
        %lt3A_729 = vector.broadcast %lt3A_728 : i32 to vector<16xi32>
        %lt3A_730 = arith.cmpi slt, %add3A_43, %lt3A_729 : vector<16xi32>
        %add3A_731 = arith.constant 16 : i32
        %add3A_732 = vector.broadcast %add3A_731 : i32 to vector<16xi32>
        %add3A_733 = arith.addi %add3A_43, %add3A_732 : vector<16xi32>
        %select_n3A_734 = arith.select %lt3A_730, %add3A_733, %add3A_43 : vector<16xi1>, vector<16xi32>
        %broadcast_in_dim3A_735 = vector.shape_cast %select_n3A_734 : vector<16xi32> to vector<16x1xi32>
        %gather3A_736 = vector.shape_cast %broadcast_in_dim3A_735 : vector<16x1xi32> to vector<16xi32>
        %gather3A_737 = tpu.dynamic_gather %get3A_637[%gather3A_736] in [0] : vector<16xf32>, vector<16xi32> -> vector<16xf32>
        %swap3A_738 = arith.index_cast %scan3A_265 : i32 to index
        %swap3A_739 = arith.constant 480 : index
        %swap3A_740 = tpu.vector_load %arg10[%swap3A_738, %swap3A_739] {strides = array<i32>} : memref<32x1024xf32, #tpu.memory_space<vmem>>, vector<1x16xf32>,
        %swap3A_741 = vector.shape_cast %swap3A_740 : vector<1x16xf32> to vector<16xf32>
        %swap3A_742 = vector.shape_cast %gather3A_737 : vector<16xf32> to vector<1x16xf32>
        tpu.vector_store %arg10[%swap3A_738, %swap3A_739], %swap3A_742 {strides = array<i32>} : memref<32x1024xf32, #tpu.memory_space<vmem>>, vector<1x16xf32>,
        %lt3A_743 = arith.constant 0 : i32
        %lt3A_744 = vector.broadcast %lt3A_743 : i32 to vector<16xi32>
        %lt3A_745 = arith.cmpi slt, %add3A_49, %lt3A_744 : vector<16xi32>
        %add3A_746 = arith.constant 16 : i32
        %add3A_747 = vector.broadcast %add3A_746 : i32 to vector<16xi32>
        %add3A_748 = arith.addi %add3A_49, %add3A_747 : vector<16xi32>
        %select_n3A_749 = arith.select %lt3A_745, %add3A_748, %add3A_49 : vector<16xi1>, vector<16xi32>
        %broadcast_in_dim3A_750 = vector.shape_cast %select_n3A_749 : vector<16xi32> to vector<16x1xi32>
        %gather3A_751 = vector.shape_cast %broadcast_in_dim3A_750 : vector<16x1xi32> to vector<16xi32>
        %gather3A_752 = tpu.dynamic_gather %get3A_637[%gather3A_751] in [0] : vector<16xf32>, vector<16xi32> -> vector<16xf32>
        %swap3A_753 = arith.index_cast %scan3A_265 : i32 to index
        %swap3A_754 = arith.constant 496 : index
        %swap3A_755 = tpu.vector_load %arg10[%swap3A_753, %swap3A_754] {strides = array<i32>} : memref<32x1024xf32, #tpu.memory_space<vmem>>, vector<1x16xf32>,
        %swap3A_756 = vector.shape_cast %swap3A_755 : vector<1x16xf32> to vector<16xf32>
        %swap3A_757 = vector.shape_cast %gather3A_752 : vector<16xf32> to vector<1x16xf32>
        tpu.vector_store %arg10[%swap3A_753, %swap3A_754], %swap3A_757 {strides = array<i32>} : memref<32x1024xf32, #tpu.memory_space<vmem>>, vector<1x16xf32>,
        %get3A_758 = arith.index_cast %scan3A_265 : i32 to index
        %get3A_759 = arith.constant 64 : index
        %get3A_760 = tpu.vector_load %arg6[%get3A_758, %get3A_759] {strides = array<i32>} : memref<32x128xf32, #tpu.memory_space<vmem>>, vector<1x16xf32>,
        %get3A_761 = vector.shape_cast %get3A_760 : vector<1x16xf32> to vector<16xf32>
        %lt3A_762 = arith.constant 0 : i32
        %lt3A_763 = vector.broadcast %lt3A_762 : i32 to vector<16xi32>
        %lt3A_764 = arith.cmpi slt, %add3A_7, %lt3A_763 : vector<16xi32>
        %add3A_765 = arith.constant 16 : i32
        %add3A_766 = vector.broadcast %add3A_765 : i32 to vector<16xi32>
        %add3A_767 = arith.addi %add3A_7, %add3A_766 : vector<16xi32>
        %select_n3A_768 = arith.select %lt3A_764, %add3A_767, %add3A_7 : vector<16xi1>, vector<16xi32>
        %broadcast_in_dim3A_769 = vector.shape_cast %select_n3A_768 : vector<16xi32> to vector<16x1xi32>
        %gather3A_770 = vector.shape_cast %broadcast_in_dim3A_769 : vector<16x1xi32> to vector<16xi32>
        %gather3A_771 = tpu.dynamic_gather %get3A_761[%gather3A_770] in [0] : vector<16xf32>, vector<16xi32> -> vector<16xf32>
        %swap3A_772 = arith.index_cast %scan3A_265 : i32 to index
        %swap3A_773 = arith.constant 512 : index
        %swap3A_774 = tpu.vector_load %arg10[%swap3A_772, %swap3A_773] {strides = array<i32>} : memref<32x1024xf32, #tpu.memory_space<vmem>>, vector<1x16xf32>,
        %swap3A_775 = vector.shape_cast %swap3A_774 : vector<1x16xf32> to vector<16xf32>
        %swap3A_776 = vector.shape_cast %gather3A_771 : vector<16xf32> to vector<1x16xf32>
        tpu.vector_store %arg10[%swap3A_772, %swap3A_773], %swap3A_776 {strides = array<i32>} : memref<32x1024xf32, #tpu.memory_space<vmem>>, vector<1x16xf32>,
        %lt3A_777 = arith.constant 0 : i32
        %lt3A_778 = vector.broadcast %lt3A_777 : i32 to vector<16xi32>
        %lt3A_779 = arith.cmpi slt, %add3A_13, %lt3A_778 : vector<16xi32>
        %add3A_780 = arith.constant 16 : i32
        %add3A_781 = vector.broadcast %add3A_780 : i32 to vector<16xi32>
        %add3A_782 = arith.addi %add3A_13, %add3A_781 : vector<16xi32>
        %select_n3A_783 = arith.select %lt3A_779, %add3A_782, %add3A_13 : vector<16xi1>, vector<16xi32>
        %broadcast_in_dim3A_784 = vector.shape_cast %select_n3A_783 : vector<16xi32> to vector<16x1xi32>
        %gather3A_785 = vector.shape_cast %broadcast_in_dim3A_784 : vector<16x1xi32> to vector<16xi32>
        %gather3A_786 = tpu.dynamic_gather %get3A_761[%gather3A_785] in [0] : vector<16xf32>, vector<16xi32> -> vector<16xf32>
        %swap3A_787 = arith.index_cast %scan3A_265 : i32 to index
        %swap3A_788 = arith.constant 528 : index
        %swap3A_789 = tpu.vector_load %arg10[%swap3A_787, %swap3A_788] {strides = array<i32>} : memref<32x1024xf32, #tpu.memory_space<vmem>>, vector<1x16xf32>,
        %swap3A_790 = vector.shape_cast %swap3A_789 : vector<1x16xf32> to vector<16xf32>
        %swap3A_791 = vector.shape_cast %gather3A_786 : vector<16xf32> to vector<1x16xf32>
        tpu.vector_store %arg10[%swap3A_787, %swap3A_788], %swap3A_791 {strides = array<i32>} : memref<32x1024xf32, #tpu.memory_space<vmem>>, vector<1x16xf32>,
        %lt3A_792 = arith.constant 0 : i32
        %lt3A_793 = vector.broadcast %lt3A_792 : i32 to vector<16xi32>
        %lt3A_794 = arith.cmpi slt, %add3A_19, %lt3A_793 : vector<16xi32>
        %add3A_795 = arith.constant 16 : i32
        %add3A_796 = vector.broadcast %add3A_795 : i32 to vector<16xi32>
        %add3A_797 = arith.addi %add3A_19, %add3A_796 : vector<16xi32>
        %select_n3A_798 = arith.select %lt3A_794, %add3A_797, %add3A_19 : vector<16xi1>, vector<16xi32>
        %broadcast_in_dim3A_799 = vector.shape_cast %select_n3A_798 : vector<16xi32> to vector<16x1xi32>
        %gather3A_800 = vector.shape_cast %broadcast_in_dim3A_799 : vector<16x1xi32> to vector<16xi32>
        %gather3A_801 = tpu.dynamic_gather %get3A_761[%gather3A_800] in [0] : vector<16xf32>, vector<16xi32> -> vector<16xf32>
        %swap3A_802 = arith.index_cast %scan3A_265 : i32 to index
        %swap3A_803 = arith.constant 544 : index
        %swap3A_804 = tpu.vector_load %arg10[%swap3A_802, %swap3A_803] {strides = array<i32>} : memref<32x1024xf32, #tpu.memory_space<vmem>>, vector<1x16xf32>,
        %swap3A_805 = vector.shape_cast %swap3A_804 : vector<1x16xf32> to vector<16xf32>
        %swap3A_806 = vector.shape_cast %gather3A_801 : vector<16xf32> to vector<1x16xf32>
        tpu.vector_store %arg10[%swap3A_802, %swap3A_803], %swap3A_806 {strides = array<i32>} : memref<32x1024xf32, #tpu.memory_space<vmem>>, vector<1x16xf32>,
        %lt3A_807 = arith.constant 0 : i32
        %lt3A_808 = vector.broadcast %lt3A_807 : i32 to vector<16xi32>
        %lt3A_809 = arith.cmpi slt, %add3A_25, %lt3A_808 : vector<16xi32>
        %add3A_810 = arith.constant 16 : i32
        %add3A_811 = vector.broadcast %add3A_810 : i32 to vector<16xi32>
        %add3A_812 = arith.addi %add3A_25, %add3A_811 : vector<16xi32>
        %select_n3A_813 = arith.select %lt3A_809, %add3A_812, %add3A_25 : vector<16xi1>, vector<16xi32>
        %broadcast_in_dim3A_814 = vector.shape_cast %select_n3A_813 : vector<16xi32> to vector<16x1xi32>
        %gather3A_815 = vector.shape_cast %broadcast_in_dim3A_814 : vector<16x1xi32> to vector<16xi32>
        %gather3A_816 = tpu.dynamic_gather %get3A_761[%gather3A_815] in [0] : vector<16xf32>, vector<16xi32> -> vector<16xf32>
        %swap3A_817 = arith.index_cast %scan3A_265 : i32 to index
        %swap3A_818 = arith.constant 560 : index
        %swap3A_819 = tpu.vector_load %arg10[%swap3A_817, %swap3A_818] {strides = array<i32>} : memref<32x1024xf32, #tpu.memory_space<vmem>>, vector<1x16xf32>,
        %swap3A_820 = vector.shape_cast %swap3A_819 : vector<1x16xf32> to vector<16xf32>
        %swap3A_821 = vector.shape_cast %gather3A_816 : vector<16xf32> to vector<1x16xf32>
        tpu.vector_store %arg10[%swap3A_817, %swap3A_818], %swap3A_821 {strides = array<i32>} : memref<32x1024xf32, #tpu.memory_space<vmem>>, vector<1x16xf32>,
        %lt3A_822 = arith.constant 0 : i32
        %lt3A_823 = vector.broadcast %lt3A_822 : i32 to vector<16xi32>
        %lt3A_824 = arith.cmpi slt, %add3A_31, %lt3A_823 : vector<16xi32>
        %add3A_825 = arith.constant 16 : i32
        %add3A_826 = vector.broadcast %add3A_825 : i32 to vector<16xi32>
        %add3A_827 = arith.addi %add3A_31, %add3A_826 : vector<16xi32>
        %select_n3A_828 = arith.select %lt3A_824, %add3A_827, %add3A_31 : vector<16xi1>, vector<16xi32>
        %broadcast_in_dim3A_829 = vector.shape_cast %select_n3A_828 : vector<16xi32> to vector<16x1xi32>
        %gather3A_830 = vector.shape_cast %broadcast_in_dim3A_829 : vector<16x1xi32> to vector<16xi32>
        %gather3A_831 = tpu.dynamic_gather %get3A_761[%gather3A_830] in [0] : vector<16xf32>, vector<16xi32> -> vector<16xf32>
        %swap3A_832 = arith.index_cast %scan3A_265 : i32 to index
        %swap3A_833 = arith.constant 576 : index
        %swap3A_834 = tpu.vector_load %arg10[%swap3A_832, %swap3A_833] {strides = array<i32>} : memref<32x1024xf32, #tpu.memory_space<vmem>>, vector<1x16xf32>,
        %swap3A_835 = vector.shape_cast %swap3A_834 : vector<1x16xf32> to vector<16xf32>
        %swap3A_836 = vector.shape_cast %gather3A_831 : vector<16xf32> to vector<1x16xf32>
        tpu.vector_store %arg10[%swap3A_832, %swap3A_833], %swap3A_836 {strides = array<i32>} : memref<32x1024xf32, #tpu.memory_space<vmem>>, vector<1x16xf32>,
        %lt3A_837 = arith.constant 0 : i32
        %lt3A_838 = vector.broadcast %lt3A_837 : i32 to vector<16xi32>
        %lt3A_839 = arith.cmpi slt, %add3A_37, %lt3A_838 : vector<16xi32>
        %add3A_840 = arith.constant 16 : i32
        %add3A_841 = vector.broadcast %add3A_840 : i32 to vector<16xi32>
        %add3A_842 = arith.addi %add3A_37, %add3A_841 : vector<16xi32>
        %select_n3A_843 = arith.select %lt3A_839, %add3A_842, %add3A_37 : vector<16xi1>, vector<16xi32>
        %broadcast_in_dim3A_844 = vector.shape_cast %select_n3A_843 : vector<16xi32> to vector<16x1xi32>
        %gather3A_845 = vector.shape_cast %broadcast_in_dim3A_844 : vector<16x1xi32> to vector<16xi32>
        %gather3A_846 = tpu.dynamic_gather %get3A_761[%gather3A_845] in [0] : vector<16xf32>, vector<16xi32> -> vector<16xf32>
        %swap3A_847 = arith.index_cast %scan3A_265 : i32 to index
        %swap3A_848 = arith.constant 592 : index
        %swap3A_849 = tpu.vector_load %arg10[%swap3A_847, %swap3A_848] {strides = array<i32>} : memref<32x1024xf32, #tpu.memory_space<vmem>>, vector<1x16xf32>,
        %swap3A_850 = vector.shape_cast %swap3A_849 : vector<1x16xf32> to vector<16xf32>
        %swap3A_851 = vector.shape_cast %gather3A_846 : vector<16xf32> to vector<1x16xf32>
        tpu.vector_store %arg10[%swap3A_847, %swap3A_848], %swap3A_851 {strides = array<i32>} : memref<32x1024xf32, #tpu.memory_space<vmem>>, vector<1x16xf32>,
        %lt3A_852 = arith.constant 0 : i32
        %lt3A_853 = vector.broadcast %lt3A_852 : i32 to vector<16xi32>
        %lt3A_854 = arith.cmpi slt, %add3A_43, %lt3A_853 : vector<16xi32>
        %add3A_855 = arith.constant 16 : i32
        %add3A_856 = vector.broadcast %add3A_855 : i32 to vector<16xi32>
        %add3A_857 = arith.addi %add3A_43, %add3A_856 : vector<16xi32>
        %select_n3A_858 = arith.select %lt3A_854, %add3A_857, %add3A_43 : vector<16xi1>, vector<16xi32>
        %broadcast_in_dim3A_859 = vector.shape_cast %select_n3A_858 : vector<16xi32> to vector<16x1xi32>
        %gather3A_860 = vector.shape_cast %broadcast_in_dim3A_859 : vector<16x1xi32> to vector<16xi32>
        %gather3A_861 = tpu.dynamic_gather %get3A_761[%gather3A_860] in [0] : vector<16xf32>, vector<16xi32> -> vector<16xf32>
        %swap3A_862 = arith.index_cast %scan3A_265 : i32 to index
        %swap3A_863 = arith.constant 608 : index
        %swap3A_864 = tpu.vector_load %arg10[%swap3A_862, %swap3A_863] {strides = array<i32>} : memref<32x1024xf32, #tpu.memory_space<vmem>>, vector<1x16xf32>,
        %swap3A_865 = vector.shape_cast %swap3A_864 : vector<1x16xf32> to vector<16xf32>
        %swap3A_866 = vector.shape_cast %gather3A_861 : vector<16xf32> to vector<1x16xf32>
        tpu.vector_store %arg10[%swap3A_862, %swap3A_863], %swap3A_866 {strides = array<i32>} : memref<32x1024xf32, #tpu.memory_space<vmem>>, vector<1x16xf32>,
        %lt3A_867 = arith.constant 0 : i32
        %lt3A_868 = vector.broadcast %lt3A_867 : i32 to vector<16xi32>
        %lt3A_869 = arith.cmpi slt, %add3A_49, %lt3A_868 : vector<16xi32>
        %add3A_870 = arith.constant 16 : i32
        %add3A_871 = vector.broadcast %add3A_870 : i32 to vector<16xi32>
        %add3A_872 = arith.addi %add3A_49, %add3A_871 : vector<16xi32>
        %select_n3A_873 = arith.select %lt3A_869, %add3A_872, %add3A_49 : vector<16xi1>, vector<16xi32>
        %broadcast_in_dim3A_874 = vector.shape_cast %select_n3A_873 : vector<16xi32> to vector<16x1xi32>
        %gather3A_875 = vector.shape_cast %broadcast_in_dim3A_874 : vector<16x1xi32> to vector<16xi32>
        %gather3A_876 = tpu.dynamic_gather %get3A_761[%gather3A_875] in [0] : vector<16xf32>, vector<16xi32> -> vector<16xf32>
        %swap3A_877 = arith.index_cast %scan3A_265 : i32 to index
        %swap3A_878 = arith.constant 624 : index
        %swap3A_879 = tpu.vector_load %arg10[%swap3A_877, %swap3A_878] {strides = array<i32>} : memref<32x1024xf32, #tpu.memory_space<vmem>>, vector<1x16xf32>,
        %swap3A_880 = vector.shape_cast %swap3A_879 : vector<1x16xf32> to vector<16xf32>
        %swap3A_881 = vector.shape_cast %gather3A_876 : vector<16xf32> to vector<1x16xf32>
        tpu.vector_store %arg10[%swap3A_877, %swap3A_878], %swap3A_881 {strides = array<i32>} : memref<32x1024xf32, #tpu.memory_space<vmem>>, vector<1x16xf32>,
        %get3A_882 = arith.index_cast %scan3A_265 : i32 to index
        %get3A_883 = arith.constant 80 : index
        %get3A_884 = tpu.vector_load %arg6[%get3A_882, %get3A_883] {strides = array<i32>} : memref<32x128xf32, #tpu.memory_space<vmem>>, vector<1x16xf32>,
        %get3A_885 = vector.shape_cast %get3A_884 : vector<1x16xf32> to vector<16xf32>
        %lt3A_886 = arith.constant 0 : i32
        %lt3A_887 = vector.broadcast %lt3A_886 : i32 to vector<16xi32>
        %lt3A_888 = arith.cmpi slt, %add3A_7, %lt3A_887 : vector<16xi32>
        %add3A_889 = arith.constant 16 : i32
        %add3A_890 = vector.broadcast %add3A_889 : i32 to vector<16xi32>
        %add3A_891 = arith.addi %add3A_7, %add3A_890 : vector<16xi32>
        %select_n3A_892 = arith.select %lt3A_888, %add3A_891, %add3A_7 : vector<16xi1>, vector<16xi32>
        %broadcast_in_dim3A_893 = vector.shape_cast %select_n3A_892 : vector<16xi32> to vector<16x1xi32>
        %gather3A_894 = vector.shape_cast %broadcast_in_dim3A_893 : vector<16x1xi32> to vector<16xi32>
        %gather3A_895 = tpu.dynamic_gather %get3A_885[%gather3A_894] in [0] : vector<16xf32>, vector<16xi32> -> vector<16xf32>
        %swap3A_896 = arith.index_cast %scan3A_265 : i32 to index
        %swap3A_897 = arith.constant 640 : index
        %swap3A_898 = tpu.vector_load %arg10[%swap3A_896, %swap3A_897] {strides = array<i32>} : memref<32x1024xf32, #tpu.memory_space<vmem>>, vector<1x16xf32>,
        %swap3A_899 = vector.shape_cast %swap3A_898 : vector<1x16xf32> to vector<16xf32>
        %swap3A_900 = vector.shape_cast %gather3A_895 : vector<16xf32> to vector<1x16xf32>
        tpu.vector_store %arg10[%swap3A_896, %swap3A_897], %swap3A_900 {strides = array<i32>} : memref<32x1024xf32, #tpu.memory_space<vmem>>, vector<1x16xf32>,
        %lt3A_901 = arith.constant 0 : i32
        %lt3A_902 = vector.broadcast %lt3A_901 : i32 to vector<16xi32>
        %lt3A_903 = arith.cmpi slt, %add3A_13, %lt3A_902 : vector<16xi32>
        %add3A_904 = arith.constant 16 : i32
        %add3A_905 = vector.broadcast %add3A_904 : i32 to vector<16xi32>
        %add3A_906 = arith.addi %add3A_13, %add3A_905 : vector<16xi32>
        %select_n3A_907 = arith.select %lt3A_903, %add3A_906, %add3A_13 : vector<16xi1>, vector<16xi32>
        %broadcast_in_dim3A_908 = vector.shape_cast %select_n3A_907 : vector<16xi32> to vector<16x1xi32>
        %gather3A_909 = vector.shape_cast %broadcast_in_dim3A_908 : vector<16x1xi32> to vector<16xi32>
        %gather3A_910 = tpu.dynamic_gather %get3A_885[%gather3A_909] in [0] : vector<16xf32>, vector<16xi32> -> vector<16xf32>
        %swap3A_911 = arith.index_cast %scan3A_265 : i32 to index
        %swap3A_912 = arith.constant 656 : index
        %swap3A_913 = tpu.vector_load %arg10[%swap3A_911, %swap3A_912] {strides = array<i32>} : memref<32x1024xf32, #tpu.memory_space<vmem>>, vector<1x16xf32>,
        %swap3A_914 = vector.shape_cast %swap3A_913 : vector<1x16xf32> to vector<16xf32>
        %swap3A_915 = vector.shape_cast %gather3A_910 : vector<16xf32> to vector<1x16xf32>
        tpu.vector_store %arg10[%swap3A_911, %swap3A_912], %swap3A_915 {strides = array<i32>} : memref<32x1024xf32, #tpu.memory_space<vmem>>, vector<1x16xf32>,
        %lt3A_916 = arith.constant 0 : i32
        %lt3A_917 = vector.broadcast %lt3A_916 : i32 to vector<16xi32>
        %lt3A_918 = arith.cmpi slt, %add3A_19, %lt3A_917 : vector<16xi32>
        %add3A_919 = arith.constant 16 : i32
        %add3A_920 = vector.broadcast %add3A_919 : i32 to vector<16xi32>
        %add3A_921 = arith.addi %add3A_19, %add3A_920 : vector<16xi32>
        %select_n3A_922 = arith.select %lt3A_918, %add3A_921, %add3A_19 : vector<16xi1>, vector<16xi32>
        %broadcast_in_dim3A_923 = vector.shape_cast %select_n3A_922 : vector<16xi32> to vector<16x1xi32>
        %gather3A_924 = vector.shape_cast %broadcast_in_dim3A_923 : vector<16x1xi32> to vector<16xi32>
        %gather3A_925 = tpu.dynamic_gather %get3A_885[%gather3A_924] in [0] : vector<16xf32>, vector<16xi32> -> vector<16xf32>
        %swap3A_926 = arith.index_cast %scan3A_265 : i32 to index
        %swap3A_927 = arith.constant 672 : index
        %swap3A_928 = tpu.vector_load %arg10[%swap3A_926, %swap3A_927] {strides = array<i32>} : memref<32x1024xf32, #tpu.memory_space<vmem>>, vector<1x16xf32>,
        %swap3A_929 = vector.shape_cast %swap3A_928 : vector<1x16xf32> to vector<16xf32>
        %swap3A_930 = vector.shape_cast %gather3A_925 : vector<16xf32> to vector<1x16xf32>
        tpu.vector_store %arg10[%swap3A_926, %swap3A_927], %swap3A_930 {strides = array<i32>} : memref<32x1024xf32, #tpu.memory_space<vmem>>, vector<1x16xf32>,
        %lt3A_931 = arith.constant 0 : i32
        %lt3A_932 = vector.broadcast %lt3A_931 : i32 to vector<16xi32>
        %lt3A_933 = arith.cmpi slt, %add3A_25, %lt3A_932 : vector<16xi32>
        %add3A_934 = arith.constant 16 : i32
        %add3A_935 = vector.broadcast %add3A_934 : i32 to vector<16xi32>
        %add3A_936 = arith.addi %add3A_25, %add3A_935 : vector<16xi32>
        %select_n3A_937 = arith.select %lt3A_933, %add3A_936, %add3A_25 : vector<16xi1>, vector<16xi32>
        %broadcast_in_dim3A_938 = vector.shape_cast %select_n3A_937 : vector<16xi32> to vector<16x1xi32>
        %gather3A_939 = vector.shape_cast %broadcast_in_dim3A_938 : vector<16x1xi32> to vector<16xi32>
        %gather3A_940 = tpu.dynamic_gather %get3A_885[%gather3A_939] in [0] : vector<16xf32>, vector<16xi32> -> vector<16xf32>
        %swap3A_941 = arith.index_cast %scan3A_265 : i32 to index
        %swap3A_942 = arith.constant 688 : index
        %swap3A_943 = tpu.vector_load %arg10[%swap3A_941, %swap3A_942] {strides = array<i32>} : memref<32x1024xf32, #tpu.memory_space<vmem>>, vector<1x16xf32>,
        %swap3A_944 = vector.shape_cast %swap3A_943 : vector<1x16xf32> to vector<16xf32>
        %swap3A_945 = vector.shape_cast %gather3A_940 : vector<16xf32> to vector<1x16xf32>
        tpu.vector_store %arg10[%swap3A_941, %swap3A_942], %swap3A_945 {strides = array<i32>} : memref<32x1024xf32, #tpu.memory_space<vmem>>, vector<1x16xf32>,
        %lt3A_946 = arith.constant 0 : i32
        %lt3A_947 = vector.broadcast %lt3A_946 : i32 to vector<16xi32>
        %lt3A_948 = arith.cmpi slt, %add3A_31, %lt3A_947 : vector<16xi32>
        %add3A_949 = arith.constant 16 : i32
        %add3A_950 = vector.broadcast %add3A_949 : i32 to vector<16xi32>
        %add3A_951 = arith.addi %add3A_31, %add3A_950 : vector<16xi32>
        %select_n3A_952 = arith.select %lt3A_948, %add3A_951, %add3A_31 : vector<16xi1>, vector<16xi32>
        %broadcast_in_dim3A_953 = vector.shape_cast %select_n3A_952 : vector<16xi32> to vector<16x1xi32>
        %gather3A_954 = vector.shape_cast %broadcast_in_dim3A_953 : vector<16x1xi32> to vector<16xi32>
        %gather3A_955 = tpu.dynamic_gather %get3A_885[%gather3A_954] in [0] : vector<16xf32>, vector<16xi32> -> vector<16xf32>
        %swap3A_956 = arith.index_cast %scan3A_265 : i32 to index
        %swap3A_957 = arith.constant 704 : index
        %swap3A_958 = tpu.vector_load %arg10[%swap3A_956, %swap3A_957] {strides = array<i32>} : memref<32x1024xf32, #tpu.memory_space<vmem>>, vector<1x16xf32>,
        %swap3A_959 = vector.shape_cast %swap3A_958 : vector<1x16xf32> to vector<16xf32>
        %swap3A_960 = vector.shape_cast %gather3A_955 : vector<16xf32> to vector<1x16xf32>
        tpu.vector_store %arg10[%swap3A_956, %swap3A_957], %swap3A_960 {strides = array<i32>} : memref<32x1024xf32, #tpu.memory_space<vmem>>, vector<1x16xf32>,
        %lt3A_961 = arith.constant 0 : i32
        %lt3A_962 = vector.broadcast %lt3A_961 : i32 to vector<16xi32>
        %lt3A_963 = arith.cmpi slt, %add3A_37, %lt3A_962 : vector<16xi32>
        %add3A_964 = arith.constant 16 : i32
        %add3A_965 = vector.broadcast %add3A_964 : i32 to vector<16xi32>
        %add3A_966 = arith.addi %add3A_37, %add3A_965 : vector<16xi32>
        %select_n3A_967 = arith.select %lt3A_963, %add3A_966, %add3A_37 : vector<16xi1>, vector<16xi32>
        %broadcast_in_dim3A_968 = vector.shape_cast %select_n3A_967 : vector<16xi32> to vector<16x1xi32>
        %gather3A_969 = vector.shape_cast %broadcast_in_dim3A_968 : vector<16x1xi32> to vector<16xi32>
        %gather3A_970 = tpu.dynamic_gather %get3A_885[%gather3A_969] in [0] : vector<16xf32>, vector<16xi32> -> vector<16xf32>
        %swap3A_971 = arith.index_cast %scan3A_265 : i32 to index
        %swap3A_972 = arith.constant 720 : index
        %swap3A_973 = tpu.vector_load %arg10[%swap3A_971, %swap3A_972] {strides = array<i32>} : memref<32x1024xf32, #tpu.memory_space<vmem>>, vector<1x16xf32>,
        %swap3A_974 = vector.shape_cast %swap3A_973 : vector<1x16xf32> to vector<16xf32>
        %swap3A_975 = vector.shape_cast %gather3A_970 : vector<16xf32> to vector<1x16xf32>
        tpu.vector_store %arg10[%swap3A_971, %swap3A_972], %swap3A_975 {strides = array<i32>} : memref<32x1024xf32, #tpu.memory_space<vmem>>, vector<1x16xf32>,
        %lt3A_976 = arith.constant 0 : i32
        %lt3A_977 = vector.broadcast %lt3A_976 : i32 to vector<16xi32>
        %lt3A_978 = arith.cmpi slt, %add3A_43, %lt3A_977 : vector<16xi32>
        %add3A_979 = arith.constant 16 : i32
        %add3A_980 = vector.broadcast %add3A_979 : i32 to vector<16xi32>
        %add3A_981 = arith.addi %add3A_43, %add3A_980 : vector<16xi32>
        %select_n3A_982 = arith.select %lt3A_978, %add3A_981, %add3A_43 : vector<16xi1>, vector<16xi32>
        %broadcast_in_dim3A_983 = vector.shape_cast %select_n3A_982 : vector<16xi32> to vector<16x1xi32>
        %gather3A_984 = vector.shape_cast %broadcast_in_dim3A_983 : vector<16x1xi32> to vector<16xi32>
        %gather3A_985 = tpu.dynamic_gather %get3A_885[%gather3A_984] in [0] : vector<16xf32>, vector<16xi32> -> vector<16xf32>
        %swap3A_986 = arith.index_cast %scan3A_265 : i32 to index
        %swap3A_987 = arith.constant 736 : index
        %swap3A_988 = tpu.vector_load %arg10[%swap3A_986, %swap3A_987] {strides = array<i32>} : memref<32x1024xf32, #tpu.memory_space<vmem>>, vector<1x16xf32>,
        %swap3A_989 = vector.shape_cast %swap3A_988 : vector<1x16xf32> to vector<16xf32>
        %swap3A_990 = vector.shape_cast %gather3A_985 : vector<16xf32> to vector<1x16xf32>
        tpu.vector_store %arg10[%swap3A_986, %swap3A_987], %swap3A_990 {strides = array<i32>} : memref<32x1024xf32, #tpu.memory_space<vmem>>, vector<1x16xf32>,
        %lt3A_991 = arith.constant 0 : i32
        %lt3A_992 = vector.broadcast %lt3A_991 : i32 to vector<16xi32>
        %lt3A_993 = arith.cmpi slt, %add3A_49, %lt3A_992 : vector<16xi32>
        %add3A_994 = arith.constant 16 : i32
        %add3A_995 = vector.broadcast %add3A_994 : i32 to vector<16xi32>
        %add3A_996 = arith.addi %add3A_49, %add3A_995 : vector<16xi32>
        %select_n3A_997 = arith.select %lt3A_993, %add3A_996, %add3A_49 : vector<16xi1>, vector<16xi32>
        %broadcast_in_dim3A_998 = vector.shape_cast %select_n3A_997 : vector<16xi32> to vector<16x1xi32>
        %gather3A_999 = vector.shape_cast %broadcast_in_dim3A_998 : vector<16x1xi32> to vector<16xi32>
        %gather3A_1000 = tpu.dynamic_gather %get3A_885[%gather3A_999] in [0] : vector<16xf32>, vector<16xi32> -> vector<16xf32>
        %swap3A_1001 = arith.index_cast %scan3A_265 : i32 to index
        %swap3A_1002 = arith.constant 752 : index
        %swap3A_1003 = tpu.vector_load %arg10[%swap3A_1001, %swap3A_1002] {strides = array<i32>} : memref<32x1024xf32, #tpu.memory_space<vmem>>, vector<1x16xf32>,
        %swap3A_1004 = vector.shape_cast %swap3A_1003 : vector<1x16xf32> to vector<16xf32>
        %swap3A_1005 = vector.shape_cast %gather3A_1000 : vector<16xf32> to vector<1x16xf32>
        tpu.vector_store %arg10[%swap3A_1001, %swap3A_1002], %swap3A_1005 {strides = array<i32>} : memref<32x1024xf32, #tpu.memory_space<vmem>>, vector<1x16xf32>,
        %get3A_1006 = arith.index_cast %scan3A_265 : i32 to index
        %get3A_1007 = arith.constant 96 : index
        %get3A_1008 = tpu.vector_load %arg6[%get3A_1006, %get3A_1007] {strides = array<i32>} : memref<32x128xf32, #tpu.memory_space<vmem>>, vector<1x16xf32>,
        %get3A_1009 = vector.shape_cast %get3A_1008 : vector<1x16xf32> to vector<16xf32>
        %lt3A_1010 = arith.constant 0 : i32
        %lt3A_1011 = vector.broadcast %lt3A_1010 : i32 to vector<16xi32>
        %lt3A_1012 = arith.cmpi slt, %add3A_7, %lt3A_1011 : vector<16xi32>
        %add3A_1013 = arith.constant 16 : i32
        %add3A_1014 = vector.broadcast %add3A_1013 : i32 to vector<16xi32>
        %add3A_1015 = arith.addi %add3A_7, %add3A_1014 : vector<16xi32>
        %select_n3A_1016 = arith.select %lt3A_1012, %add3A_1015, %add3A_7 : vector<16xi1>, vector<16xi32>
        %broadcast_in_dim3A_1017 = vector.shape_cast %select_n3A_1016 : vector<16xi32> to vector<16x1xi32>
        %gather3A_1018 = vector.shape_cast %broadcast_in_dim3A_1017 : vector<16x1xi32> to vector<16xi32>
        %gather3A_1019 = tpu.dynamic_gather %get3A_1009[%gather3A_1018] in [0] : vector<16xf32>, vector<16xi32> -> vector<16xf32>
        %swap3A_1020 = arith.index_cast %scan3A_265 : i32 to index
        %swap3A_1021 = arith.constant 768 : index
        %swap3A_1022 = tpu.vector_load %arg10[%swap3A_1020, %swap3A_1021] {strides = array<i32>} : memref<32x1024xf32, #tpu.memory_space<vmem>>, vector<1x16xf32>,
        %swap3A_1023 = vector.shape_cast %swap3A_1022 : vector<1x16xf32> to vector<16xf32>
        %swap3A_1024 = vector.shape_cast %gather3A_1019 : vector<16xf32> to vector<1x16xf32>
        tpu.vector_store %arg10[%swap3A_1020, %swap3A_1021], %swap3A_1024 {strides = array<i32>} : memref<32x1024xf32, #tpu.memory_space<vmem>>, vector<1x16xf32>,
        %lt3A_1025 = arith.constant 0 : i32
        %lt3A_1026 = vector.broadcast %lt3A_1025 : i32 to vector<16xi32>
        %lt3A_1027 = arith.cmpi slt, %add3A_13, %lt3A_1026 : vector<16xi32>
        %add3A_1028 = arith.constant 16 : i32
        %add3A_1029 = vector.broadcast %add3A_1028 : i32 to vector<16xi32>
        %add3A_1030 = arith.addi %add3A_13, %add3A_1029 : vector<16xi32>
        %select_n3A_1031 = arith.select %lt3A_1027, %add3A_1030, %add3A_13 : vector<16xi1>, vector<16xi32>
        %broadcast_in_dim3A_1032 = vector.shape_cast %select_n3A_1031 : vector<16xi32> to vector<16x1xi32>
        %gather3A_1033 = vector.shape_cast %broadcast_in_dim3A_1032 : vector<16x1xi32> to vector<16xi32>
        %gather3A_1034 = tpu.dynamic_gather %get3A_1009[%gather3A_1033] in [0] : vector<16xf32>, vector<16xi32> -> vector<16xf32>
        %swap3A_1035 = arith.index_cast %scan3A_265 : i32 to index
        %swap3A_1036 = arith.constant 784 : index
        %swap3A_1037 = tpu.vector_load %arg10[%swap3A_1035, %swap3A_1036] {strides = array<i32>} : memref<32x1024xf32, #tpu.memory_space<vmem>>, vector<1x16xf32>,
        %swap3A_1038 = vector.shape_cast %swap3A_1037 : vector<1x16xf32> to vector<16xf32>
        %swap3A_1039 = vector.shape_cast %gather3A_1034 : vector<16xf32> to vector<1x16xf32>
        tpu.vector_store %arg10[%swap3A_1035, %swap3A_1036], %swap3A_1039 {strides = array<i32>} : memref<32x1024xf32, #tpu.memory_space<vmem>>, vector<1x16xf32>,
        %lt3A_1040 = arith.constant 0 : i32
        %lt3A_1041 = vector.broadcast %lt3A_1040 : i32 to vector<16xi32>
        %lt3A_1042 = arith.cmpi slt, %add3A_19, %lt3A_1041 : vector<16xi32>
        %add3A_1043 = arith.constant 16 : i32
        %add3A_1044 = vector.broadcast %add3A_1043 : i32 to vector<16xi32>
        %add3A_1045 = arith.addi %add3A_19, %add3A_1044 : vector<16xi32>
        %select_n3A_1046 = arith.select %lt3A_1042, %add3A_1045, %add3A_19 : vector<16xi1>, vector<16xi32>
        %broadcast_in_dim3A_1047 = vector.shape_cast %select_n3A_1046 : vector<16xi32> to vector<16x1xi32>
        %gather3A_1048 = vector.shape_cast %broadcast_in_dim3A_1047 : vector<16x1xi32> to vector<16xi32>
        %gather3A_1049 = tpu.dynamic_gather %get3A_1009[%gather3A_1048] in [0] : vector<16xf32>, vector<16xi32> -> vector<16xf32>
        %swap3A_1050 = arith.index_cast %scan3A_265 : i32 to index
        %swap3A_1051 = arith.constant 800 : index
        %swap3A_1052 = tpu.vector_load %arg10[%swap3A_1050, %swap3A_1051] {strides = array<i32>} : memref<32x1024xf32, #tpu.memory_space<vmem>>, vector<1x16xf32>,
        %swap3A_1053 = vector.shape_cast %swap3A_1052 : vector<1x16xf32> to vector<16xf32>
        %swap3A_1054 = vector.shape_cast %gather3A_1049 : vector<16xf32> to vector<1x16xf32>
        tpu.vector_store %arg10[%swap3A_1050, %swap3A_1051], %swap3A_1054 {strides = array<i32>} : memref<32x1024xf32, #tpu.memory_space<vmem>>, vector<1x16xf32>,
        %lt3A_1055 = arith.constant 0 : i32
        %lt3A_1056 = vector.broadcast %lt3A_1055 : i32 to vector<16xi32>
        %lt3A_1057 = arith.cmpi slt, %add3A_25, %lt3A_1056 : vector<16xi32>
        %add3A_1058 = arith.constant 16 : i32
        %add3A_1059 = vector.broadcast %add3A_1058 : i32 to vector<16xi32>
        %add3A_1060 = arith.addi %add3A_25, %add3A_1059 : vector<16xi32>
        %select_n3A_1061 = arith.select %lt3A_1057, %add3A_1060, %add3A_25 : vector<16xi1>, vector<16xi32>
        %broadcast_in_dim3A_1062 = vector.shape_cast %select_n3A_1061 : vector<16xi32> to vector<16x1xi32>
        %gather3A_1063 = vector.shape_cast %broadcast_in_dim3A_1062 : vector<16x1xi32> to vector<16xi32>
        %gather3A_1064 = tpu.dynamic_gather %get3A_1009[%gather3A_1063] in [0] : vector<16xf32>, vector<16xi32> -> vector<16xf32>
        %swap3A_1065 = arith.index_cast %scan3A_265 : i32 to index
        %swap3A_1066 = arith.constant 816 : index
        %swap3A_1067 = tpu.vector_load %arg10[%swap3A_1065, %swap3A_1066] {strides = array<i32>} : memref<32x1024xf32, #tpu.memory_space<vmem>>, vector<1x16xf32>,
        %swap3A_1068 = vector.shape_cast %swap3A_1067 : vector<1x16xf32> to vector<16xf32>
        %swap3A_1069 = vector.shape_cast %gather3A_1064 : vector<16xf32> to vector<1x16xf32>
        tpu.vector_store %arg10[%swap3A_1065, %swap3A_1066], %swap3A_1069 {strides = array<i32>} : memref<32x1024xf32, #tpu.memory_space<vmem>>, vector<1x16xf32>,
        %lt3A_1070 = arith.constant 0 : i32
        %lt3A_1071 = vector.broadcast %lt3A_1070 : i32 to vector<16xi32>
        %lt3A_1072 = arith.cmpi slt, %add3A_31, %lt3A_1071 : vector<16xi32>
        %add3A_1073 = arith.constant 16 : i32
        %add3A_1074 = vector.broadcast %add3A_1073 : i32 to vector<16xi32>
        %add3A_1075 = arith.addi %add3A_31, %add3A_1074 : vector<16xi32>
        %select_n3A_1076 = arith.select %lt3A_1072, %add3A_1075, %add3A_31 : vector<16xi1>, vector<16xi32>
        %broadcast_in_dim3A_1077 = vector.shape_cast %select_n3A_1076 : vector<16xi32> to vector<16x1xi32>
        %gather3A_1078 = vector.shape_cast %broadcast_in_dim3A_1077 : vector<16x1xi32> to vector<16xi32>
        %gather3A_1079 = tpu.dynamic_gather %get3A_1009[%gather3A_1078] in [0] : vector<16xf32>, vector<16xi32> -> vector<16xf32>
        %swap3A_1080 = arith.index_cast %scan3A_265 : i32 to index
        %swap3A_1081 = arith.constant 832 : index
        %swap3A_1082 = tpu.vector_load %arg10[%swap3A_1080, %swap3A_1081] {strides = array<i32>} : memref<32x1024xf32, #tpu.memory_space<vmem>>, vector<1x16xf32>,
        %swap3A_1083 = vector.shape_cast %swap3A_1082 : vector<1x16xf32> to vector<16xf32>
        %swap3A_1084 = vector.shape_cast %gather3A_1079 : vector<16xf32> to vector<1x16xf32>
        tpu.vector_store %arg10[%swap3A_1080, %swap3A_1081], %swap3A_1084 {strides = array<i32>} : memref<32x1024xf32, #tpu.memory_space<vmem>>, vector<1x16xf32>,
        %lt3A_1085 = arith.constant 0 : i32
        %lt3A_1086 = vector.broadcast %lt3A_1085 : i32 to vector<16xi32>
        %lt3A_1087 = arith.cmpi slt, %add3A_37, %lt3A_1086 : vector<16xi32>
        %add3A_1088 = arith.constant 16 : i32
        %add3A_1089 = vector.broadcast %add3A_1088 : i32 to vector<16xi32>
        %add3A_1090 = arith.addi %add3A_37, %add3A_1089 : vector<16xi32>
        %select_n3A_1091 = arith.select %lt3A_1087, %add3A_1090, %add3A_37 : vector<16xi1>, vector<16xi32>
        %broadcast_in_dim3A_1092 = vector.shape_cast %select_n3A_1091 : vector<16xi32> to vector<16x1xi32>
        %gather3A_1093 = vector.shape_cast %broadcast_in_dim3A_1092 : vector<16x1xi32> to vector<16xi32>
        %gather3A_1094 = tpu.dynamic_gather %get3A_1009[%gather3A_1093] in [0] : vector<16xf32>, vector<16xi32> -> vector<16xf32>
        %swap3A_1095 = arith.index_cast %scan3A_265 : i32 to index
        %swap3A_1096 = arith.constant 848 : index
        %swap3A_1097 = tpu.vector_load %arg10[%swap3A_1095, %swap3A_1096] {strides = array<i32>} : memref<32x1024xf32, #tpu.memory_space<vmem>>, vector<1x16xf32>,
        %swap3A_1098 = vector.shape_cast %swap3A_1097 : vector<1x16xf32> to vector<16xf32>
        %swap3A_1099 = vector.shape_cast %gather3A_1094 : vector<16xf32> to vector<1x16xf32>
        tpu.vector_store %arg10[%swap3A_1095, %swap3A_1096], %swap3A_1099 {strides = array<i32>} : memref<32x1024xf32, #tpu.memory_space<vmem>>, vector<1x16xf32>,
        %lt3A_1100 = arith.constant 0 : i32
        %lt3A_1101 = vector.broadcast %lt3A_1100 : i32 to vector<16xi32>
        %lt3A_1102 = arith.cmpi slt, %add3A_43, %lt3A_1101 : vector<16xi32>
        %add3A_1103 = arith.constant 16 : i32
        %add3A_1104 = vector.broadcast %add3A_1103 : i32 to vector<16xi32>
        %add3A_1105 = arith.addi %add3A_43, %add3A_1104 : vector<16xi32>
        %select_n3A_1106 = arith.select %lt3A_1102, %add3A_1105, %add3A_43 : vector<16xi1>, vector<16xi32>
        %broadcast_in_dim3A_1107 = vector.shape_cast %select_n3A_1106 : vector<16xi32> to vector<16x1xi32>
        %gather3A_1108 = vector.shape_cast %broadcast_in_dim3A_1107 : vector<16x1xi32> to vector<16xi32>
        %gather3A_1109 = tpu.dynamic_gather %get3A_1009[%gather3A_1108] in [0] : vector<16xf32>, vector<16xi32> -> vector<16xf32>
        %swap3A_1110 = arith.index_cast %scan3A_265 : i32 to index
        %swap3A_1111 = arith.constant 864 : index
        %swap3A_1112 = tpu.vector_load %arg10[%swap3A_1110, %swap3A_1111] {strides = array<i32>} : memref<32x1024xf32, #tpu.memory_space<vmem>>, vector<1x16xf32>,
        %swap3A_1113 = vector.shape_cast %swap3A_1112 : vector<1x16xf32> to vector<16xf32>
        %swap3A_1114 = vector.shape_cast %gather3A_1109 : vector<16xf32> to vector<1x16xf32>
        tpu.vector_store %arg10[%swap3A_1110, %swap3A_1111], %swap3A_1114 {strides = array<i32>} : memref<32x1024xf32, #tpu.memory_space<vmem>>, vector<1x16xf32>,
        %lt3A_1115 = arith.constant 0 : i32
        %lt3A_1116 = vector.broadcast %lt3A_1115 : i32 to vector<16xi32>
        %lt3A_1117 = arith.cmpi slt, %add3A_49, %lt3A_1116 : vector<16xi32>
        %add3A_1118 = arith.constant 16 : i32
        %add3A_1119 = vector.broadcast %add3A_1118 : i32 to vector<16xi32>
        %add3A_1120 = arith.addi %add3A_49, %add3A_1119 : vector<16xi32>
        %select_n3A_1121 = arith.select %lt3A_1117, %add3A_1120, %add3A_49 : vector<16xi1>, vector<16xi32>
        %broadcast_in_dim3A_1122 = vector.shape_cast %select_n3A_1121 : vector<16xi32> to vector<16x1xi32>
        %gather3A_1123 = vector.shape_cast %broadcast_in_dim3A_1122 : vector<16x1xi32> to vector<16xi32>
        %gather3A_1124 = tpu.dynamic_gather %get3A_1009[%gather3A_1123] in [0] : vector<16xf32>, vector<16xi32> -> vector<16xf32>
        %swap3A_1125 = arith.index_cast %scan3A_265 : i32 to index
        %swap3A_1126 = arith.constant 880 : index
        %swap3A_1127 = tpu.vector_load %arg10[%swap3A_1125, %swap3A_1126] {strides = array<i32>} : memref<32x1024xf32, #tpu.memory_space<vmem>>, vector<1x16xf32>,
        %swap3A_1128 = vector.shape_cast %swap3A_1127 : vector<1x16xf32> to vector<16xf32>
        %swap3A_1129 = vector.shape_cast %gather3A_1124 : vector<16xf32> to vector<1x16xf32>
        tpu.vector_store %arg10[%swap3A_1125, %swap3A_1126], %swap3A_1129 {strides = array<i32>} : memref<32x1024xf32, #tpu.memory_space<vmem>>, vector<1x16xf32>,
        %get3A_1130 = arith.index_cast %scan3A_265 : i32 to index
        %get3A_1131 = arith.constant 112 : index
        %get3A_1132 = tpu.vector_load %arg6[%get3A_1130, %get3A_1131] {strides = array<i32>} : memref<32x128xf32, #tpu.memory_space<vmem>>, vector<1x16xf32>,
        %get3A_1133 = vector.shape_cast %get3A_1132 : vector<1x16xf32> to vector<16xf32>
        %lt3A_1134 = arith.constant 0 : i32
        %lt3A_1135 = vector.broadcast %lt3A_1134 : i32 to vector<16xi32>
        %lt3A_1136 = arith.cmpi slt, %add3A_7, %lt3A_1135 : vector<16xi32>
        %add3A_1137 = arith.constant 16 : i32
        %add3A_1138 = vector.broadcast %add3A_1137 : i32 to vector<16xi32>
        %add3A_1139 = arith.addi %add3A_7, %add3A_1138 : vector<16xi32>
        %select_n3A_1140 = arith.select %lt3A_1136, %add3A_1139, %add3A_7 : vector<16xi1>, vector<16xi32>
        %broadcast_in_dim3A_1141 = vector.shape_cast %select_n3A_1140 : vector<16xi32> to vector<16x1xi32>
        %gather3A_1142 = vector.shape_cast %broadcast_in_dim3A_1141 : vector<16x1xi32> to vector<16xi32>
        %gather3A_1143 = tpu.dynamic_gather %get3A_1133[%gather3A_1142] in [0] : vector<16xf32>, vector<16xi32> -> vector<16xf32>
        %swap3A_1144 = arith.index_cast %scan3A_265 : i32 to index
        %swap3A_1145 = arith.constant 896 : index
        %swap3A_1146 = tpu.vector_load %arg10[%swap3A_1144, %swap3A_1145] {strides = array<i32>} : memref<32x1024xf32, #tpu.memory_space<vmem>>, vector<1x16xf32>,
        %swap3A_1147 = vector.shape_cast %swap3A_1146 : vector<1x16xf32> to vector<16xf32>
        %swap3A_1148 = vector.shape_cast %gather3A_1143 : vector<16xf32> to vector<1x16xf32>
        tpu.vector_store %arg10[%swap3A_1144, %swap3A_1145], %swap3A_1148 {strides = array<i32>} : memref<32x1024xf32, #tpu.memory_space<vmem>>, vector<1x16xf32>,
        %lt3A_1149 = arith.constant 0 : i32
        %lt3A_1150 = vector.broadcast %lt3A_1149 : i32 to vector<16xi32>
        %lt3A_1151 = arith.cmpi slt, %add3A_13, %lt3A_1150 : vector<16xi32>
        %add3A_1152 = arith.constant 16 : i32
        %add3A_1153 = vector.broadcast %add3A_1152 : i32 to vector<16xi32>
        %add3A_1154 = arith.addi %add3A_13, %add3A_1153 : vector<16xi32>
        %select_n3A_1155 = arith.select %lt3A_1151, %add3A_1154, %add3A_13 : vector<16xi1>, vector<16xi32>
        %broadcast_in_dim3A_1156 = vector.shape_cast %select_n3A_1155 : vector<16xi32> to vector<16x1xi32>
        %gather3A_1157 = vector.shape_cast %broadcast_in_dim3A_1156 : vector<16x1xi32> to vector<16xi32>
        %gather3A_1158 = tpu.dynamic_gather %get3A_1133[%gather3A_1157] in [0] : vector<16xf32>, vector<16xi32> -> vector<16xf32>
        %swap3A_1159 = arith.index_cast %scan3A_265 : i32 to index
        %swap3A_1160 = arith.constant 912 : index
        %swap3A_1161 = tpu.vector_load %arg10[%swap3A_1159, %swap3A_1160] {strides = array<i32>} : memref<32x1024xf32, #tpu.memory_space<vmem>>, vector<1x16xf32>,
        %swap3A_1162 = vector.shape_cast %swap3A_1161 : vector<1x16xf32> to vector<16xf32>
        %swap3A_1163 = vector.shape_cast %gather3A_1158 : vector<16xf32> to vector<1x16xf32>
        tpu.vector_store %arg10[%swap3A_1159, %swap3A_1160], %swap3A_1163 {strides = array<i32>} : memref<32x1024xf32, #tpu.memory_space<vmem>>, vector<1x16xf32>,
        %lt3A_1164 = arith.constant 0 : i32
        %lt3A_1165 = vector.broadcast %lt3A_1164 : i32 to vector<16xi32>
        %lt3A_1166 = arith.cmpi slt, %add3A_19, %lt3A_1165 : vector<16xi32>
        %add3A_1167 = arith.constant 16 : i32
        %add3A_1168 = vector.broadcast %add3A_1167 : i32 to vector<16xi32>
        %add3A_1169 = arith.addi %add3A_19, %add3A_1168 : vector<16xi32>
        %select_n3A_1170 = arith.select %lt3A_1166, %add3A_1169, %add3A_19 : vector<16xi1>, vector<16xi32>
        %broadcast_in_dim3A_1171 = vector.shape_cast %select_n3A_1170 : vector<16xi32> to vector<16x1xi32>
        %gather3A_1172 = vector.shape_cast %broadcast_in_dim3A_1171 : vector<16x1xi32> to vector<16xi32>
        %gather3A_1173 = tpu.dynamic_gather %get3A_1133[%gather3A_1172] in [0] : vector<16xf32>, vector<16xi32> -> vector<16xf32>
        %swap3A_1174 = arith.index_cast %scan3A_265 : i32 to index
        %swap3A_1175 = arith.constant 928 : index
        %swap3A_1176 = tpu.vector_load %arg10[%swap3A_1174, %swap3A_1175] {strides = array<i32>} : memref<32x1024xf32, #tpu.memory_space<vmem>>, vector<1x16xf32>,
        %swap3A_1177 = vector.shape_cast %swap3A_1176 : vector<1x16xf32> to vector<16xf32>
        %swap3A_1178 = vector.shape_cast %gather3A_1173 : vector<16xf32> to vector<1x16xf32>
        tpu.vector_store %arg10[%swap3A_1174, %swap3A_1175], %swap3A_1178 {strides = array<i32>} : memref<32x1024xf32, #tpu.memory_space<vmem>>, vector<1x16xf32>,
        %lt3A_1179 = arith.constant 0 : i32
        %lt3A_1180 = vector.broadcast %lt3A_1179 : i32 to vector<16xi32>
        %lt3A_1181 = arith.cmpi slt, %add3A_25, %lt3A_1180 : vector<16xi32>
        %add3A_1182 = arith.constant 16 : i32
        %add3A_1183 = vector.broadcast %add3A_1182 : i32 to vector<16xi32>
        %add3A_1184 = arith.addi %add3A_25, %add3A_1183 : vector<16xi32>
        %select_n3A_1185 = arith.select %lt3A_1181, %add3A_1184, %add3A_25 : vector<16xi1>, vector<16xi32>
        %broadcast_in_dim3A_1186 = vector.shape_cast %select_n3A_1185 : vector<16xi32> to vector<16x1xi32>
        %gather3A_1187 = vector.shape_cast %broadcast_in_dim3A_1186 : vector<16x1xi32> to vector<16xi32>
        %gather3A_1188 = tpu.dynamic_gather %get3A_1133[%gather3A_1187] in [0] : vector<16xf32>, vector<16xi32> -> vector<16xf32>
        %swap3A_1189 = arith.index_cast %scan3A_265 : i32 to index
        %swap3A_1190 = arith.constant 944 : index
        %swap3A_1191 = tpu.vector_load %arg10[%swap3A_1189, %swap3A_1190] {strides = array<i32>} : memref<32x1024xf32, #tpu.memory_space<vmem>>, vector<1x16xf32>,
        %swap3A_1192 = vector.shape_cast %swap3A_1191 : vector<1x16xf32> to vector<16xf32>
        %swap3A_1193 = vector.shape_cast %gather3A_1188 : vector<16xf32> to vector<1x16xf32>
        tpu.vector_store %arg10[%swap3A_1189, %swap3A_1190], %swap3A_1193 {strides = array<i32>} : memref<32x1024xf32, #tpu.memory_space<vmem>>, vector<1x16xf32>,
        %lt3A_1194 = arith.constant 0 : i32
        %lt3A_1195 = vector.broadcast %lt3A_1194 : i32 to vector<16xi32>
        %lt3A_1196 = arith.cmpi slt, %add3A_31, %lt3A_1195 : vector<16xi32>
        %add3A_1197 = arith.constant 16 : i32
        %add3A_1198 = vector.broadcast %add3A_1197 : i32 to vector<16xi32>
        %add3A_1199 = arith.addi %add3A_31, %add3A_1198 : vector<16xi32>
        %select_n3A_1200 = arith.select %lt3A_1196, %add3A_1199, %add3A_31 : vector<16xi1>, vector<16xi32>
        %broadcast_in_dim3A_1201 = vector.shape_cast %select_n3A_1200 : vector<16xi32> to vector<16x1xi32>
        %gather3A_1202 = vector.shape_cast %broadcast_in_dim3A_1201 : vector<16x1xi32> to vector<16xi32>
        %gather3A_1203 = tpu.dynamic_gather %get3A_1133[%gather3A_1202] in [0] : vector<16xf32>, vector<16xi32> -> vector<16xf32>
        %swap3A_1204 = arith.index_cast %scan3A_265 : i32 to index
        %swap3A_1205 = arith.constant 960 : index
        %swap3A_1206 = tpu.vector_load %arg10[%swap3A_1204, %swap3A_1205] {strides = array<i32>} : memref<32x1024xf32, #tpu.memory_space<vmem>>, vector<1x16xf32>,
        %swap3A_1207 = vector.shape_cast %swap3A_1206 : vector<1x16xf32> to vector<16xf32>
        %swap3A_1208 = vector.shape_cast %gather3A_1203 : vector<16xf32> to vector<1x16xf32>
        tpu.vector_store %arg10[%swap3A_1204, %swap3A_1205], %swap3A_1208 {strides = array<i32>} : memref<32x1024xf32, #tpu.memory_space<vmem>>, vector<1x16xf32>,
        %lt3A_1209 = arith.constant 0 : i32
        %lt3A_1210 = vector.broadcast %lt3A_1209 : i32 to vector<16xi32>
        %lt3A_1211 = arith.cmpi slt, %add3A_37, %lt3A_1210 : vector<16xi32>
        %add3A_1212 = arith.constant 16 : i32
        %add3A_1213 = vector.broadcast %add3A_1212 : i32 to vector<16xi32>
        %add3A_1214 = arith.addi %add3A_37, %add3A_1213 : vector<16xi32>
        %select_n3A_1215 = arith.select %lt3A_1211, %add3A_1214, %add3A_37 : vector<16xi1>, vector<16xi32>
        %broadcast_in_dim3A_1216 = vector.shape_cast %select_n3A_1215 : vector<16xi32> to vector<16x1xi32>
        %gather3A_1217 = vector.shape_cast %broadcast_in_dim3A_1216 : vector<16x1xi32> to vector<16xi32>
        %gather3A_1218 = tpu.dynamic_gather %get3A_1133[%gather3A_1217] in [0] : vector<16xf32>, vector<16xi32> -> vector<16xf32>
        %swap3A_1219 = arith.index_cast %scan3A_265 : i32 to index
        %swap3A_1220 = arith.constant 976 : index
        %swap3A_1221 = tpu.vector_load %arg10[%swap3A_1219, %swap3A_1220] {strides = array<i32>} : memref<32x1024xf32, #tpu.memory_space<vmem>>, vector<1x16xf32>,
        %swap3A_1222 = vector.shape_cast %swap3A_1221 : vector<1x16xf32> to vector<16xf32>
        %swap3A_1223 = vector.shape_cast %gather3A_1218 : vector<16xf32> to vector<1x16xf32>
        tpu.vector_store %arg10[%swap3A_1219, %swap3A_1220], %swap3A_1223 {strides = array<i32>} : memref<32x1024xf32, #tpu.memory_space<vmem>>, vector<1x16xf32>,
        %lt3A_1224 = arith.constant 0 : i32
        %lt3A_1225 = vector.broadcast %lt3A_1224 : i32 to vector<16xi32>
        %lt3A_1226 = arith.cmpi slt, %add3A_43, %lt3A_1225 : vector<16xi32>
        %add3A_1227 = arith.constant 16 : i32
        %add3A_1228 = vector.broadcast %add3A_1227 : i32 to vector<16xi32>
        %add3A_1229 = arith.addi %add3A_43, %add3A_1228 : vector<16xi32>
        %select_n3A_1230 = arith.select %lt3A_1226, %add3A_1229, %add3A_43 : vector<16xi1>, vector<16xi32>
        %broadcast_in_dim3A_1231 = vector.shape_cast %select_n3A_1230 : vector<16xi32> to vector<16x1xi32>
        %gather3A_1232 = vector.shape_cast %broadcast_in_dim3A_1231 : vector<16x1xi32> to vector<16xi32>
        %gather3A_1233 = tpu.dynamic_gather %get3A_1133[%gather3A_1232] in [0] : vector<16xf32>, vector<16xi32> -> vector<16xf32>
        %swap3A_1234 = arith.index_cast %scan3A_265 : i32 to index
        %swap3A_1235 = arith.constant 992 : index
        %swap3A_1236 = tpu.vector_load %arg10[%swap3A_1234, %swap3A_1235] {strides = array<i32>} : memref<32x1024xf32, #tpu.memory_space<vmem>>, vector<1x16xf32>,
        %swap3A_1237 = vector.shape_cast %swap3A_1236 : vector<1x16xf32> to vector<16xf32>
        %swap3A_1238 = vector.shape_cast %gather3A_1233 : vector<16xf32> to vector<1x16xf32>
        tpu.vector_store %arg10[%swap3A_1234, %swap3A_1235], %swap3A_1238 {strides = array<i32>} : memref<32x1024xf32, #tpu.memory_space<vmem>>, vector<1x16xf32>,
        %lt3A_1239 = arith.constant 0 : i32
        %lt3A_1240 = vector.broadcast %lt3A_1239 : i32 to vector<16xi32>
        %lt3A_1241 = arith.cmpi slt, %add3A_49, %lt3A_1240 : vector<16xi32>
        %add3A_1242 = arith.constant 16 : i32
        %add3A_1243 = vector.broadcast %add3A_1242 : i32 to vector<16xi32>
        %add3A_1244 = arith.addi %add3A_49, %add3A_1243 : vector<16xi32>
        %select_n3A_1245 = arith.select %lt3A_1241, %add3A_1244, %add3A_49 : vector<16xi1>, vector<16xi32>
        %broadcast_in_dim3A_1246 = vector.shape_cast %select_n3A_1245 : vector<16xi32> to vector<16x1xi32>
        %gather3A_1247 = vector.shape_cast %broadcast_in_dim3A_1246 : vector<16x1xi32> to vector<16xi32>
        %gather3A_1248 = tpu.dynamic_gather %get3A_1133[%gather3A_1247] in [0] : vector<16xf32>, vector<16xi32> -> vector<16xf32>
        %swap3A_1249 = arith.index_cast %scan3A_265 : i32 to index
        %swap3A_1250 = arith.constant 1008 : index
        %swap3A_1251 = tpu.vector_load %arg10[%swap3A_1249, %swap3A_1250] {strides = array<i32>} : memref<32x1024xf32, #tpu.memory_space<vmem>>, vector<1x16xf32>,
        %swap3A_1252 = vector.shape_cast %swap3A_1251 : vector<1x16xf32> to vector<16xf32>
        %swap3A_1253 = vector.shape_cast %gather3A_1248 : vector<16xf32> to vector<1x16xf32>
        tpu.vector_store %arg10[%swap3A_1249, %swap3A_1250], %swap3A_1253 {strides = array<i32>} : memref<32x1024xf32, #tpu.memory_space<vmem>>, vector<1x16xf32>,
        %scan3A_1254 = arith.constant 0 : i32
        scf.yield %scan3A_1254 : i32
      }
      %scan3A_141 = arith.constant 32 : i32
      %scan3A_142 = arith.constant 0 : i32
      %scan3A_143 = arith.constant 0 : i32
      %scan3A_144 = arith.constant 8 : i32
      %scan3A_145 = arith.addi %scan3A_143, %scan3A_144 : i32
      %scan3A_146 = arith.constant 1 : i32
      %scan3A_147 = scf.for %scan3A_265 = %scan3A_143 to %scan3A_145 step %scan3A_146 iter_args(%scan3A_266 = %scan3A_142) -> (i32)  : i32 {
        %mul3A_267 = arith.constant 16 : i32
        %mul3A_268 = arith.muli %scan3A_265, %mul3A_267 : i32
        %get3A = arith.constant 0 : i32
        %get3A_269 = arith.index_cast %get3A : i32 to index
        %get3A_270 = arith.index_cast %mul3A_268 : i32 to index
        %get3A_271 = tpu.vector_load %arg8[%get3A_269, %get3A_270] {strides = array<i32>} : memref<4x128xi32, #tpu.memory_space<vmem>>, vector<1x16xi32>,
        %get3A_272 = vector.shape_cast %get3A_271 : vector<1x16xi32> to vector<16xi32>
        %lt3A_273 = arith.constant 0 : i32
        %lt3A_274 = vector.broadcast %lt3A_273 : i32 to vector<16xi32>
        %lt3A_275 = arith.cmpi slt, %add3A_7, %lt3A_274 : vector<16xi32>
        %add3A_276 = arith.constant 16 : i32
        %add3A_277 = vector.broadcast %add3A_276 : i32 to vector<16xi32>
        %add3A_278 = arith.addi %add3A_7, %add3A_277 : vector<16xi32>
        %select_n3A = arith.select %lt3A_275, %add3A_278, %add3A_7 : vector<16xi1>, vector<16xi32>
        %broadcast_in_dim3A = vector.shape_cast %select_n3A : vector<16xi32> to vector<16x1xi32>
        %gather3A = vector.shape_cast %broadcast_in_dim3A : vector<16x1xi32> to vector<16xi32>
        %gather3A_279 = tpu.dynamic_gather %get3A_272[%gather3A] in [0] : vector<16xi32>, vector<16xi32> -> vector<16xi32>
        %mul3A_280 = arith.constant 128 : i32
        %mul3A_281 = arith.muli %scan3A_265, %mul3A_280 : i32
        %add3A_282 = arith.constant 0 : i32
        %add3A_283 = arith.addi %mul3A_281, %add3A_282 : i32
        %swap3A = arith.constant 0 : i32
        %swap3A_284 = arith.index_cast %swap3A : i32 to index
        %swap3A_285 = arith.index_cast %add3A_283 : i32 to index
        %swap3A_286 = tpu.vector_load %arg12[%swap3A_284, %swap3A_285] {strides = array<i32>} : memref<4x1024xi32, #tpu.memory_space<vmem>>, vector<1x16xi32>,
        %swap3A_287 = vector.shape_cast %swap3A_286 : vector<1x16xi32> to vector<16xi32>
        %swap3A_288 = vector.shape_cast %gather3A_279 : vector<16xi32> to vector<1x16xi32>
        tpu.vector_store %arg12[%swap3A_284, %swap3A_285], %swap3A_288 {strides = array<i32>} : memref<4x1024xi32, #tpu.memory_space<vmem>>, vector<1x16xi32>,
        %lt3A_289 = arith.constant 0 : i32
        %lt3A_290 = vector.broadcast %lt3A_289 : i32 to vector<16xi32>
        %lt3A_291 = arith.cmpi slt, %add3A_13, %lt3A_290 : vector<16xi32>
        %add3A_292 = arith.constant 16 : i32
        %add3A_293 = vector.broadcast %add3A_292 : i32 to vector<16xi32>
        %add3A_294 = arith.addi %add3A_13, %add3A_293 : vector<16xi32>
        %select_n3A_295 = arith.select %lt3A_291, %add3A_294, %add3A_13 : vector<16xi1>, vector<16xi32>
        %broadcast_in_dim3A_296 = vector.shape_cast %select_n3A_295 : vector<16xi32> to vector<16x1xi32>
        %gather3A_297 = vector.shape_cast %broadcast_in_dim3A_296 : vector<16x1xi32> to vector<16xi32>
        %gather3A_298 = tpu.dynamic_gather %get3A_272[%gather3A_297] in [0] : vector<16xi32>, vector<16xi32> -> vector<16xi32>
        %mul3A_299 = arith.constant 128 : i32
        %mul3A_300 = arith.muli %scan3A_265, %mul3A_299 : i32
        %add3A_301 = arith.constant 16 : i32
        %add3A_302 = arith.addi %mul3A_300, %add3A_301 : i32
        %swap3A_303 = arith.constant 0 : i32
        %swap3A_304 = arith.index_cast %swap3A_303 : i32 to index
        %swap3A_305 = arith.index_cast %add3A_302 : i32 to index
        %swap3A_306 = tpu.vector_load %arg12[%swap3A_304, %swap3A_305] {strides = array<i32>} : memref<4x1024xi32, #tpu.memory_space<vmem>>, vector<1x16xi32>,
        %swap3A_307 = vector.shape_cast %swap3A_306 : vector<1x16xi32> to vector<16xi32>
        %swap3A_308 = vector.shape_cast %gather3A_298 : vector<16xi32> to vector<1x16xi32>
        tpu.vector_store %arg12[%swap3A_304, %swap3A_305], %swap3A_308 {strides = array<i32>} : memref<4x1024xi32, #tpu.memory_space<vmem>>, vector<1x16xi32>,
        %lt3A_309 = arith.constant 0 : i32
        %lt3A_310 = vector.broadcast %lt3A_309 : i32 to vector<16xi32>
        %lt3A_311 = arith.cmpi slt, %add3A_19, %lt3A_310 : vector<16xi32>
        %add3A_312 = arith.constant 16 : i32
        %add3A_313 = vector.broadcast %add3A_312 : i32 to vector<16xi32>
        %add3A_314 = arith.addi %add3A_19, %add3A_313 : vector<16xi32>
        %select_n3A_315 = arith.select %lt3A_311, %add3A_314, %add3A_19 : vector<16xi1>, vector<16xi32>
        %broadcast_in_dim3A_316 = vector.shape_cast %select_n3A_315 : vector<16xi32> to vector<16x1xi32>
        %gather3A_317 = vector.shape_cast %broadcast_in_dim3A_316 : vector<16x1xi32> to vector<16xi32>
        %gather3A_318 = tpu.dynamic_gather %get3A_272[%gather3A_317] in [0] : vector<16xi32>, vector<16xi32> -> vector<16xi32>
        %mul3A_319 = arith.constant 128 : i32
        %mul3A_320 = arith.muli %scan3A_265, %mul3A_319 : i32
        %add3A_321 = arith.constant 32 : i32
        %add3A_322 = arith.addi %mul3A_320, %add3A_321 : i32
        %swap3A_323 = arith.constant 0 : i32
        %swap3A_324 = arith.index_cast %swap3A_323 : i32 to index
        %swap3A_325 = arith.index_cast %add3A_322 : i32 to index
        %swap3A_326 = tpu.vector_load %arg12[%swap3A_324, %swap3A_325] {strides = array<i32>} : memref<4x1024xi32, #tpu.memory_space<vmem>>, vector<1x16xi32>,
        %swap3A_327 = vector.shape_cast %swap3A_326 : vector<1x16xi32> to vector<16xi32>
        %swap3A_328 = vector.shape_cast %gather3A_318 : vector<16xi32> to vector<1x16xi32>
        tpu.vector_store %arg12[%swap3A_324, %swap3A_325], %swap3A_328 {strides = array<i32>} : memref<4x1024xi32, #tpu.memory_space<vmem>>, vector<1x16xi32>,
        %lt3A_329 = arith.constant 0 : i32
        %lt3A_330 = vector.broadcast %lt3A_329 : i32 to vector<16xi32>
        %lt3A_331 = arith.cmpi slt, %add3A_25, %lt3A_330 : vector<16xi32>
        %add3A_332 = arith.constant 16 : i32
        %add3A_333 = vector.broadcast %add3A_332 : i32 to vector<16xi32>
        %add3A_334 = arith.addi %add3A_25, %add3A_333 : vector<16xi32>
        %select_n3A_335 = arith.select %lt3A_331, %add3A_334, %add3A_25 : vector<16xi1>, vector<16xi32>
        %broadcast_in_dim3A_336 = vector.shape_cast %select_n3A_335 : vector<16xi32> to vector<16x1xi32>
        %gather3A_337 = vector.shape_cast %broadcast_in_dim3A_336 : vector<16x1xi32> to vector<16xi32>
        %gather3A_338 = tpu.dynamic_gather %get3A_272[%gather3A_337] in [0] : vector<16xi32>, vector<16xi32> -> vector<16xi32>
        %mul3A_339 = arith.constant 128 : i32
        %mul3A_340 = arith.muli %scan3A_265, %mul3A_339 : i32
        %add3A_341 = arith.constant 48 : i32
        %add3A_342 = arith.addi %mul3A_340, %add3A_341 : i32
        %swap3A_343 = arith.constant 0 : i32
        %swap3A_344 = arith.index_cast %swap3A_343 : i32 to index
        %swap3A_345 = arith.index_cast %add3A_342 : i32 to index
        %swap3A_346 = tpu.vector_load %arg12[%swap3A_344, %swap3A_345] {strides = array<i32>} : memref<4x1024xi32, #tpu.memory_space<vmem>>, vector<1x16xi32>,
        %swap3A_347 = vector.shape_cast %swap3A_346 : vector<1x16xi32> to vector<16xi32>
        %swap3A_348 = vector.shape_cast %gather3A_338 : vector<16xi32> to vector<1x16xi32>
        tpu.vector_store %arg12[%swap3A_344, %swap3A_345], %swap3A_348 {strides = array<i32>} : memref<4x1024xi32, #tpu.memory_space<vmem>>, vector<1x16xi32>,
        %lt3A_349 = arith.constant 0 : i32
        %lt3A_350 = vector.broadcast %lt3A_349 : i32 to vector<16xi32>
        %lt3A_351 = arith.cmpi slt, %add3A_31, %lt3A_350 : vector<16xi32>
        %add3A_352 = arith.constant 16 : i32
        %add3A_353 = vector.broadcast %add3A_352 : i32 to vector<16xi32>
        %add3A_354 = arith.addi %add3A_31, %add3A_353 : vector<16xi32>
        %select_n3A_355 = arith.select %lt3A_351, %add3A_354, %add3A_31 : vector<16xi1>, vector<16xi32>
        %broadcast_in_dim3A_356 = vector.shape_cast %select_n3A_355 : vector<16xi32> to vector<16x1xi32>
        %gather3A_357 = vector.shape_cast %broadcast_in_dim3A_356 : vector<16x1xi32> to vector<16xi32>
        %gather3A_358 = tpu.dynamic_gather %get3A_272[%gather3A_357] in [0] : vector<16xi32>, vector<16xi32> -> vector<16xi32>
        %mul3A_359 = arith.constant 128 : i32
        %mul3A_360 = arith.muli %scan3A_265, %mul3A_359 : i32
        %add3A_361 = arith.constant 64 : i32
        %add3A_362 = arith.addi %mul3A_360, %add3A_361 : i32
        %swap3A_363 = arith.constant 0 : i32
        %swap3A_364 = arith.index_cast %swap3A_363 : i32 to index
        %swap3A_365 = arith.index_cast %add3A_362 : i32 to index
        %swap3A_366 = tpu.vector_load %arg12[%swap3A_364, %swap3A_365] {strides = array<i32>} : memref<4x1024xi32, #tpu.memory_space<vmem>>, vector<1x16xi32>,
        %swap3A_367 = vector.shape_cast %swap3A_366 : vector<1x16xi32> to vector<16xi32>
        %swap3A_368 = vector.shape_cast %gather3A_358 : vector<16xi32> to vector<1x16xi32>
        tpu.vector_store %arg12[%swap3A_364, %swap3A_365], %swap3A_368 {strides = array<i32>} : memref<4x1024xi32, #tpu.memory_space<vmem>>, vector<1x16xi32>,
        %lt3A_369 = arith.constant 0 : i32
        %lt3A_370 = vector.broadcast %lt3A_369 : i32 to vector<16xi32>
        %lt3A_371 = arith.cmpi slt, %add3A_37, %lt3A_370 : vector<16xi32>
        %add3A_372 = arith.constant 16 : i32
        %add3A_373 = vector.broadcast %add3A_372 : i32 to vector<16xi32>
        %add3A_374 = arith.addi %add3A_37, %add3A_373 : vector<16xi32>
        %select_n3A_375 = arith.select %lt3A_371, %add3A_374, %add3A_37 : vector<16xi1>, vector<16xi32>
        %broadcast_in_dim3A_376 = vector.shape_cast %select_n3A_375 : vector<16xi32> to vector<16x1xi32>
        %gather3A_377 = vector.shape_cast %broadcast_in_dim3A_376 : vector<16x1xi32> to vector<16xi32>
        %gather3A_378 = tpu.dynamic_gather %get3A_272[%gather3A_377] in [0] : vector<16xi32>, vector<16xi32> -> vector<16xi32>
        %mul3A_379 = arith.constant 128 : i32
        %mul3A_380 = arith.muli %scan3A_265, %mul3A_379 : i32
        %add3A_381 = arith.constant 80 : i32
        %add3A_382 = arith.addi %mul3A_380, %add3A_381 : i32
        %swap3A_383 = arith.constant 0 : i32
        %swap3A_384 = arith.index_cast %swap3A_383 : i32 to index
        %swap3A_385 = arith.index_cast %add3A_382 : i32 to index
        %swap3A_386 = tpu.vector_load %arg12[%swap3A_384, %swap3A_385] {strides = array<i32>} : memref<4x1024xi32, #tpu.memory_space<vmem>>, vector<1x16xi32>,
        %swap3A_387 = vector.shape_cast %swap3A_386 : vector<1x16xi32> to vector<16xi32>
        %swap3A_388 = vector.shape_cast %gather3A_378 : vector<16xi32> to vector<1x16xi32>
        tpu.vector_store %arg12[%swap3A_384, %swap3A_385], %swap3A_388 {strides = array<i32>} : memref<4x1024xi32, #tpu.memory_space<vmem>>, vector<1x16xi32>,
        %lt3A_389 = arith.constant 0 : i32
        %lt3A_390 = vector.broadcast %lt3A_389 : i32 to vector<16xi32>
        %lt3A_391 = arith.cmpi slt, %add3A_43, %lt3A_390 : vector<16xi32>
        %add3A_392 = arith.constant 16 : i32
        %add3A_393 = vector.broadcast %add3A_392 : i32 to vector<16xi32>
        %add3A_394 = arith.addi %add3A_43, %add3A_393 : vector<16xi32>
        %select_n3A_395 = arith.select %lt3A_391, %add3A_394, %add3A_43 : vector<16xi1>, vector<16xi32>
        %broadcast_in_dim3A_396 = vector.shape_cast %select_n3A_395 : vector<16xi32> to vector<16x1xi32>
        %gather3A_397 = vector.shape_cast %broadcast_in_dim3A_396 : vector<16x1xi32> to vector<16xi32>
        %gather3A_398 = tpu.dynamic_gather %get3A_272[%gather3A_397] in [0] : vector<16xi32>, vector<16xi32> -> vector<16xi32>
        %mul3A_399 = arith.constant 128 : i32
        %mul3A_400 = arith.muli %scan3A_265, %mul3A_399 : i32
        %add3A_401 = arith.constant 96 : i32
        %add3A_402 = arith.addi %mul3A_400, %add3A_401 : i32
        %swap3A_403 = arith.constant 0 : i32
        %swap3A_404 = arith.index_cast %swap3A_403 : i32 to index
        %swap3A_405 = arith.index_cast %add3A_402 : i32 to index
        %swap3A_406 = tpu.vector_load %arg12[%swap3A_404, %swap3A_405] {strides = array<i32>} : memref<4x1024xi32, #tpu.memory_space<vmem>>, vector<1x16xi32>,
        %swap3A_407 = vector.shape_cast %swap3A_406 : vector<1x16xi32> to vector<16xi32>
        %swap3A_408 = vector.shape_cast %gather3A_398 : vector<16xi32> to vector<1x16xi32>
        tpu.vector_store %arg12[%swap3A_404, %swap3A_405], %swap3A_408 {strides = array<i32>} : memref<4x1024xi32, #tpu.memory_space<vmem>>, vector<1x16xi32>,
        %lt3A_409 = arith.constant 0 : i32
        %lt3A_410 = vector.broadcast %lt3A_409 : i32 to vector<16xi32>
        %lt3A_411 = arith.cmpi slt, %add3A_49, %lt3A_410 : vector<16xi32>
        %add3A_412 = arith.constant 16 : i32
        %add3A_413 = vector.broadcast %add3A_412 : i32 to vector<16xi32>
        %add3A_414 = arith.addi %add3A_49, %add3A_413 : vector<16xi32>
        %select_n3A_415 = arith.select %lt3A_411, %add3A_414, %add3A_49 : vector<16xi1>, vector<16xi32>
        %broadcast_in_dim3A_416 = vector.shape_cast %select_n3A_415 : vector<16xi32> to vector<16x1xi32>
        %gather3A_417 = vector.shape_cast %broadcast_in_dim3A_416 : vector<16x1xi32> to vector<16xi32>
        %gather3A_418 = tpu.dynamic_gather %get3A_272[%gather3A_417] in [0] : vector<16xi32>, vector<16xi32> -> vector<16xi32>
        %mul3A_419 = arith.constant 128 : i32
        %mul3A_420 = arith.muli %scan3A_265, %mul3A_419 : i32
        %add3A_421 = arith.constant 112 : i32
        %add3A_422 = arith.addi %mul3A_420, %add3A_421 : i32
        %swap3A_423 = arith.constant 0 : i32
        %swap3A_424 = arith.index_cast %swap3A_423 : i32 to index
        %swap3A_425 = arith.index_cast %add3A_422 : i32 to index
        %swap3A_426 = tpu.vector_load %arg12[%swap3A_424, %swap3A_425] {strides = array<i32>} : memref<4x1024xi32, #tpu.memory_space<vmem>>, vector<1x16xi32>,
        %swap3A_427 = vector.shape_cast %swap3A_426 : vector<1x16xi32> to vector<16xi32>
        %swap3A_428 = vector.shape_cast %gather3A_418 : vector<16xi32> to vector<1x16xi32>
        tpu.vector_store %arg12[%swap3A_424, %swap3A_425], %swap3A_428 {strides = array<i32>} : memref<4x1024xi32, #tpu.memory_space<vmem>>, vector<1x16xi32>,
        %scan3A_429 = arith.constant 0 : i32
        scf.yield %scan3A_429 : i32
      }
      %scan3A_148 = arith.constant 8 : i32
      %scan3A_149 = arith.constant 0 : i32
      %scan3A_150 = arith.constant 0 : i32
      %scan3A_151 = arith.constant 8 : i32
      %scan3A_152 = arith.addi %scan3A_150, %scan3A_151 : i32
      %scan3A_153 = arith.constant 1 : i32
      %scan3A_154 = scf.for %scan3A_265 = %scan3A_150 to %scan3A_152 step %scan3A_153 iter_args(%scan3A_266 = %scan3A_149) -> (i32)  : i32 {
        %mul3A_267 = arith.constant 16 : i32
        %mul3A_268 = arith.muli %scan3A_265, %mul3A_267 : i32
        %get3A = arith.constant 1 : i32
        %get3A_269 = arith.index_cast %get3A : i32 to index
        %get3A_270 = arith.index_cast %mul3A_268 : i32 to index
        %get3A_271 = tpu.vector_load %arg8[%get3A_269, %get3A_270] {strides = array<i32>} : memref<4x128xi32, #tpu.memory_space<vmem>>, vector<1x16xi32>,
        %get3A_272 = vector.shape_cast %get3A_271 : vector<1x16xi32> to vector<16xi32>
        %mul3A_273 = arith.constant 2 : i32
        %mul3A_274 = vector.broadcast %mul3A_273 : i32 to vector<16xi32>
        %mul3A_275 = arith.muli %get3A_272, %mul3A_274 : vector<16xi32>
        %lt3A_276 = arith.constant 0 : i32
        %lt3A_277 = vector.broadcast %lt3A_276 : i32 to vector<16xi32>
        %lt3A_278 = arith.cmpi slt, %add3A_7, %lt3A_277 : vector<16xi32>
        %add3A_279 = arith.constant 16 : i32
        %add3A_280 = vector.broadcast %add3A_279 : i32 to vector<16xi32>
        %add3A_281 = arith.addi %add3A_7, %add3A_280 : vector<16xi32>
        %select_n3A = arith.select %lt3A_278, %add3A_281, %add3A_7 : vector<16xi1>, vector<16xi32>
        %broadcast_in_dim3A = vector.shape_cast %select_n3A : vector<16xi32> to vector<16x1xi32>
        %gather3A = vector.shape_cast %broadcast_in_dim3A : vector<16x1xi32> to vector<16xi32>
        %gather3A_282 = tpu.dynamic_gather %mul3A_275[%gather3A] in [0] : vector<16xi32>, vector<16xi32> -> vector<16xi32>
        %add3A_283 = arith.addi %gather3A_282, %shift_right_arithmetic3A_54 : vector<16xi32>
        %mul3A_284 = arith.constant 128 : i32
        %mul3A_285 = arith.muli %scan3A_265, %mul3A_284 : i32
        %add3A_286 = arith.constant 0 : i32
        %add3A_287 = arith.addi %mul3A_285, %add3A_286 : i32
        %swap3A = arith.constant 1 : i32
        %swap3A_288 = arith.index_cast %swap3A : i32 to index
        %swap3A_289 = arith.index_cast %add3A_287 : i32 to index
        %swap3A_290 = tpu.vector_load %arg12[%swap3A_288, %swap3A_289] {strides = array<i32>} : memref<4x1024xi32, #tpu.memory_space<vmem>>, vector<1x16xi32>,
        %swap3A_291 = vector.shape_cast %swap3A_290 : vector<1x16xi32> to vector<16xi32>
        %swap3A_292 = vector.shape_cast %add3A_283 : vector<16xi32> to vector<1x16xi32>
        tpu.vector_store %arg12[%swap3A_288, %swap3A_289], %swap3A_292 {strides = array<i32>} : memref<4x1024xi32, #tpu.memory_space<vmem>>, vector<1x16xi32>,
        %lt3A_293 = arith.constant 0 : i32
        %lt3A_294 = vector.broadcast %lt3A_293 : i32 to vector<16xi32>
        %lt3A_295 = arith.cmpi slt, %add3A_13, %lt3A_294 : vector<16xi32>
        %add3A_296 = arith.constant 16 : i32
        %add3A_297 = vector.broadcast %add3A_296 : i32 to vector<16xi32>
        %add3A_298 = arith.addi %add3A_13, %add3A_297 : vector<16xi32>
        %select_n3A_299 = arith.select %lt3A_295, %add3A_298, %add3A_13 : vector<16xi1>, vector<16xi32>
        %broadcast_in_dim3A_300 = vector.shape_cast %select_n3A_299 : vector<16xi32> to vector<16x1xi32>
        %gather3A_301 = vector.shape_cast %broadcast_in_dim3A_300 : vector<16x1xi32> to vector<16xi32>
        %gather3A_302 = tpu.dynamic_gather %mul3A_275[%gather3A_301] in [0] : vector<16xi32>, vector<16xi32> -> vector<16xi32>
        %add3A_303 = arith.addi %gather3A_302, %shift_right_arithmetic3A_54 : vector<16xi32>
        %mul3A_304 = arith.constant 128 : i32
        %mul3A_305 = arith.muli %scan3A_265, %mul3A_304 : i32
        %add3A_306 = arith.constant 16 : i32
        %add3A_307 = arith.addi %mul3A_305, %add3A_306 : i32
        %swap3A_308 = arith.constant 1 : i32
        %swap3A_309 = arith.index_cast %swap3A_308 : i32 to index
        %swap3A_310 = arith.index_cast %add3A_307 : i32 to index
        %swap3A_311 = tpu.vector_load %arg12[%swap3A_309, %swap3A_310] {strides = array<i32>} : memref<4x1024xi32, #tpu.memory_space<vmem>>, vector<1x16xi32>,
        %swap3A_312 = vector.shape_cast %swap3A_311 : vector<1x16xi32> to vector<16xi32>
        %swap3A_313 = vector.shape_cast %add3A_303 : vector<16xi32> to vector<1x16xi32>
        tpu.vector_store %arg12[%swap3A_309, %swap3A_310], %swap3A_313 {strides = array<i32>} : memref<4x1024xi32, #tpu.memory_space<vmem>>, vector<1x16xi32>,
        %lt3A_314 = arith.constant 0 : i32
        %lt3A_315 = vector.broadcast %lt3A_314 : i32 to vector<16xi32>
        %lt3A_316 = arith.cmpi slt, %add3A_19, %lt3A_315 : vector<16xi32>
        %add3A_317 = arith.constant 16 : i32
        %add3A_318 = vector.broadcast %add3A_317 : i32 to vector<16xi32>
        %add3A_319 = arith.addi %add3A_19, %add3A_318 : vector<16xi32>
        %select_n3A_320 = arith.select %lt3A_316, %add3A_319, %add3A_19 : vector<16xi1>, vector<16xi32>
        %broadcast_in_dim3A_321 = vector.shape_cast %select_n3A_320 : vector<16xi32> to vector<16x1xi32>
        %gather3A_322 = vector.shape_cast %broadcast_in_dim3A_321 : vector<16x1xi32> to vector<16xi32>
        %gather3A_323 = tpu.dynamic_gather %mul3A_275[%gather3A_322] in [0] : vector<16xi32>, vector<16xi32> -> vector<16xi32>
        %add3A_324 = arith.addi %gather3A_323, %shift_right_arithmetic3A_54 : vector<16xi32>
        %mul3A_325 = arith.constant 128 : i32
        %mul3A_326 = arith.muli %scan3A_265, %mul3A_325 : i32
        %add3A_327 = arith.constant 32 : i32
        %add3A_328 = arith.addi %mul3A_326, %add3A_327 : i32
        %swap3A_329 = arith.constant 1 : i32
        %swap3A_330 = arith.index_cast %swap3A_329 : i32 to index
        %swap3A_331 = arith.index_cast %add3A_328 : i32 to index
        %swap3A_332 = tpu.vector_load %arg12[%swap3A_330, %swap3A_331] {strides = array<i32>} : memref<4x1024xi32, #tpu.memory_space<vmem>>, vector<1x16xi32>,
        %swap3A_333 = vector.shape_cast %swap3A_332 : vector<1x16xi32> to vector<16xi32>
        %swap3A_334 = vector.shape_cast %add3A_324 : vector<16xi32> to vector<1x16xi32>
        tpu.vector_store %arg12[%swap3A_330, %swap3A_331], %swap3A_334 {strides = array<i32>} : memref<4x1024xi32, #tpu.memory_space<vmem>>, vector<1x16xi32>,
        %lt3A_335 = arith.constant 0 : i32
        %lt3A_336 = vector.broadcast %lt3A_335 : i32 to vector<16xi32>
        %lt3A_337 = arith.cmpi slt, %add3A_25, %lt3A_336 : vector<16xi32>
        %add3A_338 = arith.constant 16 : i32
        %add3A_339 = vector.broadcast %add3A_338 : i32 to vector<16xi32>
        %add3A_340 = arith.addi %add3A_25, %add3A_339 : vector<16xi32>
        %select_n3A_341 = arith.select %lt3A_337, %add3A_340, %add3A_25 : vector<16xi1>, vector<16xi32>
        %broadcast_in_dim3A_342 = vector.shape_cast %select_n3A_341 : vector<16xi32> to vector<16x1xi32>
        %gather3A_343 = vector.shape_cast %broadcast_in_dim3A_342 : vector<16x1xi32> to vector<16xi32>
        %gather3A_344 = tpu.dynamic_gather %mul3A_275[%gather3A_343] in [0] : vector<16xi32>, vector<16xi32> -> vector<16xi32>
        %add3A_345 = arith.addi %gather3A_344, %shift_right_arithmetic3A_54 : vector<16xi32>
        %mul3A_346 = arith.constant 128 : i32
        %mul3A_347 = arith.muli %scan3A_265, %mul3A_346 : i32
        %add3A_348 = arith.constant 48 : i32
        %add3A_349 = arith.addi %mul3A_347, %add3A_348 : i32
        %swap3A_350 = arith.constant 1 : i32
        %swap3A_351 = arith.index_cast %swap3A_350 : i32 to index
        %swap3A_352 = arith.index_cast %add3A_349 : i32 to index
        %swap3A_353 = tpu.vector_load %arg12[%swap3A_351, %swap3A_352] {strides = array<i32>} : memref<4x1024xi32, #tpu.memory_space<vmem>>, vector<1x16xi32>,
        %swap3A_354 = vector.shape_cast %swap3A_353 : vector<1x16xi32> to vector<16xi32>
        %swap3A_355 = vector.shape_cast %add3A_345 : vector<16xi32> to vector<1x16xi32>
        tpu.vector_store %arg12[%swap3A_351, %swap3A_352], %swap3A_355 {strides = array<i32>} : memref<4x1024xi32, #tpu.memory_space<vmem>>, vector<1x16xi32>,
        %lt3A_356 = arith.constant 0 : i32
        %lt3A_357 = vector.broadcast %lt3A_356 : i32 to vector<16xi32>
        %lt3A_358 = arith.cmpi slt, %add3A_31, %lt3A_357 : vector<16xi32>
        %add3A_359 = arith.constant 16 : i32
        %add3A_360 = vector.broadcast %add3A_359 : i32 to vector<16xi32>
        %add3A_361 = arith.addi %add3A_31, %add3A_360 : vector<16xi32>
        %select_n3A_362 = arith.select %lt3A_358, %add3A_361, %add3A_31 : vector<16xi1>, vector<16xi32>
        %broadcast_in_dim3A_363 = vector.shape_cast %select_n3A_362 : vector<16xi32> to vector<16x1xi32>
        %gather3A_364 = vector.shape_cast %broadcast_in_dim3A_363 : vector<16x1xi32> to vector<16xi32>
        %gather3A_365 = tpu.dynamic_gather %mul3A_275[%gather3A_364] in [0] : vector<16xi32>, vector<16xi32> -> vector<16xi32>
        %add3A_366 = arith.addi %gather3A_365, %shift_right_arithmetic3A_54 : vector<16xi32>
        %mul3A_367 = arith.constant 128 : i32
        %mul3A_368 = arith.muli %scan3A_265, %mul3A_367 : i32
        %add3A_369 = arith.constant 64 : i32
        %add3A_370 = arith.addi %mul3A_368, %add3A_369 : i32
        %swap3A_371 = arith.constant 1 : i32
        %swap3A_372 = arith.index_cast %swap3A_371 : i32 to index
        %swap3A_373 = arith.index_cast %add3A_370 : i32 to index
        %swap3A_374 = tpu.vector_load %arg12[%swap3A_372, %swap3A_373] {strides = array<i32>} : memref<4x1024xi32, #tpu.memory_space<vmem>>, vector<1x16xi32>,
        %swap3A_375 = vector.shape_cast %swap3A_374 : vector<1x16xi32> to vector<16xi32>
        %swap3A_376 = vector.shape_cast %add3A_366 : vector<16xi32> to vector<1x16xi32>
        tpu.vector_store %arg12[%swap3A_372, %swap3A_373], %swap3A_376 {strides = array<i32>} : memref<4x1024xi32, #tpu.memory_space<vmem>>, vector<1x16xi32>,
        %lt3A_377 = arith.constant 0 : i32
        %lt3A_378 = vector.broadcast %lt3A_377 : i32 to vector<16xi32>
        %lt3A_379 = arith.cmpi slt, %add3A_37, %lt3A_378 : vector<16xi32>
        %add3A_380 = arith.constant 16 : i32
        %add3A_381 = vector.broadcast %add3A_380 : i32 to vector<16xi32>
        %add3A_382 = arith.addi %add3A_37, %add3A_381 : vector<16xi32>
        %select_n3A_383 = arith.select %lt3A_379, %add3A_382, %add3A_37 : vector<16xi1>, vector<16xi32>
        %broadcast_in_dim3A_384 = vector.shape_cast %select_n3A_383 : vector<16xi32> to vector<16x1xi32>
        %gather3A_385 = vector.shape_cast %broadcast_in_dim3A_384 : vector<16x1xi32> to vector<16xi32>
        %gather3A_386 = tpu.dynamic_gather %mul3A_275[%gather3A_385] in [0] : vector<16xi32>, vector<16xi32> -> vector<16xi32>
        %add3A_387 = arith.addi %gather3A_386, %shift_right_arithmetic3A_54 : vector<16xi32>
        %mul3A_388 = arith.constant 128 : i32
        %mul3A_389 = arith.muli %scan3A_265, %mul3A_388 : i32
        %add3A_390 = arith.constant 80 : i32
        %add3A_391 = arith.addi %mul3A_389, %add3A_390 : i32
        %swap3A_392 = arith.constant 1 : i32
        %swap3A_393 = arith.index_cast %swap3A_392 : i32 to index
        %swap3A_394 = arith.index_cast %add3A_391 : i32 to index
        %swap3A_395 = tpu.vector_load %arg12[%swap3A_393, %swap3A_394] {strides = array<i32>} : memref<4x1024xi32, #tpu.memory_space<vmem>>, vector<1x16xi32>,
        %swap3A_396 = vector.shape_cast %swap3A_395 : vector<1x16xi32> to vector<16xi32>
        %swap3A_397 = vector.shape_cast %add3A_387 : vector<16xi32> to vector<1x16xi32>
        tpu.vector_store %arg12[%swap3A_393, %swap3A_394], %swap3A_397 {strides = array<i32>} : memref<4x1024xi32, #tpu.memory_space<vmem>>, vector<1x16xi32>,
        %lt3A_398 = arith.constant 0 : i32
        %lt3A_399 = vector.broadcast %lt3A_398 : i32 to vector<16xi32>
        %lt3A_400 = arith.cmpi slt, %add3A_43, %lt3A_399 : vector<16xi32>
        %add3A_401 = arith.constant 16 : i32
        %add3A_402 = vector.broadcast %add3A_401 : i32 to vector<16xi32>
        %add3A_403 = arith.addi %add3A_43, %add3A_402 : vector<16xi32>
        %select_n3A_404 = arith.select %lt3A_400, %add3A_403, %add3A_43 : vector<16xi1>, vector<16xi32>
        %broadcast_in_dim3A_405 = vector.shape_cast %select_n3A_404 : vector<16xi32> to vector<16x1xi32>
        %gather3A_406 = vector.shape_cast %broadcast_in_dim3A_405 : vector<16x1xi32> to vector<16xi32>
        %gather3A_407 = tpu.dynamic_gather %mul3A_275[%gather3A_406] in [0] : vector<16xi32>, vector<16xi32> -> vector<16xi32>
        %add3A_408 = arith.addi %gather3A_407, %shift_right_arithmetic3A_54 : vector<16xi32>
        %mul3A_409 = arith.constant 128 : i32
        %mul3A_410 = arith.muli %scan3A_265, %mul3A_409 : i32
        %add3A_411 = arith.constant 96 : i32
        %add3A_412 = arith.addi %mul3A_410, %add3A_411 : i32
        %swap3A_413 = arith.constant 1 : i32
        %swap3A_414 = arith.index_cast %swap3A_413 : i32 to index
        %swap3A_415 = arith.index_cast %add3A_412 : i32 to index
        %swap3A_416 = tpu.vector_load %arg12[%swap3A_414, %swap3A_415] {strides = array<i32>} : memref<4x1024xi32, #tpu.memory_space<vmem>>, vector<1x16xi32>,
        %swap3A_417 = vector.shape_cast %swap3A_416 : vector<1x16xi32> to vector<16xi32>
        %swap3A_418 = vector.shape_cast %add3A_408 : vector<16xi32> to vector<1x16xi32>
        tpu.vector_store %arg12[%swap3A_414, %swap3A_415], %swap3A_418 {strides = array<i32>} : memref<4x1024xi32, #tpu.memory_space<vmem>>, vector<1x16xi32>,
        %lt3A_419 = arith.constant 0 : i32
        %lt3A_420 = vector.broadcast %lt3A_419 : i32 to vector<16xi32>
        %lt3A_421 = arith.cmpi slt, %add3A_49, %lt3A_420 : vector<16xi32>
        %add3A_422 = arith.constant 16 : i32
        %add3A_423 = vector.broadcast %add3A_422 : i32 to vector<16xi32>
        %add3A_424 = arith.addi %add3A_49, %add3A_423 : vector<16xi32>
        %select_n3A_425 = arith.select %lt3A_421, %add3A_424, %add3A_49 : vector<16xi1>, vector<16xi32>
        %broadcast_in_dim3A_426 = vector.shape_cast %select_n3A_425 : vector<16xi32> to vector<16x1xi32>
        %gather3A_427 = vector.shape_cast %broadcast_in_dim3A_426 : vector<16x1xi32> to vector<16xi32>
        %gather3A_428 = tpu.dynamic_gather %mul3A_275[%gather3A_427] in [0] : vector<16xi32>, vector<16xi32> -> vector<16xi32>
        %add3A_429 = arith.addi %gather3A_428, %shift_right_arithmetic3A_54 : vector<16xi32>
        %mul3A_430 = arith.constant 128 : i32
        %mul3A_431 = arith.muli %scan3A_265, %mul3A_430 : i32
        %add3A_432 = arith.constant 112 : i32
        %add3A_433 = arith.addi %mul3A_431, %add3A_432 : i32
        %swap3A_434 = arith.constant 1 : i32
        %swap3A_435 = arith.index_cast %swap3A_434 : i32 to index
        %swap3A_436 = arith.index_cast %add3A_433 : i32 to index
        %swap3A_437 = tpu.vector_load %arg12[%swap3A_435, %swap3A_436] {strides = array<i32>} : memref<4x1024xi32, #tpu.memory_space<vmem>>, vector<1x16xi32>,
        %swap3A_438 = vector.shape_cast %swap3A_437 : vector<1x16xi32> to vector<16xi32>
        %swap3A_439 = vector.shape_cast %add3A_429 : vector<16xi32> to vector<1x16xi32>
        tpu.vector_store %arg12[%swap3A_435, %swap3A_436], %swap3A_439 {strides = array<i32>} : memref<4x1024xi32, #tpu.memory_space<vmem>>, vector<1x16xi32>,
        %scan3A_440 = arith.constant 0 : i32
        scf.yield %scan3A_440 : i32
      }
      %scan3A_155 = arith.constant 8 : i32
      %scan3A_156 = arith.constant 0 : i32
      %scan3A_157 = arith.constant 0 : i32
      %scan3A_158 = arith.constant 8 : i32
      %scan3A_159 = arith.addi %scan3A_157, %scan3A_158 : i32
      %scan3A_160 = arith.constant 1 : i32
      %scan3A_161 = scf.for %scan3A_265 = %scan3A_157 to %scan3A_159 step %scan3A_160 iter_args(%scan3A_266 = %scan3A_156) -> (i32)  : i32 {
        %mul3A_267 = arith.constant 16 : i32
        %mul3A_268 = arith.muli %scan3A_265, %mul3A_267 : i32
        %get3A = arith.constant 2 : i32
        %get3A_269 = arith.index_cast %get3A : i32 to index
        %get3A_270 = arith.index_cast %mul3A_268 : i32 to index
        %get3A_271 = tpu.vector_load %arg8[%get3A_269, %get3A_270] {strides = array<i32>} : memref<4x128xi32, #tpu.memory_space<vmem>>, vector<1x16xi32>,
        %get3A_272 = vector.shape_cast %get3A_271 : vector<1x16xi32> to vector<16xi32>
        %mul3A_273 = arith.constant 2 : i32
        %mul3A_274 = vector.broadcast %mul3A_273 : i32 to vector<16xi32>
        %mul3A_275 = arith.muli %get3A_272, %mul3A_274 : vector<16xi32>
        %lt3A_276 = arith.constant 0 : i32
        %lt3A_277 = vector.broadcast %lt3A_276 : i32 to vector<16xi32>
        %lt3A_278 = arith.cmpi slt, %add3A_7, %lt3A_277 : vector<16xi32>
        %add3A_279 = arith.constant 16 : i32
        %add3A_280 = vector.broadcast %add3A_279 : i32 to vector<16xi32>
        %add3A_281 = arith.addi %add3A_7, %add3A_280 : vector<16xi32>
        %select_n3A = arith.select %lt3A_278, %add3A_281, %add3A_7 : vector<16xi1>, vector<16xi32>
        %broadcast_in_dim3A = vector.shape_cast %select_n3A : vector<16xi32> to vector<16x1xi32>
        %gather3A = vector.shape_cast %broadcast_in_dim3A : vector<16x1xi32> to vector<16xi32>
        %gather3A_282 = tpu.dynamic_gather %mul3A_275[%gather3A] in [0] : vector<16xi32>, vector<16xi32> -> vector<16xi32>
        %add3A_283 = arith.addi %gather3A_282, %and3A_60 : vector<16xi32>
        %mul3A_284 = arith.constant 128 : i32
        %mul3A_285 = arith.muli %scan3A_265, %mul3A_284 : i32
        %add3A_286 = arith.constant 0 : i32
        %add3A_287 = arith.addi %mul3A_285, %add3A_286 : i32
        %swap3A = arith.constant 2 : i32
        %swap3A_288 = arith.index_cast %swap3A : i32 to index
        %swap3A_289 = arith.index_cast %add3A_287 : i32 to index
        %swap3A_290 = tpu.vector_load %arg12[%swap3A_288, %swap3A_289] {strides = array<i32>} : memref<4x1024xi32, #tpu.memory_space<vmem>>, vector<1x16xi32>,
        %swap3A_291 = vector.shape_cast %swap3A_290 : vector<1x16xi32> to vector<16xi32>
        %swap3A_292 = vector.shape_cast %add3A_283 : vector<16xi32> to vector<1x16xi32>
        tpu.vector_store %arg12[%swap3A_288, %swap3A_289], %swap3A_292 {strides = array<i32>} : memref<4x1024xi32, #tpu.memory_space<vmem>>, vector<1x16xi32>,
        %lt3A_293 = arith.constant 0 : i32
        %lt3A_294 = vector.broadcast %lt3A_293 : i32 to vector<16xi32>
        %lt3A_295 = arith.cmpi slt, %add3A_13, %lt3A_294 : vector<16xi32>
        %add3A_296 = arith.constant 16 : i32
        %add3A_297 = vector.broadcast %add3A_296 : i32 to vector<16xi32>
        %add3A_298 = arith.addi %add3A_13, %add3A_297 : vector<16xi32>
        %select_n3A_299 = arith.select %lt3A_295, %add3A_298, %add3A_13 : vector<16xi1>, vector<16xi32>
        %broadcast_in_dim3A_300 = vector.shape_cast %select_n3A_299 : vector<16xi32> to vector<16x1xi32>
        %gather3A_301 = vector.shape_cast %broadcast_in_dim3A_300 : vector<16x1xi32> to vector<16xi32>
        %gather3A_302 = tpu.dynamic_gather %mul3A_275[%gather3A_301] in [0] : vector<16xi32>, vector<16xi32> -> vector<16xi32>
        %add3A_303 = arith.addi %gather3A_302, %and3A_60 : vector<16xi32>
        %mul3A_304 = arith.constant 128 : i32
        %mul3A_305 = arith.muli %scan3A_265, %mul3A_304 : i32
        %add3A_306 = arith.constant 16 : i32
        %add3A_307 = arith.addi %mul3A_305, %add3A_306 : i32
        %swap3A_308 = arith.constant 2 : i32
        %swap3A_309 = arith.index_cast %swap3A_308 : i32 to index
        %swap3A_310 = arith.index_cast %add3A_307 : i32 to index
        %swap3A_311 = tpu.vector_load %arg12[%swap3A_309, %swap3A_310] {strides = array<i32>} : memref<4x1024xi32, #tpu.memory_space<vmem>>, vector<1x16xi32>,
        %swap3A_312 = vector.shape_cast %swap3A_311 : vector<1x16xi32> to vector<16xi32>
        %swap3A_313 = vector.shape_cast %add3A_303 : vector<16xi32> to vector<1x16xi32>
        tpu.vector_store %arg12[%swap3A_309, %swap3A_310], %swap3A_313 {strides = array<i32>} : memref<4x1024xi32, #tpu.memory_space<vmem>>, vector<1x16xi32>,
        %lt3A_314 = arith.constant 0 : i32
        %lt3A_315 = vector.broadcast %lt3A_314 : i32 to vector<16xi32>
        %lt3A_316 = arith.cmpi slt, %add3A_19, %lt3A_315 : vector<16xi32>
        %add3A_317 = arith.constant 16 : i32
        %add3A_318 = vector.broadcast %add3A_317 : i32 to vector<16xi32>
        %add3A_319 = arith.addi %add3A_19, %add3A_318 : vector<16xi32>
        %select_n3A_320 = arith.select %lt3A_316, %add3A_319, %add3A_19 : vector<16xi1>, vector<16xi32>
        %broadcast_in_dim3A_321 = vector.shape_cast %select_n3A_320 : vector<16xi32> to vector<16x1xi32>
        %gather3A_322 = vector.shape_cast %broadcast_in_dim3A_321 : vector<16x1xi32> to vector<16xi32>
        %gather3A_323 = tpu.dynamic_gather %mul3A_275[%gather3A_322] in [0] : vector<16xi32>, vector<16xi32> -> vector<16xi32>
        %add3A_324 = arith.addi %gather3A_323, %and3A_60 : vector<16xi32>
        %mul3A_325 = arith.constant 128 : i32
        %mul3A_326 = arith.muli %scan3A_265, %mul3A_325 : i32
        %add3A_327 = arith.constant 32 : i32
        %add3A_328 = arith.addi %mul3A_326, %add3A_327 : i32
        %swap3A_329 = arith.constant 2 : i32
        %swap3A_330 = arith.index_cast %swap3A_329 : i32 to index
        %swap3A_331 = arith.index_cast %add3A_328 : i32 to index
        %swap3A_332 = tpu.vector_load %arg12[%swap3A_330, %swap3A_331] {strides = array<i32>} : memref<4x1024xi32, #tpu.memory_space<vmem>>, vector<1x16xi32>,
        %swap3A_333 = vector.shape_cast %swap3A_332 : vector<1x16xi32> to vector<16xi32>
        %swap3A_334 = vector.shape_cast %add3A_324 : vector<16xi32> to vector<1x16xi32>
        tpu.vector_store %arg12[%swap3A_330, %swap3A_331], %swap3A_334 {strides = array<i32>} : memref<4x1024xi32, #tpu.memory_space<vmem>>, vector<1x16xi32>,
        %lt3A_335 = arith.constant 0 : i32
        %lt3A_336 = vector.broadcast %lt3A_335 : i32 to vector<16xi32>
        %lt3A_337 = arith.cmpi slt, %add3A_25, %lt3A_336 : vector<16xi32>
        %add3A_338 = arith.constant 16 : i32
        %add3A_339 = vector.broadcast %add3A_338 : i32 to vector<16xi32>
        %add3A_340 = arith.addi %add3A_25, %add3A_339 : vector<16xi32>
        %select_n3A_341 = arith.select %lt3A_337, %add3A_340, %add3A_25 : vector<16xi1>, vector<16xi32>
        %broadcast_in_dim3A_342 = vector.shape_cast %select_n3A_341 : vector<16xi32> to vector<16x1xi32>
        %gather3A_343 = vector.shape_cast %broadcast_in_dim3A_342 : vector<16x1xi32> to vector<16xi32>
        %gather3A_344 = tpu.dynamic_gather %mul3A_275[%gather3A_343] in [0] : vector<16xi32>, vector<16xi32> -> vector<16xi32>
        %add3A_345 = arith.addi %gather3A_344, %and3A_60 : vector<16xi32>
        %mul3A_346 = arith.constant 128 : i32
        %mul3A_347 = arith.muli %scan3A_265, %mul3A_346 : i32
        %add3A_348 = arith.constant 48 : i32
        %add3A_349 = arith.addi %mul3A_347, %add3A_348 : i32
        %swap3A_350 = arith.constant 2 : i32
        %swap3A_351 = arith.index_cast %swap3A_350 : i32 to index
        %swap3A_352 = arith.index_cast %add3A_349 : i32 to index
        %swap3A_353 = tpu.vector_load %arg12[%swap3A_351, %swap3A_352] {strides = array<i32>} : memref<4x1024xi32, #tpu.memory_space<vmem>>, vector<1x16xi32>,
        %swap3A_354 = vector.shape_cast %swap3A_353 : vector<1x16xi32> to vector<16xi32>
        %swap3A_355 = vector.shape_cast %add3A_345 : vector<16xi32> to vector<1x16xi32>
        tpu.vector_store %arg12[%swap3A_351, %swap3A_352], %swap3A_355 {strides = array<i32>} : memref<4x1024xi32, #tpu.memory_space<vmem>>, vector<1x16xi32>,
        %lt3A_356 = arith.constant 0 : i32
        %lt3A_357 = vector.broadcast %lt3A_356 : i32 to vector<16xi32>
        %lt3A_358 = arith.cmpi slt, %add3A_31, %lt3A_357 : vector<16xi32>
        %add3A_359 = arith.constant 16 : i32
        %add3A_360 = vector.broadcast %add3A_359 : i32 to vector<16xi32>
        %add3A_361 = arith.addi %add3A_31, %add3A_360 : vector<16xi32>
        %select_n3A_362 = arith.select %lt3A_358, %add3A_361, %add3A_31 : vector<16xi1>, vector<16xi32>
        %broadcast_in_dim3A_363 = vector.shape_cast %select_n3A_362 : vector<16xi32> to vector<16x1xi32>
        %gather3A_364 = vector.shape_cast %broadcast_in_dim3A_363 : vector<16x1xi32> to vector<16xi32>
        %gather3A_365 = tpu.dynamic_gather %mul3A_275[%gather3A_364] in [0] : vector<16xi32>, vector<16xi32> -> vector<16xi32>
        %add3A_366 = arith.addi %gather3A_365, %and3A_60 : vector<16xi32>
        %mul3A_367 = arith.constant 128 : i32
        %mul3A_368 = arith.muli %scan3A_265, %mul3A_367 : i32
        %add3A_369 = arith.constant 64 : i32
        %add3A_370 = arith.addi %mul3A_368, %add3A_369 : i32
        %swap3A_371 = arith.constant 2 : i32
        %swap3A_372 = arith.index_cast %swap3A_371 : i32 to index
        %swap3A_373 = arith.index_cast %add3A_370 : i32 to index
        %swap3A_374 = tpu.vector_load %arg12[%swap3A_372, %swap3A_373] {strides = array<i32>} : memref<4x1024xi32, #tpu.memory_space<vmem>>, vector<1x16xi32>,
        %swap3A_375 = vector.shape_cast %swap3A_374 : vector<1x16xi32> to vector<16xi32>
        %swap3A_376 = vector.shape_cast %add3A_366 : vector<16xi32> to vector<1x16xi32>
        tpu.vector_store %arg12[%swap3A_372, %swap3A_373], %swap3A_376 {strides = array<i32>} : memref<4x1024xi32, #tpu.memory_space<vmem>>, vector<1x16xi32>,
        %lt3A_377 = arith.constant 0 : i32
        %lt3A_378 = vector.broadcast %lt3A_377 : i32 to vector<16xi32>
        %lt3A_379 = arith.cmpi slt, %add3A_37, %lt3A_378 : vector<16xi32>
        %add3A_380 = arith.constant 16 : i32
        %add3A_381 = vector.broadcast %add3A_380 : i32 to vector<16xi32>
        %add3A_382 = arith.addi %add3A_37, %add3A_381 : vector<16xi32>
        %select_n3A_383 = arith.select %lt3A_379, %add3A_382, %add3A_37 : vector<16xi1>, vector<16xi32>
        %broadcast_in_dim3A_384 = vector.shape_cast %select_n3A_383 : vector<16xi32> to vector<16x1xi32>
        %gather3A_385 = vector.shape_cast %broadcast_in_dim3A_384 : vector<16x1xi32> to vector<16xi32>
        %gather3A_386 = tpu.dynamic_gather %mul3A_275[%gather3A_385] in [0] : vector<16xi32>, vector<16xi32> -> vector<16xi32>
        %add3A_387 = arith.addi %gather3A_386, %and3A_60 : vector<16xi32>
        %mul3A_388 = arith.constant 128 : i32
        %mul3A_389 = arith.muli %scan3A_265, %mul3A_388 : i32
        %add3A_390 = arith.constant 80 : i32
        %add3A_391 = arith.addi %mul3A_389, %add3A_390 : i32
        %swap3A_392 = arith.constant 2 : i32
        %swap3A_393 = arith.index_cast %swap3A_392 : i32 to index
        %swap3A_394 = arith.index_cast %add3A_391 : i32 to index
        %swap3A_395 = tpu.vector_load %arg12[%swap3A_393, %swap3A_394] {strides = array<i32>} : memref<4x1024xi32, #tpu.memory_space<vmem>>, vector<1x16xi32>,
        %swap3A_396 = vector.shape_cast %swap3A_395 : vector<1x16xi32> to vector<16xi32>
        %swap3A_397 = vector.shape_cast %add3A_387 : vector<16xi32> to vector<1x16xi32>
        tpu.vector_store %arg12[%swap3A_393, %swap3A_394], %swap3A_397 {strides = array<i32>} : memref<4x1024xi32, #tpu.memory_space<vmem>>, vector<1x16xi32>,
        %lt3A_398 = arith.constant 0 : i32
        %lt3A_399 = vector.broadcast %lt3A_398 : i32 to vector<16xi32>
        %lt3A_400 = arith.cmpi slt, %add3A_43, %lt3A_399 : vector<16xi32>
        %add3A_401 = arith.constant 16 : i32
        %add3A_402 = vector.broadcast %add3A_401 : i32 to vector<16xi32>
        %add3A_403 = arith.addi %add3A_43, %add3A_402 : vector<16xi32>
        %select_n3A_404 = arith.select %lt3A_400, %add3A_403, %add3A_43 : vector<16xi1>, vector<16xi32>
        %broadcast_in_dim3A_405 = vector.shape_cast %select_n3A_404 : vector<16xi32> to vector<16x1xi32>
        %gather3A_406 = vector.shape_cast %broadcast_in_dim3A_405 : vector<16x1xi32> to vector<16xi32>
        %gather3A_407 = tpu.dynamic_gather %mul3A_275[%gather3A_406] in [0] : vector<16xi32>, vector<16xi32> -> vector<16xi32>
        %add3A_408 = arith.addi %gather3A_407, %and3A_60 : vector<16xi32>
        %mul3A_409 = arith.constant 128 : i32
        %mul3A_410 = arith.muli %scan3A_265, %mul3A_409 : i32
        %add3A_411 = arith.constant 96 : i32
        %add3A_412 = arith.addi %mul3A_410, %add3A_411 : i32
        %swap3A_413 = arith.constant 2 : i32
        %swap3A_414 = arith.index_cast %swap3A_413 : i32 to index
        %swap3A_415 = arith.index_cast %add3A_412 : i32 to index
        %swap3A_416 = tpu.vector_load %arg12[%swap3A_414, %swap3A_415] {strides = array<i32>} : memref<4x1024xi32, #tpu.memory_space<vmem>>, vector<1x16xi32>,
        %swap3A_417 = vector.shape_cast %swap3A_416 : vector<1x16xi32> to vector<16xi32>
        %swap3A_418 = vector.shape_cast %add3A_408 : vector<16xi32> to vector<1x16xi32>
        tpu.vector_store %arg12[%swap3A_414, %swap3A_415], %swap3A_418 {strides = array<i32>} : memref<4x1024xi32, #tpu.memory_space<vmem>>, vector<1x16xi32>,
        %lt3A_419 = arith.constant 0 : i32
        %lt3A_420 = vector.broadcast %lt3A_419 : i32 to vector<16xi32>
        %lt3A_421 = arith.cmpi slt, %add3A_49, %lt3A_420 : vector<16xi32>
        %add3A_422 = arith.constant 16 : i32
        %add3A_423 = vector.broadcast %add3A_422 : i32 to vector<16xi32>
        %add3A_424 = arith.addi %add3A_49, %add3A_423 : vector<16xi32>
        %select_n3A_425 = arith.select %lt3A_421, %add3A_424, %add3A_49 : vector<16xi1>, vector<16xi32>
        %broadcast_in_dim3A_426 = vector.shape_cast %select_n3A_425 : vector<16xi32> to vector<16x1xi32>
        %gather3A_427 = vector.shape_cast %broadcast_in_dim3A_426 : vector<16x1xi32> to vector<16xi32>
        %gather3A_428 = tpu.dynamic_gather %mul3A_275[%gather3A_427] in [0] : vector<16xi32>, vector<16xi32> -> vector<16xi32>
        %add3A_429 = arith.addi %gather3A_428, %and3A_60 : vector<16xi32>
        %mul3A_430 = arith.constant 128 : i32
        %mul3A_431 = arith.muli %scan3A_265, %mul3A_430 : i32
        %add3A_432 = arith.constant 112 : i32
        %add3A_433 = arith.addi %mul3A_431, %add3A_432 : i32
        %swap3A_434 = arith.constant 2 : i32
        %swap3A_435 = arith.index_cast %swap3A_434 : i32 to index
        %swap3A_436 = arith.index_cast %add3A_433 : i32 to index
        %swap3A_437 = tpu.vector_load %arg12[%swap3A_435, %swap3A_436] {strides = array<i32>} : memref<4x1024xi32, #tpu.memory_space<vmem>>, vector<1x16xi32>,
        %swap3A_438 = vector.shape_cast %swap3A_437 : vector<1x16xi32> to vector<16xi32>
        %swap3A_439 = vector.shape_cast %add3A_429 : vector<16xi32> to vector<1x16xi32>
        tpu.vector_store %arg12[%swap3A_435, %swap3A_436], %swap3A_439 {strides = array<i32>} : memref<4x1024xi32, #tpu.memory_space<vmem>>, vector<1x16xi32>,
        %scan3A_440 = arith.constant 0 : i32
        scf.yield %scan3A_440 : i32
      }
      %scan3A_162 = arith.constant 8 : i32
      %scan3A_163 = arith.constant 0 : i32
      %scan3A_164 = arith.constant 0 : i32
      %scan3A_165 = arith.constant 8 : i32
      %scan3A_166 = arith.addi %scan3A_164, %scan3A_165 : i32
      %scan3A_167 = arith.constant 1 : i32
      %scan3A_168 = scf.for %scan3A_265 = %scan3A_164 to %scan3A_166 step %scan3A_167 iter_args(%scan3A_266 = %scan3A_163) -> (i32)  : i32 {
        %mul3A_267 = arith.constant 16 : i32
        %mul3A_268 = arith.muli %scan3A_265, %mul3A_267 : i32
        %get3A = arith.constant 3 : i32
        %get3A_269 = arith.index_cast %get3A : i32 to index
        %get3A_270 = arith.index_cast %mul3A_268 : i32 to index
        %get3A_271 = tpu.vector_load %arg8[%get3A_269, %get3A_270] {strides = array<i32>} : memref<4x128xi32, #tpu.memory_space<vmem>>, vector<1x16xi32>,
        %get3A_272 = vector.shape_cast %get3A_271 : vector<1x16xi32> to vector<16xi32>
        %mul3A_273 = arith.constant 2 : i32
        %mul3A_274 = vector.broadcast %mul3A_273 : i32 to vector<16xi32>
        %mul3A_275 = arith.muli %get3A_272, %mul3A_274 : vector<16xi32>
        %lt3A_276 = arith.constant 0 : i32
        %lt3A_277 = vector.broadcast %lt3A_276 : i32 to vector<16xi32>
        %lt3A_278 = arith.cmpi slt, %add3A_7, %lt3A_277 : vector<16xi32>
        %add3A_279 = arith.constant 16 : i32
        %add3A_280 = vector.broadcast %add3A_279 : i32 to vector<16xi32>
        %add3A_281 = arith.addi %add3A_7, %add3A_280 : vector<16xi32>
        %select_n3A = arith.select %lt3A_278, %add3A_281, %add3A_7 : vector<16xi1>, vector<16xi32>
        %broadcast_in_dim3A = vector.shape_cast %select_n3A : vector<16xi32> to vector<16x1xi32>
        %gather3A = vector.shape_cast %broadcast_in_dim3A : vector<16x1xi32> to vector<16xi32>
        %gather3A_282 = tpu.dynamic_gather %mul3A_275[%gather3A] in [0] : vector<16xi32>, vector<16xi32> -> vector<16xi32>
        %add3A_283 = arith.addi %gather3A_282, %and3A_63 : vector<16xi32>
        %mul3A_284 = arith.constant 128 : i32
        %mul3A_285 = arith.muli %scan3A_265, %mul3A_284 : i32
        %add3A_286 = arith.constant 0 : i32
        %add3A_287 = arith.addi %mul3A_285, %add3A_286 : i32
        %swap3A = arith.constant 3 : i32
        %swap3A_288 = arith.index_cast %swap3A : i32 to index
        %swap3A_289 = arith.index_cast %add3A_287 : i32 to index
        %swap3A_290 = tpu.vector_load %arg12[%swap3A_288, %swap3A_289] {strides = array<i32>} : memref<4x1024xi32, #tpu.memory_space<vmem>>, vector<1x16xi32>,
        %swap3A_291 = vector.shape_cast %swap3A_290 : vector<1x16xi32> to vector<16xi32>
        %swap3A_292 = vector.shape_cast %add3A_283 : vector<16xi32> to vector<1x16xi32>
        tpu.vector_store %arg12[%swap3A_288, %swap3A_289], %swap3A_292 {strides = array<i32>} : memref<4x1024xi32, #tpu.memory_space<vmem>>, vector<1x16xi32>,
        %lt3A_293 = arith.constant 0 : i32
        %lt3A_294 = vector.broadcast %lt3A_293 : i32 to vector<16xi32>
        %lt3A_295 = arith.cmpi slt, %add3A_13, %lt3A_294 : vector<16xi32>
        %add3A_296 = arith.constant 16 : i32
        %add3A_297 = vector.broadcast %add3A_296 : i32 to vector<16xi32>
        %add3A_298 = arith.addi %add3A_13, %add3A_297 : vector<16xi32>
        %select_n3A_299 = arith.select %lt3A_295, %add3A_298, %add3A_13 : vector<16xi1>, vector<16xi32>
        %broadcast_in_dim3A_300 = vector.shape_cast %select_n3A_299 : vector<16xi32> to vector<16x1xi32>
        %gather3A_301 = vector.shape_cast %broadcast_in_dim3A_300 : vector<16x1xi32> to vector<16xi32>
        %gather3A_302 = tpu.dynamic_gather %mul3A_275[%gather3A_301] in [0] : vector<16xi32>, vector<16xi32> -> vector<16xi32>
        %add3A_303 = arith.addi %gather3A_302, %and3A_63 : vector<16xi32>
        %mul3A_304 = arith.constant 128 : i32
        %mul3A_305 = arith.muli %scan3A_265, %mul3A_304 : i32
        %add3A_306 = arith.constant 16 : i32
        %add3A_307 = arith.addi %mul3A_305, %add3A_306 : i32
        %swap3A_308 = arith.constant 3 : i32
        %swap3A_309 = arith.index_cast %swap3A_308 : i32 to index
        %swap3A_310 = arith.index_cast %add3A_307 : i32 to index
        %swap3A_311 = tpu.vector_load %arg12[%swap3A_309, %swap3A_310] {strides = array<i32>} : memref<4x1024xi32, #tpu.memory_space<vmem>>, vector<1x16xi32>,
        %swap3A_312 = vector.shape_cast %swap3A_311 : vector<1x16xi32> to vector<16xi32>
        %swap3A_313 = vector.shape_cast %add3A_303 : vector<16xi32> to vector<1x16xi32>
        tpu.vector_store %arg12[%swap3A_309, %swap3A_310], %swap3A_313 {strides = array<i32>} : memref<4x1024xi32, #tpu.memory_space<vmem>>, vector<1x16xi32>,
        %lt3A_314 = arith.constant 0 : i32
        %lt3A_315 = vector.broadcast %lt3A_314 : i32 to vector<16xi32>
        %lt3A_316 = arith.cmpi slt, %add3A_19, %lt3A_315 : vector<16xi32>
        %add3A_317 = arith.constant 16 : i32
        %add3A_318 = vector.broadcast %add3A_317 : i32 to vector<16xi32>
        %add3A_319 = arith.addi %add3A_19, %add3A_318 : vector<16xi32>
        %select_n3A_320 = arith.select %lt3A_316, %add3A_319, %add3A_19 : vector<16xi1>, vector<16xi32>
        %broadcast_in_dim3A_321 = vector.shape_cast %select_n3A_320 : vector<16xi32> to vector<16x1xi32>
        %gather3A_322 = vector.shape_cast %broadcast_in_dim3A_321 : vector<16x1xi32> to vector<16xi32>
        %gather3A_323 = tpu.dynamic_gather %mul3A_275[%gather3A_322] in [0] : vector<16xi32>, vector<16xi32> -> vector<16xi32>
        %add3A_324 = arith.addi %gather3A_323, %and3A_63 : vector<16xi32>
        %mul3A_325 = arith.constant 128 : i32
        %mul3A_326 = arith.muli %scan3A_265, %mul3A_325 : i32
        %add3A_327 = arith.constant 32 : i32
        %add3A_328 = arith.addi %mul3A_326, %add3A_327 : i32
        %swap3A_329 = arith.constant 3 : i32
        %swap3A_330 = arith.index_cast %swap3A_329 : i32 to index
        %swap3A_331 = arith.index_cast %add3A_328 : i32 to index
        %swap3A_332 = tpu.vector_load %arg12[%swap3A_330, %swap3A_331] {strides = array<i32>} : memref<4x1024xi32, #tpu.memory_space<vmem>>, vector<1x16xi32>,
        %swap3A_333 = vector.shape_cast %swap3A_332 : vector<1x16xi32> to vector<16xi32>
        %swap3A_334 = vector.shape_cast %add3A_324 : vector<16xi32> to vector<1x16xi32>
        tpu.vector_store %arg12[%swap3A_330, %swap3A_331], %swap3A_334 {strides = array<i32>} : memref<4x1024xi32, #tpu.memory_space<vmem>>, vector<1x16xi32>,
        %lt3A_335 = arith.constant 0 : i32
        %lt3A_336 = vector.broadcast %lt3A_335 : i32 to vector<16xi32>
        %lt3A_337 = arith.cmpi slt, %add3A_25, %lt3A_336 : vector<16xi32>
        %add3A_338 = arith.constant 16 : i32
        %add3A_339 = vector.broadcast %add3A_338 : i32 to vector<16xi32>
        %add3A_340 = arith.addi %add3A_25, %add3A_339 : vector<16xi32>
        %select_n3A_341 = arith.select %lt3A_337, %add3A_340, %add3A_25 : vector<16xi1>, vector<16xi32>
        %broadcast_in_dim3A_342 = vector.shape_cast %select_n3A_341 : vector<16xi32> to vector<16x1xi32>
        %gather3A_343 = vector.shape_cast %broadcast_in_dim3A_342 : vector<16x1xi32> to vector<16xi32>
        %gather3A_344 = tpu.dynamic_gather %mul3A_275[%gather3A_343] in [0] : vector<16xi32>, vector<16xi32> -> vector<16xi32>
        %add3A_345 = arith.addi %gather3A_344, %and3A_63 : vector<16xi32>
        %mul3A_346 = arith.constant 128 : i32
        %mul3A_347 = arith.muli %scan3A_265, %mul3A_346 : i32
        %add3A_348 = arith.constant 48 : i32
        %add3A_349 = arith.addi %mul3A_347, %add3A_348 : i32
        %swap3A_350 = arith.constant 3 : i32
        %swap3A_351 = arith.index_cast %swap3A_350 : i32 to index
        %swap3A_352 = arith.index_cast %add3A_349 : i32 to index
        %swap3A_353 = tpu.vector_load %arg12[%swap3A_351, %swap3A_352] {strides = array<i32>} : memref<4x1024xi32, #tpu.memory_space<vmem>>, vector<1x16xi32>,
        %swap3A_354 = vector.shape_cast %swap3A_353 : vector<1x16xi32> to vector<16xi32>
        %swap3A_355 = vector.shape_cast %add3A_345 : vector<16xi32> to vector<1x16xi32>
        tpu.vector_store %arg12[%swap3A_351, %swap3A_352], %swap3A_355 {strides = array<i32>} : memref<4x1024xi32, #tpu.memory_space<vmem>>, vector<1x16xi32>,
        %lt3A_356 = arith.constant 0 : i32
        %lt3A_357 = vector.broadcast %lt3A_356 : i32 to vector<16xi32>
        %lt3A_358 = arith.cmpi slt, %add3A_31, %lt3A_357 : vector<16xi32>
        %add3A_359 = arith.constant 16 : i32
        %add3A_360 = vector.broadcast %add3A_359 : i32 to vector<16xi32>
        %add3A_361 = arith.addi %add3A_31, %add3A_360 : vector<16xi32>
        %select_n3A_362 = arith.select %lt3A_358, %add3A_361, %add3A_31 : vector<16xi1>, vector<16xi32>
        %broadcast_in_dim3A_363 = vector.shape_cast %select_n3A_362 : vector<16xi32> to vector<16x1xi32>
        %gather3A_364 = vector.shape_cast %broadcast_in_dim3A_363 : vector<16x1xi32> to vector<16xi32>
        %gather3A_365 = tpu.dynamic_gather %mul3A_275[%gather3A_364] in [0] : vector<16xi32>, vector<16xi32> -> vector<16xi32>
        %add3A_366 = arith.addi %gather3A_365, %and3A_63 : vector<16xi32>
        %mul3A_367 = arith.constant 128 : i32
        %mul3A_368 = arith.muli %scan3A_265, %mul3A_367 : i32
        %add3A_369 = arith.constant 64 : i32
        %add3A_370 = arith.addi %mul3A_368, %add3A_369 : i32
        %swap3A_371 = arith.constant 3 : i32
        %swap3A_372 = arith.index_cast %swap3A_371 : i32 to index
        %swap3A_373 = arith.index_cast %add3A_370 : i32 to index
        %swap3A_374 = tpu.vector_load %arg12[%swap3A_372, %swap3A_373] {strides = array<i32>} : memref<4x1024xi32, #tpu.memory_space<vmem>>, vector<1x16xi32>,
        %swap3A_375 = vector.shape_cast %swap3A_374 : vector<1x16xi32> to vector<16xi32>
        %swap3A_376 = vector.shape_cast %add3A_366 : vector<16xi32> to vector<1x16xi32>
        tpu.vector_store %arg12[%swap3A_372, %swap3A_373], %swap3A_376 {strides = array<i32>} : memref<4x1024xi32, #tpu.memory_space<vmem>>, vector<1x16xi32>,
        %lt3A_377 = arith.constant 0 : i32
        %lt3A_378 = vector.broadcast %lt3A_377 : i32 to vector<16xi32>
        %lt3A_379 = arith.cmpi slt, %add3A_37, %lt3A_378 : vector<16xi32>
        %add3A_380 = arith.constant 16 : i32
        %add3A_381 = vector.broadcast %add3A_380 : i32 to vector<16xi32>
        %add3A_382 = arith.addi %add3A_37, %add3A_381 : vector<16xi32>
        %select_n3A_383 = arith.select %lt3A_379, %add3A_382, %add3A_37 : vector<16xi1>, vector<16xi32>
        %broadcast_in_dim3A_384 = vector.shape_cast %select_n3A_383 : vector<16xi32> to vector<16x1xi32>
        %gather3A_385 = vector.shape_cast %broadcast_in_dim3A_384 : vector<16x1xi32> to vector<16xi32>
        %gather3A_386 = tpu.dynamic_gather %mul3A_275[%gather3A_385] in [0] : vector<16xi32>, vector<16xi32> -> vector<16xi32>
        %add3A_387 = arith.addi %gather3A_386, %and3A_63 : vector<16xi32>
        %mul3A_388 = arith.constant 128 : i32
        %mul3A_389 = arith.muli %scan3A_265, %mul3A_388 : i32
        %add3A_390 = arith.constant 80 : i32
        %add3A_391 = arith.addi %mul3A_389, %add3A_390 : i32
        %swap3A_392 = arith.constant 3 : i32
        %swap3A_393 = arith.index_cast %swap3A_392 : i32 to index
        %swap3A_394 = arith.index_cast %add3A_391 : i32 to index
        %swap3A_395 = tpu.vector_load %arg12[%swap3A_393, %swap3A_394] {strides = array<i32>} : memref<4x1024xi32, #tpu.memory_space<vmem>>, vector<1x16xi32>,
        %swap3A_396 = vector.shape_cast %swap3A_395 : vector<1x16xi32> to vector<16xi32>
        %swap3A_397 = vector.shape_cast %add3A_387 : vector<16xi32> to vector<1x16xi32>
        tpu.vector_store %arg12[%swap3A_393, %swap3A_394], %swap3A_397 {strides = array<i32>} : memref<4x1024xi32, #tpu.memory_space<vmem>>, vector<1x16xi32>,
        %lt3A_398 = arith.constant 0 : i32
        %lt3A_399 = vector.broadcast %lt3A_398 : i32 to vector<16xi32>
        %lt3A_400 = arith.cmpi slt, %add3A_43, %lt3A_399 : vector<16xi32>
        %add3A_401 = arith.constant 16 : i32
        %add3A_402 = vector.broadcast %add3A_401 : i32 to vector<16xi32>
        %add3A_403 = arith.addi %add3A_43, %add3A_402 : vector<16xi32>
        %select_n3A_404 = arith.select %lt3A_400, %add3A_403, %add3A_43 : vector<16xi1>, vector<16xi32>
        %broadcast_in_dim3A_405 = vector.shape_cast %select_n3A_404 : vector<16xi32> to vector<16x1xi32>
        %gather3A_406 = vector.shape_cast %broadcast_in_dim3A_405 : vector<16x1xi32> to vector<16xi32>
        %gather3A_407 = tpu.dynamic_gather %mul3A_275[%gather3A_406] in [0] : vector<16xi32>, vector<16xi32> -> vector<16xi32>
        %add3A_408 = arith.addi %gather3A_407, %and3A_63 : vector<16xi32>
        %mul3A_409 = arith.constant 128 : i32
        %mul3A_410 = arith.muli %scan3A_265, %mul3A_409 : i32
        %add3A_411 = arith.constant 96 : i32
        %add3A_412 = arith.addi %mul3A_410, %add3A_411 : i32
        %swap3A_413 = arith.constant 3 : i32
        %swap3A_414 = arith.index_cast %swap3A_413 : i32 to index
        %swap3A_415 = arith.index_cast %add3A_412 : i32 to index
        %swap3A_416 = tpu.vector_load %arg12[%swap3A_414, %swap3A_415] {strides = array<i32>} : memref<4x1024xi32, #tpu.memory_space<vmem>>, vector<1x16xi32>,
        %swap3A_417 = vector.shape_cast %swap3A_416 : vector<1x16xi32> to vector<16xi32>
        %swap3A_418 = vector.shape_cast %add3A_408 : vector<16xi32> to vector<1x16xi32>
        tpu.vector_store %arg12[%swap3A_414, %swap3A_415], %swap3A_418 {strides = array<i32>} : memref<4x1024xi32, #tpu.memory_space<vmem>>, vector<1x16xi32>,
        %lt3A_419 = arith.constant 0 : i32
        %lt3A_420 = vector.broadcast %lt3A_419 : i32 to vector<16xi32>
        %lt3A_421 = arith.cmpi slt, %add3A_49, %lt3A_420 : vector<16xi32>
        %add3A_422 = arith.constant 16 : i32
        %add3A_423 = vector.broadcast %add3A_422 : i32 to vector<16xi32>
        %add3A_424 = arith.addi %add3A_49, %add3A_423 : vector<16xi32>
        %select_n3A_425 = arith.select %lt3A_421, %add3A_424, %add3A_49 : vector<16xi1>, vector<16xi32>
        %broadcast_in_dim3A_426 = vector.shape_cast %select_n3A_425 : vector<16xi32> to vector<16x1xi32>
        %gather3A_427 = vector.shape_cast %broadcast_in_dim3A_426 : vector<16x1xi32> to vector<16xi32>
        %gather3A_428 = tpu.dynamic_gather %mul3A_275[%gather3A_427] in [0] : vector<16xi32>, vector<16xi32> -> vector<16xi32>
        %add3A_429 = arith.addi %gather3A_428, %and3A_63 : vector<16xi32>
        %mul3A_430 = arith.constant 128 : i32
        %mul3A_431 = arith.muli %scan3A_265, %mul3A_430 : i32
        %add3A_432 = arith.constant 112 : i32
        %add3A_433 = arith.addi %mul3A_431, %add3A_432 : i32
        %swap3A_434 = arith.constant 3 : i32
        %swap3A_435 = arith.index_cast %swap3A_434 : i32 to index
        %swap3A_436 = arith.index_cast %add3A_433 : i32 to index
        %swap3A_437 = tpu.vector_load %arg12[%swap3A_435, %swap3A_436] {strides = array<i32>} : memref<4x1024xi32, #tpu.memory_space<vmem>>, vector<1x16xi32>,
        %swap3A_438 = vector.shape_cast %swap3A_437 : vector<1x16xi32> to vector<16xi32>
        %swap3A_439 = vector.shape_cast %add3A_429 : vector<16xi32> to vector<1x16xi32>
        tpu.vector_store %arg12[%swap3A_435, %swap3A_436], %swap3A_439 {strides = array<i32>} : memref<4x1024xi32, #tpu.memory_space<vmem>>, vector<1x16xi32>,
        %scan3A_440 = arith.constant 0 : i32
        scf.yield %scan3A_440 : i32
      }
      %scan3A_169 = arith.constant 8 : i32
      %mul3A_170 = arith.constant 128 : i32
      %mul3A_171 = arith.muli %add3A_121, %mul3A_170 : i32
      %add3A_172 = arith.addi %mul3A_2, %mul3A_171 : i32
      %mul3A_173 = arith.constant 8 : i32
      %mul3A_174 = arith.muli %add3A_172, %mul3A_173 : i32
      %mul3A_175 = arith.constant 8 : i32
      %mul3A_176 = arith.muli %add3A_172, %mul3A_175 : i32
      %dma_start3A_177 = arith.constant 0 : i32
      %dma_start3A_178 = tpu.memref_slice %arg4[%dma_start3A_177, %mul3A_174] : memref<32x2097152xf32, #tpu.memory_space<hbm>> -> memref<32x1024xf32, #tpu.memory_space<hbm>>
      %dma_start3A_179 = arith.constant 0 : i32
      %dma_start3A_180 = tpu.memref_slice %arg4[%dma_start3A_179, %mul3A_174] : memref<32x2097152xf32, #tpu.memory_space<hbm>> -> memref<32x1024xf32, #tpu.memory_space<hbm>>
      tpu.enqueue_dma source(%arg10 : memref<32x1024xf32, #tpu.memory_space<vmem>>) target(%dma_start3A_180 : memref<32x1024xf32, #tpu.memory_space<hbm>>) target_semaphore(%arg16 : memref<!tpu.dma_semaphore, #tpu.memory_space<semaphore_mem>>)
      %dma_start3A_181 = arith.constant 0 : i32
      %dma_start3A_182 = tpu.memref_slice %arg5[%dma_start3A_181, %mul3A_176] : memref<4x2097152xi32, #tpu.memory_space<hbm>> -> memref<4x1024xi32, #tpu.memory_space<hbm>>
      %dma_start3A_183 = arith.constant 0 : i32
      %dma_start3A_184 = tpu.memref_slice %arg5[%dma_start3A_183, %mul3A_176] : memref<4x2097152xi32, #tpu.memory_space<hbm>> -> memref<4x1024xi32, #tpu.memory_space<hbm>>
      tpu.enqueue_dma source(%arg12 : memref<4x1024xi32, #tpu.memory_space<vmem>>) target(%dma_start3A_184 : memref<4x1024xi32, #tpu.memory_space<hbm>>) target_semaphore(%arg16 : memref<!tpu.dma_semaphore, #tpu.memory_space<semaphore_mem>>)
      %lt3A = arith.constant 31 : i32
      %lt3A_185 = arith.cmpi slt, %scan3A_116, %lt3A : i32
      %convert_element_type3A_186 = arith.extui %lt3A_185 : i1 to i32
      %cond3A_187 = arith.constant 0 : i32
      %cond3A_188 = arith.cmpi ne, %convert_element_type3A_186, %cond3A_187 : i32
      scf.if %cond3A_188 {
        %add3A_265 = arith.constant 2 : i32
        %add3A_266 = arith.addi %add3A_121, %add3A_265 : i32
        %mul3A_267 = arith.constant 128 : i32
        %mul3A_268 = arith.muli %add3A_266, %mul3A_267 : i32
        %add3A_269 = arith.addi %mul3A_2, %mul3A_268 : i32
        %dma_start3A_270 = arith.constant 0 : i32
        %dma_start3A_271 = tpu.memref_slice %arg2[%dma_start3A_270, %add3A_269] : memref<32x262144xf32, #tpu.memory_space<hbm>> -> memref<32x128xf32, #tpu.memory_space<hbm>>
        %dma_start3A_272 = arith.constant 0 : i32
        %dma_start3A_273 = tpu.memref_slice %arg2[%dma_start3A_272, %add3A_269] : memref<32x262144xf32, #tpu.memory_space<hbm>> -> memref<32x128xf32, #tpu.memory_space<hbm>>
        tpu.enqueue_dma source(%dma_start3A_273 : memref<32x128xf32, #tpu.memory_space<hbm>>) target(%arg6 : memref<32x128xf32, #tpu.memory_space<vmem>>) target_semaphore(%arg14 : memref<!tpu.dma_semaphore, #tpu.memory_space<semaphore_mem>>)
        %dma_start3A_274 = arith.constant 0 : i32
        %dma_start3A_275 = tpu.memref_slice %arg3[%dma_start3A_274, %add3A_269] : memref<4x262144xi32, #tpu.memory_space<hbm>> -> memref<4x128xi32, #tpu.memory_space<hbm>>
        %dma_start3A_276 = arith.constant 0 : i32
        %dma_start3A_277 = tpu.memref_slice %arg3[%dma_start3A_276, %add3A_269] : memref<4x262144xi32, #tpu.memory_space<hbm>> -> memref<4x128xi32, #tpu.memory_space<hbm>>
        tpu.enqueue_dma source(%dma_start3A_277 : memref<4x128xi32, #tpu.memory_space<hbm>>) target(%arg8 : memref<4x128xi32, #tpu.memory_space<vmem>>) target_semaphore(%arg14 : memref<!tpu.dma_semaphore, #tpu.memory_space<semaphore_mem>>)
      } else {
      }
      %mul3A_189 = arith.constant 2 : i32
      %mul3A_190 = arith.muli %scan3A_116, %mul3A_189 : i32
      %add3A_191 = arith.constant 1 : i32
      %add3A_192 = arith.addi %mul3A_190, %add3A_191 : i32
      %mul3A_193 = arith.constant 128 : i32
      %mul3A_194 = arith.muli %add3A_192, %mul3A_193 : i32
      %add3A_195 = arith.addi %mul3A_2, %mul3A_194 : i32
      %dma_wait3A_196 = arith.constant 0 : i32
      %dma_wait3A_197 = tpu.memref_slice %arg2[%dma_wait3A_196, %add3A_195] : memref<32x262144xf32, #tpu.memory_space<hbm>> -> memref<32x128xf32, #tpu.memory_space<hbm>>
      %dma_wait3A_198 = arith.constant 0 : i32
      %dma_wait3A_199 = tpu.memref_slice %arg2[%dma_wait3A_198, %add3A_195] : memref<32x262144xf32, #tpu.memory_space<hbm>> -> memref<32x128xf32, #tpu.memory_space<hbm>>
      tpu.wait_dma2 semaphore(%arg15 : memref<!tpu.dma_semaphore, #tpu.memory_space<semaphore_mem>>) src(%dma_wait3A_199 : memref<32x128xf32, #tpu.memory_space<hbm>>) dst(%arg7 : memref<32x128xf32, #tpu.memory_space<vmem>>)
      %dma_wait3A_200 = arith.constant 0 : i32
      %dma_wait3A_201 = tpu.memref_slice %arg3[%dma_wait3A_200, %add3A_195] : memref<4x262144xi32, #tpu.memory_space<hbm>> -> memref<4x128xi32, #tpu.memory_space<hbm>>
      %dma_wait3A_202 = arith.constant 0 : i32
      %dma_wait3A_203 = tpu.memref_slice %arg3[%dma_wait3A_202, %add3A_195] : memref<4x262144xi32, #tpu.memory_space<hbm>> -> memref<4x128xi32, #tpu.memory_space<hbm>>
      tpu.wait_dma2 semaphore(%arg15 : memref<!tpu.dma_semaphore, #tpu.memory_space<semaphore_mem>>) src(%dma_wait3A_203 : memref<4x128xi32, #tpu.memory_space<hbm>>) dst(%arg9 : memref<4x128xi32, #tpu.memory_space<vmem>>)
      %gt3A_204 = arith.constant 0 : i32
      %gt3A_205 = arith.cmpi sgt, %scan3A_116, %gt3A_204 : i32
      %convert_element_type3A_206 = arith.extui %gt3A_205 : i1 to i32
      %cond3A_207 = arith.constant 0 : i32
      %cond3A_208 = arith.cmpi ne, %convert_element_type3A_206, %cond3A_207 : i32
      scf.if %cond3A_208 {
        %sub3A = arith.constant 2 : i32
        %sub3A_265 = arith.subi %add3A_192, %sub3A : i32
        %mul3A_266 = arith.constant 128 : i32
        %mul3A_267 = arith.muli %sub3A_265, %mul3A_266 : i32
        %add3A_268 = arith.addi %mul3A_2, %mul3A_267 : i32
        %mul3A_269 = arith.constant 8 : i32
        %mul3A_270 = arith.muli %add3A_268, %mul3A_269 : i32
        %mul3A_271 = arith.constant 8 : i32
        %mul3A_272 = arith.muli %add3A_268, %mul3A_271 : i32
        %dma_wait3A_273 = arith.constant 0 : i32
        %dma_wait3A_274 = tpu.memref_slice %arg4[%dma_wait3A_273, %mul3A_270] : memref<32x2097152xf32, #tpu.memory_space<hbm>> -> memref<32x1024xf32, #tpu.memory_space<hbm>>
        %dma_wait3A_275 = arith.constant 0 : i32
        %dma_wait3A_276 = tpu.memref_slice %arg4[%dma_wait3A_275, %mul3A_270] : memref<32x2097152xf32, #tpu.memory_space<hbm>> -> memref<32x1024xf32, #tpu.memory_space<hbm>>
        tpu.wait_dma2 semaphore(%arg17 : memref<!tpu.dma_semaphore, #tpu.memory_space<semaphore_mem>>) src(%arg11 : memref<32x1024xf32, #tpu.memory_space<vmem>>) dst(%dma_wait3A_276 : memref<32x1024xf32, #tpu.memory_space<hbm>>)
        %dma_wait3A_277 = arith.constant 0 : i32
        %dma_wait3A_278 = tpu.memref_slice %arg5[%dma_wait3A_277, %mul3A_272] : memref<4x2097152xi32, #tpu.memory_space<hbm>> -> memref<4x1024xi32, #tpu.memory_space<hbm>>
        %dma_wait3A_279 = arith.constant 0 : i32
        %dma_wait3A_280 = tpu.memref_slice %arg5[%dma_wait3A_279, %mul3A_272] : memref<4x2097152xi32, #tpu.memory_space<hbm>> -> memref<4x1024xi32, #tpu.memory_space<hbm>>
        tpu.wait_dma2 semaphore(%arg17 : memref<!tpu.dma_semaphore, #tpu.memory_space<semaphore_mem>>) src(%arg13 : memref<4x1024xi32, #tpu.memory_space<vmem>>) dst(%dma_wait3A_280 : memref<4x1024xi32, #tpu.memory_space<hbm>>)
      } else {
      }
      %scan3A_209 = arith.constant 0 : i32
      %scan3A_210 = arith.constant 0 : i32
      %scan3A_211 = arith.constant 32 : i32
      %scan3A_212 = arith.addi %scan3A_210, %scan3A_211 : i32
      %scan3A_213 = arith.constant 1 : i32
      %scan3A_214 = scf.for %scan3A_265 = %scan3A_210 to %scan3A_212 step %scan3A_213 iter_args(%scan3A_266 = %scan3A_209) -> (i32)  : i32 {
        %get3A = arith.index_cast %scan3A_265 : i32 to index
        %get3A_267 = arith.constant 0 : index
        %get3A_268 = tpu.vector_load %arg7[%get3A, %get3A_267] {strides = array<i32>} : memref<32x128xf32, #tpu.memory_space<vmem>>, vector<1x16xf32>,
        %get3A_269 = vector.shape_cast %get3A_268 : vector<1x16xf32> to vector<16xf32>
        %lt3A_270 = arith.constant 0 : i32
        %lt3A_271 = vector.broadcast %lt3A_270 : i32 to vector<16xi32>
        %lt3A_272 = arith.cmpi slt, %add3A_7, %lt3A_271 : vector<16xi32>
        %add3A_273 = arith.constant 16 : i32
        %add3A_274 = vector.broadcast %add3A_273 : i32 to vector<16xi32>
        %add3A_275 = arith.addi %add3A_7, %add3A_274 : vector<16xi32>
        %select_n3A = arith.select %lt3A_272, %add3A_275, %add3A_7 : vector<16xi1>, vector<16xi32>
        %broadcast_in_dim3A = vector.shape_cast %select_n3A : vector<16xi32> to vector<16x1xi32>
        %gather3A = vector.shape_cast %broadcast_in_dim3A : vector<16x1xi32> to vector<16xi32>
        %gather3A_276 = tpu.dynamic_gather %get3A_269[%gather3A] in [0] : vector<16xf32>, vector<16xi32> -> vector<16xf32>
        %swap3A = arith.index_cast %scan3A_265 : i32 to index
        %swap3A_277 = arith.constant 0 : index
        %swap3A_278 = tpu.vector_load %arg11[%swap3A, %swap3A_277] {strides = array<i32>} : memref<32x1024xf32, #tpu.memory_space<vmem>>, vector<1x16xf32>,
        %swap3A_279 = vector.shape_cast %swap3A_278 : vector<1x16xf32> to vector<16xf32>
        %swap3A_280 = vector.shape_cast %gather3A_276 : vector<16xf32> to vector<1x16xf32>
        tpu.vector_store %arg11[%swap3A, %swap3A_277], %swap3A_280 {strides = array<i32>} : memref<32x1024xf32, #tpu.memory_space<vmem>>, vector<1x16xf32>,
        %lt3A_281 = arith.constant 0 : i32
        %lt3A_282 = vector.broadcast %lt3A_281 : i32 to vector<16xi32>
        %lt3A_283 = arith.cmpi slt, %add3A_13, %lt3A_282 : vector<16xi32>
        %add3A_284 = arith.constant 16 : i32
        %add3A_285 = vector.broadcast %add3A_284 : i32 to vector<16xi32>
        %add3A_286 = arith.addi %add3A_13, %add3A_285 : vector<16xi32>
        %select_n3A_287 = arith.select %lt3A_283, %add3A_286, %add3A_13 : vector<16xi1>, vector<16xi32>
        %broadcast_in_dim3A_288 = vector.shape_cast %select_n3A_287 : vector<16xi32> to vector<16x1xi32>
        %gather3A_289 = vector.shape_cast %broadcast_in_dim3A_288 : vector<16x1xi32> to vector<16xi32>
        %gather3A_290 = tpu.dynamic_gather %get3A_269[%gather3A_289] in [0] : vector<16xf32>, vector<16xi32> -> vector<16xf32>
        %swap3A_291 = arith.index_cast %scan3A_265 : i32 to index
        %swap3A_292 = arith.constant 16 : index
        %swap3A_293 = tpu.vector_load %arg11[%swap3A_291, %swap3A_292] {strides = array<i32>} : memref<32x1024xf32, #tpu.memory_space<vmem>>, vector<1x16xf32>,
        %swap3A_294 = vector.shape_cast %swap3A_293 : vector<1x16xf32> to vector<16xf32>
        %swap3A_295 = vector.shape_cast %gather3A_290 : vector<16xf32> to vector<1x16xf32>
        tpu.vector_store %arg11[%swap3A_291, %swap3A_292], %swap3A_295 {strides = array<i32>} : memref<32x1024xf32, #tpu.memory_space<vmem>>, vector<1x16xf32>,
        %lt3A_296 = arith.constant 0 : i32
        %lt3A_297 = vector.broadcast %lt3A_296 : i32 to vector<16xi32>
        %lt3A_298 = arith.cmpi slt, %add3A_19, %lt3A_297 : vector<16xi32>
        %add3A_299 = arith.constant 16 : i32
        %add3A_300 = vector.broadcast %add3A_299 : i32 to vector<16xi32>
        %add3A_301 = arith.addi %add3A_19, %add3A_300 : vector<16xi32>
        %select_n3A_302 = arith.select %lt3A_298, %add3A_301, %add3A_19 : vector<16xi1>, vector<16xi32>
        %broadcast_in_dim3A_303 = vector.shape_cast %select_n3A_302 : vector<16xi32> to vector<16x1xi32>
        %gather3A_304 = vector.shape_cast %broadcast_in_dim3A_303 : vector<16x1xi32> to vector<16xi32>
        %gather3A_305 = tpu.dynamic_gather %get3A_269[%gather3A_304] in [0] : vector<16xf32>, vector<16xi32> -> vector<16xf32>
        %swap3A_306 = arith.index_cast %scan3A_265 : i32 to index
        %swap3A_307 = arith.constant 32 : index
        %swap3A_308 = tpu.vector_load %arg11[%swap3A_306, %swap3A_307] {strides = array<i32>} : memref<32x1024xf32, #tpu.memory_space<vmem>>, vector<1x16xf32>,
        %swap3A_309 = vector.shape_cast %swap3A_308 : vector<1x16xf32> to vector<16xf32>
        %swap3A_310 = vector.shape_cast %gather3A_305 : vector<16xf32> to vector<1x16xf32>
        tpu.vector_store %arg11[%swap3A_306, %swap3A_307], %swap3A_310 {strides = array<i32>} : memref<32x1024xf32, #tpu.memory_space<vmem>>, vector<1x16xf32>,
        %lt3A_311 = arith.constant 0 : i32
        %lt3A_312 = vector.broadcast %lt3A_311 : i32 to vector<16xi32>
        %lt3A_313 = arith.cmpi slt, %add3A_25, %lt3A_312 : vector<16xi32>
        %add3A_314 = arith.constant 16 : i32
        %add3A_315 = vector.broadcast %add3A_314 : i32 to vector<16xi32>
        %add3A_316 = arith.addi %add3A_25, %add3A_315 : vector<16xi32>
        %select_n3A_317 = arith.select %lt3A_313, %add3A_316, %add3A_25 : vector<16xi1>, vector<16xi32>
        %broadcast_in_dim3A_318 = vector.shape_cast %select_n3A_317 : vector<16xi32> to vector<16x1xi32>
        %gather3A_319 = vector.shape_cast %broadcast_in_dim3A_318 : vector<16x1xi32> to vector<16xi32>
        %gather3A_320 = tpu.dynamic_gather %get3A_269[%gather3A_319] in [0] : vector<16xf32>, vector<16xi32> -> vector<16xf32>
        %swap3A_321 = arith.index_cast %scan3A_265 : i32 to index
        %swap3A_322 = arith.constant 48 : index
        %swap3A_323 = tpu.vector_load %arg11[%swap3A_321, %swap3A_322] {strides = array<i32>} : memref<32x1024xf32, #tpu.memory_space<vmem>>, vector<1x16xf32>,
        %swap3A_324 = vector.shape_cast %swap3A_323 : vector<1x16xf32> to vector<16xf32>
        %swap3A_325 = vector.shape_cast %gather3A_320 : vector<16xf32> to vector<1x16xf32>
        tpu.vector_store %arg11[%swap3A_321, %swap3A_322], %swap3A_325 {strides = array<i32>} : memref<32x1024xf32, #tpu.memory_space<vmem>>, vector<1x16xf32>,
        %lt3A_326 = arith.constant 0 : i32
        %lt3A_327 = vector.broadcast %lt3A_326 : i32 to vector<16xi32>
        %lt3A_328 = arith.cmpi slt, %add3A_31, %lt3A_327 : vector<16xi32>
        %add3A_329 = arith.constant 16 : i32
        %add3A_330 = vector.broadcast %add3A_329 : i32 to vector<16xi32>
        %add3A_331 = arith.addi %add3A_31, %add3A_330 : vector<16xi32>
        %select_n3A_332 = arith.select %lt3A_328, %add3A_331, %add3A_31 : vector<16xi1>, vector<16xi32>
        %broadcast_in_dim3A_333 = vector.shape_cast %select_n3A_332 : vector<16xi32> to vector<16x1xi32>
        %gather3A_334 = vector.shape_cast %broadcast_in_dim3A_333 : vector<16x1xi32> to vector<16xi32>
        %gather3A_335 = tpu.dynamic_gather %get3A_269[%gather3A_334] in [0] : vector<16xf32>, vector<16xi32> -> vector<16xf32>
        %swap3A_336 = arith.index_cast %scan3A_265 : i32 to index
        %swap3A_337 = arith.constant 64 : index
        %swap3A_338 = tpu.vector_load %arg11[%swap3A_336, %swap3A_337] {strides = array<i32>} : memref<32x1024xf32, #tpu.memory_space<vmem>>, vector<1x16xf32>,
        %swap3A_339 = vector.shape_cast %swap3A_338 : vector<1x16xf32> to vector<16xf32>
        %swap3A_340 = vector.shape_cast %gather3A_335 : vector<16xf32> to vector<1x16xf32>
        tpu.vector_store %arg11[%swap3A_336, %swap3A_337], %swap3A_340 {strides = array<i32>} : memref<32x1024xf32, #tpu.memory_space<vmem>>, vector<1x16xf32>,
        %lt3A_341 = arith.constant 0 : i32
        %lt3A_342 = vector.broadcast %lt3A_341 : i32 to vector<16xi32>
        %lt3A_343 = arith.cmpi slt, %add3A_37, %lt3A_342 : vector<16xi32>
        %add3A_344 = arith.constant 16 : i32
        %add3A_345 = vector.broadcast %add3A_344 : i32 to vector<16xi32>
        %add3A_346 = arith.addi %add3A_37, %add3A_345 : vector<16xi32>
        %select_n3A_347 = arith.select %lt3A_343, %add3A_346, %add3A_37 : vector<16xi1>, vector<16xi32>
        %broadcast_in_dim3A_348 = vector.shape_cast %select_n3A_347 : vector<16xi32> to vector<16x1xi32>
        %gather3A_349 = vector.shape_cast %broadcast_in_dim3A_348 : vector<16x1xi32> to vector<16xi32>
        %gather3A_350 = tpu.dynamic_gather %get3A_269[%gather3A_349] in [0] : vector<16xf32>, vector<16xi32> -> vector<16xf32>
        %swap3A_351 = arith.index_cast %scan3A_265 : i32 to index
        %swap3A_352 = arith.constant 80 : index
        %swap3A_353 = tpu.vector_load %arg11[%swap3A_351, %swap3A_352] {strides = array<i32>} : memref<32x1024xf32, #tpu.memory_space<vmem>>, vector<1x16xf32>,
        %swap3A_354 = vector.shape_cast %swap3A_353 : vector<1x16xf32> to vector<16xf32>
        %swap3A_355 = vector.shape_cast %gather3A_350 : vector<16xf32> to vector<1x16xf32>
        tpu.vector_store %arg11[%swap3A_351, %swap3A_352], %swap3A_355 {strides = array<i32>} : memref<32x1024xf32, #tpu.memory_space<vmem>>, vector<1x16xf32>,
        %lt3A_356 = arith.constant 0 : i32
        %lt3A_357 = vector.broadcast %lt3A_356 : i32 to vector<16xi32>
        %lt3A_358 = arith.cmpi slt, %add3A_43, %lt3A_357 : vector<16xi32>
        %add3A_359 = arith.constant 16 : i32
        %add3A_360 = vector.broadcast %add3A_359 : i32 to vector<16xi32>
        %add3A_361 = arith.addi %add3A_43, %add3A_360 : vector<16xi32>
        %select_n3A_362 = arith.select %lt3A_358, %add3A_361, %add3A_43 : vector<16xi1>, vector<16xi32>
        %broadcast_in_dim3A_363 = vector.shape_cast %select_n3A_362 : vector<16xi32> to vector<16x1xi32>
        %gather3A_364 = vector.shape_cast %broadcast_in_dim3A_363 : vector<16x1xi32> to vector<16xi32>
        %gather3A_365 = tpu.dynamic_gather %get3A_269[%gather3A_364] in [0] : vector<16xf32>, vector<16xi32> -> vector<16xf32>
        %swap3A_366 = arith.index_cast %scan3A_265 : i32 to index
        %swap3A_367 = arith.constant 96 : index
        %swap3A_368 = tpu.vector_load %arg11[%swap3A_366, %swap3A_367] {strides = array<i32>} : memref<32x1024xf32, #tpu.memory_space<vmem>>, vector<1x16xf32>,
        %swap3A_369 = vector.shape_cast %swap3A_368 : vector<1x16xf32> to vector<16xf32>
        %swap3A_370 = vector.shape_cast %gather3A_365 : vector<16xf32> to vector<1x16xf32>
        tpu.vector_store %arg11[%swap3A_366, %swap3A_367], %swap3A_370 {strides = array<i32>} : memref<32x1024xf32, #tpu.memory_space<vmem>>, vector<1x16xf32>,
        %lt3A_371 = arith.constant 0 : i32
        %lt3A_372 = vector.broadcast %lt3A_371 : i32 to vector<16xi32>
        %lt3A_373 = arith.cmpi slt, %add3A_49, %lt3A_372 : vector<16xi32>
        %add3A_374 = arith.constant 16 : i32
        %add3A_375 = vector.broadcast %add3A_374 : i32 to vector<16xi32>
        %add3A_376 = arith.addi %add3A_49, %add3A_375 : vector<16xi32>
        %select_n3A_377 = arith.select %lt3A_373, %add3A_376, %add3A_49 : vector<16xi1>, vector<16xi32>
        %broadcast_in_dim3A_378 = vector.shape_cast %select_n3A_377 : vector<16xi32> to vector<16x1xi32>
        %gather3A_379 = vector.shape_cast %broadcast_in_dim3A_378 : vector<16x1xi32> to vector<16xi32>
        %gather3A_380 = tpu.dynamic_gather %get3A_269[%gather3A_379] in [0] : vector<16xf32>, vector<16xi32> -> vector<16xf32>
        %swap3A_381 = arith.index_cast %scan3A_265 : i32 to index
        %swap3A_382 = arith.constant 112 : index
        %swap3A_383 = tpu.vector_load %arg11[%swap3A_381, %swap3A_382] {strides = array<i32>} : memref<32x1024xf32, #tpu.memory_space<vmem>>, vector<1x16xf32>,
        %swap3A_384 = vector.shape_cast %swap3A_383 : vector<1x16xf32> to vector<16xf32>
        %swap3A_385 = vector.shape_cast %gather3A_380 : vector<16xf32> to vector<1x16xf32>
        tpu.vector_store %arg11[%swap3A_381, %swap3A_382], %swap3A_385 {strides = array<i32>} : memref<32x1024xf32, #tpu.memory_space<vmem>>, vector<1x16xf32>,
        %get3A_386 = arith.index_cast %scan3A_265 : i32 to index
        %get3A_387 = arith.constant 16 : index
        %get3A_388 = tpu.vector_load %arg7[%get3A_386, %get3A_387] {strides = array<i32>} : memref<32x128xf32, #tpu.memory_space<vmem>>, vector<1x16xf32>,
        %get3A_389 = vector.shape_cast %get3A_388 : vector<1x16xf32> to vector<16xf32>
        %lt3A_390 = arith.constant 0 : i32
        %lt3A_391 = vector.broadcast %lt3A_390 : i32 to vector<16xi32>
        %lt3A_392 = arith.cmpi slt, %add3A_7, %lt3A_391 : vector<16xi32>
        %add3A_393 = arith.constant 16 : i32
        %add3A_394 = vector.broadcast %add3A_393 : i32 to vector<16xi32>
        %add3A_395 = arith.addi %add3A_7, %add3A_394 : vector<16xi32>
        %select_n3A_396 = arith.select %lt3A_392, %add3A_395, %add3A_7 : vector<16xi1>, vector<16xi32>
        %broadcast_in_dim3A_397 = vector.shape_cast %select_n3A_396 : vector<16xi32> to vector<16x1xi32>
        %gather3A_398 = vector.shape_cast %broadcast_in_dim3A_397 : vector<16x1xi32> to vector<16xi32>
        %gather3A_399 = tpu.dynamic_gather %get3A_389[%gather3A_398] in [0] : vector<16xf32>, vector<16xi32> -> vector<16xf32>
        %swap3A_400 = arith.index_cast %scan3A_265 : i32 to index
        %swap3A_401 = arith.constant 128 : index
        %swap3A_402 = tpu.vector_load %arg11[%swap3A_400, %swap3A_401] {strides = array<i32>} : memref<32x1024xf32, #tpu.memory_space<vmem>>, vector<1x16xf32>,
        %swap3A_403 = vector.shape_cast %swap3A_402 : vector<1x16xf32> to vector<16xf32>
        %swap3A_404 = vector.shape_cast %gather3A_399 : vector<16xf32> to vector<1x16xf32>
        tpu.vector_store %arg11[%swap3A_400, %swap3A_401], %swap3A_404 {strides = array<i32>} : memref<32x1024xf32, #tpu.memory_space<vmem>>, vector<1x16xf32>,
        %lt3A_405 = arith.constant 0 : i32
        %lt3A_406 = vector.broadcast %lt3A_405 : i32 to vector<16xi32>
        %lt3A_407 = arith.cmpi slt, %add3A_13, %lt3A_406 : vector<16xi32>
        %add3A_408 = arith.constant 16 : i32
        %add3A_409 = vector.broadcast %add3A_408 : i32 to vector<16xi32>
        %add3A_410 = arith.addi %add3A_13, %add3A_409 : vector<16xi32>
        %select_n3A_411 = arith.select %lt3A_407, %add3A_410, %add3A_13 : vector<16xi1>, vector<16xi32>
        %broadcast_in_dim3A_412 = vector.shape_cast %select_n3A_411 : vector<16xi32> to vector<16x1xi32>
        %gather3A_413 = vector.shape_cast %broadcast_in_dim3A_412 : vector<16x1xi32> to vector<16xi32>
        %gather3A_414 = tpu.dynamic_gather %get3A_389[%gather3A_413] in [0] : vector<16xf32>, vector<16xi32> -> vector<16xf32>
        %swap3A_415 = arith.index_cast %scan3A_265 : i32 to index
        %swap3A_416 = arith.constant 144 : index
        %swap3A_417 = tpu.vector_load %arg11[%swap3A_415, %swap3A_416] {strides = array<i32>} : memref<32x1024xf32, #tpu.memory_space<vmem>>, vector<1x16xf32>,
        %swap3A_418 = vector.shape_cast %swap3A_417 : vector<1x16xf32> to vector<16xf32>
        %swap3A_419 = vector.shape_cast %gather3A_414 : vector<16xf32> to vector<1x16xf32>
        tpu.vector_store %arg11[%swap3A_415, %swap3A_416], %swap3A_419 {strides = array<i32>} : memref<32x1024xf32, #tpu.memory_space<vmem>>, vector<1x16xf32>,
        %lt3A_420 = arith.constant 0 : i32
        %lt3A_421 = vector.broadcast %lt3A_420 : i32 to vector<16xi32>
        %lt3A_422 = arith.cmpi slt, %add3A_19, %lt3A_421 : vector<16xi32>
        %add3A_423 = arith.constant 16 : i32
        %add3A_424 = vector.broadcast %add3A_423 : i32 to vector<16xi32>
        %add3A_425 = arith.addi %add3A_19, %add3A_424 : vector<16xi32>
        %select_n3A_426 = arith.select %lt3A_422, %add3A_425, %add3A_19 : vector<16xi1>, vector<16xi32>
        %broadcast_in_dim3A_427 = vector.shape_cast %select_n3A_426 : vector<16xi32> to vector<16x1xi32>
        %gather3A_428 = vector.shape_cast %broadcast_in_dim3A_427 : vector<16x1xi32> to vector<16xi32>
        %gather3A_429 = tpu.dynamic_gather %get3A_389[%gather3A_428] in [0] : vector<16xf32>, vector<16xi32> -> vector<16xf32>
        %swap3A_430 = arith.index_cast %scan3A_265 : i32 to index
        %swap3A_431 = arith.constant 160 : index
        %swap3A_432 = tpu.vector_load %arg11[%swap3A_430, %swap3A_431] {strides = array<i32>} : memref<32x1024xf32, #tpu.memory_space<vmem>>, vector<1x16xf32>,
        %swap3A_433 = vector.shape_cast %swap3A_432 : vector<1x16xf32> to vector<16xf32>
        %swap3A_434 = vector.shape_cast %gather3A_429 : vector<16xf32> to vector<1x16xf32>
        tpu.vector_store %arg11[%swap3A_430, %swap3A_431], %swap3A_434 {strides = array<i32>} : memref<32x1024xf32, #tpu.memory_space<vmem>>, vector<1x16xf32>,
        %lt3A_435 = arith.constant 0 : i32
        %lt3A_436 = vector.broadcast %lt3A_435 : i32 to vector<16xi32>
        %lt3A_437 = arith.cmpi slt, %add3A_25, %lt3A_436 : vector<16xi32>
        %add3A_438 = arith.constant 16 : i32
        %add3A_439 = vector.broadcast %add3A_438 : i32 to vector<16xi32>
        %add3A_440 = arith.addi %add3A_25, %add3A_439 : vector<16xi32>
        %select_n3A_441 = arith.select %lt3A_437, %add3A_440, %add3A_25 : vector<16xi1>, vector<16xi32>
        %broadcast_in_dim3A_442 = vector.shape_cast %select_n3A_441 : vector<16xi32> to vector<16x1xi32>
        %gather3A_443 = vector.shape_cast %broadcast_in_dim3A_442 : vector<16x1xi32> to vector<16xi32>
        %gather3A_444 = tpu.dynamic_gather %get3A_389[%gather3A_443] in [0] : vector<16xf32>, vector<16xi32> -> vector<16xf32>
        %swap3A_445 = arith.index_cast %scan3A_265 : i32 to index
        %swap3A_446 = arith.constant 176 : index
        %swap3A_447 = tpu.vector_load %arg11[%swap3A_445, %swap3A_446] {strides = array<i32>} : memref<32x1024xf32, #tpu.memory_space<vmem>>, vector<1x16xf32>,
        %swap3A_448 = vector.shape_cast %swap3A_447 : vector<1x16xf32> to vector<16xf32>
        %swap3A_449 = vector.shape_cast %gather3A_444 : vector<16xf32> to vector<1x16xf32>
        tpu.vector_store %arg11[%swap3A_445, %swap3A_446], %swap3A_449 {strides = array<i32>} : memref<32x1024xf32, #tpu.memory_space<vmem>>, vector<1x16xf32>,
        %lt3A_450 = arith.constant 0 : i32
        %lt3A_451 = vector.broadcast %lt3A_450 : i32 to vector<16xi32>
        %lt3A_452 = arith.cmpi slt, %add3A_31, %lt3A_451 : vector<16xi32>
        %add3A_453 = arith.constant 16 : i32
        %add3A_454 = vector.broadcast %add3A_453 : i32 to vector<16xi32>
        %add3A_455 = arith.addi %add3A_31, %add3A_454 : vector<16xi32>
        %select_n3A_456 = arith.select %lt3A_452, %add3A_455, %add3A_31 : vector<16xi1>, vector<16xi32>
        %broadcast_in_dim3A_457 = vector.shape_cast %select_n3A_456 : vector<16xi32> to vector<16x1xi32>
        %gather3A_458 = vector.shape_cast %broadcast_in_dim3A_457 : vector<16x1xi32> to vector<16xi32>
        %gather3A_459 = tpu.dynamic_gather %get3A_389[%gather3A_458] in [0] : vector<16xf32>, vector<16xi32> -> vector<16xf32>
        %swap3A_460 = arith.index_cast %scan3A_265 : i32 to index
        %swap3A_461 = arith.constant 192 : index
        %swap3A_462 = tpu.vector_load %arg11[%swap3A_460, %swap3A_461] {strides = array<i32>} : memref<32x1024xf32, #tpu.memory_space<vmem>>, vector<1x16xf32>,
        %swap3A_463 = vector.shape_cast %swap3A_462 : vector<1x16xf32> to vector<16xf32>
        %swap3A_464 = vector.shape_cast %gather3A_459 : vector<16xf32> to vector<1x16xf32>
        tpu.vector_store %arg11[%swap3A_460, %swap3A_461], %swap3A_464 {strides = array<i32>} : memref<32x1024xf32, #tpu.memory_space<vmem>>, vector<1x16xf32>,
        %lt3A_465 = arith.constant 0 : i32
        %lt3A_466 = vector.broadcast %lt3A_465 : i32 to vector<16xi32>
        %lt3A_467 = arith.cmpi slt, %add3A_37, %lt3A_466 : vector<16xi32>
        %add3A_468 = arith.constant 16 : i32
        %add3A_469 = vector.broadcast %add3A_468 : i32 to vector<16xi32>
        %add3A_470 = arith.addi %add3A_37, %add3A_469 : vector<16xi32>
        %select_n3A_471 = arith.select %lt3A_467, %add3A_470, %add3A_37 : vector<16xi1>, vector<16xi32>
        %broadcast_in_dim3A_472 = vector.shape_cast %select_n3A_471 : vector<16xi32> to vector<16x1xi32>
        %gather3A_473 = vector.shape_cast %broadcast_in_dim3A_472 : vector<16x1xi32> to vector<16xi32>
        %gather3A_474 = tpu.dynamic_gather %get3A_389[%gather3A_473] in [0] : vector<16xf32>, vector<16xi32> -> vector<16xf32>
        %swap3A_475 = arith.index_cast %scan3A_265 : i32 to index
        %swap3A_476 = arith.constant 208 : index
        %swap3A_477 = tpu.vector_load %arg11[%swap3A_475, %swap3A_476] {strides = array<i32>} : memref<32x1024xf32, #tpu.memory_space<vmem>>, vector<1x16xf32>,
        %swap3A_478 = vector.shape_cast %swap3A_477 : vector<1x16xf32> to vector<16xf32>
        %swap3A_479 = vector.shape_cast %gather3A_474 : vector<16xf32> to vector<1x16xf32>
        tpu.vector_store %arg11[%swap3A_475, %swap3A_476], %swap3A_479 {strides = array<i32>} : memref<32x1024xf32, #tpu.memory_space<vmem>>, vector<1x16xf32>,
        %lt3A_480 = arith.constant 0 : i32
        %lt3A_481 = vector.broadcast %lt3A_480 : i32 to vector<16xi32>
        %lt3A_482 = arith.cmpi slt, %add3A_43, %lt3A_481 : vector<16xi32>
        %add3A_483 = arith.constant 16 : i32
        %add3A_484 = vector.broadcast %add3A_483 : i32 to vector<16xi32>
        %add3A_485 = arith.addi %add3A_43, %add3A_484 : vector<16xi32>
        %select_n3A_486 = arith.select %lt3A_482, %add3A_485, %add3A_43 : vector<16xi1>, vector<16xi32>
        %broadcast_in_dim3A_487 = vector.shape_cast %select_n3A_486 : vector<16xi32> to vector<16x1xi32>
        %gather3A_488 = vector.shape_cast %broadcast_in_dim3A_487 : vector<16x1xi32> to vector<16xi32>
        %gather3A_489 = tpu.dynamic_gather %get3A_389[%gather3A_488] in [0] : vector<16xf32>, vector<16xi32> -> vector<16xf32>
        %swap3A_490 = arith.index_cast %scan3A_265 : i32 to index
        %swap3A_491 = arith.constant 224 : index
        %swap3A_492 = tpu.vector_load %arg11[%swap3A_490, %swap3A_491] {strides = array<i32>} : memref<32x1024xf32, #tpu.memory_space<vmem>>, vector<1x16xf32>,
        %swap3A_493 = vector.shape_cast %swap3A_492 : vector<1x16xf32> to vector<16xf32>
        %swap3A_494 = vector.shape_cast %gather3A_489 : vector<16xf32> to vector<1x16xf32>
        tpu.vector_store %arg11[%swap3A_490, %swap3A_491], %swap3A_494 {strides = array<i32>} : memref<32x1024xf32, #tpu.memory_space<vmem>>, vector<1x16xf32>,
        %lt3A_495 = arith.constant 0 : i32
        %lt3A_496 = vector.broadcast %lt3A_495 : i32 to vector<16xi32>
        %lt3A_497 = arith.cmpi slt, %add3A_49, %lt3A_496 : vector<16xi32>
        %add3A_498 = arith.constant 16 : i32
        %add3A_499 = vector.broadcast %add3A_498 : i32 to vector<16xi32>
        %add3A_500 = arith.addi %add3A_49, %add3A_499 : vector<16xi32>
        %select_n3A_501 = arith.select %lt3A_497, %add3A_500, %add3A_49 : vector<16xi1>, vector<16xi32>
        %broadcast_in_dim3A_502 = vector.shape_cast %select_n3A_501 : vector<16xi32> to vector<16x1xi32>
        %gather3A_503 = vector.shape_cast %broadcast_in_dim3A_502 : vector<16x1xi32> to vector<16xi32>
        %gather3A_504 = tpu.dynamic_gather %get3A_389[%gather3A_503] in [0] : vector<16xf32>, vector<16xi32> -> vector<16xf32>
        %swap3A_505 = arith.index_cast %scan3A_265 : i32 to index
        %swap3A_506 = arith.constant 240 : index
        %swap3A_507 = tpu.vector_load %arg11[%swap3A_505, %swap3A_506] {strides = array<i32>} : memref<32x1024xf32, #tpu.memory_space<vmem>>, vector<1x16xf32>,
        %swap3A_508 = vector.shape_cast %swap3A_507 : vector<1x16xf32> to vector<16xf32>
        %swap3A_509 = vector.shape_cast %gather3A_504 : vector<16xf32> to vector<1x16xf32>
        tpu.vector_store %arg11[%swap3A_505, %swap3A_506], %swap3A_509 {strides = array<i32>} : memref<32x1024xf32, #tpu.memory_space<vmem>>, vector<1x16xf32>,
        %get3A_510 = arith.index_cast %scan3A_265 : i32 to index
        %get3A_511 = arith.constant 32 : index
        %get3A_512 = tpu.vector_load %arg7[%get3A_510, %get3A_511] {strides = array<i32>} : memref<32x128xf32, #tpu.memory_space<vmem>>, vector<1x16xf32>,
        %get3A_513 = vector.shape_cast %get3A_512 : vector<1x16xf32> to vector<16xf32>
        %lt3A_514 = arith.constant 0 : i32
        %lt3A_515 = vector.broadcast %lt3A_514 : i32 to vector<16xi32>
        %lt3A_516 = arith.cmpi slt, %add3A_7, %lt3A_515 : vector<16xi32>
        %add3A_517 = arith.constant 16 : i32
        %add3A_518 = vector.broadcast %add3A_517 : i32 to vector<16xi32>
        %add3A_519 = arith.addi %add3A_7, %add3A_518 : vector<16xi32>
        %select_n3A_520 = arith.select %lt3A_516, %add3A_519, %add3A_7 : vector<16xi1>, vector<16xi32>
        %broadcast_in_dim3A_521 = vector.shape_cast %select_n3A_520 : vector<16xi32> to vector<16x1xi32>
        %gather3A_522 = vector.shape_cast %broadcast_in_dim3A_521 : vector<16x1xi32> to vector<16xi32>
        %gather3A_523 = tpu.dynamic_gather %get3A_513[%gather3A_522] in [0] : vector<16xf32>, vector<16xi32> -> vector<16xf32>
        %swap3A_524 = arith.index_cast %scan3A_265 : i32 to index
        %swap3A_525 = arith.constant 256 : index
        %swap3A_526 = tpu.vector_load %arg11[%swap3A_524, %swap3A_525] {strides = array<i32>} : memref<32x1024xf32, #tpu.memory_space<vmem>>, vector<1x16xf32>,
        %swap3A_527 = vector.shape_cast %swap3A_526 : vector<1x16xf32> to vector<16xf32>
        %swap3A_528 = vector.shape_cast %gather3A_523 : vector<16xf32> to vector<1x16xf32>
        tpu.vector_store %arg11[%swap3A_524, %swap3A_525], %swap3A_528 {strides = array<i32>} : memref<32x1024xf32, #tpu.memory_space<vmem>>, vector<1x16xf32>,
        %lt3A_529 = arith.constant 0 : i32
        %lt3A_530 = vector.broadcast %lt3A_529 : i32 to vector<16xi32>
        %lt3A_531 = arith.cmpi slt, %add3A_13, %lt3A_530 : vector<16xi32>
        %add3A_532 = arith.constant 16 : i32
        %add3A_533 = vector.broadcast %add3A_532 : i32 to vector<16xi32>
        %add3A_534 = arith.addi %add3A_13, %add3A_533 : vector<16xi32>
        %select_n3A_535 = arith.select %lt3A_531, %add3A_534, %add3A_13 : vector<16xi1>, vector<16xi32>
        %broadcast_in_dim3A_536 = vector.shape_cast %select_n3A_535 : vector<16xi32> to vector<16x1xi32>
        %gather3A_537 = vector.shape_cast %broadcast_in_dim3A_536 : vector<16x1xi32> to vector<16xi32>
        %gather3A_538 = tpu.dynamic_gather %get3A_513[%gather3A_537] in [0] : vector<16xf32>, vector<16xi32> -> vector<16xf32>
        %swap3A_539 = arith.index_cast %scan3A_265 : i32 to index
        %swap3A_540 = arith.constant 272 : index
        %swap3A_541 = tpu.vector_load %arg11[%swap3A_539, %swap3A_540] {strides = array<i32>} : memref<32x1024xf32, #tpu.memory_space<vmem>>, vector<1x16xf32>,
        %swap3A_542 = vector.shape_cast %swap3A_541 : vector<1x16xf32> to vector<16xf32>
        %swap3A_543 = vector.shape_cast %gather3A_538 : vector<16xf32> to vector<1x16xf32>
        tpu.vector_store %arg11[%swap3A_539, %swap3A_540], %swap3A_543 {strides = array<i32>} : memref<32x1024xf32, #tpu.memory_space<vmem>>, vector<1x16xf32>,
        %lt3A_544 = arith.constant 0 : i32
        %lt3A_545 = vector.broadcast %lt3A_544 : i32 to vector<16xi32>
        %lt3A_546 = arith.cmpi slt, %add3A_19, %lt3A_545 : vector<16xi32>
        %add3A_547 = arith.constant 16 : i32
        %add3A_548 = vector.broadcast %add3A_547 : i32 to vector<16xi32>
        %add3A_549 = arith.addi %add3A_19, %add3A_548 : vector<16xi32>
        %select_n3A_550 = arith.select %lt3A_546, %add3A_549, %add3A_19 : vector<16xi1>, vector<16xi32>
        %broadcast_in_dim3A_551 = vector.shape_cast %select_n3A_550 : vector<16xi32> to vector<16x1xi32>
        %gather3A_552 = vector.shape_cast %broadcast_in_dim3A_551 : vector<16x1xi32> to vector<16xi32>
        %gather3A_553 = tpu.dynamic_gather %get3A_513[%gather3A_552] in [0] : vector<16xf32>, vector<16xi32> -> vector<16xf32>
        %swap3A_554 = arith.index_cast %scan3A_265 : i32 to index
        %swap3A_555 = arith.constant 288 : index
        %swap3A_556 = tpu.vector_load %arg11[%swap3A_554, %swap3A_555] {strides = array<i32>} : memref<32x1024xf32, #tpu.memory_space<vmem>>, vector<1x16xf32>,
        %swap3A_557 = vector.shape_cast %swap3A_556 : vector<1x16xf32> to vector<16xf32>
        %swap3A_558 = vector.shape_cast %gather3A_553 : vector<16xf32> to vector<1x16xf32>
        tpu.vector_store %arg11[%swap3A_554, %swap3A_555], %swap3A_558 {strides = array<i32>} : memref<32x1024xf32, #tpu.memory_space<vmem>>, vector<1x16xf32>,
        %lt3A_559 = arith.constant 0 : i32
        %lt3A_560 = vector.broadcast %lt3A_559 : i32 to vector<16xi32>
        %lt3A_561 = arith.cmpi slt, %add3A_25, %lt3A_560 : vector<16xi32>
        %add3A_562 = arith.constant 16 : i32
        %add3A_563 = vector.broadcast %add3A_562 : i32 to vector<16xi32>
        %add3A_564 = arith.addi %add3A_25, %add3A_563 : vector<16xi32>
        %select_n3A_565 = arith.select %lt3A_561, %add3A_564, %add3A_25 : vector<16xi1>, vector<16xi32>
        %broadcast_in_dim3A_566 = vector.shape_cast %select_n3A_565 : vector<16xi32> to vector<16x1xi32>
        %gather3A_567 = vector.shape_cast %broadcast_in_dim3A_566 : vector<16x1xi32> to vector<16xi32>
        %gather3A_568 = tpu.dynamic_gather %get3A_513[%gather3A_567] in [0] : vector<16xf32>, vector<16xi32> -> vector<16xf32>
        %swap3A_569 = arith.index_cast %scan3A_265 : i32 to index
        %swap3A_570 = arith.constant 304 : index
        %swap3A_571 = tpu.vector_load %arg11[%swap3A_569, %swap3A_570] {strides = array<i32>} : memref<32x1024xf32, #tpu.memory_space<vmem>>, vector<1x16xf32>,
        %swap3A_572 = vector.shape_cast %swap3A_571 : vector<1x16xf32> to vector<16xf32>
        %swap3A_573 = vector.shape_cast %gather3A_568 : vector<16xf32> to vector<1x16xf32>
        tpu.vector_store %arg11[%swap3A_569, %swap3A_570], %swap3A_573 {strides = array<i32>} : memref<32x1024xf32, #tpu.memory_space<vmem>>, vector<1x16xf32>,
        %lt3A_574 = arith.constant 0 : i32
        %lt3A_575 = vector.broadcast %lt3A_574 : i32 to vector<16xi32>
        %lt3A_576 = arith.cmpi slt, %add3A_31, %lt3A_575 : vector<16xi32>
        %add3A_577 = arith.constant 16 : i32
        %add3A_578 = vector.broadcast %add3A_577 : i32 to vector<16xi32>
        %add3A_579 = arith.addi %add3A_31, %add3A_578 : vector<16xi32>
        %select_n3A_580 = arith.select %lt3A_576, %add3A_579, %add3A_31 : vector<16xi1>, vector<16xi32>
        %broadcast_in_dim3A_581 = vector.shape_cast %select_n3A_580 : vector<16xi32> to vector<16x1xi32>
        %gather3A_582 = vector.shape_cast %broadcast_in_dim3A_581 : vector<16x1xi32> to vector<16xi32>
        %gather3A_583 = tpu.dynamic_gather %get3A_513[%gather3A_582] in [0] : vector<16xf32>, vector<16xi32> -> vector<16xf32>
        %swap3A_584 = arith.index_cast %scan3A_265 : i32 to index
        %swap3A_585 = arith.constant 320 : index
        %swap3A_586 = tpu.vector_load %arg11[%swap3A_584, %swap3A_585] {strides = array<i32>} : memref<32x1024xf32, #tpu.memory_space<vmem>>, vector<1x16xf32>,
        %swap3A_587 = vector.shape_cast %swap3A_586 : vector<1x16xf32> to vector<16xf32>
        %swap3A_588 = vector.shape_cast %gather3A_583 : vector<16xf32> to vector<1x16xf32>
        tpu.vector_store %arg11[%swap3A_584, %swap3A_585], %swap3A_588 {strides = array<i32>} : memref<32x1024xf32, #tpu.memory_space<vmem>>, vector<1x16xf32>,
        %lt3A_589 = arith.constant 0 : i32
        %lt3A_590 = vector.broadcast %lt3A_589 : i32 to vector<16xi32>
        %lt3A_591 = arith.cmpi slt, %add3A_37, %lt3A_590 : vector<16xi32>
        %add3A_592 = arith.constant 16 : i32
        %add3A_593 = vector.broadcast %add3A_592 : i32 to vector<16xi32>
        %add3A_594 = arith.addi %add3A_37, %add3A_593 : vector<16xi32>
        %select_n3A_595 = arith.select %lt3A_591, %add3A_594, %add3A_37 : vector<16xi1>, vector<16xi32>
        %broadcast_in_dim3A_596 = vector.shape_cast %select_n3A_595 : vector<16xi32> to vector<16x1xi32>
        %gather3A_597 = vector.shape_cast %broadcast_in_dim3A_596 : vector<16x1xi32> to vector<16xi32>
        %gather3A_598 = tpu.dynamic_gather %get3A_513[%gather3A_597] in [0] : vector<16xf32>, vector<16xi32> -> vector<16xf32>
        %swap3A_599 = arith.index_cast %scan3A_265 : i32 to index
        %swap3A_600 = arith.constant 336 : index
        %swap3A_601 = tpu.vector_load %arg11[%swap3A_599, %swap3A_600] {strides = array<i32>} : memref<32x1024xf32, #tpu.memory_space<vmem>>, vector<1x16xf32>,
        %swap3A_602 = vector.shape_cast %swap3A_601 : vector<1x16xf32> to vector<16xf32>
        %swap3A_603 = vector.shape_cast %gather3A_598 : vector<16xf32> to vector<1x16xf32>
        tpu.vector_store %arg11[%swap3A_599, %swap3A_600], %swap3A_603 {strides = array<i32>} : memref<32x1024xf32, #tpu.memory_space<vmem>>, vector<1x16xf32>,
        %lt3A_604 = arith.constant 0 : i32
        %lt3A_605 = vector.broadcast %lt3A_604 : i32 to vector<16xi32>
        %lt3A_606 = arith.cmpi slt, %add3A_43, %lt3A_605 : vector<16xi32>
        %add3A_607 = arith.constant 16 : i32
        %add3A_608 = vector.broadcast %add3A_607 : i32 to vector<16xi32>
        %add3A_609 = arith.addi %add3A_43, %add3A_608 : vector<16xi32>
        %select_n3A_610 = arith.select %lt3A_606, %add3A_609, %add3A_43 : vector<16xi1>, vector<16xi32>
        %broadcast_in_dim3A_611 = vector.shape_cast %select_n3A_610 : vector<16xi32> to vector<16x1xi32>
        %gather3A_612 = vector.shape_cast %broadcast_in_dim3A_611 : vector<16x1xi32> to vector<16xi32>
        %gather3A_613 = tpu.dynamic_gather %get3A_513[%gather3A_612] in [0] : vector<16xf32>, vector<16xi32> -> vector<16xf32>
        %swap3A_614 = arith.index_cast %scan3A_265 : i32 to index
        %swap3A_615 = arith.constant 352 : index
        %swap3A_616 = tpu.vector_load %arg11[%swap3A_614, %swap3A_615] {strides = array<i32>} : memref<32x1024xf32, #tpu.memory_space<vmem>>, vector<1x16xf32>,
        %swap3A_617 = vector.shape_cast %swap3A_616 : vector<1x16xf32> to vector<16xf32>
        %swap3A_618 = vector.shape_cast %gather3A_613 : vector<16xf32> to vector<1x16xf32>
        tpu.vector_store %arg11[%swap3A_614, %swap3A_615], %swap3A_618 {strides = array<i32>} : memref<32x1024xf32, #tpu.memory_space<vmem>>, vector<1x16xf32>,
        %lt3A_619 = arith.constant 0 : i32
        %lt3A_620 = vector.broadcast %lt3A_619 : i32 to vector<16xi32>
        %lt3A_621 = arith.cmpi slt, %add3A_49, %lt3A_620 : vector<16xi32>
        %add3A_622 = arith.constant 16 : i32
        %add3A_623 = vector.broadcast %add3A_622 : i32 to vector<16xi32>
        %add3A_624 = arith.addi %add3A_49, %add3A_623 : vector<16xi32>
        %select_n3A_625 = arith.select %lt3A_621, %add3A_624, %add3A_49 : vector<16xi1>, vector<16xi32>
        %broadcast_in_dim3A_626 = vector.shape_cast %select_n3A_625 : vector<16xi32> to vector<16x1xi32>
        %gather3A_627 = vector.shape_cast %broadcast_in_dim3A_626 : vector<16x1xi32> to vector<16xi32>
        %gather3A_628 = tpu.dynamic_gather %get3A_513[%gather3A_627] in [0] : vector<16xf32>, vector<16xi32> -> vector<16xf32>
        %swap3A_629 = arith.index_cast %scan3A_265 : i32 to index
        %swap3A_630 = arith.constant 368 : index
        %swap3A_631 = tpu.vector_load %arg11[%swap3A_629, %swap3A_630] {strides = array<i32>} : memref<32x1024xf32, #tpu.memory_space<vmem>>, vector<1x16xf32>,
        %swap3A_632 = vector.shape_cast %swap3A_631 : vector<1x16xf32> to vector<16xf32>
        %swap3A_633 = vector.shape_cast %gather3A_628 : vector<16xf32> to vector<1x16xf32>
        tpu.vector_store %arg11[%swap3A_629, %swap3A_630], %swap3A_633 {strides = array<i32>} : memref<32x1024xf32, #tpu.memory_space<vmem>>, vector<1x16xf32>,
        %get3A_634 = arith.index_cast %scan3A_265 : i32 to index
        %get3A_635 = arith.constant 48 : index
        %get3A_636 = tpu.vector_load %arg7[%get3A_634, %get3A_635] {strides = array<i32>} : memref<32x128xf32, #tpu.memory_space<vmem>>, vector<1x16xf32>,
        %get3A_637 = vector.shape_cast %get3A_636 : vector<1x16xf32> to vector<16xf32>
        %lt3A_638 = arith.constant 0 : i32
        %lt3A_639 = vector.broadcast %lt3A_638 : i32 to vector<16xi32>
        %lt3A_640 = arith.cmpi slt, %add3A_7, %lt3A_639 : vector<16xi32>
        %add3A_641 = arith.constant 16 : i32
        %add3A_642 = vector.broadcast %add3A_641 : i32 to vector<16xi32>
        %add3A_643 = arith.addi %add3A_7, %add3A_642 : vector<16xi32>
        %select_n3A_644 = arith.select %lt3A_640, %add3A_643, %add3A_7 : vector<16xi1>, vector<16xi32>
        %broadcast_in_dim3A_645 = vector.shape_cast %select_n3A_644 : vector<16xi32> to vector<16x1xi32>
        %gather3A_646 = vector.shape_cast %broadcast_in_dim3A_645 : vector<16x1xi32> to vector<16xi32>
        %gather3A_647 = tpu.dynamic_gather %get3A_637[%gather3A_646] in [0] : vector<16xf32>, vector<16xi32> -> vector<16xf32>
        %swap3A_648 = arith.index_cast %scan3A_265 : i32 to index
        %swap3A_649 = arith.constant 384 : index
        %swap3A_650 = tpu.vector_load %arg11[%swap3A_648, %swap3A_649] {strides = array<i32>} : memref<32x1024xf32, #tpu.memory_space<vmem>>, vector<1x16xf32>,
        %swap3A_651 = vector.shape_cast %swap3A_650 : vector<1x16xf32> to vector<16xf32>
        %swap3A_652 = vector.shape_cast %gather3A_647 : vector<16xf32> to vector<1x16xf32>
        tpu.vector_store %arg11[%swap3A_648, %swap3A_649], %swap3A_652 {strides = array<i32>} : memref<32x1024xf32, #tpu.memory_space<vmem>>, vector<1x16xf32>,
        %lt3A_653 = arith.constant 0 : i32
        %lt3A_654 = vector.broadcast %lt3A_653 : i32 to vector<16xi32>
        %lt3A_655 = arith.cmpi slt, %add3A_13, %lt3A_654 : vector<16xi32>
        %add3A_656 = arith.constant 16 : i32
        %add3A_657 = vector.broadcast %add3A_656 : i32 to vector<16xi32>
        %add3A_658 = arith.addi %add3A_13, %add3A_657 : vector<16xi32>
        %select_n3A_659 = arith.select %lt3A_655, %add3A_658, %add3A_13 : vector<16xi1>, vector<16xi32>
        %broadcast_in_dim3A_660 = vector.shape_cast %select_n3A_659 : vector<16xi32> to vector<16x1xi32>
        %gather3A_661 = vector.shape_cast %broadcast_in_dim3A_660 : vector<16x1xi32> to vector<16xi32>
        %gather3A_662 = tpu.dynamic_gather %get3A_637[%gather3A_661] in [0] : vector<16xf32>, vector<16xi32> -> vector<16xf32>
        %swap3A_663 = arith.index_cast %scan3A_265 : i32 to index
        %swap3A_664 = arith.constant 400 : index
        %swap3A_665 = tpu.vector_load %arg11[%swap3A_663, %swap3A_664] {strides = array<i32>} : memref<32x1024xf32, #tpu.memory_space<vmem>>, vector<1x16xf32>,
        %swap3A_666 = vector.shape_cast %swap3A_665 : vector<1x16xf32> to vector<16xf32>
        %swap3A_667 = vector.shape_cast %gather3A_662 : vector<16xf32> to vector<1x16xf32>
        tpu.vector_store %arg11[%swap3A_663, %swap3A_664], %swap3A_667 {strides = array<i32>} : memref<32x1024xf32, #tpu.memory_space<vmem>>, vector<1x16xf32>,
        %lt3A_668 = arith.constant 0 : i32
        %lt3A_669 = vector.broadcast %lt3A_668 : i32 to vector<16xi32>
        %lt3A_670 = arith.cmpi slt, %add3A_19, %lt3A_669 : vector<16xi32>
        %add3A_671 = arith.constant 16 : i32
        %add3A_672 = vector.broadcast %add3A_671 : i32 to vector<16xi32>
        %add3A_673 = arith.addi %add3A_19, %add3A_672 : vector<16xi32>
        %select_n3A_674 = arith.select %lt3A_670, %add3A_673, %add3A_19 : vector<16xi1>, vector<16xi32>
        %broadcast_in_dim3A_675 = vector.shape_cast %select_n3A_674 : vector<16xi32> to vector<16x1xi32>
        %gather3A_676 = vector.shape_cast %broadcast_in_dim3A_675 : vector<16x1xi32> to vector<16xi32>
        %gather3A_677 = tpu.dynamic_gather %get3A_637[%gather3A_676] in [0] : vector<16xf32>, vector<16xi32> -> vector<16xf32>
        %swap3A_678 = arith.index_cast %scan3A_265 : i32 to index
        %swap3A_679 = arith.constant 416 : index
        %swap3A_680 = tpu.vector_load %arg11[%swap3A_678, %swap3A_679] {strides = array<i32>} : memref<32x1024xf32, #tpu.memory_space<vmem>>, vector<1x16xf32>,
        %swap3A_681 = vector.shape_cast %swap3A_680 : vector<1x16xf32> to vector<16xf32>
        %swap3A_682 = vector.shape_cast %gather3A_677 : vector<16xf32> to vector<1x16xf32>
        tpu.vector_store %arg11[%swap3A_678, %swap3A_679], %swap3A_682 {strides = array<i32>} : memref<32x1024xf32, #tpu.memory_space<vmem>>, vector<1x16xf32>,
        %lt3A_683 = arith.constant 0 : i32
        %lt3A_684 = vector.broadcast %lt3A_683 : i32 to vector<16xi32>
        %lt3A_685 = arith.cmpi slt, %add3A_25, %lt3A_684 : vector<16xi32>
        %add3A_686 = arith.constant 16 : i32
        %add3A_687 = vector.broadcast %add3A_686 : i32 to vector<16xi32>
        %add3A_688 = arith.addi %add3A_25, %add3A_687 : vector<16xi32>
        %select_n3A_689 = arith.select %lt3A_685, %add3A_688, %add3A_25 : vector<16xi1>, vector<16xi32>
        %broadcast_in_dim3A_690 = vector.shape_cast %select_n3A_689 : vector<16xi32> to vector<16x1xi32>
        %gather3A_691 = vector.shape_cast %broadcast_in_dim3A_690 : vector<16x1xi32> to vector<16xi32>
        %gather3A_692 = tpu.dynamic_gather %get3A_637[%gather3A_691] in [0] : vector<16xf32>, vector<16xi32> -> vector<16xf32>
        %swap3A_693 = arith.index_cast %scan3A_265 : i32 to index
        %swap3A_694 = arith.constant 432 : index
        %swap3A_695 = tpu.vector_load %arg11[%swap3A_693, %swap3A_694] {strides = array<i32>} : memref<32x1024xf32, #tpu.memory_space<vmem>>, vector<1x16xf32>,
        %swap3A_696 = vector.shape_cast %swap3A_695 : vector<1x16xf32> to vector<16xf32>
        %swap3A_697 = vector.shape_cast %gather3A_692 : vector<16xf32> to vector<1x16xf32>
        tpu.vector_store %arg11[%swap3A_693, %swap3A_694], %swap3A_697 {strides = array<i32>} : memref<32x1024xf32, #tpu.memory_space<vmem>>, vector<1x16xf32>,
        %lt3A_698 = arith.constant 0 : i32
        %lt3A_699 = vector.broadcast %lt3A_698 : i32 to vector<16xi32>
        %lt3A_700 = arith.cmpi slt, %add3A_31, %lt3A_699 : vector<16xi32>
        %add3A_701 = arith.constant 16 : i32
        %add3A_702 = vector.broadcast %add3A_701 : i32 to vector<16xi32>
        %add3A_703 = arith.addi %add3A_31, %add3A_702 : vector<16xi32>
        %select_n3A_704 = arith.select %lt3A_700, %add3A_703, %add3A_31 : vector<16xi1>, vector<16xi32>
        %broadcast_in_dim3A_705 = vector.shape_cast %select_n3A_704 : vector<16xi32> to vector<16x1xi32>
        %gather3A_706 = vector.shape_cast %broadcast_in_dim3A_705 : vector<16x1xi32> to vector<16xi32>
        %gather3A_707 = tpu.dynamic_gather %get3A_637[%gather3A_706] in [0] : vector<16xf32>, vector<16xi32> -> vector<16xf32>
        %swap3A_708 = arith.index_cast %scan3A_265 : i32 to index
        %swap3A_709 = arith.constant 448 : index
        %swap3A_710 = tpu.vector_load %arg11[%swap3A_708, %swap3A_709] {strides = array<i32>} : memref<32x1024xf32, #tpu.memory_space<vmem>>, vector<1x16xf32>,
        %swap3A_711 = vector.shape_cast %swap3A_710 : vector<1x16xf32> to vector<16xf32>
        %swap3A_712 = vector.shape_cast %gather3A_707 : vector<16xf32> to vector<1x16xf32>
        tpu.vector_store %arg11[%swap3A_708, %swap3A_709], %swap3A_712 {strides = array<i32>} : memref<32x1024xf32, #tpu.memory_space<vmem>>, vector<1x16xf32>,
        %lt3A_713 = arith.constant 0 : i32
        %lt3A_714 = vector.broadcast %lt3A_713 : i32 to vector<16xi32>
        %lt3A_715 = arith.cmpi slt, %add3A_37, %lt3A_714 : vector<16xi32>
        %add3A_716 = arith.constant 16 : i32
        %add3A_717 = vector.broadcast %add3A_716 : i32 to vector<16xi32>
        %add3A_718 = arith.addi %add3A_37, %add3A_717 : vector<16xi32>
        %select_n3A_719 = arith.select %lt3A_715, %add3A_718, %add3A_37 : vector<16xi1>, vector<16xi32>
        %broadcast_in_dim3A_720 = vector.shape_cast %select_n3A_719 : vector<16xi32> to vector<16x1xi32>
        %gather3A_721 = vector.shape_cast %broadcast_in_dim3A_720 : vector<16x1xi32> to vector<16xi32>
        %gather3A_722 = tpu.dynamic_gather %get3A_637[%gather3A_721] in [0] : vector<16xf32>, vector<16xi32> -> vector<16xf32>
        %swap3A_723 = arith.index_cast %scan3A_265 : i32 to index
        %swap3A_724 = arith.constant 464 : index
        %swap3A_725 = tpu.vector_load %arg11[%swap3A_723, %swap3A_724] {strides = array<i32>} : memref<32x1024xf32, #tpu.memory_space<vmem>>, vector<1x16xf32>,
        %swap3A_726 = vector.shape_cast %swap3A_725 : vector<1x16xf32> to vector<16xf32>
        %swap3A_727 = vector.shape_cast %gather3A_722 : vector<16xf32> to vector<1x16xf32>
        tpu.vector_store %arg11[%swap3A_723, %swap3A_724], %swap3A_727 {strides = array<i32>} : memref<32x1024xf32, #tpu.memory_space<vmem>>, vector<1x16xf32>,
        %lt3A_728 = arith.constant 0 : i32
        %lt3A_729 = vector.broadcast %lt3A_728 : i32 to vector<16xi32>
        %lt3A_730 = arith.cmpi slt, %add3A_43, %lt3A_729 : vector<16xi32>
        %add3A_731 = arith.constant 16 : i32
        %add3A_732 = vector.broadcast %add3A_731 : i32 to vector<16xi32>
        %add3A_733 = arith.addi %add3A_43, %add3A_732 : vector<16xi32>
        %select_n3A_734 = arith.select %lt3A_730, %add3A_733, %add3A_43 : vector<16xi1>, vector<16xi32>
        %broadcast_in_dim3A_735 = vector.shape_cast %select_n3A_734 : vector<16xi32> to vector<16x1xi32>
        %gather3A_736 = vector.shape_cast %broadcast_in_dim3A_735 : vector<16x1xi32> to vector<16xi32>
        %gather3A_737 = tpu.dynamic_gather %get3A_637[%gather3A_736] in [0] : vector<16xf32>, vector<16xi32> -> vector<16xf32>
        %swap3A_738 = arith.index_cast %scan3A_265 : i32 to index
        %swap3A_739 = arith.constant 480 : index
        %swap3A_740 = tpu.vector_load %arg11[%swap3A_738, %swap3A_739] {strides = array<i32>} : memref<32x1024xf32, #tpu.memory_space<vmem>>, vector<1x16xf32>,
        %swap3A_741 = vector.shape_cast %swap3A_740 : vector<1x16xf32> to vector<16xf32>
        %swap3A_742 = vector.shape_cast %gather3A_737 : vector<16xf32> to vector<1x16xf32>
        tpu.vector_store %arg11[%swap3A_738, %swap3A_739], %swap3A_742 {strides = array<i32>} : memref<32x1024xf32, #tpu.memory_space<vmem>>, vector<1x16xf32>,
        %lt3A_743 = arith.constant 0 : i32
        %lt3A_744 = vector.broadcast %lt3A_743 : i32 to vector<16xi32>
        %lt3A_745 = arith.cmpi slt, %add3A_49, %lt3A_744 : vector<16xi32>
        %add3A_746 = arith.constant 16 : i32
        %add3A_747 = vector.broadcast %add3A_746 : i32 to vector<16xi32>
        %add3A_748 = arith.addi %add3A_49, %add3A_747 : vector<16xi32>
        %select_n3A_749 = arith.select %lt3A_745, %add3A_748, %add3A_49 : vector<16xi1>, vector<16xi32>
        %broadcast_in_dim3A_750 = vector.shape_cast %select_n3A_749 : vector<16xi32> to vector<16x1xi32>
        %gather3A_751 = vector.shape_cast %broadcast_in_dim3A_750 : vector<16x1xi32> to vector<16xi32>
        %gather3A_752 = tpu.dynamic_gather %get3A_637[%gather3A_751] in [0] : vector<16xf32>, vector<16xi32> -> vector<16xf32>
        %swap3A_753 = arith.index_cast %scan3A_265 : i32 to index
        %swap3A_754 = arith.constant 496 : index
        %swap3A_755 = tpu.vector_load %arg11[%swap3A_753, %swap3A_754] {strides = array<i32>} : memref<32x1024xf32, #tpu.memory_space<vmem>>, vector<1x16xf32>,
        %swap3A_756 = vector.shape_cast %swap3A_755 : vector<1x16xf32> to vector<16xf32>
        %swap3A_757 = vector.shape_cast %gather3A_752 : vector<16xf32> to vector<1x16xf32>
        tpu.vector_store %arg11[%swap3A_753, %swap3A_754], %swap3A_757 {strides = array<i32>} : memref<32x1024xf32, #tpu.memory_space<vmem>>, vector<1x16xf32>,
        %get3A_758 = arith.index_cast %scan3A_265 : i32 to index
        %get3A_759 = arith.constant 64 : index
        %get3A_760 = tpu.vector_load %arg7[%get3A_758, %get3A_759] {strides = array<i32>} : memref<32x128xf32, #tpu.memory_space<vmem>>, vector<1x16xf32>,
        %get3A_761 = vector.shape_cast %get3A_760 : vector<1x16xf32> to vector<16xf32>
        %lt3A_762 = arith.constant 0 : i32
        %lt3A_763 = vector.broadcast %lt3A_762 : i32 to vector<16xi32>
        %lt3A_764 = arith.cmpi slt, %add3A_7, %lt3A_763 : vector<16xi32>
        %add3A_765 = arith.constant 16 : i32
        %add3A_766 = vector.broadcast %add3A_765 : i32 to vector<16xi32>
        %add3A_767 = arith.addi %add3A_7, %add3A_766 : vector<16xi32>
        %select_n3A_768 = arith.select %lt3A_764, %add3A_767, %add3A_7 : vector<16xi1>, vector<16xi32>
        %broadcast_in_dim3A_769 = vector.shape_cast %select_n3A_768 : vector<16xi32> to vector<16x1xi32>
        %gather3A_770 = vector.shape_cast %broadcast_in_dim3A_769 : vector<16x1xi32> to vector<16xi32>
        %gather3A_771 = tpu.dynamic_gather %get3A_761[%gather3A_770] in [0] : vector<16xf32>, vector<16xi32> -> vector<16xf32>
        %swap3A_772 = arith.index_cast %scan3A_265 : i32 to index
        %swap3A_773 = arith.constant 512 : index
        %swap3A_774 = tpu.vector_load %arg11[%swap3A_772, %swap3A_773] {strides = array<i32>} : memref<32x1024xf32, #tpu.memory_space<vmem>>, vector<1x16xf32>,
        %swap3A_775 = vector.shape_cast %swap3A_774 : vector<1x16xf32> to vector<16xf32>
        %swap3A_776 = vector.shape_cast %gather3A_771 : vector<16xf32> to vector<1x16xf32>
        tpu.vector_store %arg11[%swap3A_772, %swap3A_773], %swap3A_776 {strides = array<i32>} : memref<32x1024xf32, #tpu.memory_space<vmem>>, vector<1x16xf32>,
        %lt3A_777 = arith.constant 0 : i32
        %lt3A_778 = vector.broadcast %lt3A_777 : i32 to vector<16xi32>
        %lt3A_779 = arith.cmpi slt, %add3A_13, %lt3A_778 : vector<16xi32>
        %add3A_780 = arith.constant 16 : i32
        %add3A_781 = vector.broadcast %add3A_780 : i32 to vector<16xi32>
        %add3A_782 = arith.addi %add3A_13, %add3A_781 : vector<16xi32>
        %select_n3A_783 = arith.select %lt3A_779, %add3A_782, %add3A_13 : vector<16xi1>, vector<16xi32>
        %broadcast_in_dim3A_784 = vector.shape_cast %select_n3A_783 : vector<16xi32> to vector<16x1xi32>
        %gather3A_785 = vector.shape_cast %broadcast_in_dim3A_784 : vector<16x1xi32> to vector<16xi32>
        %gather3A_786 = tpu.dynamic_gather %get3A_761[%gather3A_785] in [0] : vector<16xf32>, vector<16xi32> -> vector<16xf32>
        %swap3A_787 = arith.index_cast %scan3A_265 : i32 to index
        %swap3A_788 = arith.constant 528 : index
        %swap3A_789 = tpu.vector_load %arg11[%swap3A_787, %swap3A_788] {strides = array<i32>} : memref<32x1024xf32, #tpu.memory_space<vmem>>, vector<1x16xf32>,
        %swap3A_790 = vector.shape_cast %swap3A_789 : vector<1x16xf32> to vector<16xf32>
        %swap3A_791 = vector.shape_cast %gather3A_786 : vector<16xf32> to vector<1x16xf32>
        tpu.vector_store %arg11[%swap3A_787, %swap3A_788], %swap3A_791 {strides = array<i32>} : memref<32x1024xf32, #tpu.memory_space<vmem>>, vector<1x16xf32>,
        %lt3A_792 = arith.constant 0 : i32
        %lt3A_793 = vector.broadcast %lt3A_792 : i32 to vector<16xi32>
        %lt3A_794 = arith.cmpi slt, %add3A_19, %lt3A_793 : vector<16xi32>
        %add3A_795 = arith.constant 16 : i32
        %add3A_796 = vector.broadcast %add3A_795 : i32 to vector<16xi32>
        %add3A_797 = arith.addi %add3A_19, %add3A_796 : vector<16xi32>
        %select_n3A_798 = arith.select %lt3A_794, %add3A_797, %add3A_19 : vector<16xi1>, vector<16xi32>
        %broadcast_in_dim3A_799 = vector.shape_cast %select_n3A_798 : vector<16xi32> to vector<16x1xi32>
        %gather3A_800 = vector.shape_cast %broadcast_in_dim3A_799 : vector<16x1xi32> to vector<16xi32>
        %gather3A_801 = tpu.dynamic_gather %get3A_761[%gather3A_800] in [0] : vector<16xf32>, vector<16xi32> -> vector<16xf32>
        %swap3A_802 = arith.index_cast %scan3A_265 : i32 to index
        %swap3A_803 = arith.constant 544 : index
        %swap3A_804 = tpu.vector_load %arg11[%swap3A_802, %swap3A_803] {strides = array<i32>} : memref<32x1024xf32, #tpu.memory_space<vmem>>, vector<1x16xf32>,
        %swap3A_805 = vector.shape_cast %swap3A_804 : vector<1x16xf32> to vector<16xf32>
        %swap3A_806 = vector.shape_cast %gather3A_801 : vector<16xf32> to vector<1x16xf32>
        tpu.vector_store %arg11[%swap3A_802, %swap3A_803], %swap3A_806 {strides = array<i32>} : memref<32x1024xf32, #tpu.memory_space<vmem>>, vector<1x16xf32>,
        %lt3A_807 = arith.constant 0 : i32
        %lt3A_808 = vector.broadcast %lt3A_807 : i32 to vector<16xi32>
        %lt3A_809 = arith.cmpi slt, %add3A_25, %lt3A_808 : vector<16xi32>
        %add3A_810 = arith.constant 16 : i32
        %add3A_811 = vector.broadcast %add3A_810 : i32 to vector<16xi32>
        %add3A_812 = arith.addi %add3A_25, %add3A_811 : vector<16xi32>
        %select_n3A_813 = arith.select %lt3A_809, %add3A_812, %add3A_25 : vector<16xi1>, vector<16xi32>
        %broadcast_in_dim3A_814 = vector.shape_cast %select_n3A_813 : vector<16xi32> to vector<16x1xi32>
        %gather3A_815 = vector.shape_cast %broadcast_in_dim3A_814 : vector<16x1xi32> to vector<16xi32>
        %gather3A_816 = tpu.dynamic_gather %get3A_761[%gather3A_815] in [0] : vector<16xf32>, vector<16xi32> -> vector<16xf32>
        %swap3A_817 = arith.index_cast %scan3A_265 : i32 to index
        %swap3A_818 = arith.constant 560 : index
        %swap3A_819 = tpu.vector_load %arg11[%swap3A_817, %swap3A_818] {strides = array<i32>} : memref<32x1024xf32, #tpu.memory_space<vmem>>, vector<1x16xf32>,
        %swap3A_820 = vector.shape_cast %swap3A_819 : vector<1x16xf32> to vector<16xf32>
        %swap3A_821 = vector.shape_cast %gather3A_816 : vector<16xf32> to vector<1x16xf32>
        tpu.vector_store %arg11[%swap3A_817, %swap3A_818], %swap3A_821 {strides = array<i32>} : memref<32x1024xf32, #tpu.memory_space<vmem>>, vector<1x16xf32>,
        %lt3A_822 = arith.constant 0 : i32
        %lt3A_823 = vector.broadcast %lt3A_822 : i32 to vector<16xi32>
        %lt3A_824 = arith.cmpi slt, %add3A_31, %lt3A_823 : vector<16xi32>
        %add3A_825 = arith.constant 16 : i32
        %add3A_826 = vector.broadcast %add3A_825 : i32 to vector<16xi32>
        %add3A_827 = arith.addi %add3A_31, %add3A_826 : vector<16xi32>
        %select_n3A_828 = arith.select %lt3A_824, %add3A_827, %add3A_31 : vector<16xi1>, vector<16xi32>
        %broadcast_in_dim3A_829 = vector.shape_cast %select_n3A_828 : vector<16xi32> to vector<16x1xi32>
        %gather3A_830 = vector.shape_cast %broadcast_in_dim3A_829 : vector<16x1xi32> to vector<16xi32>
        %gather3A_831 = tpu.dynamic_gather %get3A_761[%gather3A_830] in [0] : vector<16xf32>, vector<16xi32> -> vector<16xf32>
        %swap3A_832 = arith.index_cast %scan3A_265 : i32 to index
        %swap3A_833 = arith.constant 576 : index
        %swap3A_834 = tpu.vector_load %arg11[%swap3A_832, %swap3A_833] {strides = array<i32>} : memref<32x1024xf32, #tpu.memory_space<vmem>>, vector<1x16xf32>,
        %swap3A_835 = vector.shape_cast %swap3A_834 : vector<1x16xf32> to vector<16xf32>
        %swap3A_836 = vector.shape_cast %gather3A_831 : vector<16xf32> to vector<1x16xf32>
        tpu.vector_store %arg11[%swap3A_832, %swap3A_833], %swap3A_836 {strides = array<i32>} : memref<32x1024xf32, #tpu.memory_space<vmem>>, vector<1x16xf32>,
        %lt3A_837 = arith.constant 0 : i32
        %lt3A_838 = vector.broadcast %lt3A_837 : i32 to vector<16xi32>
        %lt3A_839 = arith.cmpi slt, %add3A_37, %lt3A_838 : vector<16xi32>
        %add3A_840 = arith.constant 16 : i32
        %add3A_841 = vector.broadcast %add3A_840 : i32 to vector<16xi32>
        %add3A_842 = arith.addi %add3A_37, %add3A_841 : vector<16xi32>
        %select_n3A_843 = arith.select %lt3A_839, %add3A_842, %add3A_37 : vector<16xi1>, vector<16xi32>
        %broadcast_in_dim3A_844 = vector.shape_cast %select_n3A_843 : vector<16xi32> to vector<16x1xi32>
        %gather3A_845 = vector.shape_cast %broadcast_in_dim3A_844 : vector<16x1xi32> to vector<16xi32>
        %gather3A_846 = tpu.dynamic_gather %get3A_761[%gather3A_845] in [0] : vector<16xf32>, vector<16xi32> -> vector<16xf32>
        %swap3A_847 = arith.index_cast %scan3A_265 : i32 to index
        %swap3A_848 = arith.constant 592 : index
        %swap3A_849 = tpu.vector_load %arg11[%swap3A_847, %swap3A_848] {strides = array<i32>} : memref<32x1024xf32, #tpu.memory_space<vmem>>, vector<1x16xf32>,
        %swap3A_850 = vector.shape_cast %swap3A_849 : vector<1x16xf32> to vector<16xf32>
        %swap3A_851 = vector.shape_cast %gather3A_846 : vector<16xf32> to vector<1x16xf32>
        tpu.vector_store %arg11[%swap3A_847, %swap3A_848], %swap3A_851 {strides = array<i32>} : memref<32x1024xf32, #tpu.memory_space<vmem>>, vector<1x16xf32>,
        %lt3A_852 = arith.constant 0 : i32
        %lt3A_853 = vector.broadcast %lt3A_852 : i32 to vector<16xi32>
        %lt3A_854 = arith.cmpi slt, %add3A_43, %lt3A_853 : vector<16xi32>
        %add3A_855 = arith.constant 16 : i32
        %add3A_856 = vector.broadcast %add3A_855 : i32 to vector<16xi32>
        %add3A_857 = arith.addi %add3A_43, %add3A_856 : vector<16xi32>
        %select_n3A_858 = arith.select %lt3A_854, %add3A_857, %add3A_43 : vector<16xi1>, vector<16xi32>
        %broadcast_in_dim3A_859 = vector.shape_cast %select_n3A_858 : vector<16xi32> to vector<16x1xi32>
        %gather3A_860 = vector.shape_cast %broadcast_in_dim3A_859 : vector<16x1xi32> to vector<16xi32>
        %gather3A_861 = tpu.dynamic_gather %get3A_761[%gather3A_860] in [0] : vector<16xf32>, vector<16xi32> -> vector<16xf32>
        %swap3A_862 = arith.index_cast %scan3A_265 : i32 to index
        %swap3A_863 = arith.constant 608 : index
        %swap3A_864 = tpu.vector_load %arg11[%swap3A_862, %swap3A_863] {strides = array<i32>} : memref<32x1024xf32, #tpu.memory_space<vmem>>, vector<1x16xf32>,
        %swap3A_865 = vector.shape_cast %swap3A_864 : vector<1x16xf32> to vector<16xf32>
        %swap3A_866 = vector.shape_cast %gather3A_861 : vector<16xf32> to vector<1x16xf32>
        tpu.vector_store %arg11[%swap3A_862, %swap3A_863], %swap3A_866 {strides = array<i32>} : memref<32x1024xf32, #tpu.memory_space<vmem>>, vector<1x16xf32>,
        %lt3A_867 = arith.constant 0 : i32
        %lt3A_868 = vector.broadcast %lt3A_867 : i32 to vector<16xi32>
        %lt3A_869 = arith.cmpi slt, %add3A_49, %lt3A_868 : vector<16xi32>
        %add3A_870 = arith.constant 16 : i32
        %add3A_871 = vector.broadcast %add3A_870 : i32 to vector<16xi32>
        %add3A_872 = arith.addi %add3A_49, %add3A_871 : vector<16xi32>
        %select_n3A_873 = arith.select %lt3A_869, %add3A_872, %add3A_49 : vector<16xi1>, vector<16xi32>
        %broadcast_in_dim3A_874 = vector.shape_cast %select_n3A_873 : vector<16xi32> to vector<16x1xi32>
        %gather3A_875 = vector.shape_cast %broadcast_in_dim3A_874 : vector<16x1xi32> to vector<16xi32>
        %gather3A_876 = tpu.dynamic_gather %get3A_761[%gather3A_875] in [0] : vector<16xf32>, vector<16xi32> -> vector<16xf32>
        %swap3A_877 = arith.index_cast %scan3A_265 : i32 to index
        %swap3A_878 = arith.constant 624 : index
        %swap3A_879 = tpu.vector_load %arg11[%swap3A_877, %swap3A_878] {strides = array<i32>} : memref<32x1024xf32, #tpu.memory_space<vmem>>, vector<1x16xf32>,
        %swap3A_880 = vector.shape_cast %swap3A_879 : vector<1x16xf32> to vector<16xf32>
        %swap3A_881 = vector.shape_cast %gather3A_876 : vector<16xf32> to vector<1x16xf32>
        tpu.vector_store %arg11[%swap3A_877, %swap3A_878], %swap3A_881 {strides = array<i32>} : memref<32x1024xf32, #tpu.memory_space<vmem>>, vector<1x16xf32>,
        %get3A_882 = arith.index_cast %scan3A_265 : i32 to index
        %get3A_883 = arith.constant 80 : index
        %get3A_884 = tpu.vector_load %arg7[%get3A_882, %get3A_883] {strides = array<i32>} : memref<32x128xf32, #tpu.memory_space<vmem>>, vector<1x16xf32>,
        %get3A_885 = vector.shape_cast %get3A_884 : vector<1x16xf32> to vector<16xf32>
        %lt3A_886 = arith.constant 0 : i32
        %lt3A_887 = vector.broadcast %lt3A_886 : i32 to vector<16xi32>
        %lt3A_888 = arith.cmpi slt, %add3A_7, %lt3A_887 : vector<16xi32>
        %add3A_889 = arith.constant 16 : i32
        %add3A_890 = vector.broadcast %add3A_889 : i32 to vector<16xi32>
        %add3A_891 = arith.addi %add3A_7, %add3A_890 : vector<16xi32>
        %select_n3A_892 = arith.select %lt3A_888, %add3A_891, %add3A_7 : vector<16xi1>, vector<16xi32>
        %broadcast_in_dim3A_893 = vector.shape_cast %select_n3A_892 : vector<16xi32> to vector<16x1xi32>
        %gather3A_894 = vector.shape_cast %broadcast_in_dim3A_893 : vector<16x1xi32> to vector<16xi32>
        %gather3A_895 = tpu.dynamic_gather %get3A_885[%gather3A_894] in [0] : vector<16xf32>, vector<16xi32> -> vector<16xf32>
        %swap3A_896 = arith.index_cast %scan3A_265 : i32 to index
        %swap3A_897 = arith.constant 640 : index
        %swap3A_898 = tpu.vector_load %arg11[%swap3A_896, %swap3A_897] {strides = array<i32>} : memref<32x1024xf32, #tpu.memory_space<vmem>>, vector<1x16xf32>,
        %swap3A_899 = vector.shape_cast %swap3A_898 : vector<1x16xf32> to vector<16xf32>
        %swap3A_900 = vector.shape_cast %gather3A_895 : vector<16xf32> to vector<1x16xf32>
        tpu.vector_store %arg11[%swap3A_896, %swap3A_897], %swap3A_900 {strides = array<i32>} : memref<32x1024xf32, #tpu.memory_space<vmem>>, vector<1x16xf32>,
        %lt3A_901 = arith.constant 0 : i32
        %lt3A_902 = vector.broadcast %lt3A_901 : i32 to vector<16xi32>
        %lt3A_903 = arith.cmpi slt, %add3A_13, %lt3A_902 : vector<16xi32>
        %add3A_904 = arith.constant 16 : i32
        %add3A_905 = vector.broadcast %add3A_904 : i32 to vector<16xi32>
        %add3A_906 = arith.addi %add3A_13, %add3A_905 : vector<16xi32>
        %select_n3A_907 = arith.select %lt3A_903, %add3A_906, %add3A_13 : vector<16xi1>, vector<16xi32>
        %broadcast_in_dim3A_908 = vector.shape_cast %select_n3A_907 : vector<16xi32> to vector<16x1xi32>
        %gather3A_909 = vector.shape_cast %broadcast_in_dim3A_908 : vector<16x1xi32> to vector<16xi32>
        %gather3A_910 = tpu.dynamic_gather %get3A_885[%gather3A_909] in [0] : vector<16xf32>, vector<16xi32> -> vector<16xf32>
        %swap3A_911 = arith.index_cast %scan3A_265 : i32 to index
        %swap3A_912 = arith.constant 656 : index
        %swap3A_913 = tpu.vector_load %arg11[%swap3A_911, %swap3A_912] {strides = array<i32>} : memref<32x1024xf32, #tpu.memory_space<vmem>>, vector<1x16xf32>,
        %swap3A_914 = vector.shape_cast %swap3A_913 : vector<1x16xf32> to vector<16xf32>
        %swap3A_915 = vector.shape_cast %gather3A_910 : vector<16xf32> to vector<1x16xf32>
        tpu.vector_store %arg11[%swap3A_911, %swap3A_912], %swap3A_915 {strides = array<i32>} : memref<32x1024xf32, #tpu.memory_space<vmem>>, vector<1x16xf32>,
        %lt3A_916 = arith.constant 0 : i32
        %lt3A_917 = vector.broadcast %lt3A_916 : i32 to vector<16xi32>
        %lt3A_918 = arith.cmpi slt, %add3A_19, %lt3A_917 : vector<16xi32>
        %add3A_919 = arith.constant 16 : i32
        %add3A_920 = vector.broadcast %add3A_919 : i32 to vector<16xi32>
        %add3A_921 = arith.addi %add3A_19, %add3A_920 : vector<16xi32>
        %select_n3A_922 = arith.select %lt3A_918, %add3A_921, %add3A_19 : vector<16xi1>, vector<16xi32>
        %broadcast_in_dim3A_923 = vector.shape_cast %select_n3A_922 : vector<16xi32> to vector<16x1xi32>
        %gather3A_924 = vector.shape_cast %broadcast_in_dim3A_923 : vector<16x1xi32> to vector<16xi32>
        %gather3A_925 = tpu.dynamic_gather %get3A_885[%gather3A_924] in [0] : vector<16xf32>, vector<16xi32> -> vector<16xf32>
        %swap3A_926 = arith.index_cast %scan3A_265 : i32 to index
        %swap3A_927 = arith.constant 672 : index
        %swap3A_928 = tpu.vector_load %arg11[%swap3A_926, %swap3A_927] {strides = array<i32>} : memref<32x1024xf32, #tpu.memory_space<vmem>>, vector<1x16xf32>,
        %swap3A_929 = vector.shape_cast %swap3A_928 : vector<1x16xf32> to vector<16xf32>
        %swap3A_930 = vector.shape_cast %gather3A_925 : vector<16xf32> to vector<1x16xf32>
        tpu.vector_store %arg11[%swap3A_926, %swap3A_927], %swap3A_930 {strides = array<i32>} : memref<32x1024xf32, #tpu.memory_space<vmem>>, vector<1x16xf32>,
        %lt3A_931 = arith.constant 0 : i32
        %lt3A_932 = vector.broadcast %lt3A_931 : i32 to vector<16xi32>
        %lt3A_933 = arith.cmpi slt, %add3A_25, %lt3A_932 : vector<16xi32>
        %add3A_934 = arith.constant 16 : i32
        %add3A_935 = vector.broadcast %add3A_934 : i32 to vector<16xi32>
        %add3A_936 = arith.addi %add3A_25, %add3A_935 : vector<16xi32>
        %select_n3A_937 = arith.select %lt3A_933, %add3A_936, %add3A_25 : vector<16xi1>, vector<16xi32>
        %broadcast_in_dim3A_938 = vector.shape_cast %select_n3A_937 : vector<16xi32> to vector<16x1xi32>
        %gather3A_939 = vector.shape_cast %broadcast_in_dim3A_938 : vector<16x1xi32> to vector<16xi32>
        %gather3A_940 = tpu.dynamic_gather %get3A_885[%gather3A_939] in [0] : vector<16xf32>, vector<16xi32> -> vector<16xf32>
        %swap3A_941 = arith.index_cast %scan3A_265 : i32 to index
        %swap3A_942 = arith.constant 688 : index
        %swap3A_943 = tpu.vector_load %arg11[%swap3A_941, %swap3A_942] {strides = array<i32>} : memref<32x1024xf32, #tpu.memory_space<vmem>>, vector<1x16xf32>,
        %swap3A_944 = vector.shape_cast %swap3A_943 : vector<1x16xf32> to vector<16xf32>
        %swap3A_945 = vector.shape_cast %gather3A_940 : vector<16xf32> to vector<1x16xf32>
        tpu.vector_store %arg11[%swap3A_941, %swap3A_942], %swap3A_945 {strides = array<i32>} : memref<32x1024xf32, #tpu.memory_space<vmem>>, vector<1x16xf32>,
        %lt3A_946 = arith.constant 0 : i32
        %lt3A_947 = vector.broadcast %lt3A_946 : i32 to vector<16xi32>
        %lt3A_948 = arith.cmpi slt, %add3A_31, %lt3A_947 : vector<16xi32>
        %add3A_949 = arith.constant 16 : i32
        %add3A_950 = vector.broadcast %add3A_949 : i32 to vector<16xi32>
        %add3A_951 = arith.addi %add3A_31, %add3A_950 : vector<16xi32>
        %select_n3A_952 = arith.select %lt3A_948, %add3A_951, %add3A_31 : vector<16xi1>, vector<16xi32>
        %broadcast_in_dim3A_953 = vector.shape_cast %select_n3A_952 : vector<16xi32> to vector<16x1xi32>
        %gather3A_954 = vector.shape_cast %broadcast_in_dim3A_953 : vector<16x1xi32> to vector<16xi32>
        %gather3A_955 = tpu.dynamic_gather %get3A_885[%gather3A_954] in [0] : vector<16xf32>, vector<16xi32> -> vector<16xf32>
        %swap3A_956 = arith.index_cast %scan3A_265 : i32 to index
        %swap3A_957 = arith.constant 704 : index
        %swap3A_958 = tpu.vector_load %arg11[%swap3A_956, %swap3A_957] {strides = array<i32>} : memref<32x1024xf32, #tpu.memory_space<vmem>>, vector<1x16xf32>,
        %swap3A_959 = vector.shape_cast %swap3A_958 : vector<1x16xf32> to vector<16xf32>
        %swap3A_960 = vector.shape_cast %gather3A_955 : vector<16xf32> to vector<1x16xf32>
        tpu.vector_store %arg11[%swap3A_956, %swap3A_957], %swap3A_960 {strides = array<i32>} : memref<32x1024xf32, #tpu.memory_space<vmem>>, vector<1x16xf32>,
        %lt3A_961 = arith.constant 0 : i32
        %lt3A_962 = vector.broadcast %lt3A_961 : i32 to vector<16xi32>
        %lt3A_963 = arith.cmpi slt, %add3A_37, %lt3A_962 : vector<16xi32>
        %add3A_964 = arith.constant 16 : i32
        %add3A_965 = vector.broadcast %add3A_964 : i32 to vector<16xi32>
        %add3A_966 = arith.addi %add3A_37, %add3A_965 : vector<16xi32>
        %select_n3A_967 = arith.select %lt3A_963, %add3A_966, %add3A_37 : vector<16xi1>, vector<16xi32>
        %broadcast_in_dim3A_968 = vector.shape_cast %select_n3A_967 : vector<16xi32> to vector<16x1xi32>
        %gather3A_969 = vector.shape_cast %broadcast_in_dim3A_968 : vector<16x1xi32> to vector<16xi32>
        %gather3A_970 = tpu.dynamic_gather %get3A_885[%gather3A_969] in [0] : vector<16xf32>, vector<16xi32> -> vector<16xf32>
        %swap3A_971 = arith.index_cast %scan3A_265 : i32 to index
        %swap3A_972 = arith.constant 720 : index
        %swap3A_973 = tpu.vector_load %arg11[%swap3A_971, %swap3A_972] {strides = array<i32>} : memref<32x1024xf32, #tpu.memory_space<vmem>>, vector<1x16xf32>,
        %swap3A_974 = vector.shape_cast %swap3A_973 : vector<1x16xf32> to vector<16xf32>
        %swap3A_975 = vector.shape_cast %gather3A_970 : vector<16xf32> to vector<1x16xf32>
        tpu.vector_store %arg11[%swap3A_971, %swap3A_972], %swap3A_975 {strides = array<i32>} : memref<32x1024xf32, #tpu.memory_space<vmem>>, vector<1x16xf32>,
        %lt3A_976 = arith.constant 0 : i32
        %lt3A_977 = vector.broadcast %lt3A_976 : i32 to vector<16xi32>
        %lt3A_978 = arith.cmpi slt, %add3A_43, %lt3A_977 : vector<16xi32>
        %add3A_979 = arith.constant 16 : i32
        %add3A_980 = vector.broadcast %add3A_979 : i32 to vector<16xi32>
        %add3A_981 = arith.addi %add3A_43, %add3A_980 : vector<16xi32>
        %select_n3A_982 = arith.select %lt3A_978, %add3A_981, %add3A_43 : vector<16xi1>, vector<16xi32>
        %broadcast_in_dim3A_983 = vector.shape_cast %select_n3A_982 : vector<16xi32> to vector<16x1xi32>
        %gather3A_984 = vector.shape_cast %broadcast_in_dim3A_983 : vector<16x1xi32> to vector<16xi32>
        %gather3A_985 = tpu.dynamic_gather %get3A_885[%gather3A_984] in [0] : vector<16xf32>, vector<16xi32> -> vector<16xf32>
        %swap3A_986 = arith.index_cast %scan3A_265 : i32 to index
        %swap3A_987 = arith.constant 736 : index
        %swap3A_988 = tpu.vector_load %arg11[%swap3A_986, %swap3A_987] {strides = array<i32>} : memref<32x1024xf32, #tpu.memory_space<vmem>>, vector<1x16xf32>,
        %swap3A_989 = vector.shape_cast %swap3A_988 : vector<1x16xf32> to vector<16xf32>
        %swap3A_990 = vector.shape_cast %gather3A_985 : vector<16xf32> to vector<1x16xf32>
        tpu.vector_store %arg11[%swap3A_986, %swap3A_987], %swap3A_990 {strides = array<i32>} : memref<32x1024xf32, #tpu.memory_space<vmem>>, vector<1x16xf32>,
        %lt3A_991 = arith.constant 0 : i32
        %lt3A_992 = vector.broadcast %lt3A_991 : i32 to vector<16xi32>
        %lt3A_993 = arith.cmpi slt, %add3A_49, %lt3A_992 : vector<16xi32>
        %add3A_994 = arith.constant 16 : i32
        %add3A_995 = vector.broadcast %add3A_994 : i32 to vector<16xi32>
        %add3A_996 = arith.addi %add3A_49, %add3A_995 : vector<16xi32>
        %select_n3A_997 = arith.select %lt3A_993, %add3A_996, %add3A_49 : vector<16xi1>, vector<16xi32>
        %broadcast_in_dim3A_998 = vector.shape_cast %select_n3A_997 : vector<16xi32> to vector<16x1xi32>
        %gather3A_999 = vector.shape_cast %broadcast_in_dim3A_998 : vector<16x1xi32> to vector<16xi32>
        %gather3A_1000 = tpu.dynamic_gather %get3A_885[%gather3A_999] in [0] : vector<16xf32>, vector<16xi32> -> vector<16xf32>
        %swap3A_1001 = arith.index_cast %scan3A_265 : i32 to index
        %swap3A_1002 = arith.constant 752 : index
        %swap3A_1003 = tpu.vector_load %arg11[%swap3A_1001, %swap3A_1002] {strides = array<i32>} : memref<32x1024xf32, #tpu.memory_space<vmem>>, vector<1x16xf32>,
        %swap3A_1004 = vector.shape_cast %swap3A_1003 : vector<1x16xf32> to vector<16xf32>
        %swap3A_1005 = vector.shape_cast %gather3A_1000 : vector<16xf32> to vector<1x16xf32>
        tpu.vector_store %arg11[%swap3A_1001, %swap3A_1002], %swap3A_1005 {strides = array<i32>} : memref<32x1024xf32, #tpu.memory_space<vmem>>, vector<1x16xf32>,
        %get3A_1006 = arith.index_cast %scan3A_265 : i32 to index
        %get3A_1007 = arith.constant 96 : index
        %get3A_1008 = tpu.vector_load %arg7[%get3A_1006, %get3A_1007] {strides = array<i32>} : memref<32x128xf32, #tpu.memory_space<vmem>>, vector<1x16xf32>,
        %get3A_1009 = vector.shape_cast %get3A_1008 : vector<1x16xf32> to vector<16xf32>
        %lt3A_1010 = arith.constant 0 : i32
        %lt3A_1011 = vector.broadcast %lt3A_1010 : i32 to vector<16xi32>
        %lt3A_1012 = arith.cmpi slt, %add3A_7, %lt3A_1011 : vector<16xi32>
        %add3A_1013 = arith.constant 16 : i32
        %add3A_1014 = vector.broadcast %add3A_1013 : i32 to vector<16xi32>
        %add3A_1015 = arith.addi %add3A_7, %add3A_1014 : vector<16xi32>
        %select_n3A_1016 = arith.select %lt3A_1012, %add3A_1015, %add3A_7 : vector<16xi1>, vector<16xi32>
        %broadcast_in_dim3A_1017 = vector.shape_cast %select_n3A_1016 : vector<16xi32> to vector<16x1xi32>
        %gather3A_1018 = vector.shape_cast %broadcast_in_dim3A_1017 : vector<16x1xi32> to vector<16xi32>
        %gather3A_1019 = tpu.dynamic_gather %get3A_1009[%gather3A_1018] in [0] : vector<16xf32>, vector<16xi32> -> vector<16xf32>
        %swap3A_1020 = arith.index_cast %scan3A_265 : i32 to index
        %swap3A_1021 = arith.constant 768 : index
        %swap3A_1022 = tpu.vector_load %arg11[%swap3A_1020, %swap3A_1021] {strides = array<i32>} : memref<32x1024xf32, #tpu.memory_space<vmem>>, vector<1x16xf32>,
        %swap3A_1023 = vector.shape_cast %swap3A_1022 : vector<1x16xf32> to vector<16xf32>
        %swap3A_1024 = vector.shape_cast %gather3A_1019 : vector<16xf32> to vector<1x16xf32>
        tpu.vector_store %arg11[%swap3A_1020, %swap3A_1021], %swap3A_1024 {strides = array<i32>} : memref<32x1024xf32, #tpu.memory_space<vmem>>, vector<1x16xf32>,
        %lt3A_1025 = arith.constant 0 : i32
        %lt3A_1026 = vector.broadcast %lt3A_1025 : i32 to vector<16xi32>
        %lt3A_1027 = arith.cmpi slt, %add3A_13, %lt3A_1026 : vector<16xi32>
        %add3A_1028 = arith.constant 16 : i32
        %add3A_1029 = vector.broadcast %add3A_1028 : i32 to vector<16xi32>
        %add3A_1030 = arith.addi %add3A_13, %add3A_1029 : vector<16xi32>
        %select_n3A_1031 = arith.select %lt3A_1027, %add3A_1030, %add3A_13 : vector<16xi1>, vector<16xi32>
        %broadcast_in_dim3A_1032 = vector.shape_cast %select_n3A_1031 : vector<16xi32> to vector<16x1xi32>
        %gather3A_1033 = vector.shape_cast %broadcast_in_dim3A_1032 : vector<16x1xi32> to vector<16xi32>
        %gather3A_1034 = tpu.dynamic_gather %get3A_1009[%gather3A_1033] in [0] : vector<16xf32>, vector<16xi32> -> vector<16xf32>
        %swap3A_1035 = arith.index_cast %scan3A_265 : i32 to index
        %swap3A_1036 = arith.constant 784 : index
        %swap3A_1037 = tpu.vector_load %arg11[%swap3A_1035, %swap3A_1036] {strides = array<i32>} : memref<32x1024xf32, #tpu.memory_space<vmem>>, vector<1x16xf32>,
        %swap3A_1038 = vector.shape_cast %swap3A_1037 : vector<1x16xf32> to vector<16xf32>
        %swap3A_1039 = vector.shape_cast %gather3A_1034 : vector<16xf32> to vector<1x16xf32>
        tpu.vector_store %arg11[%swap3A_1035, %swap3A_1036], %swap3A_1039 {strides = array<i32>} : memref<32x1024xf32, #tpu.memory_space<vmem>>, vector<1x16xf32>,
        %lt3A_1040 = arith.constant 0 : i32
        %lt3A_1041 = vector.broadcast %lt3A_1040 : i32 to vector<16xi32>
        %lt3A_1042 = arith.cmpi slt, %add3A_19, %lt3A_1041 : vector<16xi32>
        %add3A_1043 = arith.constant 16 : i32
        %add3A_1044 = vector.broadcast %add3A_1043 : i32 to vector<16xi32>
        %add3A_1045 = arith.addi %add3A_19, %add3A_1044 : vector<16xi32>
        %select_n3A_1046 = arith.select %lt3A_1042, %add3A_1045, %add3A_19 : vector<16xi1>, vector<16xi32>
        %broadcast_in_dim3A_1047 = vector.shape_cast %select_n3A_1046 : vector<16xi32> to vector<16x1xi32>
        %gather3A_1048 = vector.shape_cast %broadcast_in_dim3A_1047 : vector<16x1xi32> to vector<16xi32>
        %gather3A_1049 = tpu.dynamic_gather %get3A_1009[%gather3A_1048] in [0] : vector<16xf32>, vector<16xi32> -> vector<16xf32>
        %swap3A_1050 = arith.index_cast %scan3A_265 : i32 to index
        %swap3A_1051 = arith.constant 800 : index
        %swap3A_1052 = tpu.vector_load %arg11[%swap3A_1050, %swap3A_1051] {strides = array<i32>} : memref<32x1024xf32, #tpu.memory_space<vmem>>, vector<1x16xf32>,
        %swap3A_1053 = vector.shape_cast %swap3A_1052 : vector<1x16xf32> to vector<16xf32>
        %swap3A_1054 = vector.shape_cast %gather3A_1049 : vector<16xf32> to vector<1x16xf32>
        tpu.vector_store %arg11[%swap3A_1050, %swap3A_1051], %swap3A_1054 {strides = array<i32>} : memref<32x1024xf32, #tpu.memory_space<vmem>>, vector<1x16xf32>,
        %lt3A_1055 = arith.constant 0 : i32
        %lt3A_1056 = vector.broadcast %lt3A_1055 : i32 to vector<16xi32>
        %lt3A_1057 = arith.cmpi slt, %add3A_25, %lt3A_1056 : vector<16xi32>
        %add3A_1058 = arith.constant 16 : i32
        %add3A_1059 = vector.broadcast %add3A_1058 : i32 to vector<16xi32>
        %add3A_1060 = arith.addi %add3A_25, %add3A_1059 : vector<16xi32>
        %select_n3A_1061 = arith.select %lt3A_1057, %add3A_1060, %add3A_25 : vector<16xi1>, vector<16xi32>
        %broadcast_in_dim3A_1062 = vector.shape_cast %select_n3A_1061 : vector<16xi32> to vector<16x1xi32>
        %gather3A_1063 = vector.shape_cast %broadcast_in_dim3A_1062 : vector<16x1xi32> to vector<16xi32>
        %gather3A_1064 = tpu.dynamic_gather %get3A_1009[%gather3A_1063] in [0] : vector<16xf32>, vector<16xi32> -> vector<16xf32>
        %swap3A_1065 = arith.index_cast %scan3A_265 : i32 to index
        %swap3A_1066 = arith.constant 816 : index
        %swap3A_1067 = tpu.vector_load %arg11[%swap3A_1065, %swap3A_1066] {strides = array<i32>} : memref<32x1024xf32, #tpu.memory_space<vmem>>, vector<1x16xf32>,
        %swap3A_1068 = vector.shape_cast %swap3A_1067 : vector<1x16xf32> to vector<16xf32>
        %swap3A_1069 = vector.shape_cast %gather3A_1064 : vector<16xf32> to vector<1x16xf32>
        tpu.vector_store %arg11[%swap3A_1065, %swap3A_1066], %swap3A_1069 {strides = array<i32>} : memref<32x1024xf32, #tpu.memory_space<vmem>>, vector<1x16xf32>,
        %lt3A_1070 = arith.constant 0 : i32
        %lt3A_1071 = vector.broadcast %lt3A_1070 : i32 to vector<16xi32>
        %lt3A_1072 = arith.cmpi slt, %add3A_31, %lt3A_1071 : vector<16xi32>
        %add3A_1073 = arith.constant 16 : i32
        %add3A_1074 = vector.broadcast %add3A_1073 : i32 to vector<16xi32>
        %add3A_1075 = arith.addi %add3A_31, %add3A_1074 : vector<16xi32>
        %select_n3A_1076 = arith.select %lt3A_1072, %add3A_1075, %add3A_31 : vector<16xi1>, vector<16xi32>
        %broadcast_in_dim3A_1077 = vector.shape_cast %select_n3A_1076 : vector<16xi32> to vector<16x1xi32>
        %gather3A_1078 = vector.shape_cast %broadcast_in_dim3A_1077 : vector<16x1xi32> to vector<16xi32>
        %gather3A_1079 = tpu.dynamic_gather %get3A_1009[%gather3A_1078] in [0] : vector<16xf32>, vector<16xi32> -> vector<16xf32>
        %swap3A_1080 = arith.index_cast %scan3A_265 : i32 to index
        %swap3A_1081 = arith.constant 832 : index
        %swap3A_1082 = tpu.vector_load %arg11[%swap3A_1080, %swap3A_1081] {strides = array<i32>} : memref<32x1024xf32, #tpu.memory_space<vmem>>, vector<1x16xf32>,
        %swap3A_1083 = vector.shape_cast %swap3A_1082 : vector<1x16xf32> to vector<16xf32>
        %swap3A_1084 = vector.shape_cast %gather3A_1079 : vector<16xf32> to vector<1x16xf32>
        tpu.vector_store %arg11[%swap3A_1080, %swap3A_1081], %swap3A_1084 {strides = array<i32>} : memref<32x1024xf32, #tpu.memory_space<vmem>>, vector<1x16xf32>,
        %lt3A_1085 = arith.constant 0 : i32
        %lt3A_1086 = vector.broadcast %lt3A_1085 : i32 to vector<16xi32>
        %lt3A_1087 = arith.cmpi slt, %add3A_37, %lt3A_1086 : vector<16xi32>
        %add3A_1088 = arith.constant 16 : i32
        %add3A_1089 = vector.broadcast %add3A_1088 : i32 to vector<16xi32>
        %add3A_1090 = arith.addi %add3A_37, %add3A_1089 : vector<16xi32>
        %select_n3A_1091 = arith.select %lt3A_1087, %add3A_1090, %add3A_37 : vector<16xi1>, vector<16xi32>
        %broadcast_in_dim3A_1092 = vector.shape_cast %select_n3A_1091 : vector<16xi32> to vector<16x1xi32>
        %gather3A_1093 = vector.shape_cast %broadcast_in_dim3A_1092 : vector<16x1xi32> to vector<16xi32>
        %gather3A_1094 = tpu.dynamic_gather %get3A_1009[%gather3A_1093] in [0] : vector<16xf32>, vector<16xi32> -> vector<16xf32>
        %swap3A_1095 = arith.index_cast %scan3A_265 : i32 to index
        %swap3A_1096 = arith.constant 848 : index
        %swap3A_1097 = tpu.vector_load %arg11[%swap3A_1095, %swap3A_1096] {strides = array<i32>} : memref<32x1024xf32, #tpu.memory_space<vmem>>, vector<1x16xf32>,
        %swap3A_1098 = vector.shape_cast %swap3A_1097 : vector<1x16xf32> to vector<16xf32>
        %swap3A_1099 = vector.shape_cast %gather3A_1094 : vector<16xf32> to vector<1x16xf32>
        tpu.vector_store %arg11[%swap3A_1095, %swap3A_1096], %swap3A_1099 {strides = array<i32>} : memref<32x1024xf32, #tpu.memory_space<vmem>>, vector<1x16xf32>,
        %lt3A_1100 = arith.constant 0 : i32
        %lt3A_1101 = vector.broadcast %lt3A_1100 : i32 to vector<16xi32>
        %lt3A_1102 = arith.cmpi slt, %add3A_43, %lt3A_1101 : vector<16xi32>
        %add3A_1103 = arith.constant 16 : i32
        %add3A_1104 = vector.broadcast %add3A_1103 : i32 to vector<16xi32>
        %add3A_1105 = arith.addi %add3A_43, %add3A_1104 : vector<16xi32>
        %select_n3A_1106 = arith.select %lt3A_1102, %add3A_1105, %add3A_43 : vector<16xi1>, vector<16xi32>
        %broadcast_in_dim3A_1107 = vector.shape_cast %select_n3A_1106 : vector<16xi32> to vector<16x1xi32>
        %gather3A_1108 = vector.shape_cast %broadcast_in_dim3A_1107 : vector<16x1xi32> to vector<16xi32>
        %gather3A_1109 = tpu.dynamic_gather %get3A_1009[%gather3A_1108] in [0] : vector<16xf32>, vector<16xi32> -> vector<16xf32>
        %swap3A_1110 = arith.index_cast %scan3A_265 : i32 to index
        %swap3A_1111 = arith.constant 864 : index
        %swap3A_1112 = tpu.vector_load %arg11[%swap3A_1110, %swap3A_1111] {strides = array<i32>} : memref<32x1024xf32, #tpu.memory_space<vmem>>, vector<1x16xf32>,
        %swap3A_1113 = vector.shape_cast %swap3A_1112 : vector<1x16xf32> to vector<16xf32>
        %swap3A_1114 = vector.shape_cast %gather3A_1109 : vector<16xf32> to vector<1x16xf32>
        tpu.vector_store %arg11[%swap3A_1110, %swap3A_1111], %swap3A_1114 {strides = array<i32>} : memref<32x1024xf32, #tpu.memory_space<vmem>>, vector<1x16xf32>,
        %lt3A_1115 = arith.constant 0 : i32
        %lt3A_1116 = vector.broadcast %lt3A_1115 : i32 to vector<16xi32>
        %lt3A_1117 = arith.cmpi slt, %add3A_49, %lt3A_1116 : vector<16xi32>
        %add3A_1118 = arith.constant 16 : i32
        %add3A_1119 = vector.broadcast %add3A_1118 : i32 to vector<16xi32>
        %add3A_1120 = arith.addi %add3A_49, %add3A_1119 : vector<16xi32>
        %select_n3A_1121 = arith.select %lt3A_1117, %add3A_1120, %add3A_49 : vector<16xi1>, vector<16xi32>
        %broadcast_in_dim3A_1122 = vector.shape_cast %select_n3A_1121 : vector<16xi32> to vector<16x1xi32>
        %gather3A_1123 = vector.shape_cast %broadcast_in_dim3A_1122 : vector<16x1xi32> to vector<16xi32>
        %gather3A_1124 = tpu.dynamic_gather %get3A_1009[%gather3A_1123] in [0] : vector<16xf32>, vector<16xi32> -> vector<16xf32>
        %swap3A_1125 = arith.index_cast %scan3A_265 : i32 to index
        %swap3A_1126 = arith.constant 880 : index
        %swap3A_1127 = tpu.vector_load %arg11[%swap3A_1125, %swap3A_1126] {strides = array<i32>} : memref<32x1024xf32, #tpu.memory_space<vmem>>, vector<1x16xf32>,
        %swap3A_1128 = vector.shape_cast %swap3A_1127 : vector<1x16xf32> to vector<16xf32>
        %swap3A_1129 = vector.shape_cast %gather3A_1124 : vector<16xf32> to vector<1x16xf32>
        tpu.vector_store %arg11[%swap3A_1125, %swap3A_1126], %swap3A_1129 {strides = array<i32>} : memref<32x1024xf32, #tpu.memory_space<vmem>>, vector<1x16xf32>,
        %get3A_1130 = arith.index_cast %scan3A_265 : i32 to index
        %get3A_1131 = arith.constant 112 : index
        %get3A_1132 = tpu.vector_load %arg7[%get3A_1130, %get3A_1131] {strides = array<i32>} : memref<32x128xf32, #tpu.memory_space<vmem>>, vector<1x16xf32>,
        %get3A_1133 = vector.shape_cast %get3A_1132 : vector<1x16xf32> to vector<16xf32>
        %lt3A_1134 = arith.constant 0 : i32
        %lt3A_1135 = vector.broadcast %lt3A_1134 : i32 to vector<16xi32>
        %lt3A_1136 = arith.cmpi slt, %add3A_7, %lt3A_1135 : vector<16xi32>
        %add3A_1137 = arith.constant 16 : i32
        %add3A_1138 = vector.broadcast %add3A_1137 : i32 to vector<16xi32>
        %add3A_1139 = arith.addi %add3A_7, %add3A_1138 : vector<16xi32>
        %select_n3A_1140 = arith.select %lt3A_1136, %add3A_1139, %add3A_7 : vector<16xi1>, vector<16xi32>
        %broadcast_in_dim3A_1141 = vector.shape_cast %select_n3A_1140 : vector<16xi32> to vector<16x1xi32>
        %gather3A_1142 = vector.shape_cast %broadcast_in_dim3A_1141 : vector<16x1xi32> to vector<16xi32>
        %gather3A_1143 = tpu.dynamic_gather %get3A_1133[%gather3A_1142] in [0] : vector<16xf32>, vector<16xi32> -> vector<16xf32>
        %swap3A_1144 = arith.index_cast %scan3A_265 : i32 to index
        %swap3A_1145 = arith.constant 896 : index
        %swap3A_1146 = tpu.vector_load %arg11[%swap3A_1144, %swap3A_1145] {strides = array<i32>} : memref<32x1024xf32, #tpu.memory_space<vmem>>, vector<1x16xf32>,
        %swap3A_1147 = vector.shape_cast %swap3A_1146 : vector<1x16xf32> to vector<16xf32>
        %swap3A_1148 = vector.shape_cast %gather3A_1143 : vector<16xf32> to vector<1x16xf32>
        tpu.vector_store %arg11[%swap3A_1144, %swap3A_1145], %swap3A_1148 {strides = array<i32>} : memref<32x1024xf32, #tpu.memory_space<vmem>>, vector<1x16xf32>,
        %lt3A_1149 = arith.constant 0 : i32
        %lt3A_1150 = vector.broadcast %lt3A_1149 : i32 to vector<16xi32>
        %lt3A_1151 = arith.cmpi slt, %add3A_13, %lt3A_1150 : vector<16xi32>
        %add3A_1152 = arith.constant 16 : i32
        %add3A_1153 = vector.broadcast %add3A_1152 : i32 to vector<16xi32>
        %add3A_1154 = arith.addi %add3A_13, %add3A_1153 : vector<16xi32>
        %select_n3A_1155 = arith.select %lt3A_1151, %add3A_1154, %add3A_13 : vector<16xi1>, vector<16xi32>
        %broadcast_in_dim3A_1156 = vector.shape_cast %select_n3A_1155 : vector<16xi32> to vector<16x1xi32>
        %gather3A_1157 = vector.shape_cast %broadcast_in_dim3A_1156 : vector<16x1xi32> to vector<16xi32>
        %gather3A_1158 = tpu.dynamic_gather %get3A_1133[%gather3A_1157] in [0] : vector<16xf32>, vector<16xi32> -> vector<16xf32>
        %swap3A_1159 = arith.index_cast %scan3A_265 : i32 to index
        %swap3A_1160 = arith.constant 912 : index
        %swap3A_1161 = tpu.vector_load %arg11[%swap3A_1159, %swap3A_1160] {strides = array<i32>} : memref<32x1024xf32, #tpu.memory_space<vmem>>, vector<1x16xf32>,
        %swap3A_1162 = vector.shape_cast %swap3A_1161 : vector<1x16xf32> to vector<16xf32>
        %swap3A_1163 = vector.shape_cast %gather3A_1158 : vector<16xf32> to vector<1x16xf32>
        tpu.vector_store %arg11[%swap3A_1159, %swap3A_1160], %swap3A_1163 {strides = array<i32>} : memref<32x1024xf32, #tpu.memory_space<vmem>>, vector<1x16xf32>,
        %lt3A_1164 = arith.constant 0 : i32
        %lt3A_1165 = vector.broadcast %lt3A_1164 : i32 to vector<16xi32>
        %lt3A_1166 = arith.cmpi slt, %add3A_19, %lt3A_1165 : vector<16xi32>
        %add3A_1167 = arith.constant 16 : i32
        %add3A_1168 = vector.broadcast %add3A_1167 : i32 to vector<16xi32>
        %add3A_1169 = arith.addi %add3A_19, %add3A_1168 : vector<16xi32>
        %select_n3A_1170 = arith.select %lt3A_1166, %add3A_1169, %add3A_19 : vector<16xi1>, vector<16xi32>
        %broadcast_in_dim3A_1171 = vector.shape_cast %select_n3A_1170 : vector<16xi32> to vector<16x1xi32>
        %gather3A_1172 = vector.shape_cast %broadcast_in_dim3A_1171 : vector<16x1xi32> to vector<16xi32>
        %gather3A_1173 = tpu.dynamic_gather %get3A_1133[%gather3A_1172] in [0] : vector<16xf32>, vector<16xi32> -> vector<16xf32>
        %swap3A_1174 = arith.index_cast %scan3A_265 : i32 to index
        %swap3A_1175 = arith.constant 928 : index
        %swap3A_1176 = tpu.vector_load %arg11[%swap3A_1174, %swap3A_1175] {strides = array<i32>} : memref<32x1024xf32, #tpu.memory_space<vmem>>, vector<1x16xf32>,
        %swap3A_1177 = vector.shape_cast %swap3A_1176 : vector<1x16xf32> to vector<16xf32>
        %swap3A_1178 = vector.shape_cast %gather3A_1173 : vector<16xf32> to vector<1x16xf32>
        tpu.vector_store %arg11[%swap3A_1174, %swap3A_1175], %swap3A_1178 {strides = array<i32>} : memref<32x1024xf32, #tpu.memory_space<vmem>>, vector<1x16xf32>,
        %lt3A_1179 = arith.constant 0 : i32
        %lt3A_1180 = vector.broadcast %lt3A_1179 : i32 to vector<16xi32>
        %lt3A_1181 = arith.cmpi slt, %add3A_25, %lt3A_1180 : vector<16xi32>
        %add3A_1182 = arith.constant 16 : i32
        %add3A_1183 = vector.broadcast %add3A_1182 : i32 to vector<16xi32>
        %add3A_1184 = arith.addi %add3A_25, %add3A_1183 : vector<16xi32>
        %select_n3A_1185 = arith.select %lt3A_1181, %add3A_1184, %add3A_25 : vector<16xi1>, vector<16xi32>
        %broadcast_in_dim3A_1186 = vector.shape_cast %select_n3A_1185 : vector<16xi32> to vector<16x1xi32>
        %gather3A_1187 = vector.shape_cast %broadcast_in_dim3A_1186 : vector<16x1xi32> to vector<16xi32>
        %gather3A_1188 = tpu.dynamic_gather %get3A_1133[%gather3A_1187] in [0] : vector<16xf32>, vector<16xi32> -> vector<16xf32>
        %swap3A_1189 = arith.index_cast %scan3A_265 : i32 to index
        %swap3A_1190 = arith.constant 944 : index
        %swap3A_1191 = tpu.vector_load %arg11[%swap3A_1189, %swap3A_1190] {strides = array<i32>} : memref<32x1024xf32, #tpu.memory_space<vmem>>, vector<1x16xf32>,
        %swap3A_1192 = vector.shape_cast %swap3A_1191 : vector<1x16xf32> to vector<16xf32>
        %swap3A_1193 = vector.shape_cast %gather3A_1188 : vector<16xf32> to vector<1x16xf32>
        tpu.vector_store %arg11[%swap3A_1189, %swap3A_1190], %swap3A_1193 {strides = array<i32>} : memref<32x1024xf32, #tpu.memory_space<vmem>>, vector<1x16xf32>,
        %lt3A_1194 = arith.constant 0 : i32
        %lt3A_1195 = vector.broadcast %lt3A_1194 : i32 to vector<16xi32>
        %lt3A_1196 = arith.cmpi slt, %add3A_31, %lt3A_1195 : vector<16xi32>
        %add3A_1197 = arith.constant 16 : i32
        %add3A_1198 = vector.broadcast %add3A_1197 : i32 to vector<16xi32>
        %add3A_1199 = arith.addi %add3A_31, %add3A_1198 : vector<16xi32>
        %select_n3A_1200 = arith.select %lt3A_1196, %add3A_1199, %add3A_31 : vector<16xi1>, vector<16xi32>
        %broadcast_in_dim3A_1201 = vector.shape_cast %select_n3A_1200 : vector<16xi32> to vector<16x1xi32>
        %gather3A_1202 = vector.shape_cast %broadcast_in_dim3A_1201 : vector<16x1xi32> to vector<16xi32>
        %gather3A_1203 = tpu.dynamic_gather %get3A_1133[%gather3A_1202] in [0] : vector<16xf32>, vector<16xi32> -> vector<16xf32>
        %swap3A_1204 = arith.index_cast %scan3A_265 : i32 to index
        %swap3A_1205 = arith.constant 960 : index
        %swap3A_1206 = tpu.vector_load %arg11[%swap3A_1204, %swap3A_1205] {strides = array<i32>} : memref<32x1024xf32, #tpu.memory_space<vmem>>, vector<1x16xf32>,
        %swap3A_1207 = vector.shape_cast %swap3A_1206 : vector<1x16xf32> to vector<16xf32>
        %swap3A_1208 = vector.shape_cast %gather3A_1203 : vector<16xf32> to vector<1x16xf32>
        tpu.vector_store %arg11[%swap3A_1204, %swap3A_1205], %swap3A_1208 {strides = array<i32>} : memref<32x1024xf32, #tpu.memory_space<vmem>>, vector<1x16xf32>,
        %lt3A_1209 = arith.constant 0 : i32
        %lt3A_1210 = vector.broadcast %lt3A_1209 : i32 to vector<16xi32>
        %lt3A_1211 = arith.cmpi slt, %add3A_37, %lt3A_1210 : vector<16xi32>
        %add3A_1212 = arith.constant 16 : i32
        %add3A_1213 = vector.broadcast %add3A_1212 : i32 to vector<16xi32>
        %add3A_1214 = arith.addi %add3A_37, %add3A_1213 : vector<16xi32>
        %select_n3A_1215 = arith.select %lt3A_1211, %add3A_1214, %add3A_37 : vector<16xi1>, vector<16xi32>
        %broadcast_in_dim3A_1216 = vector.shape_cast %select_n3A_1215 : vector<16xi32> to vector<16x1xi32>
        %gather3A_1217 = vector.shape_cast %broadcast_in_dim3A_1216 : vector<16x1xi32> to vector<16xi32>
        %gather3A_1218 = tpu.dynamic_gather %get3A_1133[%gather3A_1217] in [0] : vector<16xf32>, vector<16xi32> -> vector<16xf32>
        %swap3A_1219 = arith.index_cast %scan3A_265 : i32 to index
        %swap3A_1220 = arith.constant 976 : index
        %swap3A_1221 = tpu.vector_load %arg11[%swap3A_1219, %swap3A_1220] {strides = array<i32>} : memref<32x1024xf32, #tpu.memory_space<vmem>>, vector<1x16xf32>,
        %swap3A_1222 = vector.shape_cast %swap3A_1221 : vector<1x16xf32> to vector<16xf32>
        %swap3A_1223 = vector.shape_cast %gather3A_1218 : vector<16xf32> to vector<1x16xf32>
        tpu.vector_store %arg11[%swap3A_1219, %swap3A_1220], %swap3A_1223 {strides = array<i32>} : memref<32x1024xf32, #tpu.memory_space<vmem>>, vector<1x16xf32>,
        %lt3A_1224 = arith.constant 0 : i32
        %lt3A_1225 = vector.broadcast %lt3A_1224 : i32 to vector<16xi32>
        %lt3A_1226 = arith.cmpi slt, %add3A_43, %lt3A_1225 : vector<16xi32>
        %add3A_1227 = arith.constant 16 : i32
        %add3A_1228 = vector.broadcast %add3A_1227 : i32 to vector<16xi32>
        %add3A_1229 = arith.addi %add3A_43, %add3A_1228 : vector<16xi32>
        %select_n3A_1230 = arith.select %lt3A_1226, %add3A_1229, %add3A_43 : vector<16xi1>, vector<16xi32>
        %broadcast_in_dim3A_1231 = vector.shape_cast %select_n3A_1230 : vector<16xi32> to vector<16x1xi32>
        %gather3A_1232 = vector.shape_cast %broadcast_in_dim3A_1231 : vector<16x1xi32> to vector<16xi32>
        %gather3A_1233 = tpu.dynamic_gather %get3A_1133[%gather3A_1232] in [0] : vector<16xf32>, vector<16xi32> -> vector<16xf32>
        %swap3A_1234 = arith.index_cast %scan3A_265 : i32 to index
        %swap3A_1235 = arith.constant 992 : index
        %swap3A_1236 = tpu.vector_load %arg11[%swap3A_1234, %swap3A_1235] {strides = array<i32>} : memref<32x1024xf32, #tpu.memory_space<vmem>>, vector<1x16xf32>,
        %swap3A_1237 = vector.shape_cast %swap3A_1236 : vector<1x16xf32> to vector<16xf32>
        %swap3A_1238 = vector.shape_cast %gather3A_1233 : vector<16xf32> to vector<1x16xf32>
        tpu.vector_store %arg11[%swap3A_1234, %swap3A_1235], %swap3A_1238 {strides = array<i32>} : memref<32x1024xf32, #tpu.memory_space<vmem>>, vector<1x16xf32>,
        %lt3A_1239 = arith.constant 0 : i32
        %lt3A_1240 = vector.broadcast %lt3A_1239 : i32 to vector<16xi32>
        %lt3A_1241 = arith.cmpi slt, %add3A_49, %lt3A_1240 : vector<16xi32>
        %add3A_1242 = arith.constant 16 : i32
        %add3A_1243 = vector.broadcast %add3A_1242 : i32 to vector<16xi32>
        %add3A_1244 = arith.addi %add3A_49, %add3A_1243 : vector<16xi32>
        %select_n3A_1245 = arith.select %lt3A_1241, %add3A_1244, %add3A_49 : vector<16xi1>, vector<16xi32>
        %broadcast_in_dim3A_1246 = vector.shape_cast %select_n3A_1245 : vector<16xi32> to vector<16x1xi32>
        %gather3A_1247 = vector.shape_cast %broadcast_in_dim3A_1246 : vector<16x1xi32> to vector<16xi32>
        %gather3A_1248 = tpu.dynamic_gather %get3A_1133[%gather3A_1247] in [0] : vector<16xf32>, vector<16xi32> -> vector<16xf32>
        %swap3A_1249 = arith.index_cast %scan3A_265 : i32 to index
        %swap3A_1250 = arith.constant 1008 : index
        %swap3A_1251 = tpu.vector_load %arg11[%swap3A_1249, %swap3A_1250] {strides = array<i32>} : memref<32x1024xf32, #tpu.memory_space<vmem>>, vector<1x16xf32>,
        %swap3A_1252 = vector.shape_cast %swap3A_1251 : vector<1x16xf32> to vector<16xf32>
        %swap3A_1253 = vector.shape_cast %gather3A_1248 : vector<16xf32> to vector<1x16xf32>
        tpu.vector_store %arg11[%swap3A_1249, %swap3A_1250], %swap3A_1253 {strides = array<i32>} : memref<32x1024xf32, #tpu.memory_space<vmem>>, vector<1x16xf32>,
        %scan3A_1254 = arith.constant 0 : i32
        scf.yield %scan3A_1254 : i32
      }
      %scan3A_215 = arith.constant 32 : i32
      %scan3A_216 = arith.constant 0 : i32
      %scan3A_217 = arith.constant 0 : i32
      %scan3A_218 = arith.constant 8 : i32
      %scan3A_219 = arith.addi %scan3A_217, %scan3A_218 : i32
      %scan3A_220 = arith.constant 1 : i32
      %scan3A_221 = scf.for %scan3A_265 = %scan3A_217 to %scan3A_219 step %scan3A_220 iter_args(%scan3A_266 = %scan3A_216) -> (i32)  : i32 {
        %mul3A_267 = arith.constant 16 : i32
        %mul3A_268 = arith.muli %scan3A_265, %mul3A_267 : i32
        %get3A = arith.constant 0 : i32
        %get3A_269 = arith.index_cast %get3A : i32 to index
        %get3A_270 = arith.index_cast %mul3A_268 : i32 to index
        %get3A_271 = tpu.vector_load %arg9[%get3A_269, %get3A_270] {strides = array<i32>} : memref<4x128xi32, #tpu.memory_space<vmem>>, vector<1x16xi32>,
        %get3A_272 = vector.shape_cast %get3A_271 : vector<1x16xi32> to vector<16xi32>
        %lt3A_273 = arith.constant 0 : i32
        %lt3A_274 = vector.broadcast %lt3A_273 : i32 to vector<16xi32>
        %lt3A_275 = arith.cmpi slt, %add3A_7, %lt3A_274 : vector<16xi32>
        %add3A_276 = arith.constant 16 : i32
        %add3A_277 = vector.broadcast %add3A_276 : i32 to vector<16xi32>
        %add3A_278 = arith.addi %add3A_7, %add3A_277 : vector<16xi32>
        %select_n3A = arith.select %lt3A_275, %add3A_278, %add3A_7 : vector<16xi1>, vector<16xi32>
        %broadcast_in_dim3A = vector.shape_cast %select_n3A : vector<16xi32> to vector<16x1xi32>
        %gather3A = vector.shape_cast %broadcast_in_dim3A : vector<16x1xi32> to vector<16xi32>
        %gather3A_279 = tpu.dynamic_gather %get3A_272[%gather3A] in [0] : vector<16xi32>, vector<16xi32> -> vector<16xi32>
        %mul3A_280 = arith.constant 128 : i32
        %mul3A_281 = arith.muli %scan3A_265, %mul3A_280 : i32
        %add3A_282 = arith.constant 0 : i32
        %add3A_283 = arith.addi %mul3A_281, %add3A_282 : i32
        %swap3A = arith.constant 0 : i32
        %swap3A_284 = arith.index_cast %swap3A : i32 to index
        %swap3A_285 = arith.index_cast %add3A_283 : i32 to index
        %swap3A_286 = tpu.vector_load %arg13[%swap3A_284, %swap3A_285] {strides = array<i32>} : memref<4x1024xi32, #tpu.memory_space<vmem>>, vector<1x16xi32>,
        %swap3A_287 = vector.shape_cast %swap3A_286 : vector<1x16xi32> to vector<16xi32>
        %swap3A_288 = vector.shape_cast %gather3A_279 : vector<16xi32> to vector<1x16xi32>
        tpu.vector_store %arg13[%swap3A_284, %swap3A_285], %swap3A_288 {strides = array<i32>} : memref<4x1024xi32, #tpu.memory_space<vmem>>, vector<1x16xi32>,
        %lt3A_289 = arith.constant 0 : i32
        %lt3A_290 = vector.broadcast %lt3A_289 : i32 to vector<16xi32>
        %lt3A_291 = arith.cmpi slt, %add3A_13, %lt3A_290 : vector<16xi32>
        %add3A_292 = arith.constant 16 : i32
        %add3A_293 = vector.broadcast %add3A_292 : i32 to vector<16xi32>
        %add3A_294 = arith.addi %add3A_13, %add3A_293 : vector<16xi32>
        %select_n3A_295 = arith.select %lt3A_291, %add3A_294, %add3A_13 : vector<16xi1>, vector<16xi32>
        %broadcast_in_dim3A_296 = vector.shape_cast %select_n3A_295 : vector<16xi32> to vector<16x1xi32>
        %gather3A_297 = vector.shape_cast %broadcast_in_dim3A_296 : vector<16x1xi32> to vector<16xi32>
        %gather3A_298 = tpu.dynamic_gather %get3A_272[%gather3A_297] in [0] : vector<16xi32>, vector<16xi32> -> vector<16xi32>
        %mul3A_299 = arith.constant 128 : i32
        %mul3A_300 = arith.muli %scan3A_265, %mul3A_299 : i32
        %add3A_301 = arith.constant 16 : i32
        %add3A_302 = arith.addi %mul3A_300, %add3A_301 : i32
        %swap3A_303 = arith.constant 0 : i32
        %swap3A_304 = arith.index_cast %swap3A_303 : i32 to index
        %swap3A_305 = arith.index_cast %add3A_302 : i32 to index
        %swap3A_306 = tpu.vector_load %arg13[%swap3A_304, %swap3A_305] {strides = array<i32>} : memref<4x1024xi32, #tpu.memory_space<vmem>>, vector<1x16xi32>,
        %swap3A_307 = vector.shape_cast %swap3A_306 : vector<1x16xi32> to vector<16xi32>
        %swap3A_308 = vector.shape_cast %gather3A_298 : vector<16xi32> to vector<1x16xi32>
        tpu.vector_store %arg13[%swap3A_304, %swap3A_305], %swap3A_308 {strides = array<i32>} : memref<4x1024xi32, #tpu.memory_space<vmem>>, vector<1x16xi32>,
        %lt3A_309 = arith.constant 0 : i32
        %lt3A_310 = vector.broadcast %lt3A_309 : i32 to vector<16xi32>
        %lt3A_311 = arith.cmpi slt, %add3A_19, %lt3A_310 : vector<16xi32>
        %add3A_312 = arith.constant 16 : i32
        %add3A_313 = vector.broadcast %add3A_312 : i32 to vector<16xi32>
        %add3A_314 = arith.addi %add3A_19, %add3A_313 : vector<16xi32>
        %select_n3A_315 = arith.select %lt3A_311, %add3A_314, %add3A_19 : vector<16xi1>, vector<16xi32>
        %broadcast_in_dim3A_316 = vector.shape_cast %select_n3A_315 : vector<16xi32> to vector<16x1xi32>
        %gather3A_317 = vector.shape_cast %broadcast_in_dim3A_316 : vector<16x1xi32> to vector<16xi32>
        %gather3A_318 = tpu.dynamic_gather %get3A_272[%gather3A_317] in [0] : vector<16xi32>, vector<16xi32> -> vector<16xi32>
        %mul3A_319 = arith.constant 128 : i32
        %mul3A_320 = arith.muli %scan3A_265, %mul3A_319 : i32
        %add3A_321 = arith.constant 32 : i32
        %add3A_322 = arith.addi %mul3A_320, %add3A_321 : i32
        %swap3A_323 = arith.constant 0 : i32
        %swap3A_324 = arith.index_cast %swap3A_323 : i32 to index
        %swap3A_325 = arith.index_cast %add3A_322 : i32 to index
        %swap3A_326 = tpu.vector_load %arg13[%swap3A_324, %swap3A_325] {strides = array<i32>} : memref<4x1024xi32, #tpu.memory_space<vmem>>, vector<1x16xi32>,
        %swap3A_327 = vector.shape_cast %swap3A_326 : vector<1x16xi32> to vector<16xi32>
        %swap3A_328 = vector.shape_cast %gather3A_318 : vector<16xi32> to vector<1x16xi32>
        tpu.vector_store %arg13[%swap3A_324, %swap3A_325], %swap3A_328 {strides = array<i32>} : memref<4x1024xi32, #tpu.memory_space<vmem>>, vector<1x16xi32>,
        %lt3A_329 = arith.constant 0 : i32
        %lt3A_330 = vector.broadcast %lt3A_329 : i32 to vector<16xi32>
        %lt3A_331 = arith.cmpi slt, %add3A_25, %lt3A_330 : vector<16xi32>
        %add3A_332 = arith.constant 16 : i32
        %add3A_333 = vector.broadcast %add3A_332 : i32 to vector<16xi32>
        %add3A_334 = arith.addi %add3A_25, %add3A_333 : vector<16xi32>
        %select_n3A_335 = arith.select %lt3A_331, %add3A_334, %add3A_25 : vector<16xi1>, vector<16xi32>
        %broadcast_in_dim3A_336 = vector.shape_cast %select_n3A_335 : vector<16xi32> to vector<16x1xi32>
        %gather3A_337 = vector.shape_cast %broadcast_in_dim3A_336 : vector<16x1xi32> to vector<16xi32>
        %gather3A_338 = tpu.dynamic_gather %get3A_272[%gather3A_337] in [0] : vector<16xi32>, vector<16xi32> -> vector<16xi32>
        %mul3A_339 = arith.constant 128 : i32
        %mul3A_340 = arith.muli %scan3A_265, %mul3A_339 : i32
        %add3A_341 = arith.constant 48 : i32
        %add3A_342 = arith.addi %mul3A_340, %add3A_341 : i32
        %swap3A_343 = arith.constant 0 : i32
        %swap3A_344 = arith.index_cast %swap3A_343 : i32 to index
        %swap3A_345 = arith.index_cast %add3A_342 : i32 to index
        %swap3A_346 = tpu.vector_load %arg13[%swap3A_344, %swap3A_345] {strides = array<i32>} : memref<4x1024xi32, #tpu.memory_space<vmem>>, vector<1x16xi32>,
        %swap3A_347 = vector.shape_cast %swap3A_346 : vector<1x16xi32> to vector<16xi32>
        %swap3A_348 = vector.shape_cast %gather3A_338 : vector<16xi32> to vector<1x16xi32>
        tpu.vector_store %arg13[%swap3A_344, %swap3A_345], %swap3A_348 {strides = array<i32>} : memref<4x1024xi32, #tpu.memory_space<vmem>>, vector<1x16xi32>,
        %lt3A_349 = arith.constant 0 : i32
        %lt3A_350 = vector.broadcast %lt3A_349 : i32 to vector<16xi32>
        %lt3A_351 = arith.cmpi slt, %add3A_31, %lt3A_350 : vector<16xi32>
        %add3A_352 = arith.constant 16 : i32
        %add3A_353 = vector.broadcast %add3A_352 : i32 to vector<16xi32>
        %add3A_354 = arith.addi %add3A_31, %add3A_353 : vector<16xi32>
        %select_n3A_355 = arith.select %lt3A_351, %add3A_354, %add3A_31 : vector<16xi1>, vector<16xi32>
        %broadcast_in_dim3A_356 = vector.shape_cast %select_n3A_355 : vector<16xi32> to vector<16x1xi32>
        %gather3A_357 = vector.shape_cast %broadcast_in_dim3A_356 : vector<16x1xi32> to vector<16xi32>
        %gather3A_358 = tpu.dynamic_gather %get3A_272[%gather3A_357] in [0] : vector<16xi32>, vector<16xi32> -> vector<16xi32>
        %mul3A_359 = arith.constant 128 : i32
        %mul3A_360 = arith.muli %scan3A_265, %mul3A_359 : i32
        %add3A_361 = arith.constant 64 : i32
        %add3A_362 = arith.addi %mul3A_360, %add3A_361 : i32
        %swap3A_363 = arith.constant 0 : i32
        %swap3A_364 = arith.index_cast %swap3A_363 : i32 to index
        %swap3A_365 = arith.index_cast %add3A_362 : i32 to index
        %swap3A_366 = tpu.vector_load %arg13[%swap3A_364, %swap3A_365] {strides = array<i32>} : memref<4x1024xi32, #tpu.memory_space<vmem>>, vector<1x16xi32>,
        %swap3A_367 = vector.shape_cast %swap3A_366 : vector<1x16xi32> to vector<16xi32>
        %swap3A_368 = vector.shape_cast %gather3A_358 : vector<16xi32> to vector<1x16xi32>
        tpu.vector_store %arg13[%swap3A_364, %swap3A_365], %swap3A_368 {strides = array<i32>} : memref<4x1024xi32, #tpu.memory_space<vmem>>, vector<1x16xi32>,
        %lt3A_369 = arith.constant 0 : i32
        %lt3A_370 = vector.broadcast %lt3A_369 : i32 to vector<16xi32>
        %lt3A_371 = arith.cmpi slt, %add3A_37, %lt3A_370 : vector<16xi32>
        %add3A_372 = arith.constant 16 : i32
        %add3A_373 = vector.broadcast %add3A_372 : i32 to vector<16xi32>
        %add3A_374 = arith.addi %add3A_37, %add3A_373 : vector<16xi32>
        %select_n3A_375 = arith.select %lt3A_371, %add3A_374, %add3A_37 : vector<16xi1>, vector<16xi32>
        %broadcast_in_dim3A_376 = vector.shape_cast %select_n3A_375 : vector<16xi32> to vector<16x1xi32>
        %gather3A_377 = vector.shape_cast %broadcast_in_dim3A_376 : vector<16x1xi32> to vector<16xi32>
        %gather3A_378 = tpu.dynamic_gather %get3A_272[%gather3A_377] in [0] : vector<16xi32>, vector<16xi32> -> vector<16xi32>
        %mul3A_379 = arith.constant 128 : i32
        %mul3A_380 = arith.muli %scan3A_265, %mul3A_379 : i32
        %add3A_381 = arith.constant 80 : i32
        %add3A_382 = arith.addi %mul3A_380, %add3A_381 : i32
        %swap3A_383 = arith.constant 0 : i32
        %swap3A_384 = arith.index_cast %swap3A_383 : i32 to index
        %swap3A_385 = arith.index_cast %add3A_382 : i32 to index
        %swap3A_386 = tpu.vector_load %arg13[%swap3A_384, %swap3A_385] {strides = array<i32>} : memref<4x1024xi32, #tpu.memory_space<vmem>>, vector<1x16xi32>,
        %swap3A_387 = vector.shape_cast %swap3A_386 : vector<1x16xi32> to vector<16xi32>
        %swap3A_388 = vector.shape_cast %gather3A_378 : vector<16xi32> to vector<1x16xi32>
        tpu.vector_store %arg13[%swap3A_384, %swap3A_385], %swap3A_388 {strides = array<i32>} : memref<4x1024xi32, #tpu.memory_space<vmem>>, vector<1x16xi32>,
        %lt3A_389 = arith.constant 0 : i32
        %lt3A_390 = vector.broadcast %lt3A_389 : i32 to vector<16xi32>
        %lt3A_391 = arith.cmpi slt, %add3A_43, %lt3A_390 : vector<16xi32>
        %add3A_392 = arith.constant 16 : i32
        %add3A_393 = vector.broadcast %add3A_392 : i32 to vector<16xi32>
        %add3A_394 = arith.addi %add3A_43, %add3A_393 : vector<16xi32>
        %select_n3A_395 = arith.select %lt3A_391, %add3A_394, %add3A_43 : vector<16xi1>, vector<16xi32>
        %broadcast_in_dim3A_396 = vector.shape_cast %select_n3A_395 : vector<16xi32> to vector<16x1xi32>
        %gather3A_397 = vector.shape_cast %broadcast_in_dim3A_396 : vector<16x1xi32> to vector<16xi32>
        %gather3A_398 = tpu.dynamic_gather %get3A_272[%gather3A_397] in [0] : vector<16xi32>, vector<16xi32> -> vector<16xi32>
        %mul3A_399 = arith.constant 128 : i32
        %mul3A_400 = arith.muli %scan3A_265, %mul3A_399 : i32
        %add3A_401 = arith.constant 96 : i32
        %add3A_402 = arith.addi %mul3A_400, %add3A_401 : i32
        %swap3A_403 = arith.constant 0 : i32
        %swap3A_404 = arith.index_cast %swap3A_403 : i32 to index
        %swap3A_405 = arith.index_cast %add3A_402 : i32 to index
        %swap3A_406 = tpu.vector_load %arg13[%swap3A_404, %swap3A_405] {strides = array<i32>} : memref<4x1024xi32, #tpu.memory_space<vmem>>, vector<1x16xi32>,
        %swap3A_407 = vector.shape_cast %swap3A_406 : vector<1x16xi32> to vector<16xi32>
        %swap3A_408 = vector.shape_cast %gather3A_398 : vector<16xi32> to vector<1x16xi32>
        tpu.vector_store %arg13[%swap3A_404, %swap3A_405], %swap3A_408 {strides = array<i32>} : memref<4x1024xi32, #tpu.memory_space<vmem>>, vector<1x16xi32>,
        %lt3A_409 = arith.constant 0 : i32
        %lt3A_410 = vector.broadcast %lt3A_409 : i32 to vector<16xi32>
        %lt3A_411 = arith.cmpi slt, %add3A_49, %lt3A_410 : vector<16xi32>
        %add3A_412 = arith.constant 16 : i32
        %add3A_413 = vector.broadcast %add3A_412 : i32 to vector<16xi32>
        %add3A_414 = arith.addi %add3A_49, %add3A_413 : vector<16xi32>
        %select_n3A_415 = arith.select %lt3A_411, %add3A_414, %add3A_49 : vector<16xi1>, vector<16xi32>
        %broadcast_in_dim3A_416 = vector.shape_cast %select_n3A_415 : vector<16xi32> to vector<16x1xi32>
        %gather3A_417 = vector.shape_cast %broadcast_in_dim3A_416 : vector<16x1xi32> to vector<16xi32>
        %gather3A_418 = tpu.dynamic_gather %get3A_272[%gather3A_417] in [0] : vector<16xi32>, vector<16xi32> -> vector<16xi32>
        %mul3A_419 = arith.constant 128 : i32
        %mul3A_420 = arith.muli %scan3A_265, %mul3A_419 : i32
        %add3A_421 = arith.constant 112 : i32
        %add3A_422 = arith.addi %mul3A_420, %add3A_421 : i32
        %swap3A_423 = arith.constant 0 : i32
        %swap3A_424 = arith.index_cast %swap3A_423 : i32 to index
        %swap3A_425 = arith.index_cast %add3A_422 : i32 to index
        %swap3A_426 = tpu.vector_load %arg13[%swap3A_424, %swap3A_425] {strides = array<i32>} : memref<4x1024xi32, #tpu.memory_space<vmem>>, vector<1x16xi32>,
        %swap3A_427 = vector.shape_cast %swap3A_426 : vector<1x16xi32> to vector<16xi32>
        %swap3A_428 = vector.shape_cast %gather3A_418 : vector<16xi32> to vector<1x16xi32>
        tpu.vector_store %arg13[%swap3A_424, %swap3A_425], %swap3A_428 {strides = array<i32>} : memref<4x1024xi32, #tpu.memory_space<vmem>>, vector<1x16xi32>,
        %scan3A_429 = arith.constant 0 : i32
        scf.yield %scan3A_429 : i32
      }
      %scan3A_222 = arith.constant 8 : i32
      %scan3A_223 = arith.constant 0 : i32
      %scan3A_224 = arith.constant 0 : i32
      %scan3A_225 = arith.constant 8 : i32
      %scan3A_226 = arith.addi %scan3A_224, %scan3A_225 : i32
      %scan3A_227 = arith.constant 1 : i32
      %scan3A_228 = scf.for %scan3A_265 = %scan3A_224 to %scan3A_226 step %scan3A_227 iter_args(%scan3A_266 = %scan3A_223) -> (i32)  : i32 {
        %mul3A_267 = arith.constant 16 : i32
        %mul3A_268 = arith.muli %scan3A_265, %mul3A_267 : i32
        %get3A = arith.constant 1 : i32
        %get3A_269 = arith.index_cast %get3A : i32 to index
        %get3A_270 = arith.index_cast %mul3A_268 : i32 to index
        %get3A_271 = tpu.vector_load %arg9[%get3A_269, %get3A_270] {strides = array<i32>} : memref<4x128xi32, #tpu.memory_space<vmem>>, vector<1x16xi32>,
        %get3A_272 = vector.shape_cast %get3A_271 : vector<1x16xi32> to vector<16xi32>
        %mul3A_273 = arith.constant 2 : i32
        %mul3A_274 = vector.broadcast %mul3A_273 : i32 to vector<16xi32>
        %mul3A_275 = arith.muli %get3A_272, %mul3A_274 : vector<16xi32>
        %lt3A_276 = arith.constant 0 : i32
        %lt3A_277 = vector.broadcast %lt3A_276 : i32 to vector<16xi32>
        %lt3A_278 = arith.cmpi slt, %add3A_7, %lt3A_277 : vector<16xi32>
        %add3A_279 = arith.constant 16 : i32
        %add3A_280 = vector.broadcast %add3A_279 : i32 to vector<16xi32>
        %add3A_281 = arith.addi %add3A_7, %add3A_280 : vector<16xi32>
        %select_n3A = arith.select %lt3A_278, %add3A_281, %add3A_7 : vector<16xi1>, vector<16xi32>
        %broadcast_in_dim3A = vector.shape_cast %select_n3A : vector<16xi32> to vector<16x1xi32>
        %gather3A = vector.shape_cast %broadcast_in_dim3A : vector<16x1xi32> to vector<16xi32>
        %gather3A_282 = tpu.dynamic_gather %mul3A_275[%gather3A] in [0] : vector<16xi32>, vector<16xi32> -> vector<16xi32>
        %add3A_283 = arith.addi %gather3A_282, %shift_right_arithmetic3A_54 : vector<16xi32>
        %mul3A_284 = arith.constant 128 : i32
        %mul3A_285 = arith.muli %scan3A_265, %mul3A_284 : i32
        %add3A_286 = arith.constant 0 : i32
        %add3A_287 = arith.addi %mul3A_285, %add3A_286 : i32
        %swap3A = arith.constant 1 : i32
        %swap3A_288 = arith.index_cast %swap3A : i32 to index
        %swap3A_289 = arith.index_cast %add3A_287 : i32 to index
        %swap3A_290 = tpu.vector_load %arg13[%swap3A_288, %swap3A_289] {strides = array<i32>} : memref<4x1024xi32, #tpu.memory_space<vmem>>, vector<1x16xi32>,
        %swap3A_291 = vector.shape_cast %swap3A_290 : vector<1x16xi32> to vector<16xi32>
        %swap3A_292 = vector.shape_cast %add3A_283 : vector<16xi32> to vector<1x16xi32>
        tpu.vector_store %arg13[%swap3A_288, %swap3A_289], %swap3A_292 {strides = array<i32>} : memref<4x1024xi32, #tpu.memory_space<vmem>>, vector<1x16xi32>,
        %lt3A_293 = arith.constant 0 : i32
        %lt3A_294 = vector.broadcast %lt3A_293 : i32 to vector<16xi32>
        %lt3A_295 = arith.cmpi slt, %add3A_13, %lt3A_294 : vector<16xi32>
        %add3A_296 = arith.constant 16 : i32
        %add3A_297 = vector.broadcast %add3A_296 : i32 to vector<16xi32>
        %add3A_298 = arith.addi %add3A_13, %add3A_297 : vector<16xi32>
        %select_n3A_299 = arith.select %lt3A_295, %add3A_298, %add3A_13 : vector<16xi1>, vector<16xi32>
        %broadcast_in_dim3A_300 = vector.shape_cast %select_n3A_299 : vector<16xi32> to vector<16x1xi32>
        %gather3A_301 = vector.shape_cast %broadcast_in_dim3A_300 : vector<16x1xi32> to vector<16xi32>
        %gather3A_302 = tpu.dynamic_gather %mul3A_275[%gather3A_301] in [0] : vector<16xi32>, vector<16xi32> -> vector<16xi32>
        %add3A_303 = arith.addi %gather3A_302, %shift_right_arithmetic3A_54 : vector<16xi32>
        %mul3A_304 = arith.constant 128 : i32
        %mul3A_305 = arith.muli %scan3A_265, %mul3A_304 : i32
        %add3A_306 = arith.constant 16 : i32
        %add3A_307 = arith.addi %mul3A_305, %add3A_306 : i32
        %swap3A_308 = arith.constant 1 : i32
        %swap3A_309 = arith.index_cast %swap3A_308 : i32 to index
        %swap3A_310 = arith.index_cast %add3A_307 : i32 to index
        %swap3A_311 = tpu.vector_load %arg13[%swap3A_309, %swap3A_310] {strides = array<i32>} : memref<4x1024xi32, #tpu.memory_space<vmem>>, vector<1x16xi32>,
        %swap3A_312 = vector.shape_cast %swap3A_311 : vector<1x16xi32> to vector<16xi32>
        %swap3A_313 = vector.shape_cast %add3A_303 : vector<16xi32> to vector<1x16xi32>
        tpu.vector_store %arg13[%swap3A_309, %swap3A_310], %swap3A_313 {strides = array<i32>} : memref<4x1024xi32, #tpu.memory_space<vmem>>, vector<1x16xi32>,
        %lt3A_314 = arith.constant 0 : i32
        %lt3A_315 = vector.broadcast %lt3A_314 : i32 to vector<16xi32>
        %lt3A_316 = arith.cmpi slt, %add3A_19, %lt3A_315 : vector<16xi32>
        %add3A_317 = arith.constant 16 : i32
        %add3A_318 = vector.broadcast %add3A_317 : i32 to vector<16xi32>
        %add3A_319 = arith.addi %add3A_19, %add3A_318 : vector<16xi32>
        %select_n3A_320 = arith.select %lt3A_316, %add3A_319, %add3A_19 : vector<16xi1>, vector<16xi32>
        %broadcast_in_dim3A_321 = vector.shape_cast %select_n3A_320 : vector<16xi32> to vector<16x1xi32>
        %gather3A_322 = vector.shape_cast %broadcast_in_dim3A_321 : vector<16x1xi32> to vector<16xi32>
        %gather3A_323 = tpu.dynamic_gather %mul3A_275[%gather3A_322] in [0] : vector<16xi32>, vector<16xi32> -> vector<16xi32>
        %add3A_324 = arith.addi %gather3A_323, %shift_right_arithmetic3A_54 : vector<16xi32>
        %mul3A_325 = arith.constant 128 : i32
        %mul3A_326 = arith.muli %scan3A_265, %mul3A_325 : i32
        %add3A_327 = arith.constant 32 : i32
        %add3A_328 = arith.addi %mul3A_326, %add3A_327 : i32
        %swap3A_329 = arith.constant 1 : i32
        %swap3A_330 = arith.index_cast %swap3A_329 : i32 to index
        %swap3A_331 = arith.index_cast %add3A_328 : i32 to index
        %swap3A_332 = tpu.vector_load %arg13[%swap3A_330, %swap3A_331] {strides = array<i32>} : memref<4x1024xi32, #tpu.memory_space<vmem>>, vector<1x16xi32>,
        %swap3A_333 = vector.shape_cast %swap3A_332 : vector<1x16xi32> to vector<16xi32>
        %swap3A_334 = vector.shape_cast %add3A_324 : vector<16xi32> to vector<1x16xi32>
        tpu.vector_store %arg13[%swap3A_330, %swap3A_331], %swap3A_334 {strides = array<i32>} : memref<4x1024xi32, #tpu.memory_space<vmem>>, vector<1x16xi32>,
        %lt3A_335 = arith.constant 0 : i32
        %lt3A_336 = vector.broadcast %lt3A_335 : i32 to vector<16xi32>
        %lt3A_337 = arith.cmpi slt, %add3A_25, %lt3A_336 : vector<16xi32>
        %add3A_338 = arith.constant 16 : i32
        %add3A_339 = vector.broadcast %add3A_338 : i32 to vector<16xi32>
        %add3A_340 = arith.addi %add3A_25, %add3A_339 : vector<16xi32>
        %select_n3A_341 = arith.select %lt3A_337, %add3A_340, %add3A_25 : vector<16xi1>, vector<16xi32>
        %broadcast_in_dim3A_342 = vector.shape_cast %select_n3A_341 : vector<16xi32> to vector<16x1xi32>
        %gather3A_343 = vector.shape_cast %broadcast_in_dim3A_342 : vector<16x1xi32> to vector<16xi32>
        %gather3A_344 = tpu.dynamic_gather %mul3A_275[%gather3A_343] in [0] : vector<16xi32>, vector<16xi32> -> vector<16xi32>
        %add3A_345 = arith.addi %gather3A_344, %shift_right_arithmetic3A_54 : vector<16xi32>
        %mul3A_346 = arith.constant 128 : i32
        %mul3A_347 = arith.muli %scan3A_265, %mul3A_346 : i32
        %add3A_348 = arith.constant 48 : i32
        %add3A_349 = arith.addi %mul3A_347, %add3A_348 : i32
        %swap3A_350 = arith.constant 1 : i32
        %swap3A_351 = arith.index_cast %swap3A_350 : i32 to index
        %swap3A_352 = arith.index_cast %add3A_349 : i32 to index
        %swap3A_353 = tpu.vector_load %arg13[%swap3A_351, %swap3A_352] {strides = array<i32>} : memref<4x1024xi32, #tpu.memory_space<vmem>>, vector<1x16xi32>,
        %swap3A_354 = vector.shape_cast %swap3A_353 : vector<1x16xi32> to vector<16xi32>
        %swap3A_355 = vector.shape_cast %add3A_345 : vector<16xi32> to vector<1x16xi32>
        tpu.vector_store %arg13[%swap3A_351, %swap3A_352], %swap3A_355 {strides = array<i32>} : memref<4x1024xi32, #tpu.memory_space<vmem>>, vector<1x16xi32>,
        %lt3A_356 = arith.constant 0 : i32
        %lt3A_357 = vector.broadcast %lt3A_356 : i32 to vector<16xi32>
        %lt3A_358 = arith.cmpi slt, %add3A_31, %lt3A_357 : vector<16xi32>
        %add3A_359 = arith.constant 16 : i32
        %add3A_360 = vector.broadcast %add3A_359 : i32 to vector<16xi32>
        %add3A_361 = arith.addi %add3A_31, %add3A_360 : vector<16xi32>
        %select_n3A_362 = arith.select %lt3A_358, %add3A_361, %add3A_31 : vector<16xi1>, vector<16xi32>
        %broadcast_in_dim3A_363 = vector.shape_cast %select_n3A_362 : vector<16xi32> to vector<16x1xi32>
        %gather3A_364 = vector.shape_cast %broadcast_in_dim3A_363 : vector<16x1xi32> to vector<16xi32>
        %gather3A_365 = tpu.dynamic_gather %mul3A_275[%gather3A_364] in [0] : vector<16xi32>, vector<16xi32> -> vector<16xi32>
        %add3A_366 = arith.addi %gather3A_365, %shift_right_arithmetic3A_54 : vector<16xi32>
        %mul3A_367 = arith.constant 128 : i32
        %mul3A_368 = arith.muli %scan3A_265, %mul3A_367 : i32
        %add3A_369 = arith.constant 64 : i32
        %add3A_370 = arith.addi %mul3A_368, %add3A_369 : i32
        %swap3A_371 = arith.constant 1 : i32
        %swap3A_372 = arith.index_cast %swap3A_371 : i32 to index
        %swap3A_373 = arith.index_cast %add3A_370 : i32 to index
        %swap3A_374 = tpu.vector_load %arg13[%swap3A_372, %swap3A_373] {strides = array<i32>} : memref<4x1024xi32, #tpu.memory_space<vmem>>, vector<1x16xi32>,
        %swap3A_375 = vector.shape_cast %swap3A_374 : vector<1x16xi32> to vector<16xi32>
        %swap3A_376 = vector.shape_cast %add3A_366 : vector<16xi32> to vector<1x16xi32>
        tpu.vector_store %arg13[%swap3A_372, %swap3A_373], %swap3A_376 {strides = array<i32>} : memref<4x1024xi32, #tpu.memory_space<vmem>>, vector<1x16xi32>,
        %lt3A_377 = arith.constant 0 : i32
        %lt3A_378 = vector.broadcast %lt3A_377 : i32 to vector<16xi32>
        %lt3A_379 = arith.cmpi slt, %add3A_37, %lt3A_378 : vector<16xi32>
        %add3A_380 = arith.constant 16 : i32
        %add3A_381 = vector.broadcast %add3A_380 : i32 to vector<16xi32>
        %add3A_382 = arith.addi %add3A_37, %add3A_381 : vector<16xi32>
        %select_n3A_383 = arith.select %lt3A_379, %add3A_382, %add3A_37 : vector<16xi1>, vector<16xi32>
        %broadcast_in_dim3A_384 = vector.shape_cast %select_n3A_383 : vector<16xi32> to vector<16x1xi32>
        %gather3A_385 = vector.shape_cast %broadcast_in_dim3A_384 : vector<16x1xi32> to vector<16xi32>
        %gather3A_386 = tpu.dynamic_gather %mul3A_275[%gather3A_385] in [0] : vector<16xi32>, vector<16xi32> -> vector<16xi32>
        %add3A_387 = arith.addi %gather3A_386, %shift_right_arithmetic3A_54 : vector<16xi32>
        %mul3A_388 = arith.constant 128 : i32
        %mul3A_389 = arith.muli %scan3A_265, %mul3A_388 : i32
        %add3A_390 = arith.constant 80 : i32
        %add3A_391 = arith.addi %mul3A_389, %add3A_390 : i32
        %swap3A_392 = arith.constant 1 : i32
        %swap3A_393 = arith.index_cast %swap3A_392 : i32 to index
        %swap3A_394 = arith.index_cast %add3A_391 : i32 to index
        %swap3A_395 = tpu.vector_load %arg13[%swap3A_393, %swap3A_394] {strides = array<i32>} : memref<4x1024xi32, #tpu.memory_space<vmem>>, vector<1x16xi32>,
        %swap3A_396 = vector.shape_cast %swap3A_395 : vector<1x16xi32> to vector<16xi32>
        %swap3A_397 = vector.shape_cast %add3A_387 : vector<16xi32> to vector<1x16xi32>
        tpu.vector_store %arg13[%swap3A_393, %swap3A_394], %swap3A_397 {strides = array<i32>} : memref<4x1024xi32, #tpu.memory_space<vmem>>, vector<1x16xi32>,
        %lt3A_398 = arith.constant 0 : i32
        %lt3A_399 = vector.broadcast %lt3A_398 : i32 to vector<16xi32>
        %lt3A_400 = arith.cmpi slt, %add3A_43, %lt3A_399 : vector<16xi32>
        %add3A_401 = arith.constant 16 : i32
        %add3A_402 = vector.broadcast %add3A_401 : i32 to vector<16xi32>
        %add3A_403 = arith.addi %add3A_43, %add3A_402 : vector<16xi32>
        %select_n3A_404 = arith.select %lt3A_400, %add3A_403, %add3A_43 : vector<16xi1>, vector<16xi32>
        %broadcast_in_dim3A_405 = vector.shape_cast %select_n3A_404 : vector<16xi32> to vector<16x1xi32>
        %gather3A_406 = vector.shape_cast %broadcast_in_dim3A_405 : vector<16x1xi32> to vector<16xi32>
        %gather3A_407 = tpu.dynamic_gather %mul3A_275[%gather3A_406] in [0] : vector<16xi32>, vector<16xi32> -> vector<16xi32>
        %add3A_408 = arith.addi %gather3A_407, %shift_right_arithmetic3A_54 : vector<16xi32>
        %mul3A_409 = arith.constant 128 : i32
        %mul3A_410 = arith.muli %scan3A_265, %mul3A_409 : i32
        %add3A_411 = arith.constant 96 : i32
        %add3A_412 = arith.addi %mul3A_410, %add3A_411 : i32
        %swap3A_413 = arith.constant 1 : i32
        %swap3A_414 = arith.index_cast %swap3A_413 : i32 to index
        %swap3A_415 = arith.index_cast %add3A_412 : i32 to index
        %swap3A_416 = tpu.vector_load %arg13[%swap3A_414, %swap3A_415] {strides = array<i32>} : memref<4x1024xi32, #tpu.memory_space<vmem>>, vector<1x16xi32>,
        %swap3A_417 = vector.shape_cast %swap3A_416 : vector<1x16xi32> to vector<16xi32>
        %swap3A_418 = vector.shape_cast %add3A_408 : vector<16xi32> to vector<1x16xi32>
        tpu.vector_store %arg13[%swap3A_414, %swap3A_415], %swap3A_418 {strides = array<i32>} : memref<4x1024xi32, #tpu.memory_space<vmem>>, vector<1x16xi32>,
        %lt3A_419 = arith.constant 0 : i32
        %lt3A_420 = vector.broadcast %lt3A_419 : i32 to vector<16xi32>
        %lt3A_421 = arith.cmpi slt, %add3A_49, %lt3A_420 : vector<16xi32>
        %add3A_422 = arith.constant 16 : i32
        %add3A_423 = vector.broadcast %add3A_422 : i32 to vector<16xi32>
        %add3A_424 = arith.addi %add3A_49, %add3A_423 : vector<16xi32>
        %select_n3A_425 = arith.select %lt3A_421, %add3A_424, %add3A_49 : vector<16xi1>, vector<16xi32>
        %broadcast_in_dim3A_426 = vector.shape_cast %select_n3A_425 : vector<16xi32> to vector<16x1xi32>
        %gather3A_427 = vector.shape_cast %broadcast_in_dim3A_426 : vector<16x1xi32> to vector<16xi32>
        %gather3A_428 = tpu.dynamic_gather %mul3A_275[%gather3A_427] in [0] : vector<16xi32>, vector<16xi32> -> vector<16xi32>
        %add3A_429 = arith.addi %gather3A_428, %shift_right_arithmetic3A_54 : vector<16xi32>
        %mul3A_430 = arith.constant 128 : i32
        %mul3A_431 = arith.muli %scan3A_265, %mul3A_430 : i32
        %add3A_432 = arith.constant 112 : i32
        %add3A_433 = arith.addi %mul3A_431, %add3A_432 : i32
        %swap3A_434 = arith.constant 1 : i32
        %swap3A_435 = arith.index_cast %swap3A_434 : i32 to index
        %swap3A_436 = arith.index_cast %add3A_433 : i32 to index
        %swap3A_437 = tpu.vector_load %arg13[%swap3A_435, %swap3A_436] {strides = array<i32>} : memref<4x1024xi32, #tpu.memory_space<vmem>>, vector<1x16xi32>,
        %swap3A_438 = vector.shape_cast %swap3A_437 : vector<1x16xi32> to vector<16xi32>
        %swap3A_439 = vector.shape_cast %add3A_429 : vector<16xi32> to vector<1x16xi32>
        tpu.vector_store %arg13[%swap3A_435, %swap3A_436], %swap3A_439 {strides = array<i32>} : memref<4x1024xi32, #tpu.memory_space<vmem>>, vector<1x16xi32>,
        %scan3A_440 = arith.constant 0 : i32
        scf.yield %scan3A_440 : i32
      }
      %scan3A_229 = arith.constant 8 : i32
      %scan3A_230 = arith.constant 0 : i32
      %scan3A_231 = arith.constant 0 : i32
      %scan3A_232 = arith.constant 8 : i32
      %scan3A_233 = arith.addi %scan3A_231, %scan3A_232 : i32
      %scan3A_234 = arith.constant 1 : i32
      %scan3A_235 = scf.for %scan3A_265 = %scan3A_231 to %scan3A_233 step %scan3A_234 iter_args(%scan3A_266 = %scan3A_230) -> (i32)  : i32 {
        %mul3A_267 = arith.constant 16 : i32
        %mul3A_268 = arith.muli %scan3A_265, %mul3A_267 : i32
        %get3A = arith.constant 2 : i32
        %get3A_269 = arith.index_cast %get3A : i32 to index
        %get3A_270 = arith.index_cast %mul3A_268 : i32 to index
        %get3A_271 = tpu.vector_load %arg9[%get3A_269, %get3A_270] {strides = array<i32>} : memref<4x128xi32, #tpu.memory_space<vmem>>, vector<1x16xi32>,
        %get3A_272 = vector.shape_cast %get3A_271 : vector<1x16xi32> to vector<16xi32>
        %mul3A_273 = arith.constant 2 : i32
        %mul3A_274 = vector.broadcast %mul3A_273 : i32 to vector<16xi32>
        %mul3A_275 = arith.muli %get3A_272, %mul3A_274 : vector<16xi32>
        %lt3A_276 = arith.constant 0 : i32
        %lt3A_277 = vector.broadcast %lt3A_276 : i32 to vector<16xi32>
        %lt3A_278 = arith.cmpi slt, %add3A_7, %lt3A_277 : vector<16xi32>
        %add3A_279 = arith.constant 16 : i32
        %add3A_280 = vector.broadcast %add3A_279 : i32 to vector<16xi32>
        %add3A_281 = arith.addi %add3A_7, %add3A_280 : vector<16xi32>
        %select_n3A = arith.select %lt3A_278, %add3A_281, %add3A_7 : vector<16xi1>, vector<16xi32>
        %broadcast_in_dim3A = vector.shape_cast %select_n3A : vector<16xi32> to vector<16x1xi32>
        %gather3A = vector.shape_cast %broadcast_in_dim3A : vector<16x1xi32> to vector<16xi32>
        %gather3A_282 = tpu.dynamic_gather %mul3A_275[%gather3A] in [0] : vector<16xi32>, vector<16xi32> -> vector<16xi32>
        %add3A_283 = arith.addi %gather3A_282, %and3A_60 : vector<16xi32>
        %mul3A_284 = arith.constant 128 : i32
        %mul3A_285 = arith.muli %scan3A_265, %mul3A_284 : i32
        %add3A_286 = arith.constant 0 : i32
        %add3A_287 = arith.addi %mul3A_285, %add3A_286 : i32
        %swap3A = arith.constant 2 : i32
        %swap3A_288 = arith.index_cast %swap3A : i32 to index
        %swap3A_289 = arith.index_cast %add3A_287 : i32 to index
        %swap3A_290 = tpu.vector_load %arg13[%swap3A_288, %swap3A_289] {strides = array<i32>} : memref<4x1024xi32, #tpu.memory_space<vmem>>, vector<1x16xi32>,
        %swap3A_291 = vector.shape_cast %swap3A_290 : vector<1x16xi32> to vector<16xi32>
        %swap3A_292 = vector.shape_cast %add3A_283 : vector<16xi32> to vector<1x16xi32>
        tpu.vector_store %arg13[%swap3A_288, %swap3A_289], %swap3A_292 {strides = array<i32>} : memref<4x1024xi32, #tpu.memory_space<vmem>>, vector<1x16xi32>,
        %lt3A_293 = arith.constant 0 : i32
        %lt3A_294 = vector.broadcast %lt3A_293 : i32 to vector<16xi32>
        %lt3A_295 = arith.cmpi slt, %add3A_13, %lt3A_294 : vector<16xi32>
        %add3A_296 = arith.constant 16 : i32
        %add3A_297 = vector.broadcast %add3A_296 : i32 to vector<16xi32>
        %add3A_298 = arith.addi %add3A_13, %add3A_297 : vector<16xi32>
        %select_n3A_299 = arith.select %lt3A_295, %add3A_298, %add3A_13 : vector<16xi1>, vector<16xi32>
        %broadcast_in_dim3A_300 = vector.shape_cast %select_n3A_299 : vector<16xi32> to vector<16x1xi32>
        %gather3A_301 = vector.shape_cast %broadcast_in_dim3A_300 : vector<16x1xi32> to vector<16xi32>
        %gather3A_302 = tpu.dynamic_gather %mul3A_275[%gather3A_301] in [0] : vector<16xi32>, vector<16xi32> -> vector<16xi32>
        %add3A_303 = arith.addi %gather3A_302, %and3A_60 : vector<16xi32>
        %mul3A_304 = arith.constant 128 : i32
        %mul3A_305 = arith.muli %scan3A_265, %mul3A_304 : i32
        %add3A_306 = arith.constant 16 : i32
        %add3A_307 = arith.addi %mul3A_305, %add3A_306 : i32
        %swap3A_308 = arith.constant 2 : i32
        %swap3A_309 = arith.index_cast %swap3A_308 : i32 to index
        %swap3A_310 = arith.index_cast %add3A_307 : i32 to index
        %swap3A_311 = tpu.vector_load %arg13[%swap3A_309, %swap3A_310] {strides = array<i32>} : memref<4x1024xi32, #tpu.memory_space<vmem>>, vector<1x16xi32>,
        %swap3A_312 = vector.shape_cast %swap3A_311 : vector<1x16xi32> to vector<16xi32>
        %swap3A_313 = vector.shape_cast %add3A_303 : vector<16xi32> to vector<1x16xi32>
        tpu.vector_store %arg13[%swap3A_309, %swap3A_310], %swap3A_313 {strides = array<i32>} : memref<4x1024xi32, #tpu.memory_space<vmem>>, vector<1x16xi32>,
        %lt3A_314 = arith.constant 0 : i32
        %lt3A_315 = vector.broadcast %lt3A_314 : i32 to vector<16xi32>
        %lt3A_316 = arith.cmpi slt, %add3A_19, %lt3A_315 : vector<16xi32>
        %add3A_317 = arith.constant 16 : i32
        %add3A_318 = vector.broadcast %add3A_317 : i32 to vector<16xi32>
        %add3A_319 = arith.addi %add3A_19, %add3A_318 : vector<16xi32>
        %select_n3A_320 = arith.select %lt3A_316, %add3A_319, %add3A_19 : vector<16xi1>, vector<16xi32>
        %broadcast_in_dim3A_321 = vector.shape_cast %select_n3A_320 : vector<16xi32> to vector<16x1xi32>
        %gather3A_322 = vector.shape_cast %broadcast_in_dim3A_321 : vector<16x1xi32> to vector<16xi32>
        %gather3A_323 = tpu.dynamic_gather %mul3A_275[%gather3A_322] in [0] : vector<16xi32>, vector<16xi32> -> vector<16xi32>
        %add3A_324 = arith.addi %gather3A_323, %and3A_60 : vector<16xi32>
        %mul3A_325 = arith.constant 128 : i32
        %mul3A_326 = arith.muli %scan3A_265, %mul3A_325 : i32
        %add3A_327 = arith.constant 32 : i32
        %add3A_328 = arith.addi %mul3A_326, %add3A_327 : i32
        %swap3A_329 = arith.constant 2 : i32
        %swap3A_330 = arith.index_cast %swap3A_329 : i32 to index
        %swap3A_331 = arith.index_cast %add3A_328 : i32 to index
        %swap3A_332 = tpu.vector_load %arg13[%swap3A_330, %swap3A_331] {strides = array<i32>} : memref<4x1024xi32, #tpu.memory_space<vmem>>, vector<1x16xi32>,
        %swap3A_333 = vector.shape_cast %swap3A_332 : vector<1x16xi32> to vector<16xi32>
        %swap3A_334 = vector.shape_cast %add3A_324 : vector<16xi32> to vector<1x16xi32>
        tpu.vector_store %arg13[%swap3A_330, %swap3A_331], %swap3A_334 {strides = array<i32>} : memref<4x1024xi32, #tpu.memory_space<vmem>>, vector<1x16xi32>,
        %lt3A_335 = arith.constant 0 : i32
        %lt3A_336 = vector.broadcast %lt3A_335 : i32 to vector<16xi32>
        %lt3A_337 = arith.cmpi slt, %add3A_25, %lt3A_336 : vector<16xi32>
        %add3A_338 = arith.constant 16 : i32
        %add3A_339 = vector.broadcast %add3A_338 : i32 to vector<16xi32>
        %add3A_340 = arith.addi %add3A_25, %add3A_339 : vector<16xi32>
        %select_n3A_341 = arith.select %lt3A_337, %add3A_340, %add3A_25 : vector<16xi1>, vector<16xi32>
        %broadcast_in_dim3A_342 = vector.shape_cast %select_n3A_341 : vector<16xi32> to vector<16x1xi32>
        %gather3A_343 = vector.shape_cast %broadcast_in_dim3A_342 : vector<16x1xi32> to vector<16xi32>
        %gather3A_344 = tpu.dynamic_gather %mul3A_275[%gather3A_343] in [0] : vector<16xi32>, vector<16xi32> -> vector<16xi32>
        %add3A_345 = arith.addi %gather3A_344, %and3A_60 : vector<16xi32>
        %mul3A_346 = arith.constant 128 : i32
        %mul3A_347 = arith.muli %scan3A_265, %mul3A_346 : i32
        %add3A_348 = arith.constant 48 : i32
        %add3A_349 = arith.addi %mul3A_347, %add3A_348 : i32
        %swap3A_350 = arith.constant 2 : i32
        %swap3A_351 = arith.index_cast %swap3A_350 : i32 to index
        %swap3A_352 = arith.index_cast %add3A_349 : i32 to index
        %swap3A_353 = tpu.vector_load %arg13[%swap3A_351, %swap3A_352] {strides = array<i32>} : memref<4x1024xi32, #tpu.memory_space<vmem>>, vector<1x16xi32>,
        %swap3A_354 = vector.shape_cast %swap3A_353 : vector<1x16xi32> to vector<16xi32>
        %swap3A_355 = vector.shape_cast %add3A_345 : vector<16xi32> to vector<1x16xi32>
        tpu.vector_store %arg13[%swap3A_351, %swap3A_352], %swap3A_355 {strides = array<i32>} : memref<4x1024xi32, #tpu.memory_space<vmem>>, vector<1x16xi32>,
        %lt3A_356 = arith.constant 0 : i32
        %lt3A_357 = vector.broadcast %lt3A_356 : i32 to vector<16xi32>
        %lt3A_358 = arith.cmpi slt, %add3A_31, %lt3A_357 : vector<16xi32>
        %add3A_359 = arith.constant 16 : i32
        %add3A_360 = vector.broadcast %add3A_359 : i32 to vector<16xi32>
        %add3A_361 = arith.addi %add3A_31, %add3A_360 : vector<16xi32>
        %select_n3A_362 = arith.select %lt3A_358, %add3A_361, %add3A_31 : vector<16xi1>, vector<16xi32>
        %broadcast_in_dim3A_363 = vector.shape_cast %select_n3A_362 : vector<16xi32> to vector<16x1xi32>
        %gather3A_364 = vector.shape_cast %broadcast_in_dim3A_363 : vector<16x1xi32> to vector<16xi32>
        %gather3A_365 = tpu.dynamic_gather %mul3A_275[%gather3A_364] in [0] : vector<16xi32>, vector<16xi32> -> vector<16xi32>
        %add3A_366 = arith.addi %gather3A_365, %and3A_60 : vector<16xi32>
        %mul3A_367 = arith.constant 128 : i32
        %mul3A_368 = arith.muli %scan3A_265, %mul3A_367 : i32
        %add3A_369 = arith.constant 64 : i32
        %add3A_370 = arith.addi %mul3A_368, %add3A_369 : i32
        %swap3A_371 = arith.constant 2 : i32
        %swap3A_372 = arith.index_cast %swap3A_371 : i32 to index
        %swap3A_373 = arith.index_cast %add3A_370 : i32 to index
        %swap3A_374 = tpu.vector_load %arg13[%swap3A_372, %swap3A_373] {strides = array<i32>} : memref<4x1024xi32, #tpu.memory_space<vmem>>, vector<1x16xi32>,
        %swap3A_375 = vector.shape_cast %swap3A_374 : vector<1x16xi32> to vector<16xi32>
        %swap3A_376 = vector.shape_cast %add3A_366 : vector<16xi32> to vector<1x16xi32>
        tpu.vector_store %arg13[%swap3A_372, %swap3A_373], %swap3A_376 {strides = array<i32>} : memref<4x1024xi32, #tpu.memory_space<vmem>>, vector<1x16xi32>,
        %lt3A_377 = arith.constant 0 : i32
        %lt3A_378 = vector.broadcast %lt3A_377 : i32 to vector<16xi32>
        %lt3A_379 = arith.cmpi slt, %add3A_37, %lt3A_378 : vector<16xi32>
        %add3A_380 = arith.constant 16 : i32
        %add3A_381 = vector.broadcast %add3A_380 : i32 to vector<16xi32>
        %add3A_382 = arith.addi %add3A_37, %add3A_381 : vector<16xi32>
        %select_n3A_383 = arith.select %lt3A_379, %add3A_382, %add3A_37 : vector<16xi1>, vector<16xi32>
        %broadcast_in_dim3A_384 = vector.shape_cast %select_n3A_383 : vector<16xi32> to vector<16x1xi32>
        %gather3A_385 = vector.shape_cast %broadcast_in_dim3A_384 : vector<16x1xi32> to vector<16xi32>
        %gather3A_386 = tpu.dynamic_gather %mul3A_275[%gather3A_385] in [0] : vector<16xi32>, vector<16xi32> -> vector<16xi32>
        %add3A_387 = arith.addi %gather3A_386, %and3A_60 : vector<16xi32>
        %mul3A_388 = arith.constant 128 : i32
        %mul3A_389 = arith.muli %scan3A_265, %mul3A_388 : i32
        %add3A_390 = arith.constant 80 : i32
        %add3A_391 = arith.addi %mul3A_389, %add3A_390 : i32
        %swap3A_392 = arith.constant 2 : i32
        %swap3A_393 = arith.index_cast %swap3A_392 : i32 to index
        %swap3A_394 = arith.index_cast %add3A_391 : i32 to index
        %swap3A_395 = tpu.vector_load %arg13[%swap3A_393, %swap3A_394] {strides = array<i32>} : memref<4x1024xi32, #tpu.memory_space<vmem>>, vector<1x16xi32>,
        %swap3A_396 = vector.shape_cast %swap3A_395 : vector<1x16xi32> to vector<16xi32>
        %swap3A_397 = vector.shape_cast %add3A_387 : vector<16xi32> to vector<1x16xi32>
        tpu.vector_store %arg13[%swap3A_393, %swap3A_394], %swap3A_397 {strides = array<i32>} : memref<4x1024xi32, #tpu.memory_space<vmem>>, vector<1x16xi32>,
        %lt3A_398 = arith.constant 0 : i32
        %lt3A_399 = vector.broadcast %lt3A_398 : i32 to vector<16xi32>
        %lt3A_400 = arith.cmpi slt, %add3A_43, %lt3A_399 : vector<16xi32>
        %add3A_401 = arith.constant 16 : i32
        %add3A_402 = vector.broadcast %add3A_401 : i32 to vector<16xi32>
        %add3A_403 = arith.addi %add3A_43, %add3A_402 : vector<16xi32>
        %select_n3A_404 = arith.select %lt3A_400, %add3A_403, %add3A_43 : vector<16xi1>, vector<16xi32>
        %broadcast_in_dim3A_405 = vector.shape_cast %select_n3A_404 : vector<16xi32> to vector<16x1xi32>
        %gather3A_406 = vector.shape_cast %broadcast_in_dim3A_405 : vector<16x1xi32> to vector<16xi32>
        %gather3A_407 = tpu.dynamic_gather %mul3A_275[%gather3A_406] in [0] : vector<16xi32>, vector<16xi32> -> vector<16xi32>
        %add3A_408 = arith.addi %gather3A_407, %and3A_60 : vector<16xi32>
        %mul3A_409 = arith.constant 128 : i32
        %mul3A_410 = arith.muli %scan3A_265, %mul3A_409 : i32
        %add3A_411 = arith.constant 96 : i32
        %add3A_412 = arith.addi %mul3A_410, %add3A_411 : i32
        %swap3A_413 = arith.constant 2 : i32
        %swap3A_414 = arith.index_cast %swap3A_413 : i32 to index
        %swap3A_415 = arith.index_cast %add3A_412 : i32 to index
        %swap3A_416 = tpu.vector_load %arg13[%swap3A_414, %swap3A_415] {strides = array<i32>} : memref<4x1024xi32, #tpu.memory_space<vmem>>, vector<1x16xi32>,
        %swap3A_417 = vector.shape_cast %swap3A_416 : vector<1x16xi32> to vector<16xi32>
        %swap3A_418 = vector.shape_cast %add3A_408 : vector<16xi32> to vector<1x16xi32>
        tpu.vector_store %arg13[%swap3A_414, %swap3A_415], %swap3A_418 {strides = array<i32>} : memref<4x1024xi32, #tpu.memory_space<vmem>>, vector<1x16xi32>,
        %lt3A_419 = arith.constant 0 : i32
        %lt3A_420 = vector.broadcast %lt3A_419 : i32 to vector<16xi32>
        %lt3A_421 = arith.cmpi slt, %add3A_49, %lt3A_420 : vector<16xi32>
        %add3A_422 = arith.constant 16 : i32
        %add3A_423 = vector.broadcast %add3A_422 : i32 to vector<16xi32>
        %add3A_424 = arith.addi %add3A_49, %add3A_423 : vector<16xi32>
        %select_n3A_425 = arith.select %lt3A_421, %add3A_424, %add3A_49 : vector<16xi1>, vector<16xi32>
        %broadcast_in_dim3A_426 = vector.shape_cast %select_n3A_425 : vector<16xi32> to vector<16x1xi32>
        %gather3A_427 = vector.shape_cast %broadcast_in_dim3A_426 : vector<16x1xi32> to vector<16xi32>
        %gather3A_428 = tpu.dynamic_gather %mul3A_275[%gather3A_427] in [0] : vector<16xi32>, vector<16xi32> -> vector<16xi32>
        %add3A_429 = arith.addi %gather3A_428, %and3A_60 : vector<16xi32>
        %mul3A_430 = arith.constant 128 : i32
        %mul3A_431 = arith.muli %scan3A_265, %mul3A_430 : i32
        %add3A_432 = arith.constant 112 : i32
        %add3A_433 = arith.addi %mul3A_431, %add3A_432 : i32
        %swap3A_434 = arith.constant 2 : i32
        %swap3A_435 = arith.index_cast %swap3A_434 : i32 to index
        %swap3A_436 = arith.index_cast %add3A_433 : i32 to index
        %swap3A_437 = tpu.vector_load %arg13[%swap3A_435, %swap3A_436] {strides = array<i32>} : memref<4x1024xi32, #tpu.memory_space<vmem>>, vector<1x16xi32>,
        %swap3A_438 = vector.shape_cast %swap3A_437 : vector<1x16xi32> to vector<16xi32>
        %swap3A_439 = vector.shape_cast %add3A_429 : vector<16xi32> to vector<1x16xi32>
        tpu.vector_store %arg13[%swap3A_435, %swap3A_436], %swap3A_439 {strides = array<i32>} : memref<4x1024xi32, #tpu.memory_space<vmem>>, vector<1x16xi32>,
        %scan3A_440 = arith.constant 0 : i32
        scf.yield %scan3A_440 : i32
      }
      %scan3A_236 = arith.constant 8 : i32
      %scan3A_237 = arith.constant 0 : i32
      %scan3A_238 = arith.constant 0 : i32
      %scan3A_239 = arith.constant 8 : i32
      %scan3A_240 = arith.addi %scan3A_238, %scan3A_239 : i32
      %scan3A_241 = arith.constant 1 : i32
      %scan3A_242 = scf.for %scan3A_265 = %scan3A_238 to %scan3A_240 step %scan3A_241 iter_args(%scan3A_266 = %scan3A_237) -> (i32)  : i32 {
        %mul3A_267 = arith.constant 16 : i32
        %mul3A_268 = arith.muli %scan3A_265, %mul3A_267 : i32
        %get3A = arith.constant 3 : i32
        %get3A_269 = arith.index_cast %get3A : i32 to index
        %get3A_270 = arith.index_cast %mul3A_268 : i32 to index
        %get3A_271 = tpu.vector_load %arg9[%get3A_269, %get3A_270] {strides = array<i32>} : memref<4x128xi32, #tpu.memory_space<vmem>>, vector<1x16xi32>,
        %get3A_272 = vector.shape_cast %get3A_271 : vector<1x16xi32> to vector<16xi32>
        %mul3A_273 = arith.constant 2 : i32
        %mul3A_274 = vector.broadcast %mul3A_273 : i32 to vector<16xi32>
        %mul3A_275 = arith.muli %get3A_272, %mul3A_274 : vector<16xi32>
        %lt3A_276 = arith.constant 0 : i32
        %lt3A_277 = vector.broadcast %lt3A_276 : i32 to vector<16xi32>
        %lt3A_278 = arith.cmpi slt, %add3A_7, %lt3A_277 : vector<16xi32>
        %add3A_279 = arith.constant 16 : i32
        %add3A_280 = vector.broadcast %add3A_279 : i32 to vector<16xi32>
        %add3A_281 = arith.addi %add3A_7, %add3A_280 : vector<16xi32>
        %select_n3A = arith.select %lt3A_278, %add3A_281, %add3A_7 : vector<16xi1>, vector<16xi32>
        %broadcast_in_dim3A = vector.shape_cast %select_n3A : vector<16xi32> to vector<16x1xi32>
        %gather3A = vector.shape_cast %broadcast_in_dim3A : vector<16x1xi32> to vector<16xi32>
        %gather3A_282 = tpu.dynamic_gather %mul3A_275[%gather3A] in [0] : vector<16xi32>, vector<16xi32> -> vector<16xi32>
        %add3A_283 = arith.addi %gather3A_282, %and3A_63 : vector<16xi32>
        %mul3A_284 = arith.constant 128 : i32
        %mul3A_285 = arith.muli %scan3A_265, %mul3A_284 : i32
        %add3A_286 = arith.constant 0 : i32
        %add3A_287 = arith.addi %mul3A_285, %add3A_286 : i32
        %swap3A = arith.constant 3 : i32
        %swap3A_288 = arith.index_cast %swap3A : i32 to index
        %swap3A_289 = arith.index_cast %add3A_287 : i32 to index
        %swap3A_290 = tpu.vector_load %arg13[%swap3A_288, %swap3A_289] {strides = array<i32>} : memref<4x1024xi32, #tpu.memory_space<vmem>>, vector<1x16xi32>,
        %swap3A_291 = vector.shape_cast %swap3A_290 : vector<1x16xi32> to vector<16xi32>
        %swap3A_292 = vector.shape_cast %add3A_283 : vector<16xi32> to vector<1x16xi32>
        tpu.vector_store %arg13[%swap3A_288, %swap3A_289], %swap3A_292 {strides = array<i32>} : memref<4x1024xi32, #tpu.memory_space<vmem>>, vector<1x16xi32>,
        %lt3A_293 = arith.constant 0 : i32
        %lt3A_294 = vector.broadcast %lt3A_293 : i32 to vector<16xi32>
        %lt3A_295 = arith.cmpi slt, %add3A_13, %lt3A_294 : vector<16xi32>
        %add3A_296 = arith.constant 16 : i32
        %add3A_297 = vector.broadcast %add3A_296 : i32 to vector<16xi32>
        %add3A_298 = arith.addi %add3A_13, %add3A_297 : vector<16xi32>
        %select_n3A_299 = arith.select %lt3A_295, %add3A_298, %add3A_13 : vector<16xi1>, vector<16xi32>
        %broadcast_in_dim3A_300 = vector.shape_cast %select_n3A_299 : vector<16xi32> to vector<16x1xi32>
        %gather3A_301 = vector.shape_cast %broadcast_in_dim3A_300 : vector<16x1xi32> to vector<16xi32>
        %gather3A_302 = tpu.dynamic_gather %mul3A_275[%gather3A_301] in [0] : vector<16xi32>, vector<16xi32> -> vector<16xi32>
        %add3A_303 = arith.addi %gather3A_302, %and3A_63 : vector<16xi32>
        %mul3A_304 = arith.constant 128 : i32
        %mul3A_305 = arith.muli %scan3A_265, %mul3A_304 : i32
        %add3A_306 = arith.constant 16 : i32
        %add3A_307 = arith.addi %mul3A_305, %add3A_306 : i32
        %swap3A_308 = arith.constant 3 : i32
        %swap3A_309 = arith.index_cast %swap3A_308 : i32 to index
        %swap3A_310 = arith.index_cast %add3A_307 : i32 to index
        %swap3A_311 = tpu.vector_load %arg13[%swap3A_309, %swap3A_310] {strides = array<i32>} : memref<4x1024xi32, #tpu.memory_space<vmem>>, vector<1x16xi32>,
        %swap3A_312 = vector.shape_cast %swap3A_311 : vector<1x16xi32> to vector<16xi32>
        %swap3A_313 = vector.shape_cast %add3A_303 : vector<16xi32> to vector<1x16xi32>
        tpu.vector_store %arg13[%swap3A_309, %swap3A_310], %swap3A_313 {strides = array<i32>} : memref<4x1024xi32, #tpu.memory_space<vmem>>, vector<1x16xi32>,
        %lt3A_314 = arith.constant 0 : i32
        %lt3A_315 = vector.broadcast %lt3A_314 : i32 to vector<16xi32>
        %lt3A_316 = arith.cmpi slt, %add3A_19, %lt3A_315 : vector<16xi32>
        %add3A_317 = arith.constant 16 : i32
        %add3A_318 = vector.broadcast %add3A_317 : i32 to vector<16xi32>
        %add3A_319 = arith.addi %add3A_19, %add3A_318 : vector<16xi32>
        %select_n3A_320 = arith.select %lt3A_316, %add3A_319, %add3A_19 : vector<16xi1>, vector<16xi32>
        %broadcast_in_dim3A_321 = vector.shape_cast %select_n3A_320 : vector<16xi32> to vector<16x1xi32>
        %gather3A_322 = vector.shape_cast %broadcast_in_dim3A_321 : vector<16x1xi32> to vector<16xi32>
        %gather3A_323 = tpu.dynamic_gather %mul3A_275[%gather3A_322] in [0] : vector<16xi32>, vector<16xi32> -> vector<16xi32>
        %add3A_324 = arith.addi %gather3A_323, %and3A_63 : vector<16xi32>
        %mul3A_325 = arith.constant 128 : i32
        %mul3A_326 = arith.muli %scan3A_265, %mul3A_325 : i32
        %add3A_327 = arith.constant 32 : i32
        %add3A_328 = arith.addi %mul3A_326, %add3A_327 : i32
        %swap3A_329 = arith.constant 3 : i32
        %swap3A_330 = arith.index_cast %swap3A_329 : i32 to index
        %swap3A_331 = arith.index_cast %add3A_328 : i32 to index
        %swap3A_332 = tpu.vector_load %arg13[%swap3A_330, %swap3A_331] {strides = array<i32>} : memref<4x1024xi32, #tpu.memory_space<vmem>>, vector<1x16xi32>,
        %swap3A_333 = vector.shape_cast %swap3A_332 : vector<1x16xi32> to vector<16xi32>
        %swap3A_334 = vector.shape_cast %add3A_324 : vector<16xi32> to vector<1x16xi32>
        tpu.vector_store %arg13[%swap3A_330, %swap3A_331], %swap3A_334 {strides = array<i32>} : memref<4x1024xi32, #tpu.memory_space<vmem>>, vector<1x16xi32>,
        %lt3A_335 = arith.constant 0 : i32
        %lt3A_336 = vector.broadcast %lt3A_335 : i32 to vector<16xi32>
        %lt3A_337 = arith.cmpi slt, %add3A_25, %lt3A_336 : vector<16xi32>
        %add3A_338 = arith.constant 16 : i32
        %add3A_339 = vector.broadcast %add3A_338 : i32 to vector<16xi32>
        %add3A_340 = arith.addi %add3A_25, %add3A_339 : vector<16xi32>
        %select_n3A_341 = arith.select %lt3A_337, %add3A_340, %add3A_25 : vector<16xi1>, vector<16xi32>
        %broadcast_in_dim3A_342 = vector.shape_cast %select_n3A_341 : vector<16xi32> to vector<16x1xi32>
        %gather3A_343 = vector.shape_cast %broadcast_in_dim3A_342 : vector<16x1xi32> to vector<16xi32>
        %gather3A_344 = tpu.dynamic_gather %mul3A_275[%gather3A_343] in [0] : vector<16xi32>, vector<16xi32> -> vector<16xi32>
        %add3A_345 = arith.addi %gather3A_344, %and3A_63 : vector<16xi32>
        %mul3A_346 = arith.constant 128 : i32
        %mul3A_347 = arith.muli %scan3A_265, %mul3A_346 : i32
        %add3A_348 = arith.constant 48 : i32
        %add3A_349 = arith.addi %mul3A_347, %add3A_348 : i32
        %swap3A_350 = arith.constant 3 : i32
        %swap3A_351 = arith.index_cast %swap3A_350 : i32 to index
        %swap3A_352 = arith.index_cast %add3A_349 : i32 to index
        %swap3A_353 = tpu.vector_load %arg13[%swap3A_351, %swap3A_352] {strides = array<i32>} : memref<4x1024xi32, #tpu.memory_space<vmem>>, vector<1x16xi32>,
        %swap3A_354 = vector.shape_cast %swap3A_353 : vector<1x16xi32> to vector<16xi32>
        %swap3A_355 = vector.shape_cast %add3A_345 : vector<16xi32> to vector<1x16xi32>
        tpu.vector_store %arg13[%swap3A_351, %swap3A_352], %swap3A_355 {strides = array<i32>} : memref<4x1024xi32, #tpu.memory_space<vmem>>, vector<1x16xi32>,
        %lt3A_356 = arith.constant 0 : i32
        %lt3A_357 = vector.broadcast %lt3A_356 : i32 to vector<16xi32>
        %lt3A_358 = arith.cmpi slt, %add3A_31, %lt3A_357 : vector<16xi32>
        %add3A_359 = arith.constant 16 : i32
        %add3A_360 = vector.broadcast %add3A_359 : i32 to vector<16xi32>
        %add3A_361 = arith.addi %add3A_31, %add3A_360 : vector<16xi32>
        %select_n3A_362 = arith.select %lt3A_358, %add3A_361, %add3A_31 : vector<16xi1>, vector<16xi32>
        %broadcast_in_dim3A_363 = vector.shape_cast %select_n3A_362 : vector<16xi32> to vector<16x1xi32>
        %gather3A_364 = vector.shape_cast %broadcast_in_dim3A_363 : vector<16x1xi32> to vector<16xi32>
        %gather3A_365 = tpu.dynamic_gather %mul3A_275[%gather3A_364] in [0] : vector<16xi32>, vector<16xi32> -> vector<16xi32>
        %add3A_366 = arith.addi %gather3A_365, %and3A_63 : vector<16xi32>
        %mul3A_367 = arith.constant 128 : i32
        %mul3A_368 = arith.muli %scan3A_265, %mul3A_367 : i32
        %add3A_369 = arith.constant 64 : i32
        %add3A_370 = arith.addi %mul3A_368, %add3A_369 : i32
        %swap3A_371 = arith.constant 3 : i32
        %swap3A_372 = arith.index_cast %swap3A_371 : i32 to index
        %swap3A_373 = arith.index_cast %add3A_370 : i32 to index
        %swap3A_374 = tpu.vector_load %arg13[%swap3A_372, %swap3A_373] {strides = array<i32>} : memref<4x1024xi32, #tpu.memory_space<vmem>>, vector<1x16xi32>,
        %swap3A_375 = vector.shape_cast %swap3A_374 : vector<1x16xi32> to vector<16xi32>
        %swap3A_376 = vector.shape_cast %add3A_366 : vector<16xi32> to vector<1x16xi32>
        tpu.vector_store %arg13[%swap3A_372, %swap3A_373], %swap3A_376 {strides = array<i32>} : memref<4x1024xi32, #tpu.memory_space<vmem>>, vector<1x16xi32>,
        %lt3A_377 = arith.constant 0 : i32
        %lt3A_378 = vector.broadcast %lt3A_377 : i32 to vector<16xi32>
        %lt3A_379 = arith.cmpi slt, %add3A_37, %lt3A_378 : vector<16xi32>
        %add3A_380 = arith.constant 16 : i32
        %add3A_381 = vector.broadcast %add3A_380 : i32 to vector<16xi32>
        %add3A_382 = arith.addi %add3A_37, %add3A_381 : vector<16xi32>
        %select_n3A_383 = arith.select %lt3A_379, %add3A_382, %add3A_37 : vector<16xi1>, vector<16xi32>
        %broadcast_in_dim3A_384 = vector.shape_cast %select_n3A_383 : vector<16xi32> to vector<16x1xi32>
        %gather3A_385 = vector.shape_cast %broadcast_in_dim3A_384 : vector<16x1xi32> to vector<16xi32>
        %gather3A_386 = tpu.dynamic_gather %mul3A_275[%gather3A_385] in [0] : vector<16xi32>, vector<16xi32> -> vector<16xi32>
        %add3A_387 = arith.addi %gather3A_386, %and3A_63 : vector<16xi32>
        %mul3A_388 = arith.constant 128 : i32
        %mul3A_389 = arith.muli %scan3A_265, %mul3A_388 : i32
        %add3A_390 = arith.constant 80 : i32
        %add3A_391 = arith.addi %mul3A_389, %add3A_390 : i32
        %swap3A_392 = arith.constant 3 : i32
        %swap3A_393 = arith.index_cast %swap3A_392 : i32 to index
        %swap3A_394 = arith.index_cast %add3A_391 : i32 to index
        %swap3A_395 = tpu.vector_load %arg13[%swap3A_393, %swap3A_394] {strides = array<i32>} : memref<4x1024xi32, #tpu.memory_space<vmem>>, vector<1x16xi32>,
        %swap3A_396 = vector.shape_cast %swap3A_395 : vector<1x16xi32> to vector<16xi32>
        %swap3A_397 = vector.shape_cast %add3A_387 : vector<16xi32> to vector<1x16xi32>
        tpu.vector_store %arg13[%swap3A_393, %swap3A_394], %swap3A_397 {strides = array<i32>} : memref<4x1024xi32, #tpu.memory_space<vmem>>, vector<1x16xi32>,
        %lt3A_398 = arith.constant 0 : i32
        %lt3A_399 = vector.broadcast %lt3A_398 : i32 to vector<16xi32>
        %lt3A_400 = arith.cmpi slt, %add3A_43, %lt3A_399 : vector<16xi32>
        %add3A_401 = arith.constant 16 : i32
        %add3A_402 = vector.broadcast %add3A_401 : i32 to vector<16xi32>
        %add3A_403 = arith.addi %add3A_43, %add3A_402 : vector<16xi32>
        %select_n3A_404 = arith.select %lt3A_400, %add3A_403, %add3A_43 : vector<16xi1>, vector<16xi32>
        %broadcast_in_dim3A_405 = vector.shape_cast %select_n3A_404 : vector<16xi32> to vector<16x1xi32>
        %gather3A_406 = vector.shape_cast %broadcast_in_dim3A_405 : vector<16x1xi32> to vector<16xi32>
        %gather3A_407 = tpu.dynamic_gather %mul3A_275[%gather3A_406] in [0] : vector<16xi32>, vector<16xi32> -> vector<16xi32>
        %add3A_408 = arith.addi %gather3A_407, %and3A_63 : vector<16xi32>
        %mul3A_409 = arith.constant 128 : i32
        %mul3A_410 = arith.muli %scan3A_265, %mul3A_409 : i32
        %add3A_411 = arith.constant 96 : i32
        %add3A_412 = arith.addi %mul3A_410, %add3A_411 : i32
        %swap3A_413 = arith.constant 3 : i32
        %swap3A_414 = arith.index_cast %swap3A_413 : i32 to index
        %swap3A_415 = arith.index_cast %add3A_412 : i32 to index
        %swap3A_416 = tpu.vector_load %arg13[%swap3A_414, %swap3A_415] {strides = array<i32>} : memref<4x1024xi32, #tpu.memory_space<vmem>>, vector<1x16xi32>,
        %swap3A_417 = vector.shape_cast %swap3A_416 : vector<1x16xi32> to vector<16xi32>
        %swap3A_418 = vector.shape_cast %add3A_408 : vector<16xi32> to vector<1x16xi32>
        tpu.vector_store %arg13[%swap3A_414, %swap3A_415], %swap3A_418 {strides = array<i32>} : memref<4x1024xi32, #tpu.memory_space<vmem>>, vector<1x16xi32>,
        %lt3A_419 = arith.constant 0 : i32
        %lt3A_420 = vector.broadcast %lt3A_419 : i32 to vector<16xi32>
        %lt3A_421 = arith.cmpi slt, %add3A_49, %lt3A_420 : vector<16xi32>
        %add3A_422 = arith.constant 16 : i32
        %add3A_423 = vector.broadcast %add3A_422 : i32 to vector<16xi32>
        %add3A_424 = arith.addi %add3A_49, %add3A_423 : vector<16xi32>
        %select_n3A_425 = arith.select %lt3A_421, %add3A_424, %add3A_49 : vector<16xi1>, vector<16xi32>
        %broadcast_in_dim3A_426 = vector.shape_cast %select_n3A_425 : vector<16xi32> to vector<16x1xi32>
        %gather3A_427 = vector.shape_cast %broadcast_in_dim3A_426 : vector<16x1xi32> to vector<16xi32>
        %gather3A_428 = tpu.dynamic_gather %mul3A_275[%gather3A_427] in [0] : vector<16xi32>, vector<16xi32> -> vector<16xi32>
        %add3A_429 = arith.addi %gather3A_428, %and3A_63 : vector<16xi32>
        %mul3A_430 = arith.constant 128 : i32
        %mul3A_431 = arith.muli %scan3A_265, %mul3A_430 : i32
        %add3A_432 = arith.constant 112 : i32
        %add3A_433 = arith.addi %mul3A_431, %add3A_432 : i32
        %swap3A_434 = arith.constant 3 : i32
        %swap3A_435 = arith.index_cast %swap3A_434 : i32 to index
        %swap3A_436 = arith.index_cast %add3A_433 : i32 to index
        %swap3A_437 = tpu.vector_load %arg13[%swap3A_435, %swap3A_436] {strides = array<i32>} : memref<4x1024xi32, #tpu.memory_space<vmem>>, vector<1x16xi32>,
        %swap3A_438 = vector.shape_cast %swap3A_437 : vector<1x16xi32> to vector<16xi32>
        %swap3A_439 = vector.shape_cast %add3A_429 : vector<16xi32> to vector<1x16xi32>
        tpu.vector_store %arg13[%swap3A_435, %swap3A_436], %swap3A_439 {strides = array<i32>} : memref<4x1024xi32, #tpu.memory_space<vmem>>, vector<1x16xi32>,
        %scan3A_440 = arith.constant 0 : i32
        scf.yield %scan3A_440 : i32
      }
      %scan3A_243 = arith.constant 8 : i32
      %mul3A_244 = arith.constant 128 : i32
      %mul3A_245 = arith.muli %add3A_192, %mul3A_244 : i32
      %add3A_246 = arith.addi %mul3A_2, %mul3A_245 : i32
      %mul3A_247 = arith.constant 8 : i32
      %mul3A_248 = arith.muli %add3A_246, %mul3A_247 : i32
      %mul3A_249 = arith.constant 8 : i32
      %mul3A_250 = arith.muli %add3A_246, %mul3A_249 : i32
      %dma_start3A_251 = arith.constant 0 : i32
      %dma_start3A_252 = tpu.memref_slice %arg4[%dma_start3A_251, %mul3A_248] : memref<32x2097152xf32, #tpu.memory_space<hbm>> -> memref<32x1024xf32, #tpu.memory_space<hbm>>
      %dma_start3A_253 = arith.constant 0 : i32
      %dma_start3A_254 = tpu.memref_slice %arg4[%dma_start3A_253, %mul3A_248] : memref<32x2097152xf32, #tpu.memory_space<hbm>> -> memref<32x1024xf32, #tpu.memory_space<hbm>>
      tpu.enqueue_dma source(%arg11 : memref<32x1024xf32, #tpu.memory_space<vmem>>) target(%dma_start3A_254 : memref<32x1024xf32, #tpu.memory_space<hbm>>) target_semaphore(%arg17 : memref<!tpu.dma_semaphore, #tpu.memory_space<semaphore_mem>>)
      %dma_start3A_255 = arith.constant 0 : i32
      %dma_start3A_256 = tpu.memref_slice %arg5[%dma_start3A_255, %mul3A_250] : memref<4x2097152xi32, #tpu.memory_space<hbm>> -> memref<4x1024xi32, #tpu.memory_space<hbm>>
      %dma_start3A_257 = arith.constant 0 : i32
      %dma_start3A_258 = tpu.memref_slice %arg5[%dma_start3A_257, %mul3A_250] : memref<4x2097152xi32, #tpu.memory_space<hbm>> -> memref<4x1024xi32, #tpu.memory_space<hbm>>
      tpu.enqueue_dma source(%arg13 : memref<4x1024xi32, #tpu.memory_space<vmem>>) target(%dma_start3A_258 : memref<4x1024xi32, #tpu.memory_space<hbm>>) target_semaphore(%arg17 : memref<!tpu.dma_semaphore, #tpu.memory_space<semaphore_mem>>)
      %lt3A_259 = arith.constant 31 : i32
      %lt3A_260 = arith.cmpi slt, %scan3A_116, %lt3A_259 : i32
      %convert_element_type3A_261 = arith.extui %lt3A_260 : i1 to i32
      %cond3A_262 = arith.constant 0 : i32
      %cond3A_263 = arith.cmpi ne, %convert_element_type3A_261, %cond3A_262 : i32
      scf.if %cond3A_263 {
        %add3A_265 = arith.constant 2 : i32
        %add3A_266 = arith.addi %add3A_192, %add3A_265 : i32
        %mul3A_267 = arith.constant 128 : i32
        %mul3A_268 = arith.muli %add3A_266, %mul3A_267 : i32
        %add3A_269 = arith.addi %mul3A_2, %mul3A_268 : i32
        %dma_start3A_270 = arith.constant 0 : i32
        %dma_start3A_271 = tpu.memref_slice %arg2[%dma_start3A_270, %add3A_269] : memref<32x262144xf32, #tpu.memory_space<hbm>> -> memref<32x128xf32, #tpu.memory_space<hbm>>
        %dma_start3A_272 = arith.constant 0 : i32
        %dma_start3A_273 = tpu.memref_slice %arg2[%dma_start3A_272, %add3A_269] : memref<32x262144xf32, #tpu.memory_space<hbm>> -> memref<32x128xf32, #tpu.memory_space<hbm>>
        tpu.enqueue_dma source(%dma_start3A_273 : memref<32x128xf32, #tpu.memory_space<hbm>>) target(%arg7 : memref<32x128xf32, #tpu.memory_space<vmem>>) target_semaphore(%arg15 : memref<!tpu.dma_semaphore, #tpu.memory_space<semaphore_mem>>)
        %dma_start3A_274 = arith.constant 0 : i32
        %dma_start3A_275 = tpu.memref_slice %arg3[%dma_start3A_274, %add3A_269] : memref<4x262144xi32, #tpu.memory_space<hbm>> -> memref<4x128xi32, #tpu.memory_space<hbm>>
        %dma_start3A_276 = arith.constant 0 : i32
        %dma_start3A_277 = tpu.memref_slice %arg3[%dma_start3A_276, %add3A_269] : memref<4x262144xi32, #tpu.memory_space<hbm>> -> memref<4x128xi32, #tpu.memory_space<hbm>>
        tpu.enqueue_dma source(%dma_start3A_277 : memref<4x128xi32, #tpu.memory_space<hbm>>) target(%arg9 : memref<4x128xi32, #tpu.memory_space<vmem>>) target_semaphore(%arg15 : memref<!tpu.dma_semaphore, #tpu.memory_space<semaphore_mem>>)
      } else {
      }
      %scan3A_264 = arith.constant 0 : i32
      scf.yield %scan3A_264 : i32
    }
    %scan3A_88 = arith.constant 32 : i32
    %add3A_89 = arith.constant 7936 : i32
    %add3A_90 = arith.addi %mul3A_2, %add3A_89 : i32
    %mul3A_91 = arith.constant 8 : i32
    %mul3A_92 = arith.muli %add3A_90, %mul3A_91 : i32
    %mul3A_93 = arith.constant 8 : i32
    %mul3A_94 = arith.muli %add3A_90, %mul3A_93 : i32
    %dma_wait3A = arith.constant 0 : i32
    %dma_wait3A_95 = tpu.memref_slice %arg4[%dma_wait3A, %mul3A_92] : memref<32x2097152xf32, #tpu.memory_space<hbm>> -> memref<32x1024xf32, #tpu.memory_space<hbm>>
    %dma_wait3A_96 = arith.constant 0 : i32
    %dma_wait3A_97 = tpu.memref_slice %arg4[%dma_wait3A_96, %mul3A_92] : memref<32x2097152xf32, #tpu.memory_space<hbm>> -> memref<32x1024xf32, #tpu.memory_space<hbm>>
    tpu.wait_dma2 semaphore(%arg16 : memref<!tpu.dma_semaphore, #tpu.memory_space<semaphore_mem>>) src(%arg10 : memref<32x1024xf32, #tpu.memory_space<vmem>>) dst(%dma_wait3A_97 : memref<32x1024xf32, #tpu.memory_space<hbm>>)
    %dma_wait3A_98 = arith.constant 0 : i32
    %dma_wait3A_99 = tpu.memref_slice %arg5[%dma_wait3A_98, %mul3A_94] : memref<4x2097152xi32, #tpu.memory_space<hbm>> -> memref<4x1024xi32, #tpu.memory_space<hbm>>
    %dma_wait3A_100 = arith.constant 0 : i32
    %dma_wait3A_101 = tpu.memref_slice %arg5[%dma_wait3A_100, %mul3A_94] : memref<4x2097152xi32, #tpu.memory_space<hbm>> -> memref<4x1024xi32, #tpu.memory_space<hbm>>
    tpu.wait_dma2 semaphore(%arg16 : memref<!tpu.dma_semaphore, #tpu.memory_space<semaphore_mem>>) src(%arg12 : memref<4x1024xi32, #tpu.memory_space<vmem>>) dst(%dma_wait3A_101 : memref<4x1024xi32, #tpu.memory_space<hbm>>)
    %add3A_102 = arith.constant 8064 : i32
    %add3A_103 = arith.addi %mul3A_2, %add3A_102 : i32
    %mul3A_104 = arith.constant 8 : i32
    %mul3A_105 = arith.muli %add3A_103, %mul3A_104 : i32
    %mul3A_106 = arith.constant 8 : i32
    %mul3A_107 = arith.muli %add3A_103, %mul3A_106 : i32
    %dma_wait3A_108 = arith.constant 0 : i32
    %dma_wait3A_109 = tpu.memref_slice %arg4[%dma_wait3A_108, %mul3A_105] : memref<32x2097152xf32, #tpu.memory_space<hbm>> -> memref<32x1024xf32, #tpu.memory_space<hbm>>
    %dma_wait3A_110 = arith.constant 0 : i32
    %dma_wait3A_111 = tpu.memref_slice %arg4[%dma_wait3A_110, %mul3A_105] : memref<32x2097152xf32, #tpu.memory_space<hbm>> -> memref<32x1024xf32, #tpu.memory_space<hbm>>
    tpu.wait_dma2 semaphore(%arg17 : memref<!tpu.dma_semaphore, #tpu.memory_space<semaphore_mem>>) src(%arg11 : memref<32x1024xf32, #tpu.memory_space<vmem>>) dst(%dma_wait3A_111 : memref<32x1024xf32, #tpu.memory_space<hbm>>)
    %dma_wait3A_112 = arith.constant 0 : i32
    %dma_wait3A_113 = tpu.memref_slice %arg5[%dma_wait3A_112, %mul3A_107] : memref<4x2097152xi32, #tpu.memory_space<hbm>> -> memref<4x1024xi32, #tpu.memory_space<hbm>>
    %dma_wait3A_114 = arith.constant 0 : i32
    %dma_wait3A_115 = tpu.memref_slice %arg5[%dma_wait3A_114, %mul3A_107] : memref<4x2097152xi32, #tpu.memory_space<hbm>> -> memref<4x1024xi32, #tpu.memory_space<hbm>>
    tpu.wait_dma2 semaphore(%arg17 : memref<!tpu.dma_semaphore, #tpu.memory_space<semaphore_mem>>) src(%arg13 : memref<4x1024xi32, #tpu.memory_space<vmem>>) dst(%dma_wait3A_115 : memref<4x1024xi32, #tpu.memory_space<hbm>>)
    return
  }
}

</mosaic_0001>

<sc_bundles>
// kernel: kernel.3.cloned.1.call-start
scs
__scs_entry_jumppad:
0x0: {  	(pc) =	sbr.rel $0x88, $3  }
0x1: {  	(tag) =	ssettag $0x0;
	lr =	simm.s32 $0x1  }
0x2: {  	[smem:$0x3F9F] =	sst lr;
	_ =	strace $0xD0000000  }
0x3: {  	_ = 	snop  }
0x4: {  	_ = 	snop  }
0x5: {  	_ = 	snop  }
0x6: {  	_ = 	snop  }
0x7: {  	_ = 	snop  }
__scs_overlays_trampoline_lowered:
0x8: {  	[smem:$0x3FAE] =	sst s0  }
0x9: {  	[smem:$0x3FAF] =	sst s1  }
0xa: {  	[smem:$0x3FB0] =	sst s2  }
0xb: {  	[smem:$0x3FB1] =	sst s3  }
0xc: {  	[smem:$0x3FB2] =	sst s4  }
0xd: {  	[smem:$0x3FB3] =	sst s5  }
0xe: {  	[smem:$0x3FB4] =	sst s6  }
0xf: {  	[smem:$0x3FB5] =	sst s7  }
0x10: {  	[smem:$0x3FB6] =	sst s8  }
0x11: {  	[smem:$0x3FB7] =	sst s9;
	s0 =	simm.s32 @!p0 $0x0  }
0x12: {  	s1 =	sld [smem:$0x3F9D];
	s0 =	simm.s32 @p0 $0x1  }
0x13: {  	[smem:$0x3FB8] =	sst s0;
	s0 =	simm.s32 @!p1 $0x0  }
0x14: {  	s2 =	sld [smem:$0x3F9C];
	s0 =	simm.s32 @p1 $0x1  }
0x15: {  	[smem:$0x3FB9] =	sst s0;
	s0 =	simm.s32 @!p2 $0x0  }
0x16: {  	s3 =	sld [smem:$0x3FDB];
	s0 =	simm.s32 @p2 $0x1  }
0x17: {  	s4 =	simm.s32 $0x1BF5;
	[smem:$0x3FBB] =	sst s0  }
0x18: {  	s0 =	sld [smem:$0x3F9E];
	_ =	swait.ge [sflag:s4], $0x0  }
0x19: {  	s7 =	sld [smem:$0x3F9F]  }
0x1a: {  	s8 =	sadd.s32 $0xFFFFE003, lr  }
0x1b: {  	s9 =	sadd.s32 $0xFFFFFEF7, lr;
	s5 =	simm.s32 $0xFFFFFFFF;
	p2 =	slt.u32 s8, $0xFFFFF086  }
0x1c: {  	p1 =	slt.u32 s9, $0xF7A;
	s5 =	simm.s32 @!p2 $0x0  }
0x1d: {  	s5 =	simm.s32 @p1 $0x1;
	p0 =	seq.s32 s7, s2  }
0x1e: {  	s7 =	smul.u32 @!p0 $0xF7A, s2;
	p2 =	seq.s32 @!p0 s5, $0x0  }
0x1f: {  	s9 =	smul.u32 $0xF7A, s1;
	s8 =	simm.s32 @!p0 $0x1BF5;
	p2 =	por !p2, p0  }
0x20: {  	[sflag:s8] =	ssyncset.s32 @!p0 $0xFFFFF086;
	s6 =	sadd.s32 @!p0 s3, s7;
	s7 =	simm.s32 @!p0 $0x108  }
0x21: {  	s3 =	sadd.s32 s3, s9;
	s6 =	sadd.s32 @!p0 $0x88, s6;
	s7 =	simm.s32 @p2 $0x1082  }
0x22: {  	[simem:s7], [sflag:s8] =	dma.local @!p0 [hbm:s6], $0xF7A  }
0x23: {  	s9 =	sor.u32 $0xD0000000, s2;
	s6 =	simm.s32 $0x108;
	_ =	swait.ge @!p0 [sflag:s8], $0x0  }
0x24: {  	s3 =	sadd.s32 $0x88, s3;
	s6 =	simm.s32 @!p1 $0x1082;
	[sflag:s4] =	ssyncset.s32 $0xFFFFF086  }
0x25: {  	[simem:s6], [sflag:s4] =	dma.local [hbm:s3], $0xF7A  }
0x26: {  	[smem:$0x3F9F] =	sst s1;
	(tag) =	ssettag s2;
	_ =	strace s9  }
0x27: {  	s1 =	sld [smem:$0x3FAF]  }
0x28: {  	s2 =	sld [smem:$0x3FB0]  }
0x29: {  	s4 =	sld [smem:$0x3FB2]  }
0x2a: {  	p0 =	seq.s32 s5, $0x0;
	s5 =	sld [smem:$0x3FB3]  }
0x2b: {  	s6 =	sld [smem:$0x3FB4]  }
0x2c: {  	s7 =	sld [smem:$0x3FB5]  }
0x2d: {  	s3 =	simm.s32 $0x108;
	s8 =	sld [smem:$0x3FB6]  }
0x2e: {  	s3 =	simm.s32 @!p0 $0x1082;
	s9 =	sld [smem:$0x3FB7]  }
0x2f: {  	lr =	sadd.s32 s0, s3;
	s0 =	sld [smem:$0x3FAE]  }
0x30: {  	s3 =	sld [smem:$0x3FB1]  }
0x31: {  	[smem:$0x3FBA] =	sst s10  }
0x32: {  	s10 =	sld [smem:$0x3FB8];
	_ =	sdelay $0x3  }
0x33: {  	p0 =	seq.s32 s10, $0x1;
	s10 =	sld [smem:$0x3FBA];
	_ =	sdelay $0x3  }
0x34: {  	[smem:$0x3FBA] =	sst s10  }
0x35: {  	s10 =	sld [smem:$0x3FB9];
	_ =	sdelay $0x3  }
0x36: {  	p1 =	seq.s32 s10, $0x1;
	s10 =	sld [smem:$0x3FBA];
	_ =	sdelay $0x3  }
0x37: {  	[smem:$0x3FBA] =	sst s10  }
0x38: {  	s10 =	sld [smem:$0x3FBB]  }
0x39: {  	_ = 	snop;
	(pc) =	sbr.ind lr, $3  }
0x3a: {  	_ = 	snop  }
0x3b: {  	_ = 	snop  }
0x3c: {  	p2 =	seq.s32 s10, $0x1;
	s10 =	sld [smem:$0x3FBA]  }
0x3d: {  	_ =	shalt  }
0x3e: {  	_ =	shalt  }
0x3f: {  	_ =	shalt  }
0x40: {  	_ =	shalt  }
0x41: {  	_ =	shalt  }
0x42: {  	_ =	shalt  }
0x43: {  	_ =	shalt  }
0x44: {  	_ =	shalt  }
0x45: {  	_ =	shalt  }
0x46: {  	_ =	shalt  }
0x47: {  	_ =	shalt  }
0x48: {  	_ =	shalt  }
0x49: {  	_ =	shalt  }
0x4a: {  	_ =	shalt  }
0x4b: {  	_ =	shalt  }
0x4c: {  	_ =	shalt  }
0x4d: {  	_ =	shalt  }
0x4e: {  	_ =	shalt  }
0x4f: {  	_ =	shalt  }
0x50: {  	_ =	shalt  }
0x51: {  	_ =	shalt  }
0x52: {  	_ =	shalt  }
0x53: {  	_ =	shalt  }
0x54: {  	_ =	shalt  }
0x55: {  	_ =	shalt  }
0x56: {  	_ =	shalt  }
0x57: {  	_ =	shalt  }
0x58: {  	_ =	shalt  }
0x59: {  	_ =	shalt  }
0x5a: {  	_ =	shalt  }
0x5b: {  	_ =	shalt  }
0x5c: {  	_ =	shalt  }
0x5d: {  	_ =	shalt  }
0x5e: {  	_ =	shalt  }
0x5f: {  	_ =	shalt  }
0x60: {  	_ =	shalt  }
0x61: {  	_ =	shalt  }
0x62: {  	_ =	shalt  }
0x63: {  	_ =	shalt  }
0x64: {  	_ =	shalt  }
0x65: {  	_ =	shalt  }
0x66: {  	_ =	shalt  }
0x67: {  	_ =	shalt  }
0x68: {  	_ =	shalt  }
0x69: {  	_ =	shalt  }
0x6a: {  	_ =	shalt  }
0x6b: {  	_ =	shalt  }
0x6c: {  	_ =	shalt  }
0x6d: {  	_ =	shalt  }
0x6e: {  	_ =	shalt  }
0x6f: {  	_ =	shalt  }
0x70: {  	_ =	shalt  }
0x71: {  	_ =	shalt  }
0x72: {  	_ =	shalt  }
0x73: {  	_ =	shalt  }
0x74: {  	_ =	shalt  }
0x75: {  	_ =	shalt  }
0x76: {  	_ =	shalt  }
0x77: {  	_ =	shalt  }
0x78: {  	_ =	shalt  }
0x79: {  	_ =	shalt  }
0x7a: {  	_ =	shalt  }
0x7b: {  	_ =	shalt  }
0x7c: {  	_ =	shalt  }
0x7d: {  	_ =	shalt  }
0x7e: {  	_ =	shalt  }
0x7f: {  	_ =	shalt  }
0x80: {  	_ =	shalt  }
0x81: {  	_ =	shalt  }
0x82: {  	_ =	shalt  }
0x83: {  	_ =	shalt  }
0x84: {  	_ =	shalt  }
0x85: {  	_ =	shalt  }
0x86: {  	_ =	shalt  }
0x87: {  	_ =	shalt  }
.Lfunc_end0:
.L_simem_size_0:
called_computation_lowered:
.L_overlay_start_0:
0x88: {  	s2 =	sld [smem:$0x3FD9]  }
0x89: {  	s3 =	sld [smem:$0x3FFE];
	_ =	sdelay $0x1  }
0x8a: {  	s1 =	srdreg.scid  }
0x8b: {  	s0 =	sand.u32 $0x1, s1  }
0x8c: {  	s15 =	sshll.u32 s0, $0xA;
	s2 =	sadd.s32 s3, s2  }
0x8d: {  	s2 =	sadd.s32 s2, s15  }
0x8e: {  	[smem:$0x3FC6] =	sst s2  }
0x8f: {  	_ = 	snop  }
0x90: {  	s2 =	sld [smem:$0x3FD0];
	_ =	sdelay $0x1  }
0x91: {  	s16 =	sld [smem:$0x3FC9]  }
0x92: {  	s5 =	simm.s32 $0xA;
	s6 =	simm.s32 $0x10;
	s4 =	sld [smem:$0x3FC8]  }
0x93: {  	[smem:s6], [sflag:s5] =	dma.local [hbm:s2], $0x1  }
0x94: {  	_ =	swait.eq [sflag:s5], $0x1  }
0x95: {  	[sflag:s5] =	ssyncset.done $0x0  }
0x96: {  	s17 =	sld [smem:$0x10];
	[sflag:s5] =	ssyncadd.s32 $0xFFFFFFFF  }
0x97: {  	s18 =	sld [smem:$0x11];
	(tm) =	ssettm $0x1  }
0x98: {  	s19 =	sld [smem:$0x3FFB];
	_ =	sdelay $0x3  }
0x99: {  	_ =	strace s19  }
0x9a: {  	s6 =	sld [smem:$0x3FFC];
	_ =	sdelay $0x3  }
0x9b: {  	_ =	strace s6  }
0x9c: {  	s6 =	sld [smem:$0x3FFD];
	_ =	sdelay $0x3  }
0x9d: {  	_ =	strace s6  }
0x9e: {  	_ =	strace $0x8FFFFFFF  }
0x9f: {  	s20 =	sld [smem:$0x3FDB];
	_ =	sdelay $0x1  }
0xa0: {  	s7 =	simm.s32 $_scs_section_size  }
0xa1: {  	s8 =	simm.s32 $_size__tile_overlayer_lowered;
	s9 =	simm.s32 $_tile_overlayer_lowered  }
0xa2: {  	s23 =	simm.s32 $0x1BFF;
	s22 =	sshll.u32 s9, $0x1;
	s6 =	sadd.s32 s7, s20  }
0xa3: {  	s10 =	simm.s32 $0x0;
	s21 =	sshll.u32 s8, $0x1;
	s8 =	sadd.s32 s22, s6  }
0xa4: {  	[timem:s10], [sflag:s23] =	dma.local [hbm:s8], s21  }
0xa5: {  	_ =	swait.ge [sflag:s23], s21  }
0xa6: {  	s7 =	ssub.s32 $0x0, s21;
	[sflag:s23] =	ssyncset.done $0x0  }
0xa7: {  	[sflag:s23] =	ssyncadd.s32 s7;
	_ =	sdelay $0x1  }
0xa8: {  	s24 =	simm.s32 $0x1B8B  }
0xa9: {  	_ =	swait.ge [sflag:s24], $0x1  }
0xaa: {  	[sflag:s24] =	ssyncset.done $0x0  }
0xab: {  	s25 =	simm.s32 $0x1B8E;
	[sflag:s24] =	ssyncadd.s32 $0xFFFFFFFF  }
0xac: {  	s26 =	simm.s32 $execute0_lowered;
	[smem:$0x3FD2] =	sst s25  }
0xad: {  	s7 =	sshll.u32 s26, $0x1;
	_ =	strace $0x80000046;
	[dreg:$0x1] =	wrdreg $0xFFFFFFFF  }
0xae: {  	s28 =	simm.s32 $_size_execute0_lowered;
	s6 =	sadd.s32 s6, s7;
	[dreg:$0x0] =	wrdreg $0x0  }
0xaf: {  	s7 =	sshll.u32 s28, $0x1;
	[dreg:$0x2] =	wrdreg s6  }
0xb0: {  	[dreg:$0x3] =	wrdreg s7  }
0xb1: {  	[dreg:$0x4] =	wrdreg $0xC0  }
0xb2: {  	_ =	task [dreg:s10], $0x5FFFF  }
0xb3: {  	[dreg:$0x1] =	wrdreg $0xFFFFFFFF  }
0xb4: {  	[dreg:$0x0] =	wrdreg $0x60  }
0xb5: {  	[dreg:$0x2] =	wrdreg s16  }
0xb6: {  	[dreg:$0x3] =	wrdreg s4  }
0xb7: {  	[dreg:$0x4] =	wrdreg s17  }
0xb8: {  	[dreg:$0x5] =	wrdreg s18  }
0xb9: {  	[dreg:$0x6] =	wrdreg $0x9  }
0xba: {  	_ =	task.clear_ibuf [dreg:s10], $0x7FFFF;
	_ =	strace $0x90000046  }
0xbb: {  	s29 =	simm.s32 $0x9;
	_ =	strace $0x80000048  }
0xbc: {  	_ =	swait.ge [sflag:s29], $0x1  }
0xbd: {  	[sflag:s29] =	ssyncadd.s32 $0xFFFFFFFF  }
0xbe: {  	_ =	strace $0x90000048  }
0xbf: {  	_ =	sfence  }
0xc0: {  	s30 =	sld [smem:$0x0];
	_ =	sdelay $0x2  }
0xc1: {  	s31 =	sshll.u32 s1, $0xD;
	s1 =	sshrl.u32 s1, $0x2  }
0xc2: {  	s3 =	sand.u32 $0x4000, s31;
	s1 =	sadd.s32 s1, s30  }
0xc3: {  	s0 =	sor.u32 s3, s0;
	s1 =	sshll.u32 s1, $0x11  }
0xc4: {  	s0 =	sor.u32 s1, s0  }
0xc5: {  	s0 =	sadd.s32 $0x8F2B, s0  }
0xc6: {  	[sflag:s0] =	ssyncadd.remote.s32 $0x1  }
0xc7: {  	_ =	sfence.sel $0xFFFF  }
0xc8: {  	[dreg:$0x0] =	wrdreg $0xFFFFFFFF;
	(pc) =	sbr.abs _section_cstart, $3  }
0xc9: {  	[dreg:$0x1] =	wrdreg $0xFFFFFFFF  }
0xca: {  	_ =	task.clear_ibuf [dreg:s10], $0x2FFFF;
	_ =	strace $0x9FFFFFFF  }
0xcb: {  	(tm) =	ssettm $0x7FFFFFFF  }
tec
execute0_lowered:
.L_overlay_start_1:
0x0: {  	(tag) =	ssettag $0x1  }
0x1: {  	s0 =	rddreg [dreg:$0x0]  }
0x2: {  	s3 =	rddreg [dreg:$0x1]  }
0x3: {  	s4 =	rddreg [dreg:$0x2]  }
0x4: {  	s1 =	srdreg.scid;
	s5 =	rddreg [dreg:$0x3]  }
0x5: {  	s2 =	stileid.u32;
	s6 =	simm.s32 $0x0;
	s16 =	simm.s32 $0x400  }
0x6: {  	s17 =	simm.s32 $0x200000;
	s18 =	simm.s32 $0x2000;
	s21 =	simm.s32 $0x1  }
0x7: {  	s22 =	simm.s32 $0x1000000;
	s23 =	simm.s32 $0x2400;
	s24 =	simm.s32 $0x12400  }
0x8: {  	s28 =	simm.s32 $0x13400;
	s1 =	sand.u32 $0x1, s1;
	s2 =	sshll.u32 s2, $0xE  }
0x9: {  	[smem:$0x7FF] =	sst s6;
	s7 =	sshll.u32 s1, $0xD;
	s1 =	ssub.s32 $0x2, s1  }
0xa: {  	_ =	strace $0x80000047;
	s2 =	sor.u32 s7, s2;
	s25 =	sshrl.u32 s1, $0x1  }
0xb: {  	s8 =	sshrl.u32 s2, $0x7;
	s1 =	ssub.s32 s1, s25;
	s29 =	sadd.s32 s0, s2  }
0xc: {  	s30 =	sshrl.u32 s2, $0x1;
	s11 =	sshll.u32 s2, $0x3;
	s12 =	sor.u32 $0x100, s2  }
0xd: {  	v10 =	vlaneseq.u32;
	s13 =	sor.u32 $0x180, s2;
	s15 =	sor.u32 $0x80, s2;
	s26 =	sor.u32 $0x1, s8  }
.Ltmp0:
0xe: {  	v0 =	vshrl.u32 v10, $0x3;
	[dreg:$0x5] =	wrdreg s29;
	s8 =	sadd.s32 s3, s30;
	(pc) =	sbr.rel .LBB2_1-.Ltmp0, $4  }
0xf: {  	v8 =	vshrl.u32 v10, $0x2;
	v9 =	vshrl.u32 v10, $0x1;
	v10 =	vand.u32 $0x1, v10;
	s1 =	smax.u32 s1, $0x1;
	s9 =	sshll.u32 s26, $0x7;
	[dreg:$0x6] =	wrdreg s8  }
0x10: {  	v1 =	vor.u32 $0x2, v0;
	v2 =	vor.u32 $0x4, v0;
	v3 =	vor.u32 $0x6, v0;
	s7 =	sshll.u32 s26, $0x6;
	[dreg:$0x9] =	wrdreg s1;
	s31 =	sadd.s32 s0, s9  }
0x11: {  	v4 =	vor.u32 $0x8, v0;
	v5 =	vor.u32 $0xA, v0;
	v6 =	vor.u32 $0xC, v0;
	s25 =	simm.s32 $0x2;
	s7 =	sadd.s32 s3, s7;
	[dreg:$0x7] =	wrdreg s31  }
0x12: {  	v7 =	vor.u32 $0xE, v0;
	v8 =	vand.u32 $0x1, v8;
	v9 =	vand.u32 $0x1, v9;
	s26 =	simm.s32 $0xA400;
	[dreg:$0x8] =	wrdreg s7;
	s7 =	simm.s32 $0x0  }
.LBB2_20:
0x13: {  	s1 =	simm.s32 $0x3  }
0x14: {  	_ =	swait.ge [sflag:s1], $0x8000  }
0x15: {  	[sflag:s1] =	ssyncset.done $0x0  }
0x16: {  	[sflag:s1] =	ssyncadd.s32 $0xFFFF8000  }
0x17: {  	_ =	swait.ge [sflag:s1], $0x1000  }
0x18: {  	[sflag:s1] =	ssyncset.done $0x0  }
0x19: {  	s2 =	simm.s32 $0x4;
	[sflag:s1] =	ssyncadd.s32 $0xFFFFF000  }
0x1a: {  	_ =	swait.ge [sflag:s2], $0x8000  }
0x1b: {  	[sflag:s2] =	ssyncset.done $0x0  }
0x1c: {  	[sflag:s2] =	ssyncadd.s32 $0xFFFF8000  }
0x1d: {  	_ =	swait.ge [sflag:s2], $0x1000  }
0x1e: {  	s7 =	rddreg [dreg:$0xa]  }
0x1f: {  	s31 =	rddreg [dreg:$0x9];
	s7 =	sadd.s32 $0x1, s7  }
0x20: {  	p0 =	sne.s32 s7, s31  }
.Ltmp1:
0x21: {  	_ = 	snop;
	(pc) =	sbr.rel @!p0 .LBB2_21-.Ltmp1, $3  }
0x22: {  	_ =	sdelay $0x1  }
0x23: {  	[sflag:s2] =	ssyncset.done $0x0  }
0x24: {  	[sflag:s2] =	ssyncadd.s32 $0xFFFFF000  }
.LBB2_1:
0x25: {  	[dreg:$0xa] =	wrdreg s7  }
0x26: {  	s1 =	rddreg [dreg:$0x5]  }
0x27: {  	[tilespmem:s6], [sflag:$0x1] =	stream.strided.gather [hbm4b:s1+s16], $0x1000, s17, s16, $0x38;
	[tilespmem:$0x14400] =	vst v63  }
0x28: {  	s20 =	rddreg [dreg:$0x6]  }
0x29: {  	[tilespmem:s18], [sflag:$0x1] =	stream.linear.gather [hbm4b:s20+s6], $0x200, $0x38;
	[tilespmem:$0x14400] =	vst v63  }
0x2a: {  	s29 =	rddreg [dreg:$0x7];
	s2 =	simm.s32 $0x1000  }
0x2b: {  	[tilespmem:s2], [sflag:$0x2] =	stream.strided.gather [hbm4b:s29+s16], $0x1000, s17, s16, $0x38;
	[tilespmem:$0x14400] =	vst v63  }
0x2c: {  	s30 =	rddreg [dreg:$0x8];
	s31 =	simm.s32 $0x2200;
	s1 =	simm.s32 $0x0  }
0x2d: {  	[tilespmem:s31], [sflag:$0x2] =	stream.linear.gather [hbm4b:s30+s6], $0x200, $0x38;
	[tilespmem:$0x14400] =	vst v63  }
.LBB2_2:
0x2e: {  	_ =	swait.ge [sflag:s21], $0x1000  }
0x2f: {  	[sflag:s21] =	ssyncset.done $0x0  }
0x30: {  	[sflag:s21] =	ssyncadd.s32 $0xFFFFF000  }
0x31: {  	_ =	swait.ge [sflag:s21], $0x200  }
0x32: {  	p0 =	seq.s32 s1, $0x0;
	[sflag:s21] =	ssyncset.done $0x0  }
0x33: {  	s2 =	simm.s32 @!p0 $0x3;
	[sflag:s21] =	ssyncadd.s32 $0xFFFFFE00  }
0x34: {  	_ =	swait.ge @!p0 [sflag:s2], $0x8000  }
0x35: {  	[sflag:s2] =	ssyncset.done @!p0 $0x0  }
0x36: {  	[sflag:s2] =	ssyncadd.s32 @!p0 $0xFFFF8000  }
0x37: {  	_ =	swait.ge @!p0 [sflag:s2], $0x1000  }
0x38: {  	[sflag:s2] =	ssyncset.done @!p0 $0x0  }
0x39: {  	s7 =	simm.s32 $0x40;
	[sflag:s2] =	ssyncadd.s32 @!p0 $0xFFFFF000  }
0x3a: {  	v11 =	vld [tilespmem:s7+$0xFFFFFFC0];
	_ =	sdelay $0x3  }
0x3b: {  	s8 =	simm.s32 $0x0  }
0x3c: {  	s20 =	sand.u32 $0x6000, s8;
	s9 =	sand.u32 $0x380, s8;
	v12 =	vperm.xlane v11, v7  }
0x3d: {  	s10 =	sor.u32 s9, s20;
	v13 =	vperm.xlane v11, v5  }
0x3e: {  	v14 =	vperm.xlane v11, v0;
	[tilespmem:s10+$0x2470] =	vst v12  }
0x3f: {  	v12 =	vperm.xlane v11, v2;
	[tilespmem:s10+$0x2450] =	vst v13  }
0x40: {  	v13 =	vperm.xlane v11, v6;
	[tilespmem:s10+$0x2400] =	vst v14  }
0x41: {  	v14 =	vperm.xlane v11, v1;
	[tilespmem:s10+$0x2420] =	vst v12  }
0x42: {  	v12 =	vperm.xlane v11, v3;
	[tilespmem:s10+$0x2460] =	vst v13  }
0x43: {  	v11 =	vperm.xlane v11, v4;
	[tilespmem:s10+$0x2410] =	vst v14  }
0x44: {  	[tilespmem:s10+$0x2430] =	vst v12  }
0x45: {  	[tilespmem:s10+$0x2440] =	vst v11  }
0x46: {  	v11 =	vld [tilespmem:s7+$0xFFFFFFD0];
	_ =	sdelay $0x4  }
0x47: {  	v12 =	vperm.xlane v11, v0  }
0x48: {  	v13 =	vperm.xlane v11, v2  }
0x49: {  	v14 =	vperm.xlane v11, v3;
	[tilespmem:s10+$0x2800] =	vst v12  }
0x4a: {  	v12 =	vperm.xlane v11, v5;
	[tilespmem:s10+$0x2820] =	vst v13  }
0x4b: {  	v13 =	vperm.xlane v11, v7;
	[tilespmem:s10+$0x2830] =	vst v14  }
0x4c: {  	v14 =	vperm.xlane v11, v1;
	[tilespmem:s10+$0x2850] =	vst v12  }
0x4d: {  	v12 =	vperm.xlane v11, v6;
	[tilespmem:s10+$0x2870] =	vst v13  }
0x4e: {  	v11 =	vperm.xlane v11, v4;
	[tilespmem:s10+$0x2810] =	vst v14  }
0x4f: {  	[tilespmem:s10+$0x2860] =	vst v12  }
0x50: {  	[tilespmem:s10+$0x2840] =	vst v11  }
0x51: {  	v11 =	vld [tilespmem:s7+$0xFFFFFFE0];
	_ =	sdelay $0x4  }
0x52: {  	v12 =	vperm.xlane v11, v0  }
0x53: {  	v13 =	vperm.xlane v11, v2  }
0x54: {  	v14 =	vperm.xlane v11, v3;
	[tilespmem:s10+$0x2C00] =	vst v12  }
0x55: {  	v12 =	vperm.xlane v11, v5;
	[tilespmem:s10+$0x2C20] =	vst v13  }
0x56: {  	v13 =	vperm.xlane v11, v7;
	[tilespmem:s10+$0x2C30] =	vst v14  }
0x57: {  	v14 =	vperm.xlane v11, v1;
	[tilespmem:s10+$0x2C50] =	vst v12  }
0x58: {  	v12 =	vperm.xlane v11, v6;
	[tilespmem:s10+$0x2C70] =	vst v13  }
0x59: {  	v11 =	vperm.xlane v11, v4;
	[tilespmem:s10+$0x2C10] =	vst v14  }
0x5a: {  	[tilespmem:s10+$0x2C60] =	vst v12  }
0x5b: {  	[tilespmem:s10+$0x2C40] =	vst v11  }
0x5c: {  	v11 =	vld [tilespmem:s7+$0xFFFFFFF0];
	_ =	sdelay $0x4  }
0x5d: {  	v12 =	vperm.xlane v11, v0  }
0x5e: {  	v13 =	vperm.xlane v11, v3  }
0x5f: {  	v14 =	vperm.xlane v11, v2;
	[tilespmem:s10+$0x3000] =	vst v12  }
0x60: {  	v12 =	vperm.xlane v11, v6;
	[tilespmem:s10+$0x3030] =	vst v13  }
0x61: {  	v13 =	vperm.xlane v11, v7;
	[tilespmem:s10+$0x3020] =	vst v14  }
0x62: {  	v14 =	vperm.xlane v11, v5;
	[tilespmem:s10+$0x3060] =	vst v12  }
0x63: {  	v12 =	vperm.xlane v11, v1;
	[tilespmem:s10+$0x3070] =	vst v13  }
0x64: {  	v11 =	vperm.xlane v11, v4;
	[tilespmem:s10+$0x3050] =	vst v14  }
0x65: {  	[tilespmem:s10+$0x3010] =	vst v12  }
0x66: {  	[tilespmem:s10+$0x3040] =	vst v11  }
0x67: {  	v16 =	vld [tilespmem:s7+$0x0];
	_ =	sdelay $0x4  }
0x68: {  	v14 =	vperm.xlane v16, v0;
	v15 =	vperm.xlane v16, v6  }
0x69: {  	s31 =	sand.u32 $0x7, s8;
	v17 =	vperm.xlane v16, v2;
	v12 =	vperm.xlane v16, v3  }
0x6a: {  	s29 =	simm.s32 $0x80;
	s30 =	simm.s32 $0x0;
	s9 =	sshll.u32 s31, $0x7;
	v11 =	vperm.xlane v16, v4;
	v13 =	vperm.xlane v16, v5;
	[tilespmem:s10+$0x3460] =	vst v15  }
0x6b: {  	s14 =	simm.s32 $0x40;
	s9 =	sadd.s32 $0x0, s9;
	s2 =	sshll.u32 s1, $0x8;
	v15 =	vperm.xlane v16, v1;
	[tilespmem:s10+$0x3420] =	vst v17;
	v16 =	vperm.xlane v16, v7  }
.LBB2_3:
0x6c: {  	s8 =	sadd.s32 $0x400, s8  }
0x6d: {  	[tilespmem:s10+$0x3400] =	vst v14;
	s30 =	sadd.s32 $0x1, s30;
	s7 =	sadd.s32 $0x80, s7;
	s31 =	smov.u32 s29  }
0x6e: {  	p1 =	sne.s32 s29, $0xF80;
	s29 =	sadd.s32 $0x80, s29;
	s19 =	sand.u32 $0x7, s30;
	[tilespmem:s10+$0x3430] =	vst v12  }
0x6f: {  	s19 =	sshll.u32 s19, $0x7;
	[tilespmem:s10+$0x3470] =	vst v16  }
0x70: {  	s19 =	sadd.s32 s19, s8;
	[tilespmem:s10+$0x3450] =	vst v13  }
0x71: {  	[tilespmem:s10+$0x3410] =	vst v15  }
0x72: {  	[tilespmem:s10+$0x3440] =	vst v11  }
0x73: {  	v11 =	vld [tilespmem:s14+$0x10];
	_ =	sdelay $0x4  }
0x74: {  	v12 =	vperm.xlane v11, v0;
	v13 =	vperm.xlane v11, v1  }
0x75: {  	v14 =	vperm.xlane v11, v2;
	v15 =	vperm.xlane v11, v3  }
0x76: {  	v16 =	vperm.xlane v11, v5;
	[tilespmem:s10+$0x3810] =	vst v13;
	v13 =	vperm.xlane v11, v4  }
0x77: {  	[tilespmem:s10+$0x3820] =	vst v14;
	v14 =	vperm.xlane v11, v7  }
0x78: {  	[tilespmem:s10+$0x3830] =	vst v15  }
0x79: {  	[tilespmem:s10+$0x3840] =	vst v13  }
0x7a: {  	[tilespmem:s10+$0x3850] =	vst v16  }
0x7b: {  	v11 =	vperm.xlane v11, v6;
	[tilespmem:s10+$0x3800] =	vst v12  }
0x7c: {  	[tilespmem:s10+$0x3870] =	vst v14  }
0x7d: {  	[tilespmem:s10+$0x3860] =	vst v11  }
0x7e: {  	v11 =	vld [tilespmem:s14+$0x20];
	_ =	sdelay $0x4  }
0x7f: {  	v12 =	vperm.xlane v11, v0;
	v13 =	vperm.xlane v11, v1  }
0x80: {  	v14 =	vperm.xlane v11, v2;
	v15 =	vperm.xlane v11, v3  }
0x81: {  	v16 =	vperm.xlane v11, v5;
	[tilespmem:s10+$0x3C00] =	vst v12;
	v12 =	vperm.xlane v11, v4  }
0x82: {  	[tilespmem:s10+$0x3C20] =	vst v14;
	v14 =	vperm.xlane v11, v7  }
0x83: {  	v11 =	vperm.xlane v11, v6;
	[tilespmem:s10+$0x3C30] =	vst v15  }
0x84: {  	[tilespmem:s10+$0x3C40] =	vst v12  }
0x85: {  	[tilespmem:s10+$0x3C10] =	vst v13  }
0x86: {  	[tilespmem:s10+$0x3C70] =	vst v14  }
0x87: {  	[tilespmem:s10+$0x3C50] =	vst v16;
	_ =	sdelay $0x1  }
0x88: {  	[tilespmem:s10+$0x3C60] =	vst v11  }
0x89: {  	v11 =	vld [tilespmem:s14+$0x30];
	s14 =	smov.u32 s7;
	_ =	sdelay $0x4  }
0x8a: {  	v12 =	vperm.xlane v11, v0  }
0x8b: {  	s10 =	sor.u32 $0x1C00, s9;
	v13 =	vperm.xlane v11, v1  }
0x8c: {  	[tilespmem:s10+$0x2400] =	vst v12;
	s10 =	sor.u32 $0x1C10, s9;
	v12 =	vperm.xlane v11, v2  }
0x8d: {  	[tilespmem:s10+$0x2400] =	vst v13;
	s10 =	sor.u32 $0x1C20, s9;
	v13 =	vperm.xlane v11, v3  }
0x8e: {  	[tilespmem:s10+$0x2400] =	vst v12;
	s10 =	sor.u32 $0x1C30, s9;
	v12 =	vperm.xlane v11, v4  }
0x8f: {  	[tilespmem:s10+$0x2400] =	vst v13;
	s10 =	sor.u32 $0x1C40, s9;
	v13 =	vperm.xlane v11, v5  }
0x90: {  	[tilespmem:s10+$0x2400] =	vst v12;
	s10 =	sor.u32 $0x1C50, s9;
	v12 =	vperm.xlane v11, v6  }
0x91: {  	v11 =	vperm.xlane v11, v7;
	[tilespmem:s10+$0x2400] =	vst v13;
	s10 =	sor.u32 $0x1C60, s9  }
0x92: {  	[tilespmem:s10+$0x2400] =	vst v12;
	s10 =	sor.u32 $0x1C70, s9;
	s9 =	smov.u32 s19  }
0x93: {  	[tilespmem:s10+$0x2400] =	vst v11;
	_ =	sdelay $0x2  }
0x94: {  	v11 =	vld [tilespmem:s7+$0xFFFFFFC0];
	_ =	sdelay $0x4  }
0x95: {  	s19 =	sand.u32 $0x380, s31;
	s10 =	sand.u32 $0x6000, s8;
	v12 =	vperm.xlane v11, v2;
	v13 =	vperm.xlane v11, v7  }
0x96: {  	s10 =	sor.u32 s19, s10;
	v14 =	vperm.xlane v11, v1;
	v15 =	vperm.xlane v11, v5  }
0x97: {  	v16 =	vperm.xlane v11, v0;
	v17 =	vperm.xlane v11, v4;
	[tilespmem:s10+$0x2470] =	vst v13  }
0x98: {  	v13 =	vperm.xlane v11, v3;
	v11 =	vperm.xlane v11, v6;
	[tilespmem:s10+$0x2450] =	vst v15  }
0x99: {  	[tilespmem:s10+$0x2400] =	vst v16  }
0x9a: {  	[tilespmem:s10+$0x2420] =	vst v12  }
0x9b: {  	[tilespmem:s10+$0x2460] =	vst v11  }
0x9c: {  	[tilespmem:s10+$0x2410] =	vst v14  }
0x9d: {  	[tilespmem:s10+$0x2430] =	vst v13  }
0x9e: {  	[tilespmem:s10+$0x2440] =	vst v17  }
0x9f: {  	v11 =	vld [tilespmem:s7+$0xFFFFFFD0];
	_ =	sdelay $0x4  }
0xa0: {  	v12 =	vperm.xlane v11, v0;
	v13 =	vperm.xlane v11, v6  }
0xa1: {  	v14 =	vperm.xlane v11, v2;
	v15 =	vperm.xlane v11, v3  }
0xa2: {  	v16 =	vperm.xlane v11, v5;
	[tilespmem:s10+$0x2800] =	vst v12;
	v12 =	vperm.xlane v11, v4  }
0xa3: {  	v17 =	vperm.xlane v11, v1;
	v11 =	vperm.xlane v11, v7;
	[tilespmem:s10+$0x2820] =	vst v14  }
0xa4: {  	[tilespmem:s10+$0x2830] =	vst v15  }
0xa5: {  	[tilespmem:s10+$0x2850] =	vst v16  }
0xa6: {  	[tilespmem:s10+$0x2870] =	vst v11  }
0xa7: {  	[tilespmem:s10+$0x2810] =	vst v17  }
0xa8: {  	[tilespmem:s10+$0x2860] =	vst v13  }
0xa9: {  	[tilespmem:s10+$0x2840] =	vst v12  }
0xaa: {  	v11 =	vld [tilespmem:s7+$0xFFFFFFE0];
	_ =	sdelay $0x4  }
0xab: {  	v12 =	vperm.xlane v11, v0;
	v13 =	vperm.xlane v11, v6  }
0xac: {  	v14 =	vperm.xlane v11, v2;
	v15 =	vperm.xlane v11, v3  }
0xad: {  	v16 =	vperm.xlane v11, v5;
	[tilespmem:s10+$0x2C00] =	vst v12;
	v12 =	vperm.xlane v11, v4  }
0xae: {  	v17 =	vperm.xlane v11, v1;
	v11 =	vperm.xlane v11, v7;
	[tilespmem:s10+$0x2C20] =	vst v14  }
0xaf: {  	[tilespmem:s10+$0x2C30] =	vst v15  }
0xb0: {  	[tilespmem:s10+$0x2C50] =	vst v16  }
0xb1: {  	[tilespmem:s10+$0x2C70] =	vst v11  }
0xb2: {  	[tilespmem:s10+$0x2C10] =	vst v17  }
0xb3: {  	[tilespmem:s10+$0x2C60] =	vst v13  }
0xb4: {  	[tilespmem:s10+$0x2C40] =	vst v12  }
0xb5: {  	v11 =	vld [tilespmem:s7+$0xFFFFFFF0];
	_ =	sdelay $0x4  }
0xb6: {  	v12 =	vperm.xlane v11, v0;
	v13 =	vperm.xlane v11, v6  }
0xb7: {  	v14 =	vperm.xlane v11, v2;
	v15 =	vperm.xlane v11, v3  }
0xb8: {  	v16 =	vperm.xlane v11, v5;
	[tilespmem:s10+$0x3000] =	vst v12;
	v12 =	vperm.xlane v11, v4  }
0xb9: {  	v17 =	vperm.xlane v11, v1;
	v11 =	vperm.xlane v11, v7;
	[tilespmem:s10+$0x3030] =	vst v15  }
0xba: {  	[tilespmem:s10+$0x3020] =	vst v14  }
0xbb: {  	[tilespmem:s10+$0x3060] =	vst v13  }
0xbc: {  	[tilespmem:s10+$0x3070] =	vst v11  }
0xbd: {  	[tilespmem:s10+$0x3050] =	vst v16  }
0xbe: {  	[tilespmem:s10+$0x3010] =	vst v17  }
0xbf: {  	[tilespmem:s10+$0x3040] =	vst v12  }
0xc0: {  	v16 =	vld [tilespmem:s7+$0x0];
	_ =	sdelay $0x3  }
.Ltmp2:
0xc1: {  	(pc) =	sbr.rel @p1 .LBB2_3-.Ltmp2, $4  }
0xc2: {  	v14 =	vperm.xlane v16, v0;
	v15 =	vperm.xlane v16, v6  }
0xc3: {  	v17 =	vperm.xlane v16, v2;
	v12 =	vperm.xlane v16, v3  }
0xc4: {  	v11 =	vperm.xlane v16, v4;
	v13 =	vperm.xlane v16, v5;
	[tilespmem:s10+$0x3460] =	vst v15  }
0xc5: {  	v15 =	vperm.xlane v16, v1;
	v16 =	vperm.xlane v16, v7;
	[tilespmem:s10+$0x3420] =	vst v17  }
0xc6: {  	[tilespmem:s10+$0x3400] =	vst v14  }
0xc7: {  	[tilespmem:s10+$0x3430] =	vst v12  }
0xc8: {  	[tilespmem:s10+$0x3450] =	vst v13  }
0xc9: {  	[tilespmem:s10+$0x3440] =	vst v11  }
0xca: {  	[tilespmem:s10+$0x3470] =	vst v16  }
0xcb: {  	[tilespmem:s10+$0x3410] =	vst v15  }
0xcc: {  	v11 =	vld [tilespmem:s14+$0x10];
	_ =	sdelay $0x4  }
0xcd: {  	v40 =	vperm.xlane v11, v1  }
0xce: {  	v41 =	vperm.xlane v11, v2  }
0xcf: {  	v42 =	vperm.xlane v11, v3;
	[tilespmem:s10+$0x3810] =	vst v40  }
0xd0: {  	v43 =	vperm.xlane v11, v4;
	[tilespmem:s10+$0x3820] =	vst v41  }
0xd1: {  	v44 =	vperm.xlane v11, v5;
	[tilespmem:s10+$0x3830] =	vst v42  }
0xd2: {  	v45 =	vperm.xlane v11, v0;
	[tilespmem:s10+$0x3840] =	vst v43  }
0xd3: {  	v46 =	vperm.xlane v11, v7;
	[tilespmem:s10+$0x3850] =	vst v44  }
0xd4: {  	v11 =	vperm.xlane v11, v6;
	[tilespmem:s10+$0x3800] =	vst v45  }
0xd5: {  	[tilespmem:s10+$0x3870] =	vst v46  }
0xd6: {  	[tilespmem:s10+$0x3860] =	vst v11  }
0xd7: {  	v11 =	vld [tilespmem:s14+$0x20];
	_ =	sdelay $0x4  }
0xd8: {  	v47 =	vperm.xlane v11, v0  }
0xd9: {  	v48 =	vperm.xlane v11, v2  }
0xda: {  	v49 =	vperm.xlane v11, v3;
	[tilespmem:s10+$0x3C00] =	vst v47  }
0xdb: {  	v50 =	vperm.xlane v11, v4;
	[tilespmem:s10+$0x3C20] =	vst v48  }
0xdc: {  	v51 =	vperm.xlane v11, v1;
	[tilespmem:s10+$0x3C30] =	vst v49  }
0xdd: {  	v52 =	vperm.xlane v11, v7;
	[tilespmem:s10+$0x3C40] =	vst v50  }
0xde: {  	v53 =	vperm.xlane v11, v5;
	[tilespmem:s10+$0x3C10] =	vst v51  }
0xdf: {  	v11 =	vperm.xlane v11, v6;
	[tilespmem:s10+$0x3C70] =	vst v52  }
0xe0: {  	[tilespmem:s10+$0x3C50] =	vst v53  }
0xe1: {  	[tilespmem:s10+$0x3C60] =	vst v11  }
0xe2: {  	v11 =	vld [tilespmem:s14+$0x30];
	_ =	sdelay $0x4  }
0xe3: {  	v54 =	vperm.xlane v11, v0  }
0xe4: {  	s7 =	sor.u32 $0x1C00, s9;
	v55 =	vperm.xlane v11, v1  }
0xe5: {  	s10 =	sor.u32 $0x1C10, s9;
	v56 =	vperm.xlane v11, v2;
	[tilespmem:s7+$0x2400] =	vst v54  }
0xe6: {  	s14 =	sor.u32 $0x1C20, s9;
	v57 =	vperm.xlane v11, v3;
	[tilespmem:s10+$0x2400] =	vst v55  }
0xe7: {  	s19 =	sor.u32 $0x1C30, s9;
	v58 =	vperm.xlane v11, v4;
	[tilespmem:s14+$0x2400] =	vst v56  }
0xe8: {  	s20 =	sor.u32 $0x1C40, s9;
	v59 =	vperm.xlane v11, v5;
	[tilespmem:s19+$0x2400] =	vst v57  }
0xe9: {  	s29 =	sor.u32 $0x1C50, s9;
	v60 =	vperm.xlane v11, v6;
	[tilespmem:s20+$0x2400] =	vst v58  }
0xea: {  	s30 =	sor.u32 $0x1C60, s9;
	v11 =	vperm.xlane v11, v7;
	[tilespmem:s29+$0x2400] =	vst v59  }
0xeb: {  	s31 =	sor.u32 $0x1C70, s9;
	[tilespmem:s30+$0x2400] =	vst v60  }
0xec: {  	[tilespmem:s31+$0x2400] =	vst v11  }
0xed: {  	v11 =	vld [tilespmem:$0x2000];
	_ =	sdelay $0x4  }
0xee: {  	v61 =	vperm.xlane v11, v0  }
0xef: {  	v62 =	vperm.xlane v11, v1  }
0xf0: {  	v63 =	vperm.xlane v11, v2;
	[tilespmem:$0x12400] =	vst v61  }
0xf1: {  	v14 =	vld [tilespmem:$0x2010];
	v16 =	vperm.xlane v11, v3;
	[tilespmem:$0x12410] =	vst v62  }
0xf2: {  	v17 =	vperm.xlane v11, v4;
	[tilespmem:$0x12420] =	vst v63  }
0xf3: {  	v18 =	vperm.xlane v11, v5;
	[tilespmem:$0x12430] =	vst v16  }
0xf4: {  	v19 =	vperm.xlane v11, v6;
	[tilespmem:$0x12440] =	vst v17  }
0xf5: {  	v11 =	vperm.xlane v11, v7;
	[tilespmem:$0x12450] =	vst v18  }
0xf6: {  	v20 =	vperm.xlane v14, v0;
	[tilespmem:$0x12460] =	vst v19  }
0xf7: {  	[tilespmem:$0x12470] =	vst v11;
	v11 =	vperm.xlane v14, v1  }
0xf8: {  	v21 =	vperm.xlane v14, v2;
	[tilespmem:$0x12600] =	vst v20  }
0xf9: {  	v22 =	vld [tilespmem:$0x2020];
	[tilespmem:$0x12610] =	vst v11;
	v11 =	vperm.xlane v14, v3  }
0xfa: {  	v23 =	vperm.xlane v14, v4;
	[tilespmem:$0x12620] =	vst v21  }
0xfb: {  	[tilespmem:$0x12630] =	vst v11;
	v11 =	vperm.xlane v14, v5  }
0xfc: {  	v24 =	vperm.xlane v14, v6;
	[tilespmem:$0x12640] =	vst v23  }
0xfd: {  	[tilespmem:$0x12650] =	vst v11;
	v11 =	vperm.xlane v14, v7  }
0xfe: {  	v25 =	vperm.xlane v22, v0;
	[tilespmem:$0x12660] =	vst v24  }
0xff: {  	[tilespmem:$0x12670] =	vst v11;
	v11 =	vperm.xlane v22, v1  }
0x100: {  	v26 =	vperm.xlane v22, v2;
	[tilespmem:$0x12800] =	vst v25  }
0x101: {  	v27 =	vld [tilespmem:$0x2030];
	[tilespmem:$0x12810] =	vst v11;
	v11 =	vperm.xlane v22, v3  }
0x102: {  	v28 =	vperm.xlane v22, v4;
	[tilespmem:$0x12820] =	vst v26  }
0x103: {  	[tilespmem:$0x12830] =	vst v11;
	v11 =	vperm.xlane v22, v5  }
0x104: {  	v29 =	vperm.xlane v22, v6;
	[tilespmem:$0x12840] =	vst v28  }
0x105: {  	[tilespmem:$0x12850] =	vst v11;
	v11 =	vperm.xlane v22, v7  }
0x106: {  	v30 =	vperm.xlane v27, v0;
	[tilespmem:$0x12860] =	vst v29  }
0x107: {  	[tilespmem:$0x12870] =	vst v11;
	v11 =	vperm.xlane v27, v1  }
0x108: {  	v31 =	vperm.xlane v27, v2;
	[tilespmem:$0x12A00] =	vst v30  }
0x109: {  	v32 =	vld [tilespmem:$0x2040];
	[tilespmem:$0x12A10] =	vst v11;
	v11 =	vperm.xlane v27, v3  }
0x10a: {  	v33 =	vperm.xlane v27, v4;
	[tilespmem:$0x12A20] =	vst v31  }
0x10b: {  	[tilespmem:$0x12A30] =	vst v11;
	v11 =	vperm.xlane v27, v5  }
0x10c: {  	v34 =	vperm.xlane v27, v6;
	[tilespmem:$0x12A40] =	vst v33  }
0x10d: {  	[tilespmem:$0x12A50] =	vst v11;
	v11 =	vperm.xlane v27, v7  }
0x10e: {  	v35 =	vperm.xlane v32, v0;
	[tilespmem:$0x12A60] =	vst v34  }
0x10f: {  	[tilespmem:$0x12A70] =	vst v11;
	v11 =	vperm.xlane v32, v1  }
0x110: {  	v36 =	vperm.xlane v32, v2;
	[tilespmem:$0x12C00] =	vst v35  }
0x111: {  	v37 =	vld [tilespmem:$0x2050];
	[tilespmem:$0x12C10] =	vst v11;
	v11 =	vperm.xlane v32, v3  }
0x112: {  	v38 =	vperm.xlane v32, v4;
	[tilespmem:$0x12C20] =	vst v36  }
0x113: {  	[tilespmem:$0x12C30] =	vst v11;
	v11 =	vperm.xlane v32, v5  }
0x114: {  	v39 =	vperm.xlane v32, v6;
	[tilespmem:$0x12C40] =	vst v38  }
0x115: {  	[tilespmem:$0x12C50] =	vst v11;
	v11 =	vperm.xlane v32, v7  }
0x116: {  	v40 =	vperm.xlane v37, v0;
	[tilespmem:$0x12C60] =	vst v39  }
0x117: {  	[tilespmem:$0x12C70] =	vst v11;
	v11 =	vperm.xlane v37, v1  }
0x118: {  	v41 =	vperm.xlane v37, v2;
	[tilespmem:$0x12E00] =	vst v40  }
0x119: {  	v42 =	vld [tilespmem:$0x2060];
	[tilespmem:$0x12E10] =	vst v11;
	v11 =	vperm.xlane v37, v3  }
0x11a: {  	v43 =	vperm.xlane v37, v4;
	[tilespmem:$0x12E20] =	vst v41  }
0x11b: {  	[tilespmem:$0x12E30] =	vst v11;
	v11 =	vperm.xlane v37, v5  }
0x11c: {  	v44 =	vperm.xlane v37, v6;
	[tilespmem:$0x12E40] =	vst v43  }
0x11d: {  	[tilespmem:$0x12E50] =	vst v11;
	v11 =	vperm.xlane v37, v7  }
0x11e: {  	v45 =	vperm.xlane v42, v0;
	[tilespmem:$0x12E60] =	vst v44  }
0x11f: {  	[tilespmem:$0x12E70] =	vst v11;
	v11 =	vperm.xlane v42, v1  }
0x120: {  	v46 =	vperm.xlane v42, v2;
	[tilespmem:$0x13000] =	vst v45  }
0x121: {  	v47 =	vld [tilespmem:$0x2070];
	[tilespmem:$0x13010] =	vst v11;
	v11 =	vperm.xlane v42, v3  }
0x122: {  	v48 =	vperm.xlane v42, v4;
	[tilespmem:$0x13020] =	vst v46  }
0x123: {  	[tilespmem:$0x13030] =	vst v11;
	v11 =	vperm.xlane v42, v5  }
0x124: {  	v49 =	vperm.xlane v42, v6;
	[tilespmem:$0x13040] =	vst v48  }
0x125: {  	[tilespmem:$0x13050] =	vst v11;
	v11 =	vperm.xlane v42, v7  }
0x126: {  	v50 =	vperm.xlane v47, v0;
	[tilespmem:$0x13060] =	vst v49  }
0x127: {  	[tilespmem:$0x13070] =	vst v11;
	v11 =	vperm.xlane v47, v1  }
0x128: {  	v51 =	vperm.xlane v47, v2;
	[tilespmem:$0x13200] =	vst v50  }
0x129: {  	[tilespmem:$0x13210] =	vst v11;
	v11 =	vperm.xlane v47, v3  }
0x12a: {  	v52 =	vperm.xlane v47, v4;
	[tilespmem:$0x13220] =	vst v51  }
0x12b: {  	[tilespmem:$0x13230] =	vst v11;
	v11 =	vperm.xlane v47, v5  }
0x12c: {  	v53 =	vperm.xlane v47, v6;
	[tilespmem:$0x13240] =	vst v52  }
0x12d: {  	[tilespmem:$0x13250] =	vst v11;
	v11 =	vperm.xlane v47, v7  }
0x12e: {  	[tilespmem:$0x13260] =	vst v53  }
0x12f: {  	s7 =	simm.s32 $0x0;
	[tilespmem:$0x13270] =	vst v11  }
0x130: {  	v11 =	vld [tilespmem:s7+$0x2080];
	_ =	sdelay $0x4  }
0x131: {  	v11 =	vshll.u32 v11, $0x1  }
0x132: {  	v54 =	vperm.xlane v11, v0  }
0x133: {  	v55 =	vperm.xlane v11, v1  }
0x134: {  	s8 =	simm.s32 $0x124F0;
	v56 =	vperm.xlane v11, v2;
	v12 =	vadd.s32 v8, v54  }
0x135: {  	v57 =	vperm.xlane v11, v3;
	v13 =	vadd.s32 v8, v55;
	[tilespmem:s8+$0xFFFFFF90] =	vst v12  }
0x136: {  	v60 =	vperm.xlane v11, v5;
	v14 =	vadd.s32 v8, v56;
	[tilespmem:s8+$0xFFFFFFA0] =	vst v13  }
0x137: {  	v61 =	vperm.xlane v11, v6;
	v59 =	vadd.s32 v8, v57;
	[tilespmem:s8+$0xFFFFFFB0] =	vst v14  }
0x138: {  	v58 =	vperm.xlane v11, v4;
	v11 =	vperm.xlane v11, v7;
	v62 =	vadd.s32 v8, v60;
	[tilespmem:s8+$0xFFFFFFC0] =	vst v59  }
0x139: {  	v63 =	vadd.s32 v8, v61;
	[tilespmem:s8+$0xFFFFFFE0] =	vst v62  }
0x13a: {  	v11 =	vadd.s32 v8, v11;
	[tilespmem:s8+$0xFFFFFFF0] =	vst v63  }
0x13b: {  	v12 =	vadd.s32 v8, v58;
	[tilespmem:s8+$0x0] =	vst v11  }
0x13c: {  	s9 =	simm.s32 $0x80;
	s10 =	simm.s32 $0x10;
	[tilespmem:s8+$0xFFFFFFD0] =	vst v12  }
.LBB2_5:
0x13d: {  	p1 =	sne.s32 s9, $0x1C0;
	v11 =	vld [tilespmem:s10+$0x2080];
	_ =	sdelay $0x4  }
0x13e: {  	v11 =	vshll.u32 v11, $0x1  }
0x13f: {  	v12 =	vperm.xlane v11, v0;
	v13 =	vperm.xlane v11, v1  }
0x140: {  	v14 =	vperm.xlane v11, v2;
	v15 =	vperm.xlane v11, v3  }
0x141: {  	s8 =	sadd.s32 $0x200, s8;
	v16 =	vperm.xlane v11, v4;
	v12 =	vadd.s32 v8, v12;
	v13 =	vadd.s32 v8, v13  }
0x142: {  	[tilespmem:s8+$0xFFFFFF90] =	vst v12;
	v12 =	vadd.s32 v8, v14;
	v14 =	vadd.s32 v8, v15;
	v15 =	vperm.xlane v11, v5  }
0x143: {  	[tilespmem:s8+$0xFFFFFFA0] =	vst v13;
	v13 =	vadd.s32 v8, v16;
	v16 =	vperm.xlane v11, v6;
	v11 =	vperm.xlane v11, v7  }
0x144: {  	[tilespmem:s8+$0xFFFFFFB0] =	vst v12;
	v12 =	vadd.s32 v8, v15  }
.Ltmp3:
0x145: {  	[tilespmem:s8+$0xFFFFFFC0] =	vst v14;
	v14 =	vadd.s32 v8, v16;
	v11 =	vadd.s32 v8, v11;
	(pc) =	sbr.rel @p1 .LBB2_5-.Ltmp3, $4  }
0x146: {  	[tilespmem:s8+$0xFFFFFFD0] =	vst v13  }
0x147: {  	[tilespmem:s8+$0xFFFFFFE0] =	vst v12  }
0x148: {  	[tilespmem:s8+$0xFFFFFFF0] =	vst v14  }
0x149: {  	s10 =	sshra.s32 s9, $0x2;
	s9 =	sadd.s32 $0x40, s9;
	[tilespmem:s8+$0x0] =	vst v11  }
0x14a: {  	v11 =	vld [tilespmem:s10+$0x2080];
	_ =	sdelay $0x4  }
0x14b: {  	v11 =	vshll.u32 v11, $0x1  }
0x14c: {  	v12 =	vperm.xlane v11, v0  }
0x14d: {  	v13 =	vperm.xlane v11, v1  }
0x14e: {  	s8 =	sadd.s32 $0x200, s8;
	v14 =	vperm.xlane v11, v2;
	v12 =	vadd.s32 v8, v12  }
0x14f: {  	v15 =	vperm.xlane v11, v3;
	v13 =	vadd.s32 v8, v13;
	[tilespmem:s8+$0xFFFFFF90] =	vst v12  }
0x150: {  	v50 =	vperm.xlane v11, v5;
	v14 =	vadd.s32 v8, v14;
	[tilespmem:s8+$0xFFFFFFA0] =	vst v13  }
0x151: {  	v51 =	vperm.xlane v11, v6;
	v49 =	vadd.s32 v8, v15;
	[tilespmem:s8+$0xFFFFFFB0] =	vst v14  }
0x152: {  	v48 =	vperm.xlane v11, v4;
	v11 =	vperm.xlane v11, v7;
	v52 =	vadd.s32 v8, v50;
	[tilespmem:s8+$0xFFFFFFC0] =	vst v49  }
0x153: {  	v53 =	vadd.s32 v8, v51;
	[tilespmem:s8+$0xFFFFFFE0] =	vst v52  }
0x154: {  	v11 =	vadd.s32 v8, v11;
	[tilespmem:s8+$0xFFFFFFF0] =	vst v53  }
0x155: {  	v12 =	vadd.s32 v8, v48;
	[tilespmem:s8+$0x0] =	vst v11  }
0x156: {  	[tilespmem:s8+$0xFFFFFFD0] =	vst v12  }
0x157: {  	v11 =	vld [tilespmem:s7+$0x2100];
	_ =	sdelay $0x4  }
0x158: {  	v11 =	vshll.u32 v11, $0x1  }
0x159: {  	v54 =	vperm.xlane v11, v0  }
0x15a: {  	v55 =	vperm.xlane v11, v1  }
0x15b: {  	s7 =	simm.s32 $0x12570;
	v56 =	vperm.xlane v11, v2;
	v12 =	vadd.s32 v9, v54  }
0x15c: {  	v57 =	vperm.xlane v11, v3;
	v13 =	vadd.s32 v9, v55;
	[tilespmem:s7+$0xFFFFFF90] =	vst v12  }
0x15d: {  	v60 =	vperm.xlane v11, v5;
	v14 =	vadd.s32 v9, v56;
	[tilespmem:s7+$0xFFFFFFA0] =	vst v13  }
0x15e: {  	v61 =	vperm.xlane v11, v6;
	v59 =	vadd.s32 v9, v57;
	[tilespmem:s7+$0xFFFFFFB0] =	vst v14  }
0x15f: {  	v58 =	vperm.xlane v11, v4;
	v11 =	vperm.xlane v11, v7;
	v62 =	vadd.s32 v9, v60;
	[tilespmem:s7+$0xFFFFFFC0] =	vst v59  }
0x160: {  	v63 =	vadd.s32 v9, v61;
	[tilespmem:s7+$0xFFFFFFE0] =	vst v62  }
0x161: {  	v11 =	vadd.s32 v9, v11;
	[tilespmem:s7+$0xFFFFFFF0] =	vst v63  }
0x162: {  	v12 =	vadd.s32 v9, v58;
	[tilespmem:s7+$0x0] =	vst v11  }
0x163: {  	s9 =	simm.s32 $0x10;
	s8 =	simm.s32 $0x80;
	[tilespmem:s7+$0xFFFFFFD0] =	vst v12  }
.LBB2_7:
0x164: {  	p1 =	sne.s32 s8, $0x1C0;
	v11 =	vld [tilespmem:s9+$0x2100];
	_ =	sdelay $0x4  }
0x165: {  	v11 =	vshll.u32 v11, $0x1  }
0x166: {  	v12 =	vperm.xlane v11, v0;
	v13 =	vperm.xlane v11, v1  }
0x167: {  	v14 =	vperm.xlane v11, v2;
	v15 =	vperm.xlane v11, v3  }
0x168: {  	s7 =	sadd.s32 $0x200, s7;
	v16 =	vperm.xlane v11, v4;
	v12 =	vadd.s32 v9, v12;
	v13 =	vadd.s32 v9, v13  }
0x169: {  	[tilespmem:s7+$0xFFFFFF90] =	vst v12;
	v12 =	vadd.s32 v9, v14;
	v14 =	vadd.s32 v9, v15;
	v15 =	vperm.xlane v11, v5  }
0x16a: {  	[tilespmem:s7+$0xFFFFFFA0] =	vst v13;
	v13 =	vadd.s32 v9, v16;
	v16 =	vperm.xlane v11, v6;
	v11 =	vperm.xlane v11, v7  }
0x16b: {  	[tilespmem:s7+$0xFFFFFFB0] =	vst v12;
	v12 =	vadd.s32 v9, v15  }
.Ltmp4:
0x16c: {  	[tilespmem:s7+$0xFFFFFFC0] =	vst v14;
	v14 =	vadd.s32 v9, v16;
	v11 =	vadd.s32 v9, v11;
	(pc) =	sbr.rel @p1 .LBB2_7-.Ltmp4, $4  }
0x16d: {  	[tilespmem:s7+$0xFFFFFFD0] =	vst v13  }
0x16e: {  	[tilespmem:s7+$0xFFFFFFE0] =	vst v12  }
0x16f: {  	[tilespmem:s7+$0xFFFFFFF0] =	vst v14  }
0x170: {  	s9 =	sshra.s32 s8, $0x2;
	s8 =	sadd.s32 $0x40, s8;
	[tilespmem:s7+$0x0] =	vst v11  }
0x171: {  	v11 =	vld [tilespmem:s9+$0x2100];
	_ =	sdelay $0x4  }
0x172: {  	v11 =	vshll.u32 v11, $0x1  }
0x173: {  	v12 =	vperm.xlane v11, v0  }
0x174: {  	v13 =	vperm.xlane v11, v1  }
0x175: {  	s7 =	sadd.s32 $0x200, s7;
	v14 =	vperm.xlane v11, v2;
	v12 =	vadd.s32 v9, v12  }
0x176: {  	v15 =	vperm.xlane v11, v3;
	v13 =	vadd.s32 v9, v13;
	[tilespmem:s7+$0xFFFFFF90] =	vst v12  }
0x177: {  	v50 =	vperm.xlane v11, v5;
	v14 =	vadd.s32 v9, v14;
	[tilespmem:s7+$0xFFFFFFA0] =	vst v13  }
0x178: {  	v51 =	vperm.xlane v11, v6;
	v49 =	vadd.s32 v9, v15;
	[tilespmem:s7+$0xFFFFFFB0] =	vst v14  }
0x179: {  	v48 =	vperm.xlane v11, v4;
	v11 =	vperm.xlane v11, v7;
	v52 =	vadd.s32 v9, v50;
	[tilespmem:s7+$0xFFFFFFC0] =	vst v49  }
0x17a: {  	v53 =	vadd.s32 v9, v51;
	[tilespmem:s7+$0xFFFFFFE0] =	vst v52  }
0x17b: {  	v11 =	vadd.s32 v9, v11;
	[tilespmem:s7+$0xFFFFFFF0] =	vst v53  }
0x17c: {  	v12 =	vadd.s32 v9, v48;
	[tilespmem:s7+$0x0] =	vst v11  }
0x17d: {  	s31 =	simm.s32 $0x0;
	[tilespmem:s7+$0xFFFFFFD0] =	vst v12  }
0x17e: {  	v11 =	vld [tilespmem:s31+$0x2180];
	_ =	sdelay $0x4  }
0x17f: {  	v11 =	vshll.u32 v11, $0x1  }
0x180: {  	v54 =	vperm.xlane v11, v0  }
0x181: {  	v55 =	vperm.xlane v11, v1  }
0x182: {  	s7 =	simm.s32 $0x125F0;
	v56 =	vperm.xlane v11, v2;
	v12 =	vadd.s32 v10, v54  }
0x183: {  	v57 =	vperm.xlane v11, v3;
	v13 =	vadd.s32 v10, v55;
	[tilespmem:s7+$0xFFFFFF90] =	vst v12  }
0x184: {  	v60 =	vperm.xlane v11, v5;
	v14 =	vadd.s32 v10, v56;
	[tilespmem:s7+$0xFFFFFFA0] =	vst v13  }
0x185: {  	v61 =	vperm.xlane v11, v6;
	v59 =	vadd.s32 v10, v57;
	[tilespmem:s7+$0xFFFFFFB0] =	vst v14  }
0x186: {  	v58 =	vperm.xlane v11, v4;
	v11 =	vperm.xlane v11, v7;
	v62 =	vadd.s32 v10, v60;
	[tilespmem:s7+$0xFFFFFFC0] =	vst v59  }
0x187: {  	v63 =	vadd.s32 v10, v61;
	[tilespmem:s7+$0xFFFFFFE0] =	vst v62  }
0x188: {  	v11 =	vadd.s32 v10, v11;
	[tilespmem:s7+$0xFFFFFFF0] =	vst v63  }
0x189: {  	v12 =	vadd.s32 v10, v58;
	[tilespmem:s7+$0x0] =	vst v11  }
0x18a: {  	s9 =	simm.s32 $0x10;
	s8 =	simm.s32 $0x80;
	[tilespmem:s7+$0xFFFFFFD0] =	vst v12  }
.LBB2_9:
0x18b: {  	p1 =	sne.s32 s8, $0x1C0;
	v11 =	vld [tilespmem:s9+$0x2180];
	_ =	sdelay $0x4  }
0x18c: {  	v11 =	vshll.u32 v11, $0x1  }
0x18d: {  	v12 =	vperm.xlane v11, v0;
	v13 =	vperm.xlane v11, v1  }
0x18e: {  	v14 =	vperm.xlane v11, v2;
	v15 =	vperm.xlane v11, v3  }
0x18f: {  	s7 =	sadd.s32 $0x200, s7;
	v16 =	vperm.xlane v11, v4;
	v12 =	vadd.s32 v10, v12;
	v13 =	vadd.s32 v10, v13  }
0x190: {  	[tilespmem:s7+$0xFFFFFF90] =	vst v12;
	v12 =	vadd.s32 v10, v14;
	v14 =	vadd.s32 v10, v15;
	v15 =	vperm.xlane v11, v5  }
0x191: {  	[tilespmem:s7+$0xFFFFFFA0] =	vst v13;
	v13 =	vadd.s32 v10, v16;
	v16 =	vperm.xlane v11, v6;
	v11 =	vperm.xlane v11, v7  }
0x192: {  	[tilespmem:s7+$0xFFFFFFB0] =	vst v12;
	v12 =	vadd.s32 v10, v15  }
.Ltmp5:
0x193: {  	[tilespmem:s7+$0xFFFFFFC0] =	vst v14;
	v14 =	vadd.s32 v10, v16;
	v11 =	vadd.s32 v10, v11;
	(pc) =	sbr.rel @p1 .LBB2_9-.Ltmp5, $4  }
0x194: {  	[tilespmem:s7+$0xFFFFFFD0] =	vst v13  }
0x195: {  	[tilespmem:s7+$0xFFFFFFE0] =	vst v12  }
0x196: {  	[tilespmem:s7+$0xFFFFFFF0] =	vst v14  }
0x197: {  	s9 =	sshra.s32 s8, $0x2;
	s8 =	sadd.s32 $0x40, s8;
	[tilespmem:s7+$0x0] =	vst v11  }
0x198: {  	v11 =	vld [tilespmem:s9+$0x2180];
	_ =	sdelay $0x4  }
0x199: {  	v11 =	vshll.u32 v11, $0x1  }
0x19a: {  	v12 =	vperm.xlane v11, v0  }
0x19b: {  	v13 =	vperm.xlane v11, v1  }
0x19c: {  	s7 =	sadd.s32 $0x200, s7;
	v14 =	vperm.xlane v11, v2;
	v12 =	vadd.s32 v10, v12  }
0x19d: {  	v15 =	vperm.xlane v11, v3;
	v13 =	vadd.s32 v10, v13;
	[tilespmem:s7+$0xFFFFFF90] =	vst v12  }
0x19e: {  	v14 =	vadd.s32 v10, v14;
	v12 =	vperm.xlane v11, v4;
	[tilespmem:s7+$0xFFFFFFA0] =	vst v13  }
0x19f: {  	v13 =	vadd.s32 v10, v15;
	v15 =	vperm.xlane v11, v5;
	[tilespmem:s7+$0xFFFFFFB0] =	vst v14  }
0x1a0: {  	v14 =	vperm.xlane v11, v6;
	v11 =	vperm.xlane v11, v7;
	[tilespmem:s7+$0xFFFFFFC0] =	vst v13;
	v12 =	vadd.s32 v10, v12  }
0x1a1: {  	v13 =	vadd.s32 v10, v15;
	[tilespmem:s7+$0xFFFFFFD0] =	vst v12  }
0x1a2: {  	s8 =	sshll.u32 s1, $0xB;
	v11 =	vadd.s32 v10, v11;
	[tilespmem:s7+$0xFFFFFFE0] =	vst v13  }
0x1a3: {  	s8 =	sadd.s32 s11, s8;
	v12 =	vadd.s32 v10, v14;
	[tilespmem:s7+$0x0] =	vst v11  }
0x1a4: {  	s9 =	sadd.s32 s4, s8;
	s10 =	sshrl.u32 s8, $0x1;
	[tilespmem:s7+$0xFFFFFFF0] =	vst v12  }
0x1a5: {  	[hbm4b:s9+s18] =	stream.strided.scatter [tilespmem:s23], [sflag:$0x3], $0x8000, s22, s18, $0x38;
	[tilespmem:$0x14400] =	vst v63  }
0x1a6: {  	p1 =	seq.s32 s1, $0x1F;
	s7 =	sadd.s32 s5, s10  }
0x1a7: {  	[hbm4b:s7+s6] =	stream.linear.scatter [tilespmem:s24], [sflag:$0x3], $0x1000, $0x38;
	[tilespmem:$0x14400] =	vst v63  }
0x1a8: {  	s14 =	simm.s32 @!p1 $0x0;
	s10 =	simm.s32 @!p1 $0x200000;
	s7 =	sadd.s32 @!p1 s2, s12  }
0x1a9: {  	s9 =	simm.s32 @!p1 $0x400;
	s8 =	sadd.s32 @!p1 s0, s7;
	s7 =	sshrl.u32 @!p1 s7, $0x1  }
0x1aa: {  	[tilespmem:s14], [sflag:$0x1] =	stream.strided.gather @!p1 [hbm4b:s8+s9], $0x1000, s10, s9, $0x38;
	[tilespmem:$0x14400] =	vst v63  }
0x1ab: {  	s7 =	sadd.s32 @!p1 s3, s7;
	s8 =	simm.s32 @!p1 $0x2000  }
0x1ac: {  	[tilespmem:s8], [sflag:$0x1] =	stream.linear.gather @!p1 [hbm4b:s7+s14], $0x200, $0x38;
	[tilespmem:$0x14400] =	vst v63  }
0x1ad: {  	_ =	swait.ge [sflag:s25], $0x1000  }
0x1ae: {  	[sflag:s25] =	ssyncset.done $0x0  }
0x1af: {  	[sflag:s25] =	ssyncadd.s32 $0xFFFFF000  }
0x1b0: {  	_ =	swait.ge [sflag:s25], $0x200  }
0x1b1: {  	[sflag:s25] =	ssyncset.done $0x0  }
0x1b2: {  	s7 =	simm.s32 @!p0 $0x4;
	[sflag:s25] =	ssyncadd.s32 $0xFFFFFE00  }
0x1b3: {  	_ =	swait.ge @!p0 [sflag:s7], $0x8000  }
0x1b4: {  	[sflag:s7] =	ssyncset.done @!p0 $0x0  }
0x1b5: {  	[sflag:s7] =	ssyncadd.s32 @!p0 $0xFFFF8000  }
0x1b6: {  	_ =	swait.ge @!p0 [sflag:s7], $0x1000  }
0x1b7: {  	[sflag:s7] =	ssyncset.done @!p0 $0x0  }
0x1b8: {  	s8 =	simm.s32 $0x1040;
	[sflag:s7] =	ssyncadd.s32 @!p0 $0xFFFFF000  }
0x1b9: {  	v11 =	vld [tilespmem:s8+$0xFFFFFFC0];
	_ =	sdelay $0x3  }
0x1ba: {  	s9 =	simm.s32 $0x0  }
0x1bb: {  	s19 =	sand.u32 $0x380, s9;
	s14 =	sand.u32 $0x6000, s9;
	v12 =	vperm.xlane v11, v7  }
0x1bc: {  	s14 =	sor.u32 s19, s14;
	v13 =	vperm.xlane v11, v5  }
0x1bd: {  	v14 =	vperm.xlane v11, v0;
	[tilespmem:s14+$0xA470] =	vst v12  }
0x1be: {  	v12 =	vperm.xlane v11, v2;
	[tilespmem:s14+$0xA450] =	vst v13  }
0x1bf: {  	v13 =	vperm.xlane v11, v6;
	[tilespmem:s14+$0xA400] =	vst v14  }
0x1c0: {  	v14 =	vperm.xlane v11, v1;
	[tilespmem:s14+$0xA420] =	vst v12  }
0x1c1: {  	v12 =	vperm.xlane v11, v3;
	[tilespmem:s14+$0xA460] =	vst v13  }
0x1c2: {  	v11 =	vperm.xlane v11, v4;
	[tilespmem:s14+$0xA410] =	vst v14  }
0x1c3: {  	[tilespmem:s14+$0xA430] =	vst v12  }
0x1c4: {  	[tilespmem:s14+$0xA440] =	vst v11  }
0x1c5: {  	v11 =	vld [tilespmem:s8+$0xFFFFFFD0];
	_ =	sdelay $0x4  }
0x1c6: {  	v12 =	vperm.xlane v11, v0  }
0x1c7: {  	v13 =	vperm.xlane v11, v2  }
0x1c8: {  	v14 =	vperm.xlane v11, v3;
	[tilespmem:s14+$0xA800] =	vst v12  }
0x1c9: {  	v12 =	vperm.xlane v11, v5;
	[tilespmem:s14+$0xA820] =	vst v13  }
0x1ca: {  	v13 =	vperm.xlane v11, v7;
	[tilespmem:s14+$0xA830] =	vst v14  }
0x1cb: {  	v14 =	vperm.xlane v11, v1;
	[tilespmem:s14+$0xA850] =	vst v12  }
0x1cc: {  	v12 =	vperm.xlane v11, v6;
	[tilespmem:s14+$0xA870] =	vst v13  }
0x1cd: {  	v11 =	vperm.xlane v11, v4;
	[tilespmem:s14+$0xA810] =	vst v14  }
0x1ce: {  	[tilespmem:s14+$0xA860] =	vst v12  }
0x1cf: {  	[tilespmem:s14+$0xA840] =	vst v11  }
0x1d0: {  	v11 =	vld [tilespmem:s8+$0xFFFFFFE0];
	_ =	sdelay $0x4  }
0x1d1: {  	v12 =	vperm.xlane v11, v0  }
0x1d2: {  	v13 =	vperm.xlane v11, v2  }
0x1d3: {  	v14 =	vperm.xlane v11, v3;
	[tilespmem:s14+$0xAC00] =	vst v12  }
0x1d4: {  	v12 =	vperm.xlane v11, v5;
	[tilespmem:s14+$0xAC20] =	vst v13  }
0x1d5: {  	v13 =	vperm.xlane v11, v7;
	[tilespmem:s14+$0xAC30] =	vst v14  }
0x1d6: {  	v14 =	vperm.xlane v11, v1;
	[tilespmem:s14+$0xAC50] =	vst v12  }
0x1d7: {  	v12 =	vperm.xlane v11, v6;
	[tilespmem:s14+$0xAC70] =	vst v13  }
0x1d8: {  	v11 =	vperm.xlane v11, v4;
	[tilespmem:s14+$0xAC10] =	vst v14  }
0x1d9: {  	[tilespmem:s14+$0xAC60] =	vst v12  }
0x1da: {  	[tilespmem:s14+$0xAC40] =	vst v11  }
0x1db: {  	v11 =	vld [tilespmem:s8+$0xFFFFFFF0];
	_ =	sdelay $0x4  }
0x1dc: {  	v12 =	vperm.xlane v11, v0  }
0x1dd: {  	v13 =	vperm.xlane v11, v3  }
0x1de: {  	v14 =	vperm.xlane v11, v2;
	[tilespmem:s14+$0xB000] =	vst v12  }
0x1df: {  	v12 =	vperm.xlane v11, v6;
	[tilespmem:s14+$0xB030] =	vst v13  }
0x1e0: {  	v13 =	vperm.xlane v11, v7;
	[tilespmem:s14+$0xB020] =	vst v14  }
0x1e1: {  	v14 =	vperm.xlane v11, v5;
	[tilespmem:s14+$0xB060] =	vst v12  }
0x1e2: {  	v12 =	vperm.xlane v11, v1;
	[tilespmem:s14+$0xB070] =	vst v13  }
0x1e3: {  	v11 =	vperm.xlane v11, v4;
	[tilespmem:s14+$0xB050] =	vst v14  }
0x1e4: {  	[tilespmem:s14+$0xB010] =	vst v12  }
0x1e5: {  	[tilespmem:s14+$0xB040] =	vst v11  }
0x1e6: {  	v16 =	vld [tilespmem:s8+$0x0];
	_ =	sdelay $0x4  }
0x1e7: {  	v14 =	vperm.xlane v16, v0;
	v15 =	vperm.xlane v16, v6  }
0x1e8: {  	s20 =	sand.u32 $0x7, s9;
	v17 =	vperm.xlane v16, v2;
	v12 =	vperm.xlane v16, v3  }
0x1e9: {  	s30 =	simm.s32 $0x80;
	s31 =	simm.s32 $0x0;
	s10 =	sshll.u32 s20, $0x7;
	v11 =	vperm.xlane v16, v4;
	v13 =	vperm.xlane v16, v5;
	[tilespmem:s14+$0xB460] =	vst v15  }
0x1ea: {  	s29 =	simm.s32 $0x1040;
	s10 =	sadd.s32 $0x0, s10;
	s7 =	sor.u32 s15, s2;
	v15 =	vperm.xlane v16, v1;
	[tilespmem:s14+$0xB420] =	vst v17;
	v16 =	vperm.xlane v16, v7  }
.LBB2_11:
0x1eb: {  	s9 =	sadd.s32 $0x400, s9  }
0x1ec: {  	[tilespmem:s14+$0xB400] =	vst v14;
	s31 =	sadd.s32 $0x1, s31;
	s8 =	sadd.s32 $0x80, s8;
	s19 =	smov.u32 s30  }
0x1ed: {  	p0 =	sne.s32 s30, $0xF80;
	s30 =	sadd.s32 $0x80, s30;
	s20 =	sand.u32 $0x7, s31;
	[tilespmem:s14+$0xB430] =	vst v12  }
0x1ee: {  	s20 =	sshll.u32 s20, $0x7;
	[tilespmem:s14+$0xB470] =	vst v16  }
0x1ef: {  	s20 =	sadd.s32 s20, s9;
	[tilespmem:s14+$0xB450] =	vst v13  }
0x1f0: {  	[tilespmem:s14+$0xB410] =	vst v15  }
0x1f1: {  	[tilespmem:s14+$0xB440] =	vst v11  }
0x1f2: {  	v11 =	vld [tilespmem:s29+$0x10];
	_ =	sdelay $0x4  }
0x1f3: {  	v12 =	vperm.xlane v11, v0;
	v13 =	vperm.xlane v11, v1  }
0x1f4: {  	v14 =	vperm.xlane v11, v2;
	v15 =	vperm.xlane v11, v3  }
0x1f5: {  	v16 =	vperm.xlane v11, v5;
	[tilespmem:s14+$0xB810] =	vst v13;
	v13 =	vperm.xlane v11, v4  }
0x1f6: {  	[tilespmem:s14+$0xB820] =	vst v14;
	v14 =	vperm.xlane v11, v7  }
0x1f7: {  	[tilespmem:s14+$0xB830] =	vst v15  }
0x1f8: {  	[tilespmem:s14+$0xB840] =	vst v13  }
0x1f9: {  	[tilespmem:s14+$0xB850] =	vst v16  }
0x1fa: {  	v11 =	vperm.xlane v11, v6;
	[tilespmem:s14+$0xB800] =	vst v12  }
0x1fb: {  	[tilespmem:s14+$0xB870] =	vst v14  }
0x1fc: {  	[tilespmem:s14+$0xB860] =	vst v11  }
0x1fd: {  	v11 =	vld [tilespmem:s29+$0x20];
	_ =	sdelay $0x4  }
0x1fe: {  	v12 =	vperm.xlane v11, v0;
	v13 =	vperm.xlane v11, v1  }
0x1ff: {  	v14 =	vperm.xlane v11, v2;
	v15 =	vperm.xlane v11, v3  }
0x200: {  	v16 =	vperm.xlane v11, v5;
	[tilespmem:s14+$0xBC00] =	vst v12;
	v12 =	vperm.xlane v11, v4  }
0x201: {  	[tilespmem:s14+$0xBC20] =	vst v14;
	v14 =	vperm.xlane v11, v7  }
0x202: {  	v11 =	vperm.xlane v11, v6;
	[tilespmem:s14+$0xBC30] =	vst v15  }
0x203: {  	[tilespmem:s14+$0xBC40] =	vst v12  }
0x204: {  	[tilespmem:s14+$0xBC10] =	vst v13  }
0x205: {  	[tilespmem:s14+$0xBC70] =	vst v14  }
0x206: {  	[tilespmem:s14+$0xBC50] =	vst v16;
	_ =	sdelay $0x1  }
0x207: {  	[tilespmem:s14+$0xBC60] =	vst v11  }
0x208: {  	v11 =	vld [tilespmem:s29+$0x30];
	s29 =	smov.u32 s8;
	_ =	sdelay $0x4  }
0x209: {  	v12 =	vperm.xlane v11, v0  }
0x20a: {  	s14 =	sor.u32 $0x1C00, s10;
	v13 =	vperm.xlane v11, v1  }
0x20b: {  	[tilespmem:s14+$0xA400] =	vst v12;
	s14 =	sor.u32 $0x1C10, s10;
	v12 =	vperm.xlane v11, v2  }
0x20c: {  	[tilespmem:s14+$0xA400] =	vst v13;
	s14 =	sor.u32 $0x1C20, s10;
	v13 =	vperm.xlane v11, v3  }
0x20d: {  	[tilespmem:s14+$0xA400] =	vst v12;
	s14 =	sor.u32 $0x1C30, s10;
	v12 =	vperm.xlane v11, v4  }
0x20e: {  	[tilespmem:s14+$0xA400] =	vst v13;
	s14 =	sor.u32 $0x1C40, s10;
	v13 =	vperm.xlane v11, v5  }
0x20f: {  	[tilespmem:s14+$0xA400] =	vst v12;
	s14 =	sor.u32 $0x1C50, s10;
	v12 =	vperm.xlane v11, v6  }
0x210: {  	v11 =	vperm.xlane v11, v7;
	[tilespmem:s14+$0xA400] =	vst v13;
	s14 =	sor.u32 $0x1C60, s10  }
0x211: {  	[tilespmem:s14+$0xA400] =	vst v12;
	s14 =	sor.u32 $0x1C70, s10;
	s10 =	smov.u32 s20  }
0x212: {  	[tilespmem:s14+$0xA400] =	vst v11;
	_ =	sdelay $0x2  }
0x213: {  	v11 =	vld [tilespmem:s8+$0xFFFFFFC0];
	_ =	sdelay $0x4  }
0x214: {  	s19 =	sand.u32 $0x380, s19;
	s14 =	sand.u32 $0x6000, s9;
	v12 =	vperm.xlane v11, v2;
	v13 =	vperm.xlane v11, v7  }
0x215: {  	s14 =	sor.u32 s19, s14;
	v14 =	vperm.xlane v11, v1;
	v15 =	vperm.xlane v11, v5  }
0x216: {  	v16 =	vperm.xlane v11, v0;
	v17 =	vperm.xlane v11, v4;
	[tilespmem:s14+$0xA470] =	vst v13  }
0x217: {  	v13 =	vperm.xlane v11, v3;
	v11 =	vperm.xlane v11, v6;
	[tilespmem:s14+$0xA450] =	vst v15  }
0x218: {  	[tilespmem:s14+$0xA400] =	vst v16  }
0x219: {  	[tilespmem:s14+$0xA420] =	vst v12  }
0x21a: {  	[tilespmem:s14+$0xA460] =	vst v11  }
0x21b: {  	[tilespmem:s14+$0xA410] =	vst v14  }
0x21c: {  	[tilespmem:s14+$0xA430] =	vst v13  }
0x21d: {  	[tilespmem:s14+$0xA440] =	vst v17  }
0x21e: {  	v11 =	vld [tilespmem:s8+$0xFFFFFFD0];
	_ =	sdelay $0x4  }
0x21f: {  	v12 =	vperm.xlane v11, v0;
	v13 =	vperm.xlane v11, v6  }
0x220: {  	v14 =	vperm.xlane v11, v2;
	v15 =	vperm.xlane v11, v3  }
0x221: {  	v16 =	vperm.xlane v11, v5;
	[tilespmem:s14+$0xA800] =	vst v12;
	v12 =	vperm.xlane v11, v4  }
0x222: {  	v17 =	vperm.xlane v11, v1;
	v11 =	vperm.xlane v11, v7;
	[tilespmem:s14+$0xA820] =	vst v14  }
0x223: {  	[tilespmem:s14+$0xA830] =	vst v15  }
0x224: {  	[tilespmem:s14+$0xA850] =	vst v16  }
0x225: {  	[tilespmem:s14+$0xA870] =	vst v11  }
0x226: {  	[tilespmem:s14+$0xA810] =	vst v17  }
0x227: {  	[tilespmem:s14+$0xA860] =	vst v13  }
0x228: {  	[tilespmem:s14+$0xA840] =	vst v12  }
0x229: {  	v11 =	vld [tilespmem:s8+$0xFFFFFFE0];
	_ =	sdelay $0x4  }
0x22a: {  	v12 =	vperm.xlane v11, v0;
	v13 =	vperm.xlane v11, v6  }
0x22b: {  	v14 =	vperm.xlane v11, v2;
	v15 =	vperm.xlane v11, v3  }
0x22c: {  	v16 =	vperm.xlane v11, v5;
	[tilespmem:s14+$0xAC00] =	vst v12;
	v12 =	vperm.xlane v11, v4  }
0x22d: {  	v17 =	vperm.xlane v11, v1;
	v11 =	vperm.xlane v11, v7;
	[tilespmem:s14+$0xAC20] =	vst v14  }
0x22e: {  	[tilespmem:s14+$0xAC30] =	vst v15  }
0x22f: {  	[tilespmem:s14+$0xAC50] =	vst v16  }
0x230: {  	[tilespmem:s14+$0xAC70] =	vst v11  }
0x231: {  	[tilespmem:s14+$0xAC10] =	vst v17  }
0x232: {  	[tilespmem:s14+$0xAC60] =	vst v13  }
0x233: {  	[tilespmem:s14+$0xAC40] =	vst v12  }
0x234: {  	v11 =	vld [tilespmem:s8+$0xFFFFFFF0];
	_ =	sdelay $0x4  }
0x235: {  	v12 =	vperm.xlane v11, v0;
	v13 =	vperm.xlane v11, v6  }
0x236: {  	v14 =	vperm.xlane v11, v2;
	v15 =	vperm.xlane v11, v3  }
0x237: {  	v16 =	vperm.xlane v11, v5;
	[tilespmem:s14+$0xB000] =	vst v12;
	v12 =	vperm.xlane v11, v4  }
0x238: {  	v17 =	vperm.xlane v11, v1;
	v11 =	vperm.xlane v11, v7;
	[tilespmem:s14+$0xB030] =	vst v15  }
0x239: {  	[tilespmem:s14+$0xB020] =	vst v14  }
0x23a: {  	[tilespmem:s14+$0xB060] =	vst v13  }
0x23b: {  	[tilespmem:s14+$0xB070] =	vst v11  }
0x23c: {  	[tilespmem:s14+$0xB050] =	vst v16  }
0x23d: {  	[tilespmem:s14+$0xB010] =	vst v17  }
0x23e: {  	[tilespmem:s14+$0xB040] =	vst v12  }
0x23f: {  	v16 =	vld [tilespmem:s8+$0x0];
	_ =	sdelay $0x3  }
.Ltmp6:
0x240: {  	(pc) =	sbr.rel @p0 .LBB2_11-.Ltmp6, $4  }
0x241: {  	v14 =	vperm.xlane v16, v0;
	v15 =	vperm.xlane v16, v6  }
0x242: {  	v17 =	vperm.xlane v16, v2;
	v12 =	vperm.xlane v16, v3  }
0x243: {  	v11 =	vperm.xlane v16, v4;
	v13 =	vperm.xlane v16, v5;
	[tilespmem:s14+$0xB460] =	vst v15  }
0x244: {  	v15 =	vperm.xlane v16, v1;
	v16 =	vperm.xlane v16, v7;
	[tilespmem:s14+$0xB420] =	vst v17  }
0x245: {  	[tilespmem:s14+$0xB400] =	vst v14  }
0x246: {  	[tilespmem:s14+$0xB430] =	vst v12  }
0x247: {  	[tilespmem:s14+$0xB450] =	vst v13  }
0x248: {  	[tilespmem:s14+$0xB440] =	vst v11  }
0x249: {  	[tilespmem:s14+$0xB470] =	vst v16  }
0x24a: {  	[tilespmem:s14+$0xB410] =	vst v15  }
0x24b: {  	v11 =	vld [tilespmem:s29+$0x10];
	_ =	sdelay $0x4  }
0x24c: {  	v40 =	vperm.xlane v11, v1  }
0x24d: {  	v41 =	vperm.xlane v11, v2  }
0x24e: {  	v42 =	vperm.xlane v11, v3;
	[tilespmem:s14+$0xB810] =	vst v40  }
0x24f: {  	v43 =	vperm.xlane v11, v4;
	[tilespmem:s14+$0xB820] =	vst v41  }
0x250: {  	v44 =	vperm.xlane v11, v5;
	[tilespmem:s14+$0xB830] =	vst v42  }
0x251: {  	v45 =	vperm.xlane v11, v0;
	[tilespmem:s14+$0xB840] =	vst v43  }
0x252: {  	v46 =	vperm.xlane v11, v7;
	[tilespmem:s14+$0xB850] =	vst v44  }
0x253: {  	v11 =	vperm.xlane v11, v6;
	[tilespmem:s14+$0xB800] =	vst v45  }
0x254: {  	[tilespmem:s14+$0xB870] =	vst v46  }
0x255: {  	[tilespmem:s14+$0xB860] =	vst v11  }
0x256: {  	v11 =	vld [tilespmem:s29+$0x20];
	_ =	sdelay $0x4  }
0x257: {  	v47 =	vperm.xlane v11, v0  }
0x258: {  	v48 =	vperm.xlane v11, v2  }
0x259: {  	v49 =	vperm.xlane v11, v3;
	[tilespmem:s14+$0xBC00] =	vst v47  }
0x25a: {  	v50 =	vperm.xlane v11, v4;
	[tilespmem:s14+$0xBC20] =	vst v48  }
0x25b: {  	v51 =	vperm.xlane v11, v1;
	[tilespmem:s14+$0xBC30] =	vst v49  }
0x25c: {  	v52 =	vperm.xlane v11, v7;
	[tilespmem:s14+$0xBC40] =	vst v50  }
0x25d: {  	v53 =	vperm.xlane v11, v5;
	[tilespmem:s14+$0xBC10] =	vst v51  }
0x25e: {  	v11 =	vperm.xlane v11, v6;
	[tilespmem:s14+$0xBC70] =	vst v52  }
0x25f: {  	[tilespmem:s14+$0xBC50] =	vst v53  }
0x260: {  	[tilespmem:s14+$0xBC60] =	vst v11  }
0x261: {  	v11 =	vld [tilespmem:s29+$0x30];
	_ =	sdelay $0x4  }
0x262: {  	v54 =	vperm.xlane v11, v0  }
0x263: {  	s8 =	sor.u32 $0x1C00, s10;
	v55 =	vperm.xlane v11, v1  }
0x264: {  	s9 =	sor.u32 $0x1C10, s10;
	v56 =	vperm.xlane v11, v2;
	[tilespmem:s8+$0xA400] =	vst v54  }
0x265: {  	s14 =	sor.u32 $0x1C20, s10;
	v57 =	vperm.xlane v11, v3;
	[tilespmem:s9+$0xA400] =	vst v55  }
0x266: {  	s19 =	sor.u32 $0x1C30, s10;
	v58 =	vperm.xlane v11, v4;
	[tilespmem:s14+$0xA400] =	vst v56  }
0x267: {  	s20 =	sor.u32 $0x1C40, s10;
	v59 =	vperm.xlane v11, v5;
	[tilespmem:s19+$0xA400] =	vst v57  }
0x268: {  	s29 =	sor.u32 $0x1C50, s10;
	v60 =	vperm.xlane v11, v6;
	[tilespmem:s20+$0xA400] =	vst v58  }
0x269: {  	s30 =	sor.u32 $0x1C60, s10;
	v11 =	vperm.xlane v11, v7;
	[tilespmem:s29+$0xA400] =	vst v59  }
0x26a: {  	s31 =	sor.u32 $0x1C70, s10;
	[tilespmem:s30+$0xA400] =	vst v60  }
0x26b: {  	[tilespmem:s31+$0xA400] =	vst v11  }
0x26c: {  	v11 =	vld [tilespmem:$0x2200];
	_ =	sdelay $0x4  }
0x26d: {  	v61 =	vperm.xlane v11, v0  }
0x26e: {  	v62 =	vperm.xlane v11, v1  }
0x26f: {  	v63 =	vperm.xlane v11, v2;
	[tilespmem:$0x13400] =	vst v61  }
0x270: {  	v14 =	vld [tilespmem:$0x2210];
	v16 =	vperm.xlane v11, v3;
	[tilespmem:$0x13410] =	vst v62  }
0x271: {  	v17 =	vperm.xlane v11, v4;
	[tilespmem:$0x13420] =	vst v63  }
0x272: {  	v18 =	vperm.xlane v11, v5;
	[tilespmem:$0x13430] =	vst v16  }
0x273: {  	v19 =	vperm.xlane v11, v6;
	[tilespmem:$0x13440] =	vst v17  }
0x274: {  	v11 =	vperm.xlane v11, v7;
	[tilespmem:$0x13450] =	vst v18  }
0x275: {  	v20 =	vperm.xlane v14, v0;
	[tilespmem:$0x13460] =	vst v19  }
0x276: {  	[tilespmem:$0x13470] =	vst v11;
	v11 =	vperm.xlane v14, v1  }
0x277: {  	v21 =	vperm.xlane v14, v2;
	[tilespmem:$0x13600] =	vst v20  }
0x278: {  	v22 =	vld [tilespmem:$0x2220];
	[tilespmem:$0x13610] =	vst v11;
	v11 =	vperm.xlane v14, v3  }
0x279: {  	v23 =	vperm.xlane v14, v4;
	[tilespmem:$0x13620] =	vst v21  }
0x27a: {  	[tilespmem:$0x13630] =	vst v11;
	v11 =	vperm.xlane v14, v5  }
0x27b: {  	v24 =	vperm.xlane v14, v6;
	[tilespmem:$0x13640] =	vst v23  }
0x27c: {  	[tilespmem:$0x13650] =	vst v11;
	v11 =	vperm.xlane v14, v7  }
0x27d: {  	v25 =	vperm.xlane v22, v0;
	[tilespmem:$0x13660] =	vst v24  }
0x27e: {  	[tilespmem:$0x13670] =	vst v11;
	v11 =	vperm.xlane v22, v1  }
0x27f: {  	v26 =	vperm.xlane v22, v2;
	[tilespmem:$0x13800] =	vst v25  }
0x280: {  	v27 =	vld [tilespmem:$0x2230];
	[tilespmem:$0x13810] =	vst v11;
	v11 =	vperm.xlane v22, v3  }
0x281: {  	v28 =	vperm.xlane v22, v4;
	[tilespmem:$0x13820] =	vst v26  }
0x282: {  	[tilespmem:$0x13830] =	vst v11;
	v11 =	vperm.xlane v22, v5  }
0x283: {  	v29 =	vperm.xlane v22, v6;
	[tilespmem:$0x13840] =	vst v28  }
0x284: {  	[tilespmem:$0x13850] =	vst v11;
	v11 =	vperm.xlane v22, v7  }
0x285: {  	v30 =	vperm.xlane v27, v0;
	[tilespmem:$0x13860] =	vst v29  }
0x286: {  	[tilespmem:$0x13870] =	vst v11;
	v11 =	vperm.xlane v27, v1  }
0x287: {  	v31 =	vperm.xlane v27, v2;
	[tilespmem:$0x13A00] =	vst v30  }
0x288: {  	v32 =	vld [tilespmem:$0x2240];
	[tilespmem:$0x13A10] =	vst v11;
	v11 =	vperm.xlane v27, v3  }
0x289: {  	v33 =	vperm.xlane v27, v4;
	[tilespmem:$0x13A20] =	vst v31  }
0x28a: {  	[tilespmem:$0x13A30] =	vst v11;
	v11 =	vperm.xlane v27, v5  }
0x28b: {  	v34 =	vperm.xlane v27, v6;
	[tilespmem:$0x13A40] =	vst v33  }
0x28c: {  	[tilespmem:$0x13A50] =	vst v11;
	v11 =	vperm.xlane v27, v7  }
0x28d: {  	v35 =	vperm.xlane v32, v0;
	[tilespmem:$0x13A60] =	vst v34  }
0x28e: {  	[tilespmem:$0x13A70] =	vst v11;
	v11 =	vperm.xlane v32, v1  }
0x28f: {  	v36 =	vperm.xlane v32, v2;
	[tilespmem:$0x13C00] =	vst v35  }
0x290: {  	v37 =	vld [tilespmem:$0x2250];
	[tilespmem:$0x13C10] =	vst v11;
	v11 =	vperm.xlane v32, v3  }
0x291: {  	v38 =	vperm.xlane v32, v4;
	[tilespmem:$0x13C20] =	vst v36  }
0x292: {  	[tilespmem:$0x13C30] =	vst v11;
	v11 =	vperm.xlane v32, v5  }
0x293: {  	v39 =	vperm.xlane v32, v6;
	[tilespmem:$0x13C40] =	vst v38  }
0x294: {  	[tilespmem:$0x13C50] =	vst v11;
	v11 =	vperm.xlane v32, v7  }
0x295: {  	v40 =	vperm.xlane v37, v0;
	[tilespmem:$0x13C60] =	vst v39  }
0x296: {  	[tilespmem:$0x13C70] =	vst v11;
	v11 =	vperm.xlane v37, v1  }
0x297: {  	v41 =	vperm.xlane v37, v2;
	[tilespmem:$0x13E00] =	vst v40  }
0x298: {  	v42 =	vld [tilespmem:$0x2260];
	[tilespmem:$0x13E10] =	vst v11;
	v11 =	vperm.xlane v37, v3  }
0x299: {  	v43 =	vperm.xlane v37, v4;
	[tilespmem:$0x13E20] =	vst v41  }
0x29a: {  	[tilespmem:$0x13E30] =	vst v11;
	v11 =	vperm.xlane v37, v5  }
0x29b: {  	v44 =	vperm.xlane v37, v6;
	[tilespmem:$0x13E40] =	vst v43  }
0x29c: {  	[tilespmem:$0x13E50] =	vst v11;
	v11 =	vperm.xlane v37, v7  }
0x29d: {  	v45 =	vperm.xlane v42, v0;
	[tilespmem:$0x13E60] =	vst v44  }
0x29e: {  	[tilespmem:$0x13E70] =	vst v11;
	v11 =	vperm.xlane v42, v1  }
0x29f: {  	v46 =	vperm.xlane v42, v2;
	[tilespmem:$0x14000] =	vst v45  }
0x2a0: {  	v47 =	vld [tilespmem:$0x2270];
	[tilespmem:$0x14010] =	vst v11;
	v11 =	vperm.xlane v42, v3  }
0x2a1: {  	v48 =	vperm.xlane v42, v4;
	[tilespmem:$0x14020] =	vst v46  }
0x2a2: {  	[tilespmem:$0x14030] =	vst v11;
	v11 =	vperm.xlane v42, v5  }
0x2a3: {  	v49 =	vperm.xlane v42, v6;
	[tilespmem:$0x14040] =	vst v48  }
0x2a4: {  	[tilespmem:$0x14050] =	vst v11;
	v11 =	vperm.xlane v42, v7  }
0x2a5: {  	v50 =	vperm.xlane v47, v0;
	[tilespmem:$0x14060] =	vst v49  }
0x2a6: {  	[tilespmem:$0x14070] =	vst v11;
	v11 =	vperm.xlane v47, v1  }
0x2a7: {  	v51 =	vperm.xlane v47, v2;
	[tilespmem:$0x14200] =	vst v50  }
0x2a8: {  	[tilespmem:$0x14210] =	vst v11;
	v11 =	vperm.xlane v47, v3  }
0x2a9: {  	v52 =	vperm.xlane v47, v4;
	[tilespmem:$0x14220] =	vst v51  }
0x2aa: {  	[tilespmem:$0x14230] =	vst v11;
	v11 =	vperm.xlane v47, v5  }
0x2ab: {  	v53 =	vperm.xlane v47, v6;
	[tilespmem:$0x14240] =	vst v52  }
0x2ac: {  	[tilespmem:$0x14250] =	vst v11;
	v11 =	vperm.xlane v47, v7  }
0x2ad: {  	[tilespmem:$0x14260] =	vst v53  }
0x2ae: {  	s8 =	simm.s32 $0x0;
	[tilespmem:$0x14270] =	vst v11  }
0x2af: {  	v11 =	vld [tilespmem:s8+$0x2280];
	_ =	sdelay $0x4  }
0x2b0: {  	v11 =	vshll.u32 v11, $0x1  }
0x2b1: {  	v54 =	vperm.xlane v11, v0  }
0x2b2: {  	v55 =	vperm.xlane v11, v1  }
0x2b3: {  	s9 =	simm.s32 $0x134F0;
	v56 =	vperm.xlane v11, v2;
	v12 =	vadd.s32 v8, v54  }
0x2b4: {  	v57 =	vperm.xlane v11, v3;
	v13 =	vadd.s32 v8, v55;
	[tilespmem:s9+$0xFFFFFF90] =	vst v12  }
0x2b5: {  	v60 =	vperm.xlane v11, v5;
	v14 =	vadd.s32 v8, v56;
	[tilespmem:s9+$0xFFFFFFA0] =	vst v13  }
0x2b6: {  	v61 =	vperm.xlane v11, v6;
	v59 =	vadd.s32 v8, v57;
	[tilespmem:s9+$0xFFFFFFB0] =	vst v14  }
0x2b7: {  	v58 =	vperm.xlane v11, v4;
	v11 =	vperm.xlane v11, v7;
	v62 =	vadd.s32 v8, v60;
	[tilespmem:s9+$0xFFFFFFC0] =	vst v59  }
0x2b8: {  	v63 =	vadd.s32 v8, v61;
	[tilespmem:s9+$0xFFFFFFE0] =	vst v62  }
0x2b9: {  	v11 =	vadd.s32 v8, v11;
	[tilespmem:s9+$0xFFFFFFF0] =	vst v63  }
0x2ba: {  	v12 =	vadd.s32 v8, v58;
	[tilespmem:s9+$0x0] =	vst v11  }
0x2bb: {  	s10 =	simm.s32 $0x80;
	s14 =	simm.s32 $0x10;
	[tilespmem:s9+$0xFFFFFFD0] =	vst v12  }
.LBB2_13:
0x2bc: {  	p0 =	sne.s32 s10, $0x1C0;
	v11 =	vld [tilespmem:s14+$0x2280];
	_ =	sdelay $0x4  }
0x2bd: {  	v11 =	vshll.u32 v11, $0x1  }
0x2be: {  	v12 =	vperm.xlane v11, v0;
	v13 =	vperm.xlane v11, v1  }
0x2bf: {  	v14 =	vperm.xlane v11, v2;
	v15 =	vperm.xlane v11, v3  }
0x2c0: {  	s9 =	sadd.s32 $0x200, s9;
	v16 =	vperm.xlane v11, v4;
	v12 =	vadd.s32 v8, v12;
	v13 =	vadd.s32 v8, v13  }
0x2c1: {  	[tilespmem:s9+$0xFFFFFF90] =	vst v12;
	v12 =	vadd.s32 v8, v14;
	v14 =	vadd.s32 v8, v15;
	v15 =	vperm.xlane v11, v5  }
0x2c2: {  	[tilespmem:s9+$0xFFFFFFA0] =	vst v13;
	v13 =	vadd.s32 v8, v16;
	v16 =	vperm.xlane v11, v6;
	v11 =	vperm.xlane v11, v7  }
0x2c3: {  	[tilespmem:s9+$0xFFFFFFB0] =	vst v12;
	v12 =	vadd.s32 v8, v15  }
.Ltmp7:
0x2c4: {  	[tilespmem:s9+$0xFFFFFFC0] =	vst v14;
	v14 =	vadd.s32 v8, v16;
	v11 =	vadd.s32 v8, v11;
	(pc) =	sbr.rel @p0 .LBB2_13-.Ltmp7, $4  }
0x2c5: {  	[tilespmem:s9+$0xFFFFFFD0] =	vst v13  }
0x2c6: {  	[tilespmem:s9+$0xFFFFFFE0] =	vst v12  }
0x2c7: {  	[tilespmem:s9+$0xFFFFFFF0] =	vst v14  }
0x2c8: {  	s14 =	sshra.s32 s10, $0x2;
	s10 =	sadd.s32 $0x40, s10;
	[tilespmem:s9+$0x0] =	vst v11  }
0x2c9: {  	v11 =	vld [tilespmem:s14+$0x2280];
	_ =	sdelay $0x4  }
0x2ca: {  	v11 =	vshll.u32 v11, $0x1  }
0x2cb: {  	v12 =	vperm.xlane v11, v0  }
0x2cc: {  	v13 =	vperm.xlane v11, v1  }
0x2cd: {  	s9 =	sadd.s32 $0x200, s9;
	v14 =	vperm.xlane v11, v2;
	v12 =	vadd.s32 v8, v12  }
0x2ce: {  	v15 =	vperm.xlane v11, v3;
	v13 =	vadd.s32 v8, v13;
	[tilespmem:s9+$0xFFFFFF90] =	vst v12  }
0x2cf: {  	v50 =	vperm.xlane v11, v5;
	v14 =	vadd.s32 v8, v14;
	[tilespmem:s9+$0xFFFFFFA0] =	vst v13  }
0x2d0: {  	v51 =	vperm.xlane v11, v6;
	v49 =	vadd.s32 v8, v15;
	[tilespmem:s9+$0xFFFFFFB0] =	vst v14  }
0x2d1: {  	v48 =	vperm.xlane v11, v4;
	v11 =	vperm.xlane v11, v7;
	v52 =	vadd.s32 v8, v50;
	[tilespmem:s9+$0xFFFFFFC0] =	vst v49  }
0x2d2: {  	v53 =	vadd.s32 v8, v51;
	[tilespmem:s9+$0xFFFFFFE0] =	vst v52  }
0x2d3: {  	v11 =	vadd.s32 v8, v11;
	[tilespmem:s9+$0xFFFFFFF0] =	vst v53  }
0x2d4: {  	v12 =	vadd.s32 v8, v48;
	[tilespmem:s9+$0x0] =	vst v11  }
0x2d5: {  	[tilespmem:s9+$0xFFFFFFD0] =	vst v12  }
0x2d6: {  	v11 =	vld [tilespmem:s8+$0x2300];
	_ =	sdelay $0x4  }
0x2d7: {  	v11 =	vshll.u32 v11, $0x1  }
0x2d8: {  	v54 =	vperm.xlane v11, v0  }
0x2d9: {  	v55 =	vperm.xlane v11, v1  }
0x2da: {  	s8 =	simm.s32 $0x13570;
	v56 =	vperm.xlane v11, v2;
	v12 =	vadd.s32 v9, v54  }
0x2db: {  	v57 =	vperm.xlane v11, v3;
	v13 =	vadd.s32 v9, v55;
	[tilespmem:s8+$0xFFFFFF90] =	vst v12  }
0x2dc: {  	v60 =	vperm.xlane v11, v5;
	v14 =	vadd.s32 v9, v56;
	[tilespmem:s8+$0xFFFFFFA0] =	vst v13  }
0x2dd: {  	v61 =	vperm.xlane v11, v6;
	v59 =	vadd.s32 v9, v57;
	[tilespmem:s8+$0xFFFFFFB0] =	vst v14  }
0x2de: {  	v58 =	vperm.xlane v11, v4;
	v11 =	vperm.xlane v11, v7;
	v62 =	vadd.s32 v9, v60;
	[tilespmem:s8+$0xFFFFFFC0] =	vst v59  }
0x2df: {  	v63 =	vadd.s32 v9, v61;
	[tilespmem:s8+$0xFFFFFFE0] =	vst v62  }
0x2e0: {  	v11 =	vadd.s32 v9, v11;
	[tilespmem:s8+$0xFFFFFFF0] =	vst v63  }
0x2e1: {  	v12 =	vadd.s32 v9, v58;
	[tilespmem:s8+$0x0] =	vst v11  }
0x2e2: {  	s10 =	simm.s32 $0x10;
	s9 =	simm.s32 $0x80;
	[tilespmem:s8+$0xFFFFFFD0] =	vst v12  }
.LBB2_15:
0x2e3: {  	p0 =	sne.s32 s9, $0x1C0;
	v11 =	vld [tilespmem:s10+$0x2300];
	_ =	sdelay $0x4  }
0x2e4: {  	v11 =	vshll.u32 v11, $0x1  }
0x2e5: {  	v12 =	vperm.xlane v11, v0;
	v13 =	vperm.xlane v11, v1  }
0x2e6: {  	v14 =	vperm.xlane v11, v2;
	v15 =	vperm.xlane v11, v3  }
0x2e7: {  	s8 =	sadd.s32 $0x200, s8;
	v16 =	vperm.xlane v11, v4;
	v12 =	vadd.s32 v9, v12;
	v13 =	vadd.s32 v9, v13  }
0x2e8: {  	[tilespmem:s8+$0xFFFFFF90] =	vst v12;
	v12 =	vadd.s32 v9, v14;
	v14 =	vadd.s32 v9, v15;
	v15 =	vperm.xlane v11, v5  }
0x2e9: {  	[tilespmem:s8+$0xFFFFFFA0] =	vst v13;
	v13 =	vadd.s32 v9, v16;
	v16 =	vperm.xlane v11, v6;
	v11 =	vperm.xlane v11, v7  }
0x2ea: {  	[tilespmem:s8+$0xFFFFFFB0] =	vst v12;
	v12 =	vadd.s32 v9, v15  }
.Ltmp8:
0x2eb: {  	[tilespmem:s8+$0xFFFFFFC0] =	vst v14;
	v14 =	vadd.s32 v9, v16;
	v11 =	vadd.s32 v9, v11;
	(pc) =	sbr.rel @p0 .LBB2_15-.Ltmp8, $4  }
0x2ec: {  	[tilespmem:s8+$0xFFFFFFD0] =	vst v13  }
0x2ed: {  	[tilespmem:s8+$0xFFFFFFE0] =	vst v12  }
0x2ee: {  	[tilespmem:s8+$0xFFFFFFF0] =	vst v14  }
0x2ef: {  	s10 =	sshra.s32 s9, $0x2;
	s9 =	sadd.s32 $0x40, s9;
	[tilespmem:s8+$0x0] =	vst v11  }
0x2f0: {  	v11 =	vld [tilespmem:s10+$0x2300];
	_ =	sdelay $0x4  }
0x2f1: {  	v11 =	vshll.u32 v11, $0x1  }
0x2f2: {  	v12 =	vperm.xlane v11, v0  }
0x2f3: {  	v13 =	vperm.xlane v11, v1  }
0x2f4: {  	s8 =	sadd.s32 $0x200, s8;
	v14 =	vperm.xlane v11, v2;
	v12 =	vadd.s32 v9, v12  }
0x2f5: {  	v15 =	vperm.xlane v11, v3;
	v13 =	vadd.s32 v9, v13;
	[tilespmem:s8+$0xFFFFFF90] =	vst v12  }
0x2f6: {  	v50 =	vperm.xlane v11, v5;
	v14 =	vadd.s32 v9, v14;
	[tilespmem:s8+$0xFFFFFFA0] =	vst v13  }
0x2f7: {  	v51 =	vperm.xlane v11, v6;
	v49 =	vadd.s32 v9, v15;
	[tilespmem:s8+$0xFFFFFFB0] =	vst v14  }
0x2f8: {  	v48 =	vperm.xlane v11, v4;
	v11 =	vperm.xlane v11, v7;
	v52 =	vadd.s32 v9, v50;
	[tilespmem:s8+$0xFFFFFFC0] =	vst v49  }
0x2f9: {  	v53 =	vadd.s32 v9, v51;
	[tilespmem:s8+$0xFFFFFFE0] =	vst v52  }
0x2fa: {  	v11 =	vadd.s32 v9, v11;
	[tilespmem:s8+$0xFFFFFFF0] =	vst v53  }
0x2fb: {  	v12 =	vadd.s32 v9, v48;
	[tilespmem:s8+$0x0] =	vst v11  }
0x2fc: {  	s31 =	simm.s32 $0x0;
	[tilespmem:s8+$0xFFFFFFD0] =	vst v12  }
0x2fd: {  	v11 =	vld [tilespmem:s31+$0x2380];
	_ =	sdelay $0x4  }
0x2fe: {  	v11 =	vshll.u32 v11, $0x1  }
0x2ff: {  	v54 =	vperm.xlane v11, v0  }
0x300: {  	v55 =	vperm.xlane v11, v1  }
0x301: {  	s8 =	simm.s32 $0x135F0;
	v56 =	vperm.xlane v11, v2;
	v12 =	vadd.s32 v10, v54  }
0x302: {  	v57 =	vperm.xlane v11, v3;
	v13 =	vadd.s32 v10, v55;
	[tilespmem:s8+$0xFFFFFF90] =	vst v12  }
0x303: {  	v60 =	vperm.xlane v11, v5;
	v14 =	vadd.s32 v10, v56;
	[tilespmem:s8+$0xFFFFFFA0] =	vst v13  }
0x304: {  	v61 =	vperm.xlane v11, v6;
	v59 =	vadd.s32 v10, v57;
	[tilespmem:s8+$0xFFFFFFB0] =	vst v14  }
0x305: {  	v58 =	vperm.xlane v11, v4;
	v11 =	vperm.xlane v11, v7;
	v62 =	vadd.s32 v10, v60;
	[tilespmem:s8+$0xFFFFFFC0] =	vst v59  }
0x306: {  	v63 =	vadd.s32 v10, v61;
	[tilespmem:s8+$0xFFFFFFE0] =	vst v62  }
0x307: {  	v11 =	vadd.s32 v10, v11;
	[tilespmem:s8+$0xFFFFFFF0] =	vst v63  }
0x308: {  	v12 =	vadd.s32 v10, v58;
	[tilespmem:s8+$0x0] =	vst v11  }
0x309: {  	s10 =	simm.s32 $0x10;
	s9 =	simm.s32 $0x80;
	[tilespmem:s8+$0xFFFFFFD0] =	vst v12  }
.LBB2_17:
0x30a: {  	p0 =	sne.s32 s9, $0x1C0;
	v11 =	vld [tilespmem:s10+$0x2380];
	_ =	sdelay $0x4  }
0x30b: {  	v11 =	vshll.u32 v11, $0x1  }
0x30c: {  	v12 =	vperm.xlane v11, v0;
	v13 =	vperm.xlane v11, v1  }
0x30d: {  	v14 =	vperm.xlane v11, v2;
	v15 =	vperm.xlane v11, v3  }
0x30e: {  	s8 =	sadd.s32 $0x200, s8;
	v16 =	vperm.xlane v11, v4;
	v12 =	vadd.s32 v10, v12;
	v13 =	vadd.s32 v10, v13  }
0x30f: {  	[tilespmem:s8+$0xFFFFFF90] =	vst v12;
	v12 =	vadd.s32 v10, v14;
	v14 =	vadd.s32 v10, v15;
	v15 =	vperm.xlane v11, v5  }
0x310: {  	[tilespmem:s8+$0xFFFFFFA0] =	vst v13;
	v13 =	vadd.s32 v10, v16;
	v16 =	vperm.xlane v11, v6;
	v11 =	vperm.xlane v11, v7  }
0x311: {  	[tilespmem:s8+$0xFFFFFFB0] =	vst v12;
	v12 =	vadd.s32 v10, v15  }
.Ltmp9:
0x312: {  	[tilespmem:s8+$0xFFFFFFC0] =	vst v14;
	v14 =	vadd.s32 v10, v16;
	v11 =	vadd.s32 v10, v11;
	(pc) =	sbr.rel @p0 .LBB2_17-.Ltmp9, $4  }
0x313: {  	[tilespmem:s8+$0xFFFFFFD0] =	vst v13  }
0x314: {  	[tilespmem:s8+$0xFFFFFFE0] =	vst v12  }
0x315: {  	[tilespmem:s8+$0xFFFFFFF0] =	vst v14  }
0x316: {  	s10 =	sshra.s32 s9, $0x2;
	s9 =	sadd.s32 $0x40, s9;
	[tilespmem:s8+$0x0] =	vst v11  }
0x317: {  	v11 =	vld [tilespmem:s10+$0x2380];
	_ =	sdelay $0x4  }
0x318: {  	v11 =	vshll.u32 v11, $0x1  }
0x319: {  	v12 =	vperm.xlane v11, v0  }
0x31a: {  	v13 =	vperm.xlane v11, v1  }
0x31b: {  	s8 =	sadd.s32 $0x200, s8;
	v14 =	vperm.xlane v11, v2;
	v12 =	vadd.s32 v10, v12  }
0x31c: {  	v15 =	vperm.xlane v11, v3;
	v13 =	vadd.s32 v10, v13;
	[tilespmem:s8+$0xFFFFFF90] =	vst v12  }
0x31d: {  	v60 =	vperm.xlane v11, v5;
	v14 =	vadd.s32 v10, v14;
	[tilespmem:s8+$0xFFFFFFA0] =	vst v13  }
0x31e: {  	v61 =	vperm.xlane v11, v6;
	v59 =	vadd.s32 v10, v15;
	[tilespmem:s8+$0xFFFFFFB0] =	vst v14  }
0x31f: {  	v58 =	vperm.xlane v11, v4;
	v11 =	vperm.xlane v11, v7;
	v62 =	vadd.s32 v10, v60;
	[tilespmem:s8+$0xFFFFFFC0] =	vst v59  }
0x320: {  	v63 =	vadd.s32 v10, v61;
	[tilespmem:s8+$0xFFFFFFE0] =	vst v62  }
0x321: {  	v11 =	vadd.s32 v10, v11;
	[tilespmem:s8+$0xFFFFFFF0] =	vst v63  }
.Ltmp10:
0x322: {  	s9 =	sshll.u32 s7, $0x3;
	v12 =	vadd.s32 v10, v58;
	[tilespmem:s8+$0x0] =	vst v11;
	(pc) =	sbr.rel @p1 .LBB2_20-.Ltmp10, $4  }
0x323: {  	s31 =	sshll.u32 s7, $0x2;
	s30 =	sadd.s32 s4, s9;
	[tilespmem:s8+$0xFFFFFFD0] =	vst v12  }
0x324: {  	[hbm4b:s30+s18] =	stream.strided.scatter [tilespmem:s26], [sflag:$0x4], $0x8000, s22, s18, $0x38;
	[tilespmem:$0x14400] =	vst v63  }
0x325: {  	s7 =	sadd.s32 s5, s31  }
0x326: {  	[hbm4b:s7+s6] =	stream.linear.scatter [tilespmem:s28], [sflag:$0x4], $0x1000, $0x38;
	[tilespmem:$0x14400] =	vst v63  }
.Ltmp11:
0x327: {  	s2 =	sadd.s32 s2, s13;
	(pc) =	sbr.rel .LBB2_2-.Ltmp11, $4  }
0x328: {  	s8 =	simm.s32 $0x1000;
	s7 =	sadd.s32 s0, s2;
	s2 =	sshrl.u32 s2, $0x1  }
0x329: {  	[tilespmem:s8], [sflag:$0x2] =	stream.strided.gather [hbm4b:s7+s16], $0x1000, s17, s16, $0x38;
	[tilespmem:$0x14400] =	vst v63  }
0x32a: {  	s31 =	simm.s32 $0x2200;
	s1 =	sadd.s32 $0x1, s1;
	s2 =	sadd.s32 s3, s2  }
0x32b: {  	[tilespmem:s31], [sflag:$0x2] =	stream.linear.gather [hbm4b:s2+s6], $0x200, $0x38;
	[tilespmem:$0x14400] =	vst v63  }
.LBB2_21:
0x32c: {  	_ =	sfence.sel $0x180000  }
0x32d: {  	[bflag:$0x0] =	sbarrier.arrive $0xFFFF  }
0x32e: {  	_ =	strace $0x90000047  }
0x32f: {  	s0 =	stileid.u32;
	[bflag:$0x2] =	sbarrier.arrive $0xFFFF  }
0x330: {  	p0 =	sne.s32 s0, $0x0;
	s0 =	rddreg [dreg:$0x4]  }
0x331: {  	s0 =	sadd.s32 @!p0 $0x100000, s0  }
0x332: {  	[sflag:s0] =	ssyncadd.tile.s32 @!p0 $0x1;
	_ =	shalt  }
.Lfunc_end2:
_tile_overlayer_lowered:
.L_overlay_start_2:
0x333: {  	(tag) =	ssettag $0x2  }
0x334: {  	s0 =	rddreg [dreg:$0x0];
	s2 =	stileid.u32  }
0x335: {  	s1 =	rddreg [dreg:$0x1];
	p0 =	sne.s32 s2, $0x0  }
0x336: {  	s3 =	rddreg [dreg:$0x2];
	[bflag:$0x3] =	sbarrier.arrive $0xFFFF;
	s2 =	simm.s32 @!p0 $0x1C05  }
0x337: {  	[timem:s3], [sflag:s2] =	dma.local @!p0 [hbm:s0], s1  }
0x338: {  	s0 =	simm.s32 @!p0 $0x5  }
0x339: {  	_ =	swait.ge @!p0 [sflag:s0], s1  }
0x33a: {  	s1 =	ssub.s32 @!p0 $0x0, s1;
	[sflag:s0] =	ssyncset.done @!p0 $0x0  }
0x33b: {  	[sflag:s0] =	ssyncadd.s32 @!p0 s1  }
0x33c: {  	[bflag:$0x3] =	sbarrier.arrive $0xFFFF  }
0x33d: {  	_ =	shalt  }

</sc_bundles>
